<compile_context>
chip_gen: v7x
topology: tpu7x:2x2x1
jax: 0.10.2.dev20260603
libtpu: 0.0.44.dev20260713+nightly
codegen_flags: <defaults>
</compile_context>

<pallas_src>
import functools

import jax
import jax.numpy as jnp
from jax import lax
from jax.experimental import pallas as pl
from jax.experimental.pallas import tpu as pltpu
from jax.experimental.pallas import tpu_sc as plsc

DIM = 1024
T_LEN = 16
H_LEN = 32
W_LEN = 32
NUM_ROWS = T_LEN * H_LEN * W_LEN
LANES = 16
NVEC = DIM // LANES
NW = 32
ROWS_PER_W = NUM_ROWS // NW
HI_PER_W = 16
CHUNK_ROWS = W_LEN

_mesh = plsc.VectorSubcoreMesh(core_axis_name="c", subcore_axis_name="s")


@functools.partial(
    pl.kernel,
    mesh=_mesh,
    out_type=jax.ShapeDtypeStruct((NUM_ROWS, DIM), jnp.float32),
    scratch_types=[
        pltpu.VMEM((1, DIM), jnp.float32),
        pltpu.VMEM((HI_PER_W, DIM), jnp.float32),
        pltpu.VMEM((W_LEN, DIM), jnp.float32),
        pltpu.VMEM((LANES,), jnp.float32),
        pltpu.VMEM((LANES,), jnp.float32),
        pltpu.VMEM((LANES,), jnp.float32),
        pltpu.VMEM((2, CHUNK_ROWS, DIM), jnp.float32),
        pltpu.SemaphoreType.DMA,
        pltpu.SemaphoreType.DMA,
    ],
)
def _pos_embed_sc(t_hbm, h_hbm, w_hbm, st_hbm, sh_hbm, sw_hbm, out_hbm,
                  trow_v, th_v, w_v, st_v, sh_v, sw_v, obuf, sem0, sem1):
    wid = lax.axis_index("s") * 2 + lax.axis_index("c")
    ti = wid // 2
    half = wid % 2

    cps = [
        pltpu.async_copy(t_hbm.at[pl.ds(ti, 1)], trow_v, sem0),
        pltpu.async_copy(h_hbm.at[pl.ds(half * HI_PER_W, HI_PER_W)], th_v, sem0),
        pltpu.async_copy(st_hbm, st_v, sem0),
        pltpu.async_copy(sh_hbm, sh_v, sem0),
        pltpu.async_copy(sw_hbm, sw_v, sem0),
    ]
    w_cp = pltpu.async_copy(w_hbm, w_v, sem1)
    for c in cps:
        c.wait()

    stv = st_v[...]
    shv = sh_v[...]
    swv = sw_v[...]

    @plsc.parallel_loop(0, NVEC)
    def _prescale(j):
        sl = pl.ds(j * LANES, LANES)
        tj = trow_v[0, sl] * stv
        for hi in range(HI_PER_W):
            th_v[hi, sl] = th_v[hi, sl] * shv + tj

    w_cp.wait()

    base = wid * ROWS_PER_W
    sems = (sem0, sem1)
    pending = [None, None]
    for hi in range(HI_PER_W):
        b = hi % 2
        if pending[b] is not None:
            pending[b].wait()

        @plsc.parallel_loop(0, NVEC, unroll=2)
        def _chunk(j, _hi=hi, _b=b):
            sl = pl.ds(j * LANES, LANES)
            thj = th_v[_hi, sl]

            @plsc.parallel_loop(0, W_LEN, unroll=8)
            def _inner(wi, _sl=sl, _thj=thj):
                obuf[_b, wi, _sl] = _thj + w_v[wi, _sl] * swv

        pending[b] = pltpu.async_copy(
            obuf.at[b],
            out_hbm.at[pl.ds(base + hi * CHUNK_ROWS, CHUNK_ROWS)],
            sems[b],
        )
    pending[0].wait()
    pending[1].wait()


def kernel(t, h, w, temporal_embed, height_embed, width_embed,
           scale_t, scale_h, scale_w):
    t0 = jnp.asarray(t - T_LEN, jnp.int32)
    h0 = jnp.asarray(h - H_LEN, jnp.int32)
    w0 = jnp.asarray(w - W_LEN, jnp.int32)
    t_tab = lax.dynamic_slice(temporal_embed, (t0, 0), (T_LEN, DIM))
    h_tab = lax.dynamic_slice(height_embed, (h0, 0), (H_LEN, DIM))
    w_tab = lax.dynamic_slice(width_embed, (w0, 0), (W_LEN, DIM))
    st = jnp.broadcast_to(scale_t.astype(jnp.float32), (LANES,))
    sh = jnp.broadcast_to(scale_h.astype(jnp.float32), (LANES,))
    sw = jnp.broadcast_to(scale_w.astype(jnp.float32), (LANES,))
    out = _pos_embed_sc(t_tab, h_tab, w_tab, st, sh, sw)
    return out.reshape(1, NUM_ROWS, DIM)

# --- scband reference (transcript-rebuilt; emitter-appended) ---
"""Pipeline reference for scband-learned-position-embedding3-d-41403484733883 (READ-ONLY COPY).

The authoritative reference and input builder live on the scoring server;
editing this copy changes nothing except your own understanding.
"""

import jax, jax.numpy as jnp
import numpy as np

DIM = 1024
MAX_T = 64
MAX_H = 128
MAX_W = 128

def setup_inputs(seed: int = 0) -> dict:
    key = jax.random.key(seed)
    k1, k2, k3 = jax.random.split(key, 3)
    return {
        "t": 16,
        "h": 32,
        "w": 32,
        "temporal_embed": jax.random.normal(k1, (MAX_T, DIM), dtype=jnp.float32),
        "height_embed": jax.random.normal(k2, (MAX_H, DIM), dtype=jnp.float32),
        "width_embed": jax.random.normal(k3, (MAX_W, DIM), dtype=jnp.float32),
        "scale_t": jnp.ones((1,), dtype=jnp.float32) * 0.1,
        "scale_h": jnp.ones((1,), dtype=jnp.float32) * 0.1,
        "scale_w": jnp.ones((1,), dtype=jnp.float32) * 0.1,
    }

def reference(t, h, w, temporal_embed, height_embed, width_embed, scale_t, scale_h, scale_w):
    T, H, W = 16, 32, 32
    t_indices = jnp.arange(T) + (t - T)
    h_indices = jnp.arange(H) + (h - H)
    w_indices = jnp.arange(W) + (w - W)
    t_emb = jnp.take(temporal_embed, t_indices, axis=0) * scale_t
    h_emb = jnp.take(height_embed, h_indices, axis=0) * scale_h
    w_emb = jnp.take(width_embed, w_indices, axis=0) * scale_w
    pos = t_emb[:, None, None, :] + h_emb[None, :, None, :] + w_emb[None, None, :, :]
    return pos.reshape(1, T * H * W, DIM)

if __name__ == "__main__":
    import jax
    _d = setup_inputs()
    print(jax.jit(kernel)(*tuple(_d.values())))

</pallas_src>

<mosaic_0001>
#map = affine_map<(d0, d1) -> (0, 0)>
#map1 = affine_map<(d0, d1) -> (0)>
module attributes {stable_mosaic.version = 14 : i64} {
  func.func @_pos_embed_sc(%arg0: i32, %arg1: i32, %arg2: memref<16x1024xf32, #tpu.memory_space<hbm>>, %arg3: memref<32x1024xf32, #tpu.memory_space<hbm>>, %arg4: memref<32x1024xf32, #tpu.memory_space<hbm>>, %arg5: memref<16xf32, #tpu.memory_space<hbm>>, %arg6: memref<16xf32, #tpu.memory_space<hbm>>, %arg7: memref<16xf32, #tpu.memory_space<hbm>>, %arg8: memref<16384x1024xf32, #tpu.memory_space<hbm>>, %arg9: memref<1x1024xf32, #tpu.memory_space<vmem>>, %arg10: memref<16x1024xf32, #tpu.memory_space<vmem>>, %arg11: memref<32x1024xf32, #tpu.memory_space<vmem>>, %arg12: memref<16xf32, #tpu.memory_space<vmem>>, %arg13: memref<16xf32, #tpu.memory_space<vmem>>, %arg14: memref<16xf32, #tpu.memory_space<vmem>>, %arg15: memref<2x32x1024xf32, #tpu.memory_space<vmem>>, %arg16: memref<!tpu.dma_semaphore, #tpu.memory_space<semaphore_mem>>, %arg17: memref<!tpu.dma_semaphore, #tpu.memory_space<semaphore_mem>>) attributes {dimension_semantics = [#tpu.dimension_semantics<core_parallel>, #tpu.dimension_semantics<subcore_parallel>], iteration_bounds = array<i64: 2, 16>, scalar_prefetch = 0 : i64, scratch_operands = 9 : i64, tpu.core_type = #tpu.core_type<sc_vector_subcore>, window_params = [{transform_indices = #map}, {transform_indices = #map}, {transform_indices = #map}, {transform_indices = #map1}, {transform_indices = #map1}, {transform_indices = #map1}, {transform_indices = #map}]} {
    %mul3A = arith.constant 2 : i32
    %mul3A_0 = arith.muli %arg1, %mul3A : i32
    %add3A = arith.addi %mul3A_0, %arg0 : i32
    %jit3A = arith.constant 2 : i32
    %div3A = arith.divsi %add3A, %jit3A : i32
    %sign3A = arith.constant 0 : i32
    %sign3A_1 = arith.cmpi sgt, %add3A, %sign3A : i32
    %sign3A_2 = arith.extui %sign3A_1 : i1 to i32
    %sign3A_3 = arith.constant 0 : i32
    %sign3A_4 = arith.cmpi slt, %add3A, %sign3A_3 : i32
    %sign3A_5 = arith.extui %sign3A_4 : i1 to i32
    %sign3A_6 = arith.subi %sign3A_2, %sign3A_5 : i32
    %sign3A_7 = arith.constant 0 : i32
    %sign3A_8 = arith.cmpi sgt, %jit3A, %sign3A_7 : i32
    %sign3A_9 = arith.extui %sign3A_8 : i1 to i32
    %sign3A_10 = arith.constant 0 : i32
    %sign3A_11 = arith.cmpi slt, %jit3A, %sign3A_10 : i32
    %sign3A_12 = arith.extui %sign3A_11 : i1 to i32
    %sign3A_13 = arith.subi %sign3A_9, %sign3A_12 : i32
    %ne3A = arith.cmpi ne, %sign3A_6, %sign3A_13 : i32
    %rem3A = arith.remsi %add3A, %jit3A : i32
    %ne3A_14 = arith.constant 0 : i32
    %ne3A_15 = arith.cmpi ne, %rem3A, %ne3A_14 : i32
    %and3A = arith.andi %ne3A, %ne3A_15 : i1
    %sub3A = arith.constant 1 : i32
    %sub3A_16 = arith.subi %div3A, %sub3A : i32
    %select_n3A = arith.select %and3A, %sub3A_16, %div3A : i32
    %jit3A_17 = arith.constant 2 : i32
    %eq3A = arith.constant 0 : i32
    %eq3A_18 = arith.cmpi eq, %jit3A_17, %eq3A : i32
    %jit3A_19 = arith.constant 1 : i32
    %select_n3A_20 = arith.select %eq3A_18, %jit3A_19, %jit3A_17 : i32
    %rem3A_21 = arith.remsi %add3A, %select_n3A_20 : i32
    %ne3A_22 = arith.constant 0 : i32
    %ne3A_23 = arith.cmpi ne, %rem3A_21, %ne3A_22 : i32
    %lt3A = arith.constant 0 : i32
    %lt3A_24 = arith.cmpi slt, %rem3A_21, %lt3A : i32
    %lt3A_25 = arith.constant 0 : i32
    %lt3A_26 = arith.cmpi slt, %select_n3A_20, %lt3A_25 : i32
    %ne3A_27 = arith.xori %lt3A_24, %lt3A_26 : i1
    %and3A_28 = arith.andi %ne3A_27, %ne3A_23 : i1
    %add3A_29 = arith.addi %rem3A_21, %select_n3A_20 : i32
    %select_n3A_30 = arith.select %and3A_28, %add3A_29, %rem3A_21 : i32
    %dma_start3A = arith.constant 0 : i32
    %dma_start3A_31 = tpu.memref_slice %arg2[%select_n3A, %dma_start3A] : memref<16x1024xf32, #tpu.memory_space<hbm>> -> memref<1x1024xf32, #tpu.memory_space<hbm>>
    %dma_start3A_32 = arith.constant 0 : i32
    %dma_start3A_33 = tpu.memref_slice %arg2[%select_n3A, %dma_start3A_32] : memref<16x1024xf32, #tpu.memory_space<hbm>> -> memref<1x1024xf32, #tpu.memory_space<hbm>>
    tpu.enqueue_dma source(%dma_start3A_33 : memref<1x1024xf32, #tpu.memory_space<hbm>>) target(%arg9 : memref<1x1024xf32, #tpu.memory_space<vmem>>) target_semaphore(%arg16 : memref<!tpu.dma_semaphore, #tpu.memory_space<semaphore_mem>>)
    %mul3A_34 = arith.constant 16 : i32
    %mul3A_35 = arith.muli %select_n3A_30, %mul3A_34 : i32
    %dma_start3A_36 = arith.constant 0 : i32
    %dma_start3A_37 = tpu.memref_slice %arg3[%mul3A_35, %dma_start3A_36] : memref<32x1024xf32, #tpu.memory_space<hbm>> -> memref<16x1024xf32, #tpu.memory_space<hbm>>
    %dma_start3A_38 = arith.constant 0 : i32
    %dma_start3A_39 = tpu.memref_slice %arg3[%mul3A_35, %dma_start3A_38] : memref<32x1024xf32, #tpu.memory_space<hbm>> -> memref<16x1024xf32, #tpu.memory_space<hbm>>
    tpu.enqueue_dma source(%dma_start3A_39 : memref<16x1024xf32, #tpu.memory_space<hbm>>) target(%arg10 : memref<16x1024xf32, #tpu.memory_space<vmem>>) target_semaphore(%arg16 : memref<!tpu.dma_semaphore, #tpu.memory_space<semaphore_mem>>)
    tpu.enqueue_dma source(%arg5 : memref<16xf32, #tpu.memory_space<hbm>>) target(%arg12 : memref<16xf32, #tpu.memory_space<vmem>>) target_semaphore(%arg16 : memref<!tpu.dma_semaphore, #tpu.memory_space<semaphore_mem>>)
    tpu.enqueue_dma source(%arg6 : memref<16xf32, #tpu.memory_space<hbm>>) target(%arg13 : memref<16xf32, #tpu.memory_space<vmem>>) target_semaphore(%arg16 : memref<!tpu.dma_semaphore, #tpu.memory_space<semaphore_mem>>)
    tpu.enqueue_dma source(%arg7 : memref<16xf32, #tpu.memory_space<hbm>>) target(%arg14 : memref<16xf32, #tpu.memory_space<vmem>>) target_semaphore(%arg16 : memref<!tpu.dma_semaphore, #tpu.memory_space<semaphore_mem>>)
    tpu.enqueue_dma source(%arg4 : memref<32x1024xf32, #tpu.memory_space<hbm>>) target(%arg11 : memref<32x1024xf32, #tpu.memory_space<vmem>>) target_semaphore(%arg17 : memref<!tpu.dma_semaphore, #tpu.memory_space<semaphore_mem>>)
    %dma_wait3A = arith.constant 0 : i32
    %dma_wait3A_40 = tpu.memref_slice %arg2[%select_n3A, %dma_wait3A] : memref<16x1024xf32, #tpu.memory_space<hbm>> -> memref<1x1024xf32, #tpu.memory_space<hbm>>
    %dma_wait3A_41 = arith.constant 0 : i32
    %dma_wait3A_42 = tpu.memref_slice %arg2[%select_n3A, %dma_wait3A_41] : memref<16x1024xf32, #tpu.memory_space<hbm>> -> memref<1x1024xf32, #tpu.memory_space<hbm>>
    tpu.wait_dma2 semaphore(%arg16 : memref<!tpu.dma_semaphore, #tpu.memory_space<semaphore_mem>>) src(%dma_wait3A_42 : memref<1x1024xf32, #tpu.memory_space<hbm>>) dst(%arg9 : memref<1x1024xf32, #tpu.memory_space<vmem>>)
    %dma_wait3A_43 = arith.constant 0 : i32
    %dma_wait3A_44 = tpu.memref_slice %arg3[%mul3A_35, %dma_wait3A_43] : memref<32x1024xf32, #tpu.memory_space<hbm>> -> memref<16x1024xf32, #tpu.memory_space<hbm>>
    %dma_wait3A_45 = arith.constant 0 : i32
    %dma_wait3A_46 = tpu.memref_slice %arg3[%mul3A_35, %dma_wait3A_45] : memref<32x1024xf32, #tpu.memory_space<hbm>> -> memref<16x1024xf32, #tpu.memory_space<hbm>>
    tpu.wait_dma2 semaphore(%arg16 : memref<!tpu.dma_semaphore, #tpu.memory_space<semaphore_mem>>) src(%dma_wait3A_46 : memref<16x1024xf32, #tpu.memory_space<hbm>>) dst(%arg10 : memref<16x1024xf32, #tpu.memory_space<vmem>>)
    tpu.wait_dma2 semaphore(%arg16 : memref<!tpu.dma_semaphore, #tpu.memory_space<semaphore_mem>>) src(%arg5 : memref<16xf32, #tpu.memory_space<hbm>>) dst(%arg12 : memref<16xf32, #tpu.memory_space<vmem>>)
    tpu.wait_dma2 semaphore(%arg16 : memref<!tpu.dma_semaphore, #tpu.memory_space<semaphore_mem>>) src(%arg6 : memref<16xf32, #tpu.memory_space<hbm>>) dst(%arg13 : memref<16xf32, #tpu.memory_space<vmem>>)
    tpu.wait_dma2 semaphore(%arg16 : memref<!tpu.dma_semaphore, #tpu.memory_space<semaphore_mem>>) src(%arg7 : memref<16xf32, #tpu.memory_space<hbm>>) dst(%arg14 : memref<16xf32, #tpu.memory_space<vmem>>)
    %get3A = arith.constant 0 : index
    %get3A_47 = tpu.vector_load %arg12[%get3A] {strides = array<i32>} : memref<16xf32, #tpu.memory_space<vmem>>, vector<16xf32>,
    %get3A_48 = vector.shape_cast %get3A_47 : vector<16xf32> to vector<16xf32>
    %get3A_49 = arith.constant 0 : index
    %get3A_50 = tpu.vector_load %arg13[%get3A_49] {strides = array<i32>} : memref<16xf32, #tpu.memory_space<vmem>>, vector<16xf32>,
    %get3A_51 = vector.shape_cast %get3A_50 : vector<16xf32> to vector<16xf32>
    %get3A_52 = arith.constant 0 : index
    %get3A_53 = tpu.vector_load %arg14[%get3A_52] {strides = array<i32>} : memref<16xf32, #tpu.memory_space<vmem>>, vector<16xf32>,
    %get3A_54 = vector.shape_cast %get3A_53 : vector<16xf32> to vector<16xf32>
    %parallel_loop3A = arith.constant 0 : i32
    %parallel_loop3A_55 = arith.constant 64 : i32
    %parallel_loop3A_56 = arith.constant 1 : i32
    scf.for %parallel_loop3A_555 = %parallel_loop3A to %parallel_loop3A_55 step %parallel_loop3A_56  : i32 {
      %parallel_loop3A_556 = arith.constant 16 : i32
      %parallel_loop3A_557 = arith.muli %parallel_loop3A_555, %parallel_loop3A_556 : i32
      %parallel_loop3A_558 = arith.constant 0 : i32
      %parallel_loop3A_559 = arith.index_cast %parallel_loop3A_558 : i32 to index
      %parallel_loop3A_560 = arith.index_cast %parallel_loop3A_557 : i32 to index
      %parallel_loop3A_561 = tpu.vector_load %arg9[%parallel_loop3A_559, %parallel_loop3A_560] {strides = array<i32>} : memref<1x1024xf32, #tpu.memory_space<vmem>>, vector<1x16xf32>,
      %parallel_loop3A_562 = vector.shape_cast %parallel_loop3A_561 : vector<1x16xf32> to vector<16xf32>
      %parallel_loop3A_563 = arith.mulf %parallel_loop3A_562, %get3A_48 : vector<16xf32>
      %parallel_loop3A_564 = arith.constant 0 : i32
      %parallel_loop3A_565 = arith.index_cast %parallel_loop3A_564 : i32 to index
      %parallel_loop3A_566 = arith.index_cast %parallel_loop3A_557 : i32 to index
      %parallel_loop3A_567 = tpu.vector_load %arg10[%parallel_loop3A_565, %parallel_loop3A_566] {strides = array<i32>} : memref<16x1024xf32, #tpu.memory_space<vmem>>, vector<1x16xf32>,
      %parallel_loop3A_568 = vector.shape_cast %parallel_loop3A_567 : vector<1x16xf32> to vector<16xf32>
      %parallel_loop3A_569 = arith.mulf %parallel_loop3A_568, %get3A_51 : vector<16xf32>
      %parallel_loop3A_570 = arith.addf %parallel_loop3A_569, %parallel_loop3A_563 : vector<16xf32>
      %parallel_loop3A_571 = arith.constant 0 : i32
      %parallel_loop3A_572 = arith.index_cast %parallel_loop3A_571 : i32 to index
      %parallel_loop3A_573 = arith.index_cast %parallel_loop3A_557 : i32 to index
      %parallel_loop3A_574 = tpu.vector_load %arg10[%parallel_loop3A_572, %parallel_loop3A_573] {strides = array<i32>} : memref<16x1024xf32, #tpu.memory_space<vmem>>, vector<1x16xf32>,
      %parallel_loop3A_575 = vector.shape_cast %parallel_loop3A_574 : vector<1x16xf32> to vector<16xf32>
      %parallel_loop3A_576 = vector.shape_cast %parallel_loop3A_570 : vector<16xf32> to vector<1x16xf32>
      tpu.vector_store %arg10[%parallel_loop3A_572, %parallel_loop3A_573], %parallel_loop3A_576 {strides = array<i32>} : memref<16x1024xf32, #tpu.memory_space<vmem>>, vector<1x16xf32>,
      %parallel_loop3A_577 = arith.constant 1 : i32
      %parallel_loop3A_578 = arith.index_cast %parallel_loop3A_577 : i32 to index
      %parallel_loop3A_579 = arith.index_cast %parallel_loop3A_557 : i32 to index
      %parallel_loop3A_580 = tpu.vector_load %arg10[%parallel_loop3A_578, %parallel_loop3A_579] {strides = array<i32>} : memref<16x1024xf32, #tpu.memory_space<vmem>>, vector<1x16xf32>,
      %parallel_loop3A_581 = vector.shape_cast %parallel_loop3A_580 : vector<1x16xf32> to vector<16xf32>
      %parallel_loop3A_582 = arith.mulf %parallel_loop3A_581, %get3A_51 : vector<16xf32>
      %parallel_loop3A_583 = arith.addf %parallel_loop3A_582, %parallel_loop3A_563 : vector<16xf32>
      %parallel_loop3A_584 = arith.constant 1 : i32
      %parallel_loop3A_585 = arith.index_cast %parallel_loop3A_584 : i32 to index
      %parallel_loop3A_586 = arith.index_cast %parallel_loop3A_557 : i32 to index
      %parallel_loop3A_587 = tpu.vector_load %arg10[%parallel_loop3A_585, %parallel_loop3A_586] {strides = array<i32>} : memref<16x1024xf32, #tpu.memory_space<vmem>>, vector<1x16xf32>,
      %parallel_loop3A_588 = vector.shape_cast %parallel_loop3A_587 : vector<1x16xf32> to vector<16xf32>
      %parallel_loop3A_589 = vector.shape_cast %parallel_loop3A_583 : vector<16xf32> to vector<1x16xf32>
      tpu.vector_store %arg10[%parallel_loop3A_585, %parallel_loop3A_586], %parallel_loop3A_589 {strides = array<i32>} : memref<16x1024xf32, #tpu.memory_space<vmem>>, vector<1x16xf32>,
      %parallel_loop3A_590 = arith.constant 2 : i32
      %parallel_loop3A_591 = arith.index_cast %parallel_loop3A_590 : i32 to index
      %parallel_loop3A_592 = arith.index_cast %parallel_loop3A_557 : i32 to index
      %parallel_loop3A_593 = tpu.vector_load %arg10[%parallel_loop3A_591, %parallel_loop3A_592] {strides = array<i32>} : memref<16x1024xf32, #tpu.memory_space<vmem>>, vector<1x16xf32>,
      %parallel_loop3A_594 = vector.shape_cast %parallel_loop3A_593 : vector<1x16xf32> to vector<16xf32>
      %parallel_loop3A_595 = arith.mulf %parallel_loop3A_594, %get3A_51 : vector<16xf32>
      %parallel_loop3A_596 = arith.addf %parallel_loop3A_595, %parallel_loop3A_563 : vector<16xf32>
      %parallel_loop3A_597 = arith.constant 2 : i32
      %parallel_loop3A_598 = arith.index_cast %parallel_loop3A_597 : i32 to index
      %parallel_loop3A_599 = arith.index_cast %parallel_loop3A_557 : i32 to index
      %parallel_loop3A_600 = tpu.vector_load %arg10[%parallel_loop3A_598, %parallel_loop3A_599] {strides = array<i32>} : memref<16x1024xf32, #tpu.memory_space<vmem>>, vector<1x16xf32>,
      %parallel_loop3A_601 = vector.shape_cast %parallel_loop3A_600 : vector<1x16xf32> to vector<16xf32>
      %parallel_loop3A_602 = vector.shape_cast %parallel_loop3A_596 : vector<16xf32> to vector<1x16xf32>
      tpu.vector_store %arg10[%parallel_loop3A_598, %parallel_loop3A_599], %parallel_loop3A_602 {strides = array<i32>} : memref<16x1024xf32, #tpu.memory_space<vmem>>, vector<1x16xf32>,
      %parallel_loop3A_603 = arith.constant 3 : i32
      %parallel_loop3A_604 = arith.index_cast %parallel_loop3A_603 : i32 to index
      %parallel_loop3A_605 = arith.index_cast %parallel_loop3A_557 : i32 to index
      %parallel_loop3A_606 = tpu.vector_load %arg10[%parallel_loop3A_604, %parallel_loop3A_605] {strides = array<i32>} : memref<16x1024xf32, #tpu.memory_space<vmem>>, vector<1x16xf32>,
      %parallel_loop3A_607 = vector.shape_cast %parallel_loop3A_606 : vector<1x16xf32> to vector<16xf32>
      %parallel_loop3A_608 = arith.mulf %parallel_loop3A_607, %get3A_51 : vector<16xf32>
      %parallel_loop3A_609 = arith.addf %parallel_loop3A_608, %parallel_loop3A_563 : vector<16xf32>
      %parallel_loop3A_610 = arith.constant 3 : i32
      %parallel_loop3A_611 = arith.index_cast %parallel_loop3A_610 : i32 to index
      %parallel_loop3A_612 = arith.index_cast %parallel_loop3A_557 : i32 to index
      %parallel_loop3A_613 = tpu.vector_load %arg10[%parallel_loop3A_611, %parallel_loop3A_612] {strides = array<i32>} : memref<16x1024xf32, #tpu.memory_space<vmem>>, vector<1x16xf32>,
      %parallel_loop3A_614 = vector.shape_cast %parallel_loop3A_613 : vector<1x16xf32> to vector<16xf32>
      %parallel_loop3A_615 = vector.shape_cast %parallel_loop3A_609 : vector<16xf32> to vector<1x16xf32>
      tpu.vector_store %arg10[%parallel_loop3A_611, %parallel_loop3A_612], %parallel_loop3A_615 {strides = array<i32>} : memref<16x1024xf32, #tpu.memory_space<vmem>>, vector<1x16xf32>,
      %parallel_loop3A_616 = arith.constant 4 : i32
      %parallel_loop3A_617 = arith.index_cast %parallel_loop3A_616 : i32 to index
      %parallel_loop3A_618 = arith.index_cast %parallel_loop3A_557 : i32 to index
      %parallel_loop3A_619 = tpu.vector_load %arg10[%parallel_loop3A_617, %parallel_loop3A_618] {strides = array<i32>} : memref<16x1024xf32, #tpu.memory_space<vmem>>, vector<1x16xf32>,
      %parallel_loop3A_620 = vector.shape_cast %parallel_loop3A_619 : vector<1x16xf32> to vector<16xf32>
      %parallel_loop3A_621 = arith.mulf %parallel_loop3A_620, %get3A_51 : vector<16xf32>
      %parallel_loop3A_622 = arith.addf %parallel_loop3A_621, %parallel_loop3A_563 : vector<16xf32>
      %parallel_loop3A_623 = arith.constant 4 : i32
      %parallel_loop3A_624 = arith.index_cast %parallel_loop3A_623 : i32 to index
      %parallel_loop3A_625 = arith.index_cast %parallel_loop3A_557 : i32 to index
      %parallel_loop3A_626 = tpu.vector_load %arg10[%parallel_loop3A_624, %parallel_loop3A_625] {strides = array<i32>} : memref<16x1024xf32, #tpu.memory_space<vmem>>, vector<1x16xf32>,
      %parallel_loop3A_627 = vector.shape_cast %parallel_loop3A_626 : vector<1x16xf32> to vector<16xf32>
      %parallel_loop3A_628 = vector.shape_cast %parallel_loop3A_622 : vector<16xf32> to vector<1x16xf32>
      tpu.vector_store %arg10[%parallel_loop3A_624, %parallel_loop3A_625], %parallel_loop3A_628 {strides = array<i32>} : memref<16x1024xf32, #tpu.memory_space<vmem>>, vector<1x16xf32>,
      %parallel_loop3A_629 = arith.constant 5 : i32
      %parallel_loop3A_630 = arith.index_cast %parallel_loop3A_629 : i32 to index
      %parallel_loop3A_631 = arith.index_cast %parallel_loop3A_557 : i32 to index
      %parallel_loop3A_632 = tpu.vector_load %arg10[%parallel_loop3A_630, %parallel_loop3A_631] {strides = array<i32>} : memref<16x1024xf32, #tpu.memory_space<vmem>>, vector<1x16xf32>,
      %parallel_loop3A_633 = vector.shape_cast %parallel_loop3A_632 : vector<1x16xf32> to vector<16xf32>
      %parallel_loop3A_634 = arith.mulf %parallel_loop3A_633, %get3A_51 : vector<16xf32>
      %parallel_loop3A_635 = arith.addf %parallel_loop3A_634, %parallel_loop3A_563 : vector<16xf32>
      %parallel_loop3A_636 = arith.constant 5 : i32
      %parallel_loop3A_637 = arith.index_cast %parallel_loop3A_636 : i32 to index
      %parallel_loop3A_638 = arith.index_cast %parallel_loop3A_557 : i32 to index
      %parallel_loop3A_639 = tpu.vector_load %arg10[%parallel_loop3A_637, %parallel_loop3A_638] {strides = array<i32>} : memref<16x1024xf32, #tpu.memory_space<vmem>>, vector<1x16xf32>,
      %parallel_loop3A_640 = vector.shape_cast %parallel_loop3A_639 : vector<1x16xf32> to vector<16xf32>
      %parallel_loop3A_641 = vector.shape_cast %parallel_loop3A_635 : vector<16xf32> to vector<1x16xf32>
      tpu.vector_store %arg10[%parallel_loop3A_637, %parallel_loop3A_638], %parallel_loop3A_641 {strides = array<i32>} : memref<16x1024xf32, #tpu.memory_space<vmem>>, vector<1x16xf32>,
      %parallel_loop3A_642 = arith.constant 6 : i32
      %parallel_loop3A_643 = arith.index_cast %parallel_loop3A_642 : i32 to index
      %parallel_loop3A_644 = arith.index_cast %parallel_loop3A_557 : i32 to index
      %parallel_loop3A_645 = tpu.vector_load %arg10[%parallel_loop3A_643, %parallel_loop3A_644] {strides = array<i32>} : memref<16x1024xf32, #tpu.memory_space<vmem>>, vector<1x16xf32>,
      %parallel_loop3A_646 = vector.shape_cast %parallel_loop3A_645 : vector<1x16xf32> to vector<16xf32>
      %parallel_loop3A_647 = arith.mulf %parallel_loop3A_646, %get3A_51 : vector<16xf32>
      %parallel_loop3A_648 = arith.addf %parallel_loop3A_647, %parallel_loop3A_563 : vector<16xf32>
      %parallel_loop3A_649 = arith.constant 6 : i32
      %parallel_loop3A_650 = arith.index_cast %parallel_loop3A_649 : i32 to index
      %parallel_loop3A_651 = arith.index_cast %parallel_loop3A_557 : i32 to index
      %parallel_loop3A_652 = tpu.vector_load %arg10[%parallel_loop3A_650, %parallel_loop3A_651] {strides = array<i32>} : memref<16x1024xf32, #tpu.memory_space<vmem>>, vector<1x16xf32>,
      %parallel_loop3A_653 = vector.shape_cast %parallel_loop3A_652 : vector<1x16xf32> to vector<16xf32>
      %parallel_loop3A_654 = vector.shape_cast %parallel_loop3A_648 : vector<16xf32> to vector<1x16xf32>
      tpu.vector_store %arg10[%parallel_loop3A_650, %parallel_loop3A_651], %parallel_loop3A_654 {strides = array<i32>} : memref<16x1024xf32, #tpu.memory_space<vmem>>, vector<1x16xf32>,
      %parallel_loop3A_655 = arith.constant 7 : i32
      %parallel_loop3A_656 = arith.index_cast %parallel_loop3A_655 : i32 to index
      %parallel_loop3A_657 = arith.index_cast %parallel_loop3A_557 : i32 to index
      %parallel_loop3A_658 = tpu.vector_load %arg10[%parallel_loop3A_656, %parallel_loop3A_657] {strides = array<i32>} : memref<16x1024xf32, #tpu.memory_space<vmem>>, vector<1x16xf32>,
      %parallel_loop3A_659 = vector.shape_cast %parallel_loop3A_658 : vector<1x16xf32> to vector<16xf32>
      %parallel_loop3A_660 = arith.mulf %parallel_loop3A_659, %get3A_51 : vector<16xf32>
      %parallel_loop3A_661 = arith.addf %parallel_loop3A_660, %parallel_loop3A_563 : vector<16xf32>
      %parallel_loop3A_662 = arith.constant 7 : i32
      %parallel_loop3A_663 = arith.index_cast %parallel_loop3A_662 : i32 to index
      %parallel_loop3A_664 = arith.index_cast %parallel_loop3A_557 : i32 to index
      %parallel_loop3A_665 = tpu.vector_load %arg10[%parallel_loop3A_663, %parallel_loop3A_664] {strides = array<i32>} : memref<16x1024xf32, #tpu.memory_space<vmem>>, vector<1x16xf32>,
      %parallel_loop3A_666 = vector.shape_cast %parallel_loop3A_665 : vector<1x16xf32> to vector<16xf32>
      %parallel_loop3A_667 = vector.shape_cast %parallel_loop3A_661 : vector<16xf32> to vector<1x16xf32>
      tpu.vector_store %arg10[%parallel_loop3A_663, %parallel_loop3A_664], %parallel_loop3A_667 {strides = array<i32>} : memref<16x1024xf32, #tpu.memory_space<vmem>>, vector<1x16xf32>,
      %parallel_loop3A_668 = arith.constant 8 : i32
      %parallel_loop3A_669 = arith.index_cast %parallel_loop3A_668 : i32 to index
      %parallel_loop3A_670 = arith.index_cast %parallel_loop3A_557 : i32 to index
      %parallel_loop3A_671 = tpu.vector_load %arg10[%parallel_loop3A_669, %parallel_loop3A_670] {strides = array<i32>} : memref<16x1024xf32, #tpu.memory_space<vmem>>, vector<1x16xf32>,
      %parallel_loop3A_672 = vector.shape_cast %parallel_loop3A_671 : vector<1x16xf32> to vector<16xf32>
      %parallel_loop3A_673 = arith.mulf %parallel_loop3A_672, %get3A_51 : vector<16xf32>
      %parallel_loop3A_674 = arith.addf %parallel_loop3A_673, %parallel_loop3A_563 : vector<16xf32>
      %parallel_loop3A_675 = arith.constant 8 : i32
      %parallel_loop3A_676 = arith.index_cast %parallel_loop3A_675 : i32 to index
      %parallel_loop3A_677 = arith.index_cast %parallel_loop3A_557 : i32 to index
      %parallel_loop3A_678 = tpu.vector_load %arg10[%parallel_loop3A_676, %parallel_loop3A_677] {strides = array<i32>} : memref<16x1024xf32, #tpu.memory_space<vmem>>, vector<1x16xf32>,
      %parallel_loop3A_679 = vector.shape_cast %parallel_loop3A_678 : vector<1x16xf32> to vector<16xf32>
      %parallel_loop3A_680 = vector.shape_cast %parallel_loop3A_674 : vector<16xf32> to vector<1x16xf32>
      tpu.vector_store %arg10[%parallel_loop3A_676, %parallel_loop3A_677], %parallel_loop3A_680 {strides = array<i32>} : memref<16x1024xf32, #tpu.memory_space<vmem>>, vector<1x16xf32>,
      %parallel_loop3A_681 = arith.constant 9 : i32
      %parallel_loop3A_682 = arith.index_cast %parallel_loop3A_681 : i32 to index
      %parallel_loop3A_683 = arith.index_cast %parallel_loop3A_557 : i32 to index
      %parallel_loop3A_684 = tpu.vector_load %arg10[%parallel_loop3A_682, %parallel_loop3A_683] {strides = array<i32>} : memref<16x1024xf32, #tpu.memory_space<vmem>>, vector<1x16xf32>,
      %parallel_loop3A_685 = vector.shape_cast %parallel_loop3A_684 : vector<1x16xf32> to vector<16xf32>
      %parallel_loop3A_686 = arith.mulf %parallel_loop3A_685, %get3A_51 : vector<16xf32>
      %parallel_loop3A_687 = arith.addf %parallel_loop3A_686, %parallel_loop3A_563 : vector<16xf32>
      %parallel_loop3A_688 = arith.constant 9 : i32
      %parallel_loop3A_689 = arith.index_cast %parallel_loop3A_688 : i32 to index
      %parallel_loop3A_690 = arith.index_cast %parallel_loop3A_557 : i32 to index
      %parallel_loop3A_691 = tpu.vector_load %arg10[%parallel_loop3A_689, %parallel_loop3A_690] {strides = array<i32>} : memref<16x1024xf32, #tpu.memory_space<vmem>>, vector<1x16xf32>,
      %parallel_loop3A_692 = vector.shape_cast %parallel_loop3A_691 : vector<1x16xf32> to vector<16xf32>
      %parallel_loop3A_693 = vector.shape_cast %parallel_loop3A_687 : vector<16xf32> to vector<1x16xf32>
      tpu.vector_store %arg10[%parallel_loop3A_689, %parallel_loop3A_690], %parallel_loop3A_693 {strides = array<i32>} : memref<16x1024xf32, #tpu.memory_space<vmem>>, vector<1x16xf32>,
      %parallel_loop3A_694 = arith.constant 10 : i32
      %parallel_loop3A_695 = arith.index_cast %parallel_loop3A_694 : i32 to index
      %parallel_loop3A_696 = arith.index_cast %parallel_loop3A_557 : i32 to index
      %parallel_loop3A_697 = tpu.vector_load %arg10[%parallel_loop3A_695, %parallel_loop3A_696] {strides = array<i32>} : memref<16x1024xf32, #tpu.memory_space<vmem>>, vector<1x16xf32>,
      %parallel_loop3A_698 = vector.shape_cast %parallel_loop3A_697 : vector<1x16xf32> to vector<16xf32>
      %parallel_loop3A_699 = arith.mulf %parallel_loop3A_698, %get3A_51 : vector<16xf32>
      %parallel_loop3A_700 = arith.addf %parallel_loop3A_699, %parallel_loop3A_563 : vector<16xf32>
      %parallel_loop3A_701 = arith.constant 10 : i32
      %parallel_loop3A_702 = arith.index_cast %parallel_loop3A_701 : i32 to index
      %parallel_loop3A_703 = arith.index_cast %parallel_loop3A_557 : i32 to index
      %parallel_loop3A_704 = tpu.vector_load %arg10[%parallel_loop3A_702, %parallel_loop3A_703] {strides = array<i32>} : memref<16x1024xf32, #tpu.memory_space<vmem>>, vector<1x16xf32>,
      %parallel_loop3A_705 = vector.shape_cast %parallel_loop3A_704 : vector<1x16xf32> to vector<16xf32>
      %parallel_loop3A_706 = vector.shape_cast %parallel_loop3A_700 : vector<16xf32> to vector<1x16xf32>
      tpu.vector_store %arg10[%parallel_loop3A_702, %parallel_loop3A_703], %parallel_loop3A_706 {strides = array<i32>} : memref<16x1024xf32, #tpu.memory_space<vmem>>, vector<1x16xf32>,
      %parallel_loop3A_707 = arith.constant 11 : i32
      %parallel_loop3A_708 = arith.index_cast %parallel_loop3A_707 : i32 to index
      %parallel_loop3A_709 = arith.index_cast %parallel_loop3A_557 : i32 to index
      %parallel_loop3A_710 = tpu.vector_load %arg10[%parallel_loop3A_708, %parallel_loop3A_709] {strides = array<i32>} : memref<16x1024xf32, #tpu.memory_space<vmem>>, vector<1x16xf32>,
      %parallel_loop3A_711 = vector.shape_cast %parallel_loop3A_710 : vector<1x16xf32> to vector<16xf32>
      %parallel_loop3A_712 = arith.mulf %parallel_loop3A_711, %get3A_51 : vector<16xf32>
      %parallel_loop3A_713 = arith.addf %parallel_loop3A_712, %parallel_loop3A_563 : vector<16xf32>
      %parallel_loop3A_714 = arith.constant 11 : i32
      %parallel_loop3A_715 = arith.index_cast %parallel_loop3A_714 : i32 to index
      %parallel_loop3A_716 = arith.index_cast %parallel_loop3A_557 : i32 to index
      %parallel_loop3A_717 = tpu.vector_load %arg10[%parallel_loop3A_715, %parallel_loop3A_716] {strides = array<i32>} : memref<16x1024xf32, #tpu.memory_space<vmem>>, vector<1x16xf32>,
      %parallel_loop3A_718 = vector.shape_cast %parallel_loop3A_717 : vector<1x16xf32> to vector<16xf32>
      %parallel_loop3A_719 = vector.shape_cast %parallel_loop3A_713 : vector<16xf32> to vector<1x16xf32>
      tpu.vector_store %arg10[%parallel_loop3A_715, %parallel_loop3A_716], %parallel_loop3A_719 {strides = array<i32>} : memref<16x1024xf32, #tpu.memory_space<vmem>>, vector<1x16xf32>,
      %parallel_loop3A_720 = arith.constant 12 : i32
      %parallel_loop3A_721 = arith.index_cast %parallel_loop3A_720 : i32 to index
      %parallel_loop3A_722 = arith.index_cast %parallel_loop3A_557 : i32 to index
      %parallel_loop3A_723 = tpu.vector_load %arg10[%parallel_loop3A_721, %parallel_loop3A_722] {strides = array<i32>} : memref<16x1024xf32, #tpu.memory_space<vmem>>, vector<1x16xf32>,
      %parallel_loop3A_724 = vector.shape_cast %parallel_loop3A_723 : vector<1x16xf32> to vector<16xf32>
      %parallel_loop3A_725 = arith.mulf %parallel_loop3A_724, %get3A_51 : vector<16xf32>
      %parallel_loop3A_726 = arith.addf %parallel_loop3A_725, %parallel_loop3A_563 : vector<16xf32>
      %parallel_loop3A_727 = arith.constant 12 : i32
      %parallel_loop3A_728 = arith.index_cast %parallel_loop3A_727 : i32 to index
      %parallel_loop3A_729 = arith.index_cast %parallel_loop3A_557 : i32 to index
      %parallel_loop3A_730 = tpu.vector_load %arg10[%parallel_loop3A_728, %parallel_loop3A_729] {strides = array<i32>} : memref<16x1024xf32, #tpu.memory_space<vmem>>, vector<1x16xf32>,
      %parallel_loop3A_731 = vector.shape_cast %parallel_loop3A_730 : vector<1x16xf32> to vector<16xf32>
      %parallel_loop3A_732 = vector.shape_cast %parallel_loop3A_726 : vector<16xf32> to vector<1x16xf32>
      tpu.vector_store %arg10[%parallel_loop3A_728, %parallel_loop3A_729], %parallel_loop3A_732 {strides = array<i32>} : memref<16x1024xf32, #tpu.memory_space<vmem>>, vector<1x16xf32>,
      %parallel_loop3A_733 = arith.constant 13 : i32
      %parallel_loop3A_734 = arith.index_cast %parallel_loop3A_733 : i32 to index
      %parallel_loop3A_735 = arith.index_cast %parallel_loop3A_557 : i32 to index
      %parallel_loop3A_736 = tpu.vector_load %arg10[%parallel_loop3A_734, %parallel_loop3A_735] {strides = array<i32>} : memref<16x1024xf32, #tpu.memory_space<vmem>>, vector<1x16xf32>,
      %parallel_loop3A_737 = vector.shape_cast %parallel_loop3A_736 : vector<1x16xf32> to vector<16xf32>
      %parallel_loop3A_738 = arith.mulf %parallel_loop3A_737, %get3A_51 : vector<16xf32>
      %parallel_loop3A_739 = arith.addf %parallel_loop3A_738, %parallel_loop3A_563 : vector<16xf32>
      %parallel_loop3A_740 = arith.constant 13 : i32
      %parallel_loop3A_741 = arith.index_cast %parallel_loop3A_740 : i32 to index
      %parallel_loop3A_742 = arith.index_cast %parallel_loop3A_557 : i32 to index
      %parallel_loop3A_743 = tpu.vector_load %arg10[%parallel_loop3A_741, %parallel_loop3A_742] {strides = array<i32>} : memref<16x1024xf32, #tpu.memory_space<vmem>>, vector<1x16xf32>,
      %parallel_loop3A_744 = vector.shape_cast %parallel_loop3A_743 : vector<1x16xf32> to vector<16xf32>
      %parallel_loop3A_745 = vector.shape_cast %parallel_loop3A_739 : vector<16xf32> to vector<1x16xf32>
      tpu.vector_store %arg10[%parallel_loop3A_741, %parallel_loop3A_742], %parallel_loop3A_745 {strides = array<i32>} : memref<16x1024xf32, #tpu.memory_space<vmem>>, vector<1x16xf32>,
      %parallel_loop3A_746 = arith.constant 14 : i32
      %parallel_loop3A_747 = arith.index_cast %parallel_loop3A_746 : i32 to index
      %parallel_loop3A_748 = arith.index_cast %parallel_loop3A_557 : i32 to index
      %parallel_loop3A_749 = tpu.vector_load %arg10[%parallel_loop3A_747, %parallel_loop3A_748] {strides = array<i32>} : memref<16x1024xf32, #tpu.memory_space<vmem>>, vector<1x16xf32>,
      %parallel_loop3A_750 = vector.shape_cast %parallel_loop3A_749 : vector<1x16xf32> to vector<16xf32>
      %parallel_loop3A_751 = arith.mulf %parallel_loop3A_750, %get3A_51 : vector<16xf32>
      %parallel_loop3A_752 = arith.addf %parallel_loop3A_751, %parallel_loop3A_563 : vector<16xf32>
      %parallel_loop3A_753 = arith.constant 14 : i32
      %parallel_loop3A_754 = arith.index_cast %parallel_loop3A_753 : i32 to index
      %parallel_loop3A_755 = arith.index_cast %parallel_loop3A_557 : i32 to index
      %parallel_loop3A_756 = tpu.vector_load %arg10[%parallel_loop3A_754, %parallel_loop3A_755] {strides = array<i32>} : memref<16x1024xf32, #tpu.memory_space<vmem>>, vector<1x16xf32>,
      %parallel_loop3A_757 = vector.shape_cast %parallel_loop3A_756 : vector<1x16xf32> to vector<16xf32>
      %parallel_loop3A_758 = vector.shape_cast %parallel_loop3A_752 : vector<16xf32> to vector<1x16xf32>
      tpu.vector_store %arg10[%parallel_loop3A_754, %parallel_loop3A_755], %parallel_loop3A_758 {strides = array<i32>} : memref<16x1024xf32, #tpu.memory_space<vmem>>, vector<1x16xf32>,
      %parallel_loop3A_759 = arith.constant 15 : i32
      %parallel_loop3A_760 = arith.index_cast %parallel_loop3A_759 : i32 to index
      %parallel_loop3A_761 = arith.index_cast %parallel_loop3A_557 : i32 to index
      %parallel_loop3A_762 = tpu.vector_load %arg10[%parallel_loop3A_760, %parallel_loop3A_761] {strides = array<i32>} : memref<16x1024xf32, #tpu.memory_space<vmem>>, vector<1x16xf32>,
      %parallel_loop3A_763 = vector.shape_cast %parallel_loop3A_762 : vector<1x16xf32> to vector<16xf32>
      %parallel_loop3A_764 = arith.mulf %parallel_loop3A_763, %get3A_51 : vector<16xf32>
      %parallel_loop3A_765 = arith.addf %parallel_loop3A_764, %parallel_loop3A_563 : vector<16xf32>
      %parallel_loop3A_766 = arith.constant 15 : i32
      %parallel_loop3A_767 = arith.index_cast %parallel_loop3A_766 : i32 to index
      %parallel_loop3A_768 = arith.index_cast %parallel_loop3A_557 : i32 to index
      %parallel_loop3A_769 = tpu.vector_load %arg10[%parallel_loop3A_767, %parallel_loop3A_768] {strides = array<i32>} : memref<16x1024xf32, #tpu.memory_space<vmem>>, vector<1x16xf32>,
      %parallel_loop3A_770 = vector.shape_cast %parallel_loop3A_769 : vector<1x16xf32> to vector<16xf32>
      %parallel_loop3A_771 = vector.shape_cast %parallel_loop3A_765 : vector<16xf32> to vector<1x16xf32>
      tpu.vector_store %arg10[%parallel_loop3A_767, %parallel_loop3A_768], %parallel_loop3A_771 {strides = array<i32>} : memref<16x1024xf32, #tpu.memory_space<vmem>>, vector<1x16xf32>,
    } {sc.loop_unroll_factor = 1 : i64, sc.parallel_access}
    tpu.wait_dma2 semaphore(%arg17 : memref<!tpu.dma_semaphore, #tpu.memory_space<semaphore_mem>>) src(%arg4 : memref<32x1024xf32, #tpu.memory_space<hbm>>) dst(%arg11 : memref<32x1024xf32, #tpu.memory_space<vmem>>)
    %mul3A_57 = arith.constant 512 : i32
    %mul3A_58 = arith.muli %add3A, %mul3A_57 : i32
    %parallel_loop3A_59 = arith.constant 0 : i32
    %parallel_loop3A_60 = arith.constant 64 : i32
    %parallel_loop3A_61 = arith.constant 1 : i32
    scf.for %parallel_loop3A_555 = %parallel_loop3A_59 to %parallel_loop3A_60 step %parallel_loop3A_61  : i32 {
      %parallel_loop3A_556 = arith.constant 16 : i32
      %parallel_loop3A_557 = arith.muli %parallel_loop3A_555, %parallel_loop3A_556 : i32
      %parallel_loop3A_558 = arith.constant 0 : i32
      %parallel_loop3A_559 = arith.index_cast %parallel_loop3A_558 : i32 to index
      %parallel_loop3A_560 = arith.index_cast %parallel_loop3A_557 : i32 to index
      %parallel_loop3A_561 = tpu.vector_load %arg10[%parallel_loop3A_559, %parallel_loop3A_560] {strides = array<i32>} : memref<16x1024xf32, #tpu.memory_space<vmem>>, vector<1x16xf32>,
      %parallel_loop3A_562 = vector.shape_cast %parallel_loop3A_561 : vector<1x16xf32> to vector<16xf32>
      %parallel_loop3A_563 = arith.constant 0 : i32
      %parallel_loop3A_564 = arith.constant 32 : i32
      %parallel_loop3A_565 = arith.constant 1 : i32
      scf.for %parallel_loop3A_566 = %parallel_loop3A_563 to %parallel_loop3A_564 step %parallel_loop3A_565  : i32 {
        %parallel_loop3A_567 = arith.index_cast %parallel_loop3A_566 : i32 to index
        %parallel_loop3A_568 = arith.index_cast %parallel_loop3A_557 : i32 to index
        %parallel_loop3A_569 = tpu.vector_load %arg11[%parallel_loop3A_567, %parallel_loop3A_568] {strides = array<i32>} : memref<32x1024xf32, #tpu.memory_space<vmem>>, vector<1x16xf32>,
        %parallel_loop3A_570 = vector.shape_cast %parallel_loop3A_569 : vector<1x16xf32> to vector<16xf32>
        %parallel_loop3A_571 = arith.mulf %parallel_loop3A_570, %get3A_54 : vector<16xf32>
        %parallel_loop3A_572 = arith.addf %parallel_loop3A_562, %parallel_loop3A_571 : vector<16xf32>
        %parallel_loop3A_573 = arith.constant 0 : i32
        %parallel_loop3A_574 = arith.index_cast %parallel_loop3A_573 : i32 to index
        %parallel_loop3A_575 = arith.index_cast %parallel_loop3A_566 : i32 to index
        %parallel_loop3A_576 = arith.index_cast %parallel_loop3A_557 : i32 to index
        %parallel_loop3A_577 = tpu.vector_load %arg15[%parallel_loop3A_574, %parallel_loop3A_575, %parallel_loop3A_576] {strides = array<i32>} : memref<2x32x1024xf32, #tpu.memory_space<vmem>>, vector<1x1x16xf32>,
        %parallel_loop3A_578 = vector.shape_cast %parallel_loop3A_577 : vector<1x1x16xf32> to vector<16xf32>
        %parallel_loop3A_579 = vector.shape_cast %parallel_loop3A_572 : vector<16xf32> to vector<1x1x16xf32>
        tpu.vector_store %arg15[%parallel_loop3A_574, %parallel_loop3A_575, %parallel_loop3A_576], %parallel_loop3A_579 {strides = array<i32>} : memref<2x32x1024xf32, #tpu.memory_space<vmem>>, vector<1x1x16xf32>,
      } {sc.loop_unroll_factor = 8 : i64, sc.parallel_access}
    } {sc.loop_unroll_factor = 2 : i64, sc.parallel_access}
    %add3A_62 = arith.constant 0 : i32
    %add3A_63 = arith.addi %mul3A_58, %add3A_62 : i32
    %dma_start3A_64 = arith.constant 0 : i32
    %dma_start3A_65 = arith.constant 0 : i32
    %dma_start3A_66 = arith.constant 0 : i32
    %dma_start3A_67 = tpu.memref_slice %arg15[%dma_start3A_64, %dma_start3A_65, %dma_start3A_66] : memref<2x32x1024xf32, #tpu.memory_space<vmem>> -> memref<1x32x1024xf32, #tpu.memory_space<vmem>>
    %dma_start3A_68 = tpu.memref_squeeze %dma_start3A_67 : memref<1x32x1024xf32, #tpu.memory_space<vmem>> -> memref<32x1024xf32, #tpu.memory_space<vmem>>
    %dma_start3A_69 = arith.constant 0 : i32
    %dma_start3A_70 = tpu.memref_slice %arg8[%add3A_63, %dma_start3A_69] : memref<16384x1024xf32, #tpu.memory_space<hbm>> -> memref<32x1024xf32, #tpu.memory_space<hbm>>
    %dma_start3A_71 = arith.constant 0 : i32
    %dma_start3A_72 = tpu.memref_slice %arg8[%add3A_63, %dma_start3A_71] : memref<16384x1024xf32, #tpu.memory_space<hbm>> -> memref<32x1024xf32, #tpu.memory_space<hbm>>
    %dma_start3A_73 = arith.constant 0 : i32
    %dma_start3A_74 = arith.constant 0 : i32
    %dma_start3A_75 = tpu.memref_slice %arg15[%dma_start3A_64, %dma_start3A_73, %dma_start3A_74] : memref<2x32x1024xf32, #tpu.memory_space<vmem>> -> memref<1x32x1024xf32, #tpu.memory_space<vmem>>
    %dma_start3A_76 = tpu.memref_squeeze %dma_start3A_75 : memref<1x32x1024xf32, #tpu.memory_space<vmem>> -> memref<32x1024xf32, #tpu.memory_space<vmem>>
    tpu.enqueue_dma source(%dma_start3A_76 : memref<32x1024xf32, #tpu.memory_space<vmem>>) target(%dma_start3A_72 : memref<32x1024xf32, #tpu.memory_space<hbm>>) target_semaphore(%arg16 : memref<!tpu.dma_semaphore, #tpu.memory_space<semaphore_mem>>)
    %parallel_loop3A_77 = arith.constant 0 : i32
    %parallel_loop3A_78 = arith.constant 64 : i32
    %parallel_loop3A_79 = arith.constant 1 : i32
    scf.for %parallel_loop3A_555 = %parallel_loop3A_77 to %parallel_loop3A_78 step %parallel_loop3A_79  : i32 {
      %parallel_loop3A_556 = arith.constant 16 : i32
      %parallel_loop3A_557 = arith.muli %parallel_loop3A_555, %parallel_loop3A_556 : i32
      %parallel_loop3A_558 = arith.constant 1 : i32
      %parallel_loop3A_559 = arith.index_cast %parallel_loop3A_558 : i32 to index
      %parallel_loop3A_560 = arith.index_cast %parallel_loop3A_557 : i32 to index
      %parallel_loop3A_561 = tpu.vector_load %arg10[%parallel_loop3A_559, %parallel_loop3A_560] {strides = array<i32>} : memref<16x1024xf32, #tpu.memory_space<vmem>>, vector<1x16xf32>,
      %parallel_loop3A_562 = vector.shape_cast %parallel_loop3A_561 : vector<1x16xf32> to vector<16xf32>
      %parallel_loop3A_563 = arith.constant 0 : i32
      %parallel_loop3A_564 = arith.constant 32 : i32
      %parallel_loop3A_565 = arith.constant 1 : i32
      scf.for %parallel_loop3A_566 = %parallel_loop3A_563 to %parallel_loop3A_564 step %parallel_loop3A_565  : i32 {
        %parallel_loop3A_567 = arith.index_cast %parallel_loop3A_566 : i32 to index
        %parallel_loop3A_568 = arith.index_cast %parallel_loop3A_557 : i32 to index
        %parallel_loop3A_569 = tpu.vector_load %arg11[%parallel_loop3A_567, %parallel_loop3A_568] {strides = array<i32>} : memref<32x1024xf32, #tpu.memory_space<vmem>>, vector<1x16xf32>,
        %parallel_loop3A_570 = vector.shape_cast %parallel_loop3A_569 : vector<1x16xf32> to vector<16xf32>
        %parallel_loop3A_571 = arith.mulf %parallel_loop3A_570, %get3A_54 : vector<16xf32>
        %parallel_loop3A_572 = arith.addf %parallel_loop3A_562, %parallel_loop3A_571 : vector<16xf32>
        %parallel_loop3A_573 = arith.constant 1 : i32
        %parallel_loop3A_574 = arith.index_cast %parallel_loop3A_573 : i32 to index
        %parallel_loop3A_575 = arith.index_cast %parallel_loop3A_566 : i32 to index
        %parallel_loop3A_576 = arith.index_cast %parallel_loop3A_557 : i32 to index
        %parallel_loop3A_577 = tpu.vector_load %arg15[%parallel_loop3A_574, %parallel_loop3A_575, %parallel_loop3A_576] {strides = array<i32>} : memref<2x32x1024xf32, #tpu.memory_space<vmem>>, vector<1x1x16xf32>,
        %parallel_loop3A_578 = vector.shape_cast %parallel_loop3A_577 : vector<1x1x16xf32> to vector<16xf32>
        %parallel_loop3A_579 = vector.shape_cast %parallel_loop3A_572 : vector<16xf32> to vector<1x1x16xf32>
        tpu.vector_store %arg15[%parallel_loop3A_574, %parallel_loop3A_575, %parallel_loop3A_576], %parallel_loop3A_579 {strides = array<i32>} : memref<2x32x1024xf32, #tpu.memory_space<vmem>>, vector<1x1x16xf32>,
      } {sc.loop_unroll_factor = 8 : i64, sc.parallel_access}
    } {sc.loop_unroll_factor = 2 : i64, sc.parallel_access}
    %add3A_80 = arith.constant 32 : i32
    %add3A_81 = arith.addi %mul3A_58, %add3A_80 : i32
    %dma_start3A_82 = arith.constant 1 : i32
    %dma_start3A_83 = arith.constant 0 : i32
    %dma_start3A_84 = arith.constant 0 : i32
    %dma_start3A_85 = tpu.memref_slice %arg15[%dma_start3A_82, %dma_start3A_83, %dma_start3A_84] : memref<2x32x1024xf32, #tpu.memory_space<vmem>> -> memref<1x32x1024xf32, #tpu.memory_space<vmem>>
    %dma_start3A_86 = tpu.memref_squeeze %dma_start3A_85 : memref<1x32x1024xf32, #tpu.memory_space<vmem>> -> memref<32x1024xf32, #tpu.memory_space<vmem>>
    %dma_start3A_87 = arith.constant 0 : i32
    %dma_start3A_88 = tpu.memref_slice %arg8[%add3A_81, %dma_start3A_87] : memref<16384x1024xf32, #tpu.memory_space<hbm>> -> memref<32x1024xf32, #tpu.memory_space<hbm>>
    %dma_start3A_89 = arith.constant 0 : i32
    %dma_start3A_90 = tpu.memref_slice %arg8[%add3A_81, %dma_start3A_89] : memref<16384x1024xf32, #tpu.memory_space<hbm>> -> memref<32x1024xf32, #tpu.memory_space<hbm>>
    %dma_start3A_91 = arith.constant 0 : i32
    %dma_start3A_92 = arith.constant 0 : i32
    %dma_start3A_93 = tpu.memref_slice %arg15[%dma_start3A_82, %dma_start3A_91, %dma_start3A_92] : memref<2x32x1024xf32, #tpu.memory_space<vmem>> -> memref<1x32x1024xf32, #tpu.memory_space<vmem>>
    %dma_start3A_94 = tpu.memref_squeeze %dma_start3A_93 : memref<1x32x1024xf32, #tpu.memory_space<vmem>> -> memref<32x1024xf32, #tpu.memory_space<vmem>>
    tpu.enqueue_dma source(%dma_start3A_94 : memref<32x1024xf32, #tpu.memory_space<vmem>>) target(%dma_start3A_90 : memref<32x1024xf32, #tpu.memory_space<hbm>>) target_semaphore(%arg17 : memref<!tpu.dma_semaphore, #tpu.memory_space<semaphore_mem>>)
    %dma_wait3A_95 = arith.constant 0 : i32
    %dma_wait3A_96 = arith.constant 0 : i32
    %dma_wait3A_97 = arith.constant 0 : i32
    %dma_wait3A_98 = tpu.memref_slice %arg15[%dma_wait3A_95, %dma_wait3A_96, %dma_wait3A_97] : memref<2x32x1024xf32, #tpu.memory_space<vmem>> -> memref<1x32x1024xf32, #tpu.memory_space<vmem>>
    %dma_wait3A_99 = tpu.memref_squeeze %dma_wait3A_98 : memref<1x32x1024xf32, #tpu.memory_space<vmem>> -> memref<32x1024xf32, #tpu.memory_space<vmem>>
    %dma_wait3A_100 = arith.constant 0 : i32
    %dma_wait3A_101 = tpu.memref_slice %arg8[%add3A_63, %dma_wait3A_100] : memref<16384x1024xf32, #tpu.memory_space<hbm>> -> memref<32x1024xf32, #tpu.memory_space<hbm>>
    %dma_wait3A_102 = arith.constant 0 : i32
    %dma_wait3A_103 = tpu.memref_slice %arg8[%add3A_63, %dma_wait3A_102] : memref<16384x1024xf32, #tpu.memory_space<hbm>> -> memref<32x1024xf32, #tpu.memory_space<hbm>>
    %dma_wait3A_104 = arith.constant 0 : i32
    %dma_wait3A_105 = arith.constant 0 : i32
    %dma_wait3A_106 = tpu.memref_slice %arg15[%dma_wait3A_95, %dma_wait3A_104, %dma_wait3A_105] : memref<2x32x1024xf32, #tpu.memory_space<vmem>> -> memref<1x32x1024xf32, #tpu.memory_space<vmem>>
    %dma_wait3A_107 = tpu.memref_squeeze %dma_wait3A_106 : memref<1x32x1024xf32, #tpu.memory_space<vmem>> -> memref<32x1024xf32, #tpu.memory_space<vmem>>
    tpu.wait_dma2 semaphore(%arg16 : memref<!tpu.dma_semaphore, #tpu.memory_space<semaphore_mem>>) src(%dma_wait3A_107 : memref<32x1024xf32, #tpu.memory_space<vmem>>) dst(%dma_wait3A_103 : memref<32x1024xf32, #tpu.memory_space<hbm>>)
    %parallel_loop3A_108 = arith.constant 0 : i32
    %parallel_loop3A_109 = arith.constant 64 : i32
    %parallel_loop3A_110 = arith.constant 1 : i32
    scf.for %parallel_loop3A_555 = %parallel_loop3A_108 to %parallel_loop3A_109 step %parallel_loop3A_110  : i32 {
      %parallel_loop3A_556 = arith.constant 16 : i32
      %parallel_loop3A_557 = arith.muli %parallel_loop3A_555, %parallel_loop3A_556 : i32
      %parallel_loop3A_558 = arith.constant 2 : i32
      %parallel_loop3A_559 = arith.index_cast %parallel_loop3A_558 : i32 to index
      %parallel_loop3A_560 = arith.index_cast %parallel_loop3A_557 : i32 to index
      %parallel_loop3A_561 = tpu.vector_load %arg10[%parallel_loop3A_559, %parallel_loop3A_560] {strides = array<i32>} : memref<16x1024xf32, #tpu.memory_space<vmem>>, vector<1x16xf32>,
      %parallel_loop3A_562 = vector.shape_cast %parallel_loop3A_561 : vector<1x16xf32> to vector<16xf32>
      %parallel_loop3A_563 = arith.constant 0 : i32
      %parallel_loop3A_564 = arith.constant 32 : i32
      %parallel_loop3A_565 = arith.constant 1 : i32
      scf.for %parallel_loop3A_566 = %parallel_loop3A_563 to %parallel_loop3A_564 step %parallel_loop3A_565  : i32 {
        %parallel_loop3A_567 = arith.index_cast %parallel_loop3A_566 : i32 to index
        %parallel_loop3A_568 = arith.index_cast %parallel_loop3A_557 : i32 to index
        %parallel_loop3A_569 = tpu.vector_load %arg11[%parallel_loop3A_567, %parallel_loop3A_568] {strides = array<i32>} : memref<32x1024xf32, #tpu.memory_space<vmem>>, vector<1x16xf32>,
        %parallel_loop3A_570 = vector.shape_cast %parallel_loop3A_569 : vector<1x16xf32> to vector<16xf32>
        %parallel_loop3A_571 = arith.mulf %parallel_loop3A_570, %get3A_54 : vector<16xf32>
        %parallel_loop3A_572 = arith.addf %parallel_loop3A_562, %parallel_loop3A_571 : vector<16xf32>
        %parallel_loop3A_573 = arith.constant 0 : i32
        %parallel_loop3A_574 = arith.index_cast %parallel_loop3A_573 : i32 to index
        %parallel_loop3A_575 = arith.index_cast %parallel_loop3A_566 : i32 to index
        %parallel_loop3A_576 = arith.index_cast %parallel_loop3A_557 : i32 to index
        %parallel_loop3A_577 = tpu.vector_load %arg15[%parallel_loop3A_574, %parallel_loop3A_575, %parallel_loop3A_576] {strides = array<i32>} : memref<2x32x1024xf32, #tpu.memory_space<vmem>>, vector<1x1x16xf32>,
        %parallel_loop3A_578 = vector.shape_cast %parallel_loop3A_577 : vector<1x1x16xf32> to vector<16xf32>
        %parallel_loop3A_579 = vector.shape_cast %parallel_loop3A_572 : vector<16xf32> to vector<1x1x16xf32>
        tpu.vector_store %arg15[%parallel_loop3A_574, %parallel_loop3A_575, %parallel_loop3A_576], %parallel_loop3A_579 {strides = array<i32>} : memref<2x32x1024xf32, #tpu.memory_space<vmem>>, vector<1x1x16xf32>,
      } {sc.loop_unroll_factor = 8 : i64, sc.parallel_access}
    } {sc.loop_unroll_factor = 2 : i64, sc.parallel_access}
    %add3A_111 = arith.constant 64 : i32
    %add3A_112 = arith.addi %mul3A_58, %add3A_111 : i32
    %dma_start3A_113 = arith.constant 0 : i32
    %dma_start3A_114 = arith.constant 0 : i32
    %dma_start3A_115 = arith.constant 0 : i32
    %dma_start3A_116 = tpu.memref_slice %arg15[%dma_start3A_113, %dma_start3A_114, %dma_start3A_115] : memref<2x32x1024xf32, #tpu.memory_space<vmem>> -> memref<1x32x1024xf32, #tpu.memory_space<vmem>>
    %dma_start3A_117 = tpu.memref_squeeze %dma_start3A_116 : memref<1x32x1024xf32, #tpu.memory_space<vmem>> -> memref<32x1024xf32, #tpu.memory_space<vmem>>
    %dma_start3A_118 = arith.constant 0 : i32
    %dma_start3A_119 = tpu.memref_slice %arg8[%add3A_112, %dma_start3A_118] : memref<16384x1024xf32, #tpu.memory_space<hbm>> -> memref<32x1024xf32, #tpu.memory_space<hbm>>
    %dma_start3A_120 = arith.constant 0 : i32
    %dma_start3A_121 = tpu.memref_slice %arg8[%add3A_112, %dma_start3A_120] : memref<16384x1024xf32, #tpu.memory_space<hbm>> -> memref<32x1024xf32, #tpu.memory_space<hbm>>
    %dma_start3A_122 = arith.constant 0 : i32
    %dma_start3A_123 = arith.constant 0 : i32
    %dma_start3A_124 = tpu.memref_slice %arg15[%dma_start3A_113, %dma_start3A_122, %dma_start3A_123] : memref<2x32x1024xf32, #tpu.memory_space<vmem>> -> memref<1x32x1024xf32, #tpu.memory_space<vmem>>
    %dma_start3A_125 = tpu.memref_squeeze %dma_start3A_124 : memref<1x32x1024xf32, #tpu.memory_space<vmem>> -> memref<32x1024xf32, #tpu.memory_space<vmem>>
    tpu.enqueue_dma source(%dma_start3A_125 : memref<32x1024xf32, #tpu.memory_space<vmem>>) target(%dma_start3A_121 : memref<32x1024xf32, #tpu.memory_space<hbm>>) target_semaphore(%arg16 : memref<!tpu.dma_semaphore, #tpu.memory_space<semaphore_mem>>)
    %dma_wait3A_126 = arith.constant 1 : i32
    %dma_wait3A_127 = arith.constant 0 : i32
    %dma_wait3A_128 = arith.constant 0 : i32
    %dma_wait3A_129 = tpu.memref_slice %arg15[%dma_wait3A_126, %dma_wait3A_127, %dma_wait3A_128] : memref<2x32x1024xf32, #tpu.memory_space<vmem>> -> memref<1x32x1024xf32, #tpu.memory_space<vmem>>
    %dma_wait3A_130 = tpu.memref_squeeze %dma_wait3A_129 : memref<1x32x1024xf32, #tpu.memory_space<vmem>> -> memref<32x1024xf32, #tpu.memory_space<vmem>>
    %dma_wait3A_131 = arith.constant 0 : i32
    %dma_wait3A_132 = tpu.memref_slice %arg8[%add3A_81, %dma_wait3A_131] : memref<16384x1024xf32, #tpu.memory_space<hbm>> -> memref<32x1024xf32, #tpu.memory_space<hbm>>
    %dma_wait3A_133 = arith.constant 0 : i32
    %dma_wait3A_134 = tpu.memref_slice %arg8[%add3A_81, %dma_wait3A_133] : memref<16384x1024xf32, #tpu.memory_space<hbm>> -> memref<32x1024xf32, #tpu.memory_space<hbm>>
    %dma_wait3A_135 = arith.constant 0 : i32
    %dma_wait3A_136 = arith.constant 0 : i32
    %dma_wait3A_137 = tpu.memref_slice %arg15[%dma_wait3A_126, %dma_wait3A_135, %dma_wait3A_136] : memref<2x32x1024xf32, #tpu.memory_space<vmem>> -> memref<1x32x1024xf32, #tpu.memory_space<vmem>>
    %dma_wait3A_138 = tpu.memref_squeeze %dma_wait3A_137 : memref<1x32x1024xf32, #tpu.memory_space<vmem>> -> memref<32x1024xf32, #tpu.memory_space<vmem>>
    tpu.wait_dma2 semaphore(%arg17 : memref<!tpu.dma_semaphore, #tpu.memory_space<semaphore_mem>>) src(%dma_wait3A_138 : memref<32x1024xf32, #tpu.memory_space<vmem>>) dst(%dma_wait3A_134 : memref<32x1024xf32, #tpu.memory_space<hbm>>)
    %parallel_loop3A_139 = arith.constant 0 : i32
    %parallel_loop3A_140 = arith.constant 64 : i32
    %parallel_loop3A_141 = arith.constant 1 : i32
    scf.for %parallel_loop3A_555 = %parallel_loop3A_139 to %parallel_loop3A_140 step %parallel_loop3A_141  : i32 {
      %parallel_loop3A_556 = arith.constant 16 : i32
      %parallel_loop3A_557 = arith.muli %parallel_loop3A_555, %parallel_loop3A_556 : i32
      %parallel_loop3A_558 = arith.constant 3 : i32
      %parallel_loop3A_559 = arith.index_cast %parallel_loop3A_558 : i32 to index
      %parallel_loop3A_560 = arith.index_cast %parallel_loop3A_557 : i32 to index
      %parallel_loop3A_561 = tpu.vector_load %arg10[%parallel_loop3A_559, %parallel_loop3A_560] {strides = array<i32>} : memref<16x1024xf32, #tpu.memory_space<vmem>>, vector<1x16xf32>,
      %parallel_loop3A_562 = vector.shape_cast %parallel_loop3A_561 : vector<1x16xf32> to vector<16xf32>
      %parallel_loop3A_563 = arith.constant 0 : i32
      %parallel_loop3A_564 = arith.constant 32 : i32
      %parallel_loop3A_565 = arith.constant 1 : i32
      scf.for %parallel_loop3A_566 = %parallel_loop3A_563 to %parallel_loop3A_564 step %parallel_loop3A_565  : i32 {
        %parallel_loop3A_567 = arith.index_cast %parallel_loop3A_566 : i32 to index
        %parallel_loop3A_568 = arith.index_cast %parallel_loop3A_557 : i32 to index
        %parallel_loop3A_569 = tpu.vector_load %arg11[%parallel_loop3A_567, %parallel_loop3A_568] {strides = array<i32>} : memref<32x1024xf32, #tpu.memory_space<vmem>>, vector<1x16xf32>,
        %parallel_loop3A_570 = vector.shape_cast %parallel_loop3A_569 : vector<1x16xf32> to vector<16xf32>
        %parallel_loop3A_571 = arith.mulf %parallel_loop3A_570, %get3A_54 : vector<16xf32>
        %parallel_loop3A_572 = arith.addf %parallel_loop3A_562, %parallel_loop3A_571 : vector<16xf32>
        %parallel_loop3A_573 = arith.constant 1 : i32
        %parallel_loop3A_574 = arith.index_cast %parallel_loop3A_573 : i32 to index
        %parallel_loop3A_575 = arith.index_cast %parallel_loop3A_566 : i32 to index
        %parallel_loop3A_576 = arith.index_cast %parallel_loop3A_557 : i32 to index
        %parallel_loop3A_577 = tpu.vector_load %arg15[%parallel_loop3A_574, %parallel_loop3A_575, %parallel_loop3A_576] {strides = array<i32>} : memref<2x32x1024xf32, #tpu.memory_space<vmem>>, vector<1x1x16xf32>,
        %parallel_loop3A_578 = vector.shape_cast %parallel_loop3A_577 : vector<1x1x16xf32> to vector<16xf32>
        %parallel_loop3A_579 = vector.shape_cast %parallel_loop3A_572 : vector<16xf32> to vector<1x1x16xf32>
        tpu.vector_store %arg15[%parallel_loop3A_574, %parallel_loop3A_575, %parallel_loop3A_576], %parallel_loop3A_579 {strides = array<i32>} : memref<2x32x1024xf32, #tpu.memory_space<vmem>>, vector<1x1x16xf32>,
      } {sc.loop_unroll_factor = 8 : i64, sc.parallel_access}
    } {sc.loop_unroll_factor = 2 : i64, sc.parallel_access}
    %add3A_142 = arith.constant 96 : i32
    %add3A_143 = arith.addi %mul3A_58, %add3A_142 : i32
    %dma_start3A_144 = arith.constant 1 : i32
    %dma_start3A_145 = arith.constant 0 : i32
    %dma_start3A_146 = arith.constant 0 : i32
    %dma_start3A_147 = tpu.memref_slice %arg15[%dma_start3A_144, %dma_start3A_145, %dma_start3A_146] : memref<2x32x1024xf32, #tpu.memory_space<vmem>> -> memref<1x32x1024xf32, #tpu.memory_space<vmem>>
    %dma_start3A_148 = tpu.memref_squeeze %dma_start3A_147 : memref<1x32x1024xf32, #tpu.memory_space<vmem>> -> memref<32x1024xf32, #tpu.memory_space<vmem>>
    %dma_start3A_149 = arith.constant 0 : i32
    %dma_start3A_150 = tpu.memref_slice %arg8[%add3A_143, %dma_start3A_149] : memref<16384x1024xf32, #tpu.memory_space<hbm>> -> memref<32x1024xf32, #tpu.memory_space<hbm>>
    %dma_start3A_151 = arith.constant 0 : i32
    %dma_start3A_152 = tpu.memref_slice %arg8[%add3A_143, %dma_start3A_151] : memref<16384x1024xf32, #tpu.memory_space<hbm>> -> memref<32x1024xf32, #tpu.memory_space<hbm>>
    %dma_start3A_153 = arith.constant 0 : i32
    %dma_start3A_154 = arith.constant 0 : i32
    %dma_start3A_155 = tpu.memref_slice %arg15[%dma_start3A_144, %dma_start3A_153, %dma_start3A_154] : memref<2x32x1024xf32, #tpu.memory_space<vmem>> -> memref<1x32x1024xf32, #tpu.memory_space<vmem>>
    %dma_start3A_156 = tpu.memref_squeeze %dma_start3A_155 : memref<1x32x1024xf32, #tpu.memory_space<vmem>> -> memref<32x1024xf32, #tpu.memory_space<vmem>>
    tpu.enqueue_dma source(%dma_start3A_156 : memref<32x1024xf32, #tpu.memory_space<vmem>>) target(%dma_start3A_152 : memref<32x1024xf32, #tpu.memory_space<hbm>>) target_semaphore(%arg17 : memref<!tpu.dma_semaphore, #tpu.memory_space<semaphore_mem>>)
    %dma_wait3A_157 = arith.constant 0 : i32
    %dma_wait3A_158 = arith.constant 0 : i32
    %dma_wait3A_159 = arith.constant 0 : i32
    %dma_wait3A_160 = tpu.memref_slice %arg15[%dma_wait3A_157, %dma_wait3A_158, %dma_wait3A_159] : memref<2x32x1024xf32, #tpu.memory_space<vmem>> -> memref<1x32x1024xf32, #tpu.memory_space<vmem>>
    %dma_wait3A_161 = tpu.memref_squeeze %dma_wait3A_160 : memref<1x32x1024xf32, #tpu.memory_space<vmem>> -> memref<32x1024xf32, #tpu.memory_space<vmem>>
    %dma_wait3A_162 = arith.constant 0 : i32
    %dma_wait3A_163 = tpu.memref_slice %arg8[%add3A_112, %dma_wait3A_162] : memref<16384x1024xf32, #tpu.memory_space<hbm>> -> memref<32x1024xf32, #tpu.memory_space<hbm>>
    %dma_wait3A_164 = arith.constant 0 : i32
    %dma_wait3A_165 = tpu.memref_slice %arg8[%add3A_112, %dma_wait3A_164] : memref<16384x1024xf32, #tpu.memory_space<hbm>> -> memref<32x1024xf32, #tpu.memory_space<hbm>>
    %dma_wait3A_166 = arith.constant 0 : i32
    %dma_wait3A_167 = arith.constant 0 : i32
    %dma_wait3A_168 = tpu.memref_slice %arg15[%dma_wait3A_157, %dma_wait3A_166, %dma_wait3A_167] : memref<2x32x1024xf32, #tpu.memory_space<vmem>> -> memref<1x32x1024xf32, #tpu.memory_space<vmem>>
    %dma_wait3A_169 = tpu.memref_squeeze %dma_wait3A_168 : memref<1x32x1024xf32, #tpu.memory_space<vmem>> -> memref<32x1024xf32, #tpu.memory_space<vmem>>
    tpu.wait_dma2 semaphore(%arg16 : memref<!tpu.dma_semaphore, #tpu.memory_space<semaphore_mem>>) src(%dma_wait3A_169 : memref<32x1024xf32, #tpu.memory_space<vmem>>) dst(%dma_wait3A_165 : memref<32x1024xf32, #tpu.memory_space<hbm>>)
    %parallel_loop3A_170 = arith.constant 0 : i32
    %parallel_loop3A_171 = arith.constant 64 : i32
    %parallel_loop3A_172 = arith.constant 1 : i32
    scf.for %parallel_loop3A_555 = %parallel_loop3A_170 to %parallel_loop3A_171 step %parallel_loop3A_172  : i32 {
      %parallel_loop3A_556 = arith.constant 16 : i32
      %parallel_loop3A_557 = arith.muli %parallel_loop3A_555, %parallel_loop3A_556 : i32
      %parallel_loop3A_558 = arith.constant 4 : i32
      %parallel_loop3A_559 = arith.index_cast %parallel_loop3A_558 : i32 to index
      %parallel_loop3A_560 = arith.index_cast %parallel_loop3A_557 : i32 to index
      %parallel_loop3A_561 = tpu.vector_load %arg10[%parallel_loop3A_559, %parallel_loop3A_560] {strides = array<i32>} : memref<16x1024xf32, #tpu.memory_space<vmem>>, vector<1x16xf32>,
      %parallel_loop3A_562 = vector.shape_cast %parallel_loop3A_561 : vector<1x16xf32> to vector<16xf32>
      %parallel_loop3A_563 = arith.constant 0 : i32
      %parallel_loop3A_564 = arith.constant 32 : i32
      %parallel_loop3A_565 = arith.constant 1 : i32
      scf.for %parallel_loop3A_566 = %parallel_loop3A_563 to %parallel_loop3A_564 step %parallel_loop3A_565  : i32 {
        %parallel_loop3A_567 = arith.index_cast %parallel_loop3A_566 : i32 to index
        %parallel_loop3A_568 = arith.index_cast %parallel_loop3A_557 : i32 to index
        %parallel_loop3A_569 = tpu.vector_load %arg11[%parallel_loop3A_567, %parallel_loop3A_568] {strides = array<i32>} : memref<32x1024xf32, #tpu.memory_space<vmem>>, vector<1x16xf32>,
        %parallel_loop3A_570 = vector.shape_cast %parallel_loop3A_569 : vector<1x16xf32> to vector<16xf32>
        %parallel_loop3A_571 = arith.mulf %parallel_loop3A_570, %get3A_54 : vector<16xf32>
        %parallel_loop3A_572 = arith.addf %parallel_loop3A_562, %parallel_loop3A_571 : vector<16xf32>
        %parallel_loop3A_573 = arith.constant 0 : i32
        %parallel_loop3A_574 = arith.index_cast %parallel_loop3A_573 : i32 to index
        %parallel_loop3A_575 = arith.index_cast %parallel_loop3A_566 : i32 to index
        %parallel_loop3A_576 = arith.index_cast %parallel_loop3A_557 : i32 to index
        %parallel_loop3A_577 = tpu.vector_load %arg15[%parallel_loop3A_574, %parallel_loop3A_575, %parallel_loop3A_576] {strides = array<i32>} : memref<2x32x1024xf32, #tpu.memory_space<vmem>>, vector<1x1x16xf32>,
        %parallel_loop3A_578 = vector.shape_cast %parallel_loop3A_577 : vector<1x1x16xf32> to vector<16xf32>
        %parallel_loop3A_579 = vector.shape_cast %parallel_loop3A_572 : vector<16xf32> to vector<1x1x16xf32>
        tpu.vector_store %arg15[%parallel_loop3A_574, %parallel_loop3A_575, %parallel_loop3A_576], %parallel_loop3A_579 {strides = array<i32>} : memref<2x32x1024xf32, #tpu.memory_space<vmem>>, vector<1x1x16xf32>,
      } {sc.loop_unroll_factor = 8 : i64, sc.parallel_access}
    } {sc.loop_unroll_factor = 2 : i64, sc.parallel_access}
    %add3A_173 = arith.constant 128 : i32
    %add3A_174 = arith.addi %mul3A_58, %add3A_173 : i32
    %dma_start3A_175 = arith.constant 0 : i32
    %dma_start3A_176 = arith.constant 0 : i32
    %dma_start3A_177 = arith.constant 0 : i32
    %dma_start3A_178 = tpu.memref_slice %arg15[%dma_start3A_175, %dma_start3A_176, %dma_start3A_177] : memref<2x32x1024xf32, #tpu.memory_space<vmem>> -> memref<1x32x1024xf32, #tpu.memory_space<vmem>>
    %dma_start3A_179 = tpu.memref_squeeze %dma_start3A_178 : memref<1x32x1024xf32, #tpu.memory_space<vmem>> -> memref<32x1024xf32, #tpu.memory_space<vmem>>
    %dma_start3A_180 = arith.constant 0 : i32
    %dma_start3A_181 = tpu.memref_slice %arg8[%add3A_174, %dma_start3A_180] : memref<16384x1024xf32, #tpu.memory_space<hbm>> -> memref<32x1024xf32, #tpu.memory_space<hbm>>
    %dma_start3A_182 = arith.constant 0 : i32
    %dma_start3A_183 = tpu.memref_slice %arg8[%add3A_174, %dma_start3A_182] : memref<16384x1024xf32, #tpu.memory_space<hbm>> -> memref<32x1024xf32, #tpu.memory_space<hbm>>
    %dma_start3A_184 = arith.constant 0 : i32
    %dma_start3A_185 = arith.constant 0 : i32
    %dma_start3A_186 = tpu.memref_slice %arg15[%dma_start3A_175, %dma_start3A_184, %dma_start3A_185] : memref<2x32x1024xf32, #tpu.memory_space<vmem>> -> memref<1x32x1024xf32, #tpu.memory_space<vmem>>
    %dma_start3A_187 = tpu.memref_squeeze %dma_start3A_186 : memref<1x32x1024xf32, #tpu.memory_space<vmem>> -> memref<32x1024xf32, #tpu.memory_space<vmem>>
    tpu.enqueue_dma source(%dma_start3A_187 : memref<32x1024xf32, #tpu.memory_space<vmem>>) target(%dma_start3A_183 : memref<32x1024xf32, #tpu.memory_space<hbm>>) target_semaphore(%arg16 : memref<!tpu.dma_semaphore, #tpu.memory_space<semaphore_mem>>)
    %dma_wait3A_188 = arith.constant 1 : i32
    %dma_wait3A_189 = arith.constant 0 : i32
    %dma_wait3A_190 = arith.constant 0 : i32
    %dma_wait3A_191 = tpu.memref_slice %arg15[%dma_wait3A_188, %dma_wait3A_189, %dma_wait3A_190] : memref<2x32x1024xf32, #tpu.memory_space<vmem>> -> memref<1x32x1024xf32, #tpu.memory_space<vmem>>
    %dma_wait3A_192 = tpu.memref_squeeze %dma_wait3A_191 : memref<1x32x1024xf32, #tpu.memory_space<vmem>> -> memref<32x1024xf32, #tpu.memory_space<vmem>>
    %dma_wait3A_193 = arith.constant 0 : i32
    %dma_wait3A_194 = tpu.memref_slice %arg8[%add3A_143, %dma_wait3A_193] : memref<16384x1024xf32, #tpu.memory_space<hbm>> -> memref<32x1024xf32, #tpu.memory_space<hbm>>
    %dma_wait3A_195 = arith.constant 0 : i32
    %dma_wait3A_196 = tpu.memref_slice %arg8[%add3A_143, %dma_wait3A_195] : memref<16384x1024xf32, #tpu.memory_space<hbm>> -> memref<32x1024xf32, #tpu.memory_space<hbm>>
    %dma_wait3A_197 = arith.constant 0 : i32
    %dma_wait3A_198 = arith.constant 0 : i32
    %dma_wait3A_199 = tpu.memref_slice %arg15[%dma_wait3A_188, %dma_wait3A_197, %dma_wait3A_198] : memref<2x32x1024xf32, #tpu.memory_space<vmem>> -> memref<1x32x1024xf32, #tpu.memory_space<vmem>>
    %dma_wait3A_200 = tpu.memref_squeeze %dma_wait3A_199 : memref<1x32x1024xf32, #tpu.memory_space<vmem>> -> memref<32x1024xf32, #tpu.memory_space<vmem>>
    tpu.wait_dma2 semaphore(%arg17 : memref<!tpu.dma_semaphore, #tpu.memory_space<semaphore_mem>>) src(%dma_wait3A_200 : memref<32x1024xf32, #tpu.memory_space<vmem>>) dst(%dma_wait3A_196 : memref<32x1024xf32, #tpu.memory_space<hbm>>)
    %parallel_loop3A_201 = arith.constant 0 : i32
    %parallel_loop3A_202 = arith.constant 64 : i32
    %parallel_loop3A_203 = arith.constant 1 : i32
    scf.for %parallel_loop3A_555 = %parallel_loop3A_201 to %parallel_loop3A_202 step %parallel_loop3A_203  : i32 {
      %parallel_loop3A_556 = arith.constant 16 : i32
      %parallel_loop3A_557 = arith.muli %parallel_loop3A_555, %parallel_loop3A_556 : i32
      %parallel_loop3A_558 = arith.constant 5 : i32
      %parallel_loop3A_559 = arith.index_cast %parallel_loop3A_558 : i32 to index
      %parallel_loop3A_560 = arith.index_cast %parallel_loop3A_557 : i32 to index
      %parallel_loop3A_561 = tpu.vector_load %arg10[%parallel_loop3A_559, %parallel_loop3A_560] {strides = array<i32>} : memref<16x1024xf32, #tpu.memory_space<vmem>>, vector<1x16xf32>,
      %parallel_loop3A_562 = vector.shape_cast %parallel_loop3A_561 : vector<1x16xf32> to vector<16xf32>
      %parallel_loop3A_563 = arith.constant 0 : i32
      %parallel_loop3A_564 = arith.constant 32 : i32
      %parallel_loop3A_565 = arith.constant 1 : i32
      scf.for %parallel_loop3A_566 = %parallel_loop3A_563 to %parallel_loop3A_564 step %parallel_loop3A_565  : i32 {
        %parallel_loop3A_567 = arith.index_cast %parallel_loop3A_566 : i32 to index
        %parallel_loop3A_568 = arith.index_cast %parallel_loop3A_557 : i32 to index
        %parallel_loop3A_569 = tpu.vector_load %arg11[%parallel_loop3A_567, %parallel_loop3A_568] {strides = array<i32>} : memref<32x1024xf32, #tpu.memory_space<vmem>>, vector<1x16xf32>,
        %parallel_loop3A_570 = vector.shape_cast %parallel_loop3A_569 : vector<1x16xf32> to vector<16xf32>
        %parallel_loop3A_571 = arith.mulf %parallel_loop3A_570, %get3A_54 : vector<16xf32>
        %parallel_loop3A_572 = arith.addf %parallel_loop3A_562, %parallel_loop3A_571 : vector<16xf32>
        %parallel_loop3A_573 = arith.constant 1 : i32
        %parallel_loop3A_574 = arith.index_cast %parallel_loop3A_573 : i32 to index
        %parallel_loop3A_575 = arith.index_cast %parallel_loop3A_566 : i32 to index
        %parallel_loop3A_576 = arith.index_cast %parallel_loop3A_557 : i32 to index
        %parallel_loop3A_577 = tpu.vector_load %arg15[%parallel_loop3A_574, %parallel_loop3A_575, %parallel_loop3A_576] {strides = array<i32>} : memref<2x32x1024xf32, #tpu.memory_space<vmem>>, vector<1x1x16xf32>,
        %parallel_loop3A_578 = vector.shape_cast %parallel_loop3A_577 : vector<1x1x16xf32> to vector<16xf32>
        %parallel_loop3A_579 = vector.shape_cast %parallel_loop3A_572 : vector<16xf32> to vector<1x1x16xf32>
        tpu.vector_store %arg15[%parallel_loop3A_574, %parallel_loop3A_575, %parallel_loop3A_576], %parallel_loop3A_579 {strides = array<i32>} : memref<2x32x1024xf32, #tpu.memory_space<vmem>>, vector<1x1x16xf32>,
      } {sc.loop_unroll_factor = 8 : i64, sc.parallel_access}
    } {sc.loop_unroll_factor = 2 : i64, sc.parallel_access}
    %add3A_204 = arith.constant 160 : i32
    %add3A_205 = arith.addi %mul3A_58, %add3A_204 : i32
    %dma_start3A_206 = arith.constant 1 : i32
    %dma_start3A_207 = arith.constant 0 : i32
    %dma_start3A_208 = arith.constant 0 : i32
    %dma_start3A_209 = tpu.memref_slice %arg15[%dma_start3A_206, %dma_start3A_207, %dma_start3A_208] : memref<2x32x1024xf32, #tpu.memory_space<vmem>> -> memref<1x32x1024xf32, #tpu.memory_space<vmem>>
    %dma_start3A_210 = tpu.memref_squeeze %dma_start3A_209 : memref<1x32x1024xf32, #tpu.memory_space<vmem>> -> memref<32x1024xf32, #tpu.memory_space<vmem>>
    %dma_start3A_211 = arith.constant 0 : i32
    %dma_start3A_212 = tpu.memref_slice %arg8[%add3A_205, %dma_start3A_211] : memref<16384x1024xf32, #tpu.memory_space<hbm>> -> memref<32x1024xf32, #tpu.memory_space<hbm>>
    %dma_start3A_213 = arith.constant 0 : i32
    %dma_start3A_214 = tpu.memref_slice %arg8[%add3A_205, %dma_start3A_213] : memref<16384x1024xf32, #tpu.memory_space<hbm>> -> memref<32x1024xf32, #tpu.memory_space<hbm>>
    %dma_start3A_215 = arith.constant 0 : i32
    %dma_start3A_216 = arith.constant 0 : i32
    %dma_start3A_217 = tpu.memref_slice %arg15[%dma_start3A_206, %dma_start3A_215, %dma_start3A_216] : memref<2x32x1024xf32, #tpu.memory_space<vmem>> -> memref<1x32x1024xf32, #tpu.memory_space<vmem>>
    %dma_start3A_218 = tpu.memref_squeeze %dma_start3A_217 : memref<1x32x1024xf32, #tpu.memory_space<vmem>> -> memref<32x1024xf32, #tpu.memory_space<vmem>>
    tpu.enqueue_dma source(%dma_start3A_218 : memref<32x1024xf32, #tpu.memory_space<vmem>>) target(%dma_start3A_214 : memref<32x1024xf32, #tpu.memory_space<hbm>>) target_semaphore(%arg17 : memref<!tpu.dma_semaphore, #tpu.memory_space<semaphore_mem>>)
    %dma_wait3A_219 = arith.constant 0 : i32
    %dma_wait3A_220 = arith.constant 0 : i32
    %dma_wait3A_221 = arith.constant 0 : i32
    %dma_wait3A_222 = tpu.memref_slice %arg15[%dma_wait3A_219, %dma_wait3A_220, %dma_wait3A_221] : memref<2x32x1024xf32, #tpu.memory_space<vmem>> -> memref<1x32x1024xf32, #tpu.memory_space<vmem>>
    %dma_wait3A_223 = tpu.memref_squeeze %dma_wait3A_222 : memref<1x32x1024xf32, #tpu.memory_space<vmem>> -> memref<32x1024xf32, #tpu.memory_space<vmem>>
    %dma_wait3A_224 = arith.constant 0 : i32
    %dma_wait3A_225 = tpu.memref_slice %arg8[%add3A_174, %dma_wait3A_224] : memref<16384x1024xf32, #tpu.memory_space<hbm>> -> memref<32x1024xf32, #tpu.memory_space<hbm>>
    %dma_wait3A_226 = arith.constant 0 : i32
    %dma_wait3A_227 = tpu.memref_slice %arg8[%add3A_174, %dma_wait3A_226] : memref<16384x1024xf32, #tpu.memory_space<hbm>> -> memref<32x1024xf32, #tpu.memory_space<hbm>>
    %dma_wait3A_228 = arith.constant 0 : i32
    %dma_wait3A_229 = arith.constant 0 : i32
    %dma_wait3A_230 = tpu.memref_slice %arg15[%dma_wait3A_219, %dma_wait3A_228, %dma_wait3A_229] : memref<2x32x1024xf32, #tpu.memory_space<vmem>> -> memref<1x32x1024xf32, #tpu.memory_space<vmem>>
    %dma_wait3A_231 = tpu.memref_squeeze %dma_wait3A_230 : memref<1x32x1024xf32, #tpu.memory_space<vmem>> -> memref<32x1024xf32, #tpu.memory_space<vmem>>
    tpu.wait_dma2 semaphore(%arg16 : memref<!tpu.dma_semaphore, #tpu.memory_space<semaphore_mem>>) src(%dma_wait3A_231 : memref<32x1024xf32, #tpu.memory_space<vmem>>) dst(%dma_wait3A_227 : memref<32x1024xf32, #tpu.memory_space<hbm>>)
    %parallel_loop3A_232 = arith.constant 0 : i32
    %parallel_loop3A_233 = arith.constant 64 : i32
    %parallel_loop3A_234 = arith.constant 1 : i32
    scf.for %parallel_loop3A_555 = %parallel_loop3A_232 to %parallel_loop3A_233 step %parallel_loop3A_234  : i32 {
      %parallel_loop3A_556 = arith.constant 16 : i32
      %parallel_loop3A_557 = arith.muli %parallel_loop3A_555, %parallel_loop3A_556 : i32
      %parallel_loop3A_558 = arith.constant 6 : i32
      %parallel_loop3A_559 = arith.index_cast %parallel_loop3A_558 : i32 to index
      %parallel_loop3A_560 = arith.index_cast %parallel_loop3A_557 : i32 to index
      %parallel_loop3A_561 = tpu.vector_load %arg10[%parallel_loop3A_559, %parallel_loop3A_560] {strides = array<i32>} : memref<16x1024xf32, #tpu.memory_space<vmem>>, vector<1x16xf32>,
      %parallel_loop3A_562 = vector.shape_cast %parallel_loop3A_561 : vector<1x16xf32> to vector<16xf32>
      %parallel_loop3A_563 = arith.constant 0 : i32
      %parallel_loop3A_564 = arith.constant 32 : i32
      %parallel_loop3A_565 = arith.constant 1 : i32
      scf.for %parallel_loop3A_566 = %parallel_loop3A_563 to %parallel_loop3A_564 step %parallel_loop3A_565  : i32 {
        %parallel_loop3A_567 = arith.index_cast %parallel_loop3A_566 : i32 to index
        %parallel_loop3A_568 = arith.index_cast %parallel_loop3A_557 : i32 to index
        %parallel_loop3A_569 = tpu.vector_load %arg11[%parallel_loop3A_567, %parallel_loop3A_568] {strides = array<i32>} : memref<32x1024xf32, #tpu.memory_space<vmem>>, vector<1x16xf32>,
        %parallel_loop3A_570 = vector.shape_cast %parallel_loop3A_569 : vector<1x16xf32> to vector<16xf32>
        %parallel_loop3A_571 = arith.mulf %parallel_loop3A_570, %get3A_54 : vector<16xf32>
        %parallel_loop3A_572 = arith.addf %parallel_loop3A_562, %parallel_loop3A_571 : vector<16xf32>
        %parallel_loop3A_573 = arith.constant 0 : i32
        %parallel_loop3A_574 = arith.index_cast %parallel_loop3A_573 : i32 to index
        %parallel_loop3A_575 = arith.index_cast %parallel_loop3A_566 : i32 to index
        %parallel_loop3A_576 = arith.index_cast %parallel_loop3A_557 : i32 to index
        %parallel_loop3A_577 = tpu.vector_load %arg15[%parallel_loop3A_574, %parallel_loop3A_575, %parallel_loop3A_576] {strides = array<i32>} : memref<2x32x1024xf32, #tpu.memory_space<vmem>>, vector<1x1x16xf32>,
        %parallel_loop3A_578 = vector.shape_cast %parallel_loop3A_577 : vector<1x1x16xf32> to vector<16xf32>
        %parallel_loop3A_579 = vector.shape_cast %parallel_loop3A_572 : vector<16xf32> to vector<1x1x16xf32>
        tpu.vector_store %arg15[%parallel_loop3A_574, %parallel_loop3A_575, %parallel_loop3A_576], %parallel_loop3A_579 {strides = array<i32>} : memref<2x32x1024xf32, #tpu.memory_space<vmem>>, vector<1x1x16xf32>,
      } {sc.loop_unroll_factor = 8 : i64, sc.parallel_access}
    } {sc.loop_unroll_factor = 2 : i64, sc.parallel_access}
    %add3A_235 = arith.constant 192 : i32
    %add3A_236 = arith.addi %mul3A_58, %add3A_235 : i32
    %dma_start3A_237 = arith.constant 0 : i32
    %dma_start3A_238 = arith.constant 0 : i32
    %dma_start3A_239 = arith.constant 0 : i32
    %dma_start3A_240 = tpu.memref_slice %arg15[%dma_start3A_237, %dma_start3A_238, %dma_start3A_239] : memref<2x32x1024xf32, #tpu.memory_space<vmem>> -> memref<1x32x1024xf32, #tpu.memory_space<vmem>>
    %dma_start3A_241 = tpu.memref_squeeze %dma_start3A_240 : memref<1x32x1024xf32, #tpu.memory_space<vmem>> -> memref<32x1024xf32, #tpu.memory_space<vmem>>
    %dma_start3A_242 = arith.constant 0 : i32
    %dma_start3A_243 = tpu.memref_slice %arg8[%add3A_236, %dma_start3A_242] : memref<16384x1024xf32, #tpu.memory_space<hbm>> -> memref<32x1024xf32, #tpu.memory_space<hbm>>
    %dma_start3A_244 = arith.constant 0 : i32
    %dma_start3A_245 = tpu.memref_slice %arg8[%add3A_236, %dma_start3A_244] : memref<16384x1024xf32, #tpu.memory_space<hbm>> -> memref<32x1024xf32, #tpu.memory_space<hbm>>
    %dma_start3A_246 = arith.constant 0 : i32
    %dma_start3A_247 = arith.constant 0 : i32
    %dma_start3A_248 = tpu.memref_slice %arg15[%dma_start3A_237, %dma_start3A_246, %dma_start3A_247] : memref<2x32x1024xf32, #tpu.memory_space<vmem>> -> memref<1x32x1024xf32, #tpu.memory_space<vmem>>
    %dma_start3A_249 = tpu.memref_squeeze %dma_start3A_248 : memref<1x32x1024xf32, #tpu.memory_space<vmem>> -> memref<32x1024xf32, #tpu.memory_space<vmem>>
    tpu.enqueue_dma source(%dma_start3A_249 : memref<32x1024xf32, #tpu.memory_space<vmem>>) target(%dma_start3A_245 : memref<32x1024xf32, #tpu.memory_space<hbm>>) target_semaphore(%arg16 : memref<!tpu.dma_semaphore, #tpu.memory_space<semaphore_mem>>)
    %dma_wait3A_250 = arith.constant 1 : i32
    %dma_wait3A_251 = arith.constant 0 : i32
    %dma_wait3A_252 = arith.constant 0 : i32
    %dma_wait3A_253 = tpu.memref_slice %arg15[%dma_wait3A_250, %dma_wait3A_251, %dma_wait3A_252] : memref<2x32x1024xf32, #tpu.memory_space<vmem>> -> memref<1x32x1024xf32, #tpu.memory_space<vmem>>
    %dma_wait3A_254 = tpu.memref_squeeze %dma_wait3A_253 : memref<1x32x1024xf32, #tpu.memory_space<vmem>> -> memref<32x1024xf32, #tpu.memory_space<vmem>>
    %dma_wait3A_255 = arith.constant 0 : i32
    %dma_wait3A_256 = tpu.memref_slice %arg8[%add3A_205, %dma_wait3A_255] : memref<16384x1024xf32, #tpu.memory_space<hbm>> -> memref<32x1024xf32, #tpu.memory_space<hbm>>
    %dma_wait3A_257 = arith.constant 0 : i32
    %dma_wait3A_258 = tpu.memref_slice %arg8[%add3A_205, %dma_wait3A_257] : memref<16384x1024xf32, #tpu.memory_space<hbm>> -> memref<32x1024xf32, #tpu.memory_space<hbm>>
    %dma_wait3A_259 = arith.constant 0 : i32
    %dma_wait3A_260 = arith.constant 0 : i32
    %dma_wait3A_261 = tpu.memref_slice %arg15[%dma_wait3A_250, %dma_wait3A_259, %dma_wait3A_260] : memref<2x32x1024xf32, #tpu.memory_space<vmem>> -> memref<1x32x1024xf32, #tpu.memory_space<vmem>>
    %dma_wait3A_262 = tpu.memref_squeeze %dma_wait3A_261 : memref<1x32x1024xf32, #tpu.memory_space<vmem>> -> memref<32x1024xf32, #tpu.memory_space<vmem>>
    tpu.wait_dma2 semaphore(%arg17 : memref<!tpu.dma_semaphore, #tpu.memory_space<semaphore_mem>>) src(%dma_wait3A_262 : memref<32x1024xf32, #tpu.memory_space<vmem>>) dst(%dma_wait3A_258 : memref<32x1024xf32, #tpu.memory_space<hbm>>)
    %parallel_loop3A_263 = arith.constant 0 : i32
    %parallel_loop3A_264 = arith.constant 64 : i32
    %parallel_loop3A_265 = arith.constant 1 : i32
    scf.for %parallel_loop3A_555 = %parallel_loop3A_263 to %parallel_loop3A_264 step %parallel_loop3A_265  : i32 {
      %parallel_loop3A_556 = arith.constant 16 : i32
      %parallel_loop3A_557 = arith.muli %parallel_loop3A_555, %parallel_loop3A_556 : i32
      %parallel_loop3A_558 = arith.constant 7 : i32
      %parallel_loop3A_559 = arith.index_cast %parallel_loop3A_558 : i32 to index
      %parallel_loop3A_560 = arith.index_cast %parallel_loop3A_557 : i32 to index
      %parallel_loop3A_561 = tpu.vector_load %arg10[%parallel_loop3A_559, %parallel_loop3A_560] {strides = array<i32>} : memref<16x1024xf32, #tpu.memory_space<vmem>>, vector<1x16xf32>,
      %parallel_loop3A_562 = vector.shape_cast %parallel_loop3A_561 : vector<1x16xf32> to vector<16xf32>
      %parallel_loop3A_563 = arith.constant 0 : i32
      %parallel_loop3A_564 = arith.constant 32 : i32
      %parallel_loop3A_565 = arith.constant 1 : i32
      scf.for %parallel_loop3A_566 = %parallel_loop3A_563 to %parallel_loop3A_564 step %parallel_loop3A_565  : i32 {
        %parallel_loop3A_567 = arith.index_cast %parallel_loop3A_566 : i32 to index
        %parallel_loop3A_568 = arith.index_cast %parallel_loop3A_557 : i32 to index
        %parallel_loop3A_569 = tpu.vector_load %arg11[%parallel_loop3A_567, %parallel_loop3A_568] {strides = array<i32>} : memref<32x1024xf32, #tpu.memory_space<vmem>>, vector<1x16xf32>,
        %parallel_loop3A_570 = vector.shape_cast %parallel_loop3A_569 : vector<1x16xf32> to vector<16xf32>
        %parallel_loop3A_571 = arith.mulf %parallel_loop3A_570, %get3A_54 : vector<16xf32>
        %parallel_loop3A_572 = arith.addf %parallel_loop3A_562, %parallel_loop3A_571 : vector<16xf32>
        %parallel_loop3A_573 = arith.constant 1 : i32
        %parallel_loop3A_574 = arith.index_cast %parallel_loop3A_573 : i32 to index
        %parallel_loop3A_575 = arith.index_cast %parallel_loop3A_566 : i32 to index
        %parallel_loop3A_576 = arith.index_cast %parallel_loop3A_557 : i32 to index
        %parallel_loop3A_577 = tpu.vector_load %arg15[%parallel_loop3A_574, %parallel_loop3A_575, %parallel_loop3A_576] {strides = array<i32>} : memref<2x32x1024xf32, #tpu.memory_space<vmem>>, vector<1x1x16xf32>,
        %parallel_loop3A_578 = vector.shape_cast %parallel_loop3A_577 : vector<1x1x16xf32> to vector<16xf32>
        %parallel_loop3A_579 = vector.shape_cast %parallel_loop3A_572 : vector<16xf32> to vector<1x1x16xf32>
        tpu.vector_store %arg15[%parallel_loop3A_574, %parallel_loop3A_575, %parallel_loop3A_576], %parallel_loop3A_579 {strides = array<i32>} : memref<2x32x1024xf32, #tpu.memory_space<vmem>>, vector<1x1x16xf32>,
      } {sc.loop_unroll_factor = 8 : i64, sc.parallel_access}
    } {sc.loop_unroll_factor = 2 : i64, sc.parallel_access}
    %add3A_266 = arith.constant 224 : i32
    %add3A_267 = arith.addi %mul3A_58, %add3A_266 : i32
    %dma_start3A_268 = arith.constant 1 : i32
    %dma_start3A_269 = arith.constant 0 : i32
    %dma_start3A_270 = arith.constant 0 : i32
    %dma_start3A_271 = tpu.memref_slice %arg15[%dma_start3A_268, %dma_start3A_269, %dma_start3A_270] : memref<2x32x1024xf32, #tpu.memory_space<vmem>> -> memref<1x32x1024xf32, #tpu.memory_space<vmem>>
    %dma_start3A_272 = tpu.memref_squeeze %dma_start3A_271 : memref<1x32x1024xf32, #tpu.memory_space<vmem>> -> memref<32x1024xf32, #tpu.memory_space<vmem>>
    %dma_start3A_273 = arith.constant 0 : i32
    %dma_start3A_274 = tpu.memref_slice %arg8[%add3A_267, %dma_start3A_273] : memref<16384x1024xf32, #tpu.memory_space<hbm>> -> memref<32x1024xf32, #tpu.memory_space<hbm>>
    %dma_start3A_275 = arith.constant 0 : i32
    %dma_start3A_276 = tpu.memref_slice %arg8[%add3A_267, %dma_start3A_275] : memref<16384x1024xf32, #tpu.memory_space<hbm>> -> memref<32x1024xf32, #tpu.memory_space<hbm>>
    %dma_start3A_277 = arith.constant 0 : i32
    %dma_start3A_278 = arith.constant 0 : i32
    %dma_start3A_279 = tpu.memref_slice %arg15[%dma_start3A_268, %dma_start3A_277, %dma_start3A_278] : memref<2x32x1024xf32, #tpu.memory_space<vmem>> -> memref<1x32x1024xf32, #tpu.memory_space<vmem>>
    %dma_start3A_280 = tpu.memref_squeeze %dma_start3A_279 : memref<1x32x1024xf32, #tpu.memory_space<vmem>> -> memref<32x1024xf32, #tpu.memory_space<vmem>>
    tpu.enqueue_dma source(%dma_start3A_280 : memref<32x1024xf32, #tpu.memory_space<vmem>>) target(%dma_start3A_276 : memref<32x1024xf32, #tpu.memory_space<hbm>>) target_semaphore(%arg17 : memref<!tpu.dma_semaphore, #tpu.memory_space<semaphore_mem>>)
    %dma_wait3A_281 = arith.constant 0 : i32
    %dma_wait3A_282 = arith.constant 0 : i32
    %dma_wait3A_283 = arith.constant 0 : i32
    %dma_wait3A_284 = tpu.memref_slice %arg15[%dma_wait3A_281, %dma_wait3A_282, %dma_wait3A_283] : memref<2x32x1024xf32, #tpu.memory_space<vmem>> -> memref<1x32x1024xf32, #tpu.memory_space<vmem>>
    %dma_wait3A_285 = tpu.memref_squeeze %dma_wait3A_284 : memref<1x32x1024xf32, #tpu.memory_space<vmem>> -> memref<32x1024xf32, #tpu.memory_space<vmem>>
    %dma_wait3A_286 = arith.constant 0 : i32
    %dma_wait3A_287 = tpu.memref_slice %arg8[%add3A_236, %dma_wait3A_286] : memref<16384x1024xf32, #tpu.memory_space<hbm>> -> memref<32x1024xf32, #tpu.memory_space<hbm>>
    %dma_wait3A_288 = arith.constant 0 : i32
    %dma_wait3A_289 = tpu.memref_slice %arg8[%add3A_236, %dma_wait3A_288] : memref<16384x1024xf32, #tpu.memory_space<hbm>> -> memref<32x1024xf32, #tpu.memory_space<hbm>>
    %dma_wait3A_290 = arith.constant 0 : i32
    %dma_wait3A_291 = arith.constant 0 : i32
    %dma_wait3A_292 = tpu.memref_slice %arg15[%dma_wait3A_281, %dma_wait3A_290, %dma_wait3A_291] : memref<2x32x1024xf32, #tpu.memory_space<vmem>> -> memref<1x32x1024xf32, #tpu.memory_space<vmem>>
    %dma_wait3A_293 = tpu.memref_squeeze %dma_wait3A_292 : memref<1x32x1024xf32, #tpu.memory_space<vmem>> -> memref<32x1024xf32, #tpu.memory_space<vmem>>
    tpu.wait_dma2 semaphore(%arg16 : memref<!tpu.dma_semaphore, #tpu.memory_space<semaphore_mem>>) src(%dma_wait3A_293 : memref<32x1024xf32, #tpu.memory_space<vmem>>) dst(%dma_wait3A_289 : memref<32x1024xf32, #tpu.memory_space<hbm>>)
    %parallel_loop3A_294 = arith.constant 0 : i32
    %parallel_loop3A_295 = arith.constant 64 : i32
    %parallel_loop3A_296 = arith.constant 1 : i32
    scf.for %parallel_loop3A_555 = %parallel_loop3A_294 to %parallel_loop3A_295 step %parallel_loop3A_296  : i32 {
      %parallel_loop3A_556 = arith.constant 16 : i32
      %parallel_loop3A_557 = arith.muli %parallel_loop3A_555, %parallel_loop3A_556 : i32
      %parallel_loop3A_558 = arith.constant 8 : i32
      %parallel_loop3A_559 = arith.index_cast %parallel_loop3A_558 : i32 to index
      %parallel_loop3A_560 = arith.index_cast %parallel_loop3A_557 : i32 to index
      %parallel_loop3A_561 = tpu.vector_load %arg10[%parallel_loop3A_559, %parallel_loop3A_560] {strides = array<i32>} : memref<16x1024xf32, #tpu.memory_space<vmem>>, vector<1x16xf32>,
      %parallel_loop3A_562 = vector.shape_cast %parallel_loop3A_561 : vector<1x16xf32> to vector<16xf32>
      %parallel_loop3A_563 = arith.constant 0 : i32
      %parallel_loop3A_564 = arith.constant 32 : i32
      %parallel_loop3A_565 = arith.constant 1 : i32
      scf.for %parallel_loop3A_566 = %parallel_loop3A_563 to %parallel_loop3A_564 step %parallel_loop3A_565  : i32 {
        %parallel_loop3A_567 = arith.index_cast %parallel_loop3A_566 : i32 to index
        %parallel_loop3A_568 = arith.index_cast %parallel_loop3A_557 : i32 to index
        %parallel_loop3A_569 = tpu.vector_load %arg11[%parallel_loop3A_567, %parallel_loop3A_568] {strides = array<i32>} : memref<32x1024xf32, #tpu.memory_space<vmem>>, vector<1x16xf32>,
        %parallel_loop3A_570 = vector.shape_cast %parallel_loop3A_569 : vector<1x16xf32> to vector<16xf32>
        %parallel_loop3A_571 = arith.mulf %parallel_loop3A_570, %get3A_54 : vector<16xf32>
        %parallel_loop3A_572 = arith.addf %parallel_loop3A_562, %parallel_loop3A_571 : vector<16xf32>
        %parallel_loop3A_573 = arith.constant 0 : i32
        %parallel_loop3A_574 = arith.index_cast %parallel_loop3A_573 : i32 to index
        %parallel_loop3A_575 = arith.index_cast %parallel_loop3A_566 : i32 to index
        %parallel_loop3A_576 = arith.index_cast %parallel_loop3A_557 : i32 to index
        %parallel_loop3A_577 = tpu.vector_load %arg15[%parallel_loop3A_574, %parallel_loop3A_575, %parallel_loop3A_576] {strides = array<i32>} : memref<2x32x1024xf32, #tpu.memory_space<vmem>>, vector<1x1x16xf32>,
        %parallel_loop3A_578 = vector.shape_cast %parallel_loop3A_577 : vector<1x1x16xf32> to vector<16xf32>
        %parallel_loop3A_579 = vector.shape_cast %parallel_loop3A_572 : vector<16xf32> to vector<1x1x16xf32>
        tpu.vector_store %arg15[%parallel_loop3A_574, %parallel_loop3A_575, %parallel_loop3A_576], %parallel_loop3A_579 {strides = array<i32>} : memref<2x32x1024xf32, #tpu.memory_space<vmem>>, vector<1x1x16xf32>,
      } {sc.loop_unroll_factor = 8 : i64, sc.parallel_access}
    } {sc.loop_unroll_factor = 2 : i64, sc.parallel_access}
    %add3A_297 = arith.constant 256 : i32
    %add3A_298 = arith.addi %mul3A_58, %add3A_297 : i32
    %dma_start3A_299 = arith.constant 0 : i32
    %dma_start3A_300 = arith.constant 0 : i32
    %dma_start3A_301 = arith.constant 0 : i32
    %dma_start3A_302 = tpu.memref_slice %arg15[%dma_start3A_299, %dma_start3A_300, %dma_start3A_301] : memref<2x32x1024xf32, #tpu.memory_space<vmem>> -> memref<1x32x1024xf32, #tpu.memory_space<vmem>>
    %dma_start3A_303 = tpu.memref_squeeze %dma_start3A_302 : memref<1x32x1024xf32, #tpu.memory_space<vmem>> -> memref<32x1024xf32, #tpu.memory_space<vmem>>
    %dma_start3A_304 = arith.constant 0 : i32
    %dma_start3A_305 = tpu.memref_slice %arg8[%add3A_298, %dma_start3A_304] : memref<16384x1024xf32, #tpu.memory_space<hbm>> -> memref<32x1024xf32, #tpu.memory_space<hbm>>
    %dma_start3A_306 = arith.constant 0 : i32
    %dma_start3A_307 = tpu.memref_slice %arg8[%add3A_298, %dma_start3A_306] : memref<16384x1024xf32, #tpu.memory_space<hbm>> -> memref<32x1024xf32, #tpu.memory_space<hbm>>
    %dma_start3A_308 = arith.constant 0 : i32
    %dma_start3A_309 = arith.constant 0 : i32
    %dma_start3A_310 = tpu.memref_slice %arg15[%dma_start3A_299, %dma_start3A_308, %dma_start3A_309] : memref<2x32x1024xf32, #tpu.memory_space<vmem>> -> memref<1x32x1024xf32, #tpu.memory_space<vmem>>
    %dma_start3A_311 = tpu.memref_squeeze %dma_start3A_310 : memref<1x32x1024xf32, #tpu.memory_space<vmem>> -> memref<32x1024xf32, #tpu.memory_space<vmem>>
    tpu.enqueue_dma source(%dma_start3A_311 : memref<32x1024xf32, #tpu.memory_space<vmem>>) target(%dma_start3A_307 : memref<32x1024xf32, #tpu.memory_space<hbm>>) target_semaphore(%arg16 : memref<!tpu.dma_semaphore, #tpu.memory_space<semaphore_mem>>)
    %dma_wait3A_312 = arith.constant 1 : i32
    %dma_wait3A_313 = arith.constant 0 : i32
    %dma_wait3A_314 = arith.constant 0 : i32
    %dma_wait3A_315 = tpu.memref_slice %arg15[%dma_wait3A_312, %dma_wait3A_313, %dma_wait3A_314] : memref<2x32x1024xf32, #tpu.memory_space<vmem>> -> memref<1x32x1024xf32, #tpu.memory_space<vmem>>
    %dma_wait3A_316 = tpu.memref_squeeze %dma_wait3A_315 : memref<1x32x1024xf32, #tpu.memory_space<vmem>> -> memref<32x1024xf32, #tpu.memory_space<vmem>>
    %dma_wait3A_317 = arith.constant 0 : i32
    %dma_wait3A_318 = tpu.memref_slice %arg8[%add3A_267, %dma_wait3A_317] : memref<16384x1024xf32, #tpu.memory_space<hbm>> -> memref<32x1024xf32, #tpu.memory_space<hbm>>
    %dma_wait3A_319 = arith.constant 0 : i32
    %dma_wait3A_320 = tpu.memref_slice %arg8[%add3A_267, %dma_wait3A_319] : memref<16384x1024xf32, #tpu.memory_space<hbm>> -> memref<32x1024xf32, #tpu.memory_space<hbm>>
    %dma_wait3A_321 = arith.constant 0 : i32
    %dma_wait3A_322 = arith.constant 0 : i32
    %dma_wait3A_323 = tpu.memref_slice %arg15[%dma_wait3A_312, %dma_wait3A_321, %dma_wait3A_322] : memref<2x32x1024xf32, #tpu.memory_space<vmem>> -> memref<1x32x1024xf32, #tpu.memory_space<vmem>>
    %dma_wait3A_324 = tpu.memref_squeeze %dma_wait3A_323 : memref<1x32x1024xf32, #tpu.memory_space<vmem>> -> memref<32x1024xf32, #tpu.memory_space<vmem>>
    tpu.wait_dma2 semaphore(%arg17 : memref<!tpu.dma_semaphore, #tpu.memory_space<semaphore_mem>>) src(%dma_wait3A_324 : memref<32x1024xf32, #tpu.memory_space<vmem>>) dst(%dma_wait3A_320 : memref<32x1024xf32, #tpu.memory_space<hbm>>)
    %parallel_loop3A_325 = arith.constant 0 : i32
    %parallel_loop3A_326 = arith.constant 64 : i32
    %parallel_loop3A_327 = arith.constant 1 : i32
    scf.for %parallel_loop3A_555 = %parallel_loop3A_325 to %parallel_loop3A_326 step %parallel_loop3A_327  : i32 {
      %parallel_loop3A_556 = arith.constant 16 : i32
      %parallel_loop3A_557 = arith.muli %parallel_loop3A_555, %parallel_loop3A_556 : i32
      %parallel_loop3A_558 = arith.constant 9 : i32
      %parallel_loop3A_559 = arith.index_cast %parallel_loop3A_558 : i32 to index
      %parallel_loop3A_560 = arith.index_cast %parallel_loop3A_557 : i32 to index
      %parallel_loop3A_561 = tpu.vector_load %arg10[%parallel_loop3A_559, %parallel_loop3A_560] {strides = array<i32>} : memref<16x1024xf32, #tpu.memory_space<vmem>>, vector<1x16xf32>,
      %parallel_loop3A_562 = vector.shape_cast %parallel_loop3A_561 : vector<1x16xf32> to vector<16xf32>
      %parallel_loop3A_563 = arith.constant 0 : i32
      %parallel_loop3A_564 = arith.constant 32 : i32
      %parallel_loop3A_565 = arith.constant 1 : i32
      scf.for %parallel_loop3A_566 = %parallel_loop3A_563 to %parallel_loop3A_564 step %parallel_loop3A_565  : i32 {
        %parallel_loop3A_567 = arith.index_cast %parallel_loop3A_566 : i32 to index
        %parallel_loop3A_568 = arith.index_cast %parallel_loop3A_557 : i32 to index
        %parallel_loop3A_569 = tpu.vector_load %arg11[%parallel_loop3A_567, %parallel_loop3A_568] {strides = array<i32>} : memref<32x1024xf32, #tpu.memory_space<vmem>>, vector<1x16xf32>,
        %parallel_loop3A_570 = vector.shape_cast %parallel_loop3A_569 : vector<1x16xf32> to vector<16xf32>
        %parallel_loop3A_571 = arith.mulf %parallel_loop3A_570, %get3A_54 : vector<16xf32>
        %parallel_loop3A_572 = arith.addf %parallel_loop3A_562, %parallel_loop3A_571 : vector<16xf32>
        %parallel_loop3A_573 = arith.constant 1 : i32
        %parallel_loop3A_574 = arith.index_cast %parallel_loop3A_573 : i32 to index
        %parallel_loop3A_575 = arith.index_cast %parallel_loop3A_566 : i32 to index
        %parallel_loop3A_576 = arith.index_cast %parallel_loop3A_557 : i32 to index
        %parallel_loop3A_577 = tpu.vector_load %arg15[%parallel_loop3A_574, %parallel_loop3A_575, %parallel_loop3A_576] {strides = array<i32>} : memref<2x32x1024xf32, #tpu.memory_space<vmem>>, vector<1x1x16xf32>,
        %parallel_loop3A_578 = vector.shape_cast %parallel_loop3A_577 : vector<1x1x16xf32> to vector<16xf32>
        %parallel_loop3A_579 = vector.shape_cast %parallel_loop3A_572 : vector<16xf32> to vector<1x1x16xf32>
        tpu.vector_store %arg15[%parallel_loop3A_574, %parallel_loop3A_575, %parallel_loop3A_576], %parallel_loop3A_579 {strides = array<i32>} : memref<2x32x1024xf32, #tpu.memory_space<vmem>>, vector<1x1x16xf32>,
      } {sc.loop_unroll_factor = 8 : i64, sc.parallel_access}
    } {sc.loop_unroll_factor = 2 : i64, sc.parallel_access}
    %add3A_328 = arith.constant 288 : i32
    %add3A_329 = arith.addi %mul3A_58, %add3A_328 : i32
    %dma_start3A_330 = arith.constant 1 : i32
    %dma_start3A_331 = arith.constant 0 : i32
    %dma_start3A_332 = arith.constant 0 : i32
    %dma_start3A_333 = tpu.memref_slice %arg15[%dma_start3A_330, %dma_start3A_331, %dma_start3A_332] : memref<2x32x1024xf32, #tpu.memory_space<vmem>> -> memref<1x32x1024xf32, #tpu.memory_space<vmem>>
    %dma_start3A_334 = tpu.memref_squeeze %dma_start3A_333 : memref<1x32x1024xf32, #tpu.memory_space<vmem>> -> memref<32x1024xf32, #tpu.memory_space<vmem>>
    %dma_start3A_335 = arith.constant 0 : i32
    %dma_start3A_336 = tpu.memref_slice %arg8[%add3A_329, %dma_start3A_335] : memref<16384x1024xf32, #tpu.memory_space<hbm>> -> memref<32x1024xf32, #tpu.memory_space<hbm>>
    %dma_start3A_337 = arith.constant 0 : i32
    %dma_start3A_338 = tpu.memref_slice %arg8[%add3A_329, %dma_start3A_337] : memref<16384x1024xf32, #tpu.memory_space<hbm>> -> memref<32x1024xf32, #tpu.memory_space<hbm>>
    %dma_start3A_339 = arith.constant 0 : i32
    %dma_start3A_340 = arith.constant 0 : i32
    %dma_start3A_341 = tpu.memref_slice %arg15[%dma_start3A_330, %dma_start3A_339, %dma_start3A_340] : memref<2x32x1024xf32, #tpu.memory_space<vmem>> -> memref<1x32x1024xf32, #tpu.memory_space<vmem>>
    %dma_start3A_342 = tpu.memref_squeeze %dma_start3A_341 : memref<1x32x1024xf32, #tpu.memory_space<vmem>> -> memref<32x1024xf32, #tpu.memory_space<vmem>>
    tpu.enqueue_dma source(%dma_start3A_342 : memref<32x1024xf32, #tpu.memory_space<vmem>>) target(%dma_start3A_338 : memref<32x1024xf32, #tpu.memory_space<hbm>>) target_semaphore(%arg17 : memref<!tpu.dma_semaphore, #tpu.memory_space<semaphore_mem>>)
    %dma_wait3A_343 = arith.constant 0 : i32
    %dma_wait3A_344 = arith.constant 0 : i32
    %dma_wait3A_345 = arith.constant 0 : i32
    %dma_wait3A_346 = tpu.memref_slice %arg15[%dma_wait3A_343, %dma_wait3A_344, %dma_wait3A_345] : memref<2x32x1024xf32, #tpu.memory_space<vmem>> -> memref<1x32x1024xf32, #tpu.memory_space<vmem>>
    %dma_wait3A_347 = tpu.memref_squeeze %dma_wait3A_346 : memref<1x32x1024xf32, #tpu.memory_space<vmem>> -> memref<32x1024xf32, #tpu.memory_space<vmem>>
    %dma_wait3A_348 = arith.constant 0 : i32
    %dma_wait3A_349 = tpu.memref_slice %arg8[%add3A_298, %dma_wait3A_348] : memref<16384x1024xf32, #tpu.memory_space<hbm>> -> memref<32x1024xf32, #tpu.memory_space<hbm>>
    %dma_wait3A_350 = arith.constant 0 : i32
    %dma_wait3A_351 = tpu.memref_slice %arg8[%add3A_298, %dma_wait3A_350] : memref<16384x1024xf32, #tpu.memory_space<hbm>> -> memref<32x1024xf32, #tpu.memory_space<hbm>>
    %dma_wait3A_352 = arith.constant 0 : i32
    %dma_wait3A_353 = arith.constant 0 : i32
    %dma_wait3A_354 = tpu.memref_slice %arg15[%dma_wait3A_343, %dma_wait3A_352, %dma_wait3A_353] : memref<2x32x1024xf32, #tpu.memory_space<vmem>> -> memref<1x32x1024xf32, #tpu.memory_space<vmem>>
    %dma_wait3A_355 = tpu.memref_squeeze %dma_wait3A_354 : memref<1x32x1024xf32, #tpu.memory_space<vmem>> -> memref<32x1024xf32, #tpu.memory_space<vmem>>
    tpu.wait_dma2 semaphore(%arg16 : memref<!tpu.dma_semaphore, #tpu.memory_space<semaphore_mem>>) src(%dma_wait3A_355 : memref<32x1024xf32, #tpu.memory_space<vmem>>) dst(%dma_wait3A_351 : memref<32x1024xf32, #tpu.memory_space<hbm>>)
    %parallel_loop3A_356 = arith.constant 0 : i32
    %parallel_loop3A_357 = arith.constant 64 : i32
    %parallel_loop3A_358 = arith.constant 1 : i32
    scf.for %parallel_loop3A_555 = %parallel_loop3A_356 to %parallel_loop3A_357 step %parallel_loop3A_358  : i32 {
      %parallel_loop3A_556 = arith.constant 16 : i32
      %parallel_loop3A_557 = arith.muli %parallel_loop3A_555, %parallel_loop3A_556 : i32
      %parallel_loop3A_558 = arith.constant 10 : i32
      %parallel_loop3A_559 = arith.index_cast %parallel_loop3A_558 : i32 to index
      %parallel_loop3A_560 = arith.index_cast %parallel_loop3A_557 : i32 to index
      %parallel_loop3A_561 = tpu.vector_load %arg10[%parallel_loop3A_559, %parallel_loop3A_560] {strides = array<i32>} : memref<16x1024xf32, #tpu.memory_space<vmem>>, vector<1x16xf32>,
      %parallel_loop3A_562 = vector.shape_cast %parallel_loop3A_561 : vector<1x16xf32> to vector<16xf32>
      %parallel_loop3A_563 = arith.constant 0 : i32
      %parallel_loop3A_564 = arith.constant 32 : i32
      %parallel_loop3A_565 = arith.constant 1 : i32
      scf.for %parallel_loop3A_566 = %parallel_loop3A_563 to %parallel_loop3A_564 step %parallel_loop3A_565  : i32 {
        %parallel_loop3A_567 = arith.index_cast %parallel_loop3A_566 : i32 to index
        %parallel_loop3A_568 = arith.index_cast %parallel_loop3A_557 : i32 to index
        %parallel_loop3A_569 = tpu.vector_load %arg11[%parallel_loop3A_567, %parallel_loop3A_568] {strides = array<i32>} : memref<32x1024xf32, #tpu.memory_space<vmem>>, vector<1x16xf32>,
        %parallel_loop3A_570 = vector.shape_cast %parallel_loop3A_569 : vector<1x16xf32> to vector<16xf32>
        %parallel_loop3A_571 = arith.mulf %parallel_loop3A_570, %get3A_54 : vector<16xf32>
        %parallel_loop3A_572 = arith.addf %parallel_loop3A_562, %parallel_loop3A_571 : vector<16xf32>
        %parallel_loop3A_573 = arith.constant 0 : i32
        %parallel_loop3A_574 = arith.index_cast %parallel_loop3A_573 : i32 to index
        %parallel_loop3A_575 = arith.index_cast %parallel_loop3A_566 : i32 to index
        %parallel_loop3A_576 = arith.index_cast %parallel_loop3A_557 : i32 to index
        %parallel_loop3A_577 = tpu.vector_load %arg15[%parallel_loop3A_574, %parallel_loop3A_575, %parallel_loop3A_576] {strides = array<i32>} : memref<2x32x1024xf32, #tpu.memory_space<vmem>>, vector<1x1x16xf32>,
        %parallel_loop3A_578 = vector.shape_cast %parallel_loop3A_577 : vector<1x1x16xf32> to vector<16xf32>
        %parallel_loop3A_579 = vector.shape_cast %parallel_loop3A_572 : vector<16xf32> to vector<1x1x16xf32>
        tpu.vector_store %arg15[%parallel_loop3A_574, %parallel_loop3A_575, %parallel_loop3A_576], %parallel_loop3A_579 {strides = array<i32>} : memref<2x32x1024xf32, #tpu.memory_space<vmem>>, vector<1x1x16xf32>,
      } {sc.loop_unroll_factor = 8 : i64, sc.parallel_access}
    } {sc.loop_unroll_factor = 2 : i64, sc.parallel_access}
    %add3A_359 = arith.constant 320 : i32
    %add3A_360 = arith.addi %mul3A_58, %add3A_359 : i32
    %dma_start3A_361 = arith.constant 0 : i32
    %dma_start3A_362 = arith.constant 0 : i32
    %dma_start3A_363 = arith.constant 0 : i32
    %dma_start3A_364 = tpu.memref_slice %arg15[%dma_start3A_361, %dma_start3A_362, %dma_start3A_363] : memref<2x32x1024xf32, #tpu.memory_space<vmem>> -> memref<1x32x1024xf32, #tpu.memory_space<vmem>>
    %dma_start3A_365 = tpu.memref_squeeze %dma_start3A_364 : memref<1x32x1024xf32, #tpu.memory_space<vmem>> -> memref<32x1024xf32, #tpu.memory_space<vmem>>
    %dma_start3A_366 = arith.constant 0 : i32
    %dma_start3A_367 = tpu.memref_slice %arg8[%add3A_360, %dma_start3A_366] : memref<16384x1024xf32, #tpu.memory_space<hbm>> -> memref<32x1024xf32, #tpu.memory_space<hbm>>
    %dma_start3A_368 = arith.constant 0 : i32
    %dma_start3A_369 = tpu.memref_slice %arg8[%add3A_360, %dma_start3A_368] : memref<16384x1024xf32, #tpu.memory_space<hbm>> -> memref<32x1024xf32, #tpu.memory_space<hbm>>
    %dma_start3A_370 = arith.constant 0 : i32
    %dma_start3A_371 = arith.constant 0 : i32
    %dma_start3A_372 = tpu.memref_slice %arg15[%dma_start3A_361, %dma_start3A_370, %dma_start3A_371] : memref<2x32x1024xf32, #tpu.memory_space<vmem>> -> memref<1x32x1024xf32, #tpu.memory_space<vmem>>
    %dma_start3A_373 = tpu.memref_squeeze %dma_start3A_372 : memref<1x32x1024xf32, #tpu.memory_space<vmem>> -> memref<32x1024xf32, #tpu.memory_space<vmem>>
    tpu.enqueue_dma source(%dma_start3A_373 : memref<32x1024xf32, #tpu.memory_space<vmem>>) target(%dma_start3A_369 : memref<32x1024xf32, #tpu.memory_space<hbm>>) target_semaphore(%arg16 : memref<!tpu.dma_semaphore, #tpu.memory_space<semaphore_mem>>)
    %dma_wait3A_374 = arith.constant 1 : i32
    %dma_wait3A_375 = arith.constant 0 : i32
    %dma_wait3A_376 = arith.constant 0 : i32
    %dma_wait3A_377 = tpu.memref_slice %arg15[%dma_wait3A_374, %dma_wait3A_375, %dma_wait3A_376] : memref<2x32x1024xf32, #tpu.memory_space<vmem>> -> memref<1x32x1024xf32, #tpu.memory_space<vmem>>
    %dma_wait3A_378 = tpu.memref_squeeze %dma_wait3A_377 : memref<1x32x1024xf32, #tpu.memory_space<vmem>> -> memref<32x1024xf32, #tpu.memory_space<vmem>>
    %dma_wait3A_379 = arith.constant 0 : i32
    %dma_wait3A_380 = tpu.memref_slice %arg8[%add3A_329, %dma_wait3A_379] : memref<16384x1024xf32, #tpu.memory_space<hbm>> -> memref<32x1024xf32, #tpu.memory_space<hbm>>
    %dma_wait3A_381 = arith.constant 0 : i32
    %dma_wait3A_382 = tpu.memref_slice %arg8[%add3A_329, %dma_wait3A_381] : memref<16384x1024xf32, #tpu.memory_space<hbm>> -> memref<32x1024xf32, #tpu.memory_space<hbm>>
    %dma_wait3A_383 = arith.constant 0 : i32
    %dma_wait3A_384 = arith.constant 0 : i32
    %dma_wait3A_385 = tpu.memref_slice %arg15[%dma_wait3A_374, %dma_wait3A_383, %dma_wait3A_384] : memref<2x32x1024xf32, #tpu.memory_space<vmem>> -> memref<1x32x1024xf32, #tpu.memory_space<vmem>>
    %dma_wait3A_386 = tpu.memref_squeeze %dma_wait3A_385 : memref<1x32x1024xf32, #tpu.memory_space<vmem>> -> memref<32x1024xf32, #tpu.memory_space<vmem>>
    tpu.wait_dma2 semaphore(%arg17 : memref<!tpu.dma_semaphore, #tpu.memory_space<semaphore_mem>>) src(%dma_wait3A_386 : memref<32x1024xf32, #tpu.memory_space<vmem>>) dst(%dma_wait3A_382 : memref<32x1024xf32, #tpu.memory_space<hbm>>)
    %parallel_loop3A_387 = arith.constant 0 : i32
    %parallel_loop3A_388 = arith.constant 64 : i32
    %parallel_loop3A_389 = arith.constant 1 : i32
    scf.for %parallel_loop3A_555 = %parallel_loop3A_387 to %parallel_loop3A_388 step %parallel_loop3A_389  : i32 {
      %parallel_loop3A_556 = arith.constant 16 : i32
      %parallel_loop3A_557 = arith.muli %parallel_loop3A_555, %parallel_loop3A_556 : i32
      %parallel_loop3A_558 = arith.constant 11 : i32
      %parallel_loop3A_559 = arith.index_cast %parallel_loop3A_558 : i32 to index
      %parallel_loop3A_560 = arith.index_cast %parallel_loop3A_557 : i32 to index
      %parallel_loop3A_561 = tpu.vector_load %arg10[%parallel_loop3A_559, %parallel_loop3A_560] {strides = array<i32>} : memref<16x1024xf32, #tpu.memory_space<vmem>>, vector<1x16xf32>,
      %parallel_loop3A_562 = vector.shape_cast %parallel_loop3A_561 : vector<1x16xf32> to vector<16xf32>
      %parallel_loop3A_563 = arith.constant 0 : i32
      %parallel_loop3A_564 = arith.constant 32 : i32
      %parallel_loop3A_565 = arith.constant 1 : i32
      scf.for %parallel_loop3A_566 = %parallel_loop3A_563 to %parallel_loop3A_564 step %parallel_loop3A_565  : i32 {
        %parallel_loop3A_567 = arith.index_cast %parallel_loop3A_566 : i32 to index
        %parallel_loop3A_568 = arith.index_cast %parallel_loop3A_557 : i32 to index
        %parallel_loop3A_569 = tpu.vector_load %arg11[%parallel_loop3A_567, %parallel_loop3A_568] {strides = array<i32>} : memref<32x1024xf32, #tpu.memory_space<vmem>>, vector<1x16xf32>,
        %parallel_loop3A_570 = vector.shape_cast %parallel_loop3A_569 : vector<1x16xf32> to vector<16xf32>
        %parallel_loop3A_571 = arith.mulf %parallel_loop3A_570, %get3A_54 : vector<16xf32>
        %parallel_loop3A_572 = arith.addf %parallel_loop3A_562, %parallel_loop3A_571 : vector<16xf32>
        %parallel_loop3A_573 = arith.constant 1 : i32
        %parallel_loop3A_574 = arith.index_cast %parallel_loop3A_573 : i32 to index
        %parallel_loop3A_575 = arith.index_cast %parallel_loop3A_566 : i32 to index
        %parallel_loop3A_576 = arith.index_cast %parallel_loop3A_557 : i32 to index
        %parallel_loop3A_577 = tpu.vector_load %arg15[%parallel_loop3A_574, %parallel_loop3A_575, %parallel_loop3A_576] {strides = array<i32>} : memref<2x32x1024xf32, #tpu.memory_space<vmem>>, vector<1x1x16xf32>,
        %parallel_loop3A_578 = vector.shape_cast %parallel_loop3A_577 : vector<1x1x16xf32> to vector<16xf32>
        %parallel_loop3A_579 = vector.shape_cast %parallel_loop3A_572 : vector<16xf32> to vector<1x1x16xf32>
        tpu.vector_store %arg15[%parallel_loop3A_574, %parallel_loop3A_575, %parallel_loop3A_576], %parallel_loop3A_579 {strides = array<i32>} : memref<2x32x1024xf32, #tpu.memory_space<vmem>>, vector<1x1x16xf32>,
      } {sc.loop_unroll_factor = 8 : i64, sc.parallel_access}
    } {sc.loop_unroll_factor = 2 : i64, sc.parallel_access}
    %add3A_390 = arith.constant 352 : i32
    %add3A_391 = arith.addi %mul3A_58, %add3A_390 : i32
    %dma_start3A_392 = arith.constant 1 : i32
    %dma_start3A_393 = arith.constant 0 : i32
    %dma_start3A_394 = arith.constant 0 : i32
    %dma_start3A_395 = tpu.memref_slice %arg15[%dma_start3A_392, %dma_start3A_393, %dma_start3A_394] : memref<2x32x1024xf32, #tpu.memory_space<vmem>> -> memref<1x32x1024xf32, #tpu.memory_space<vmem>>
    %dma_start3A_396 = tpu.memref_squeeze %dma_start3A_395 : memref<1x32x1024xf32, #tpu.memory_space<vmem>> -> memref<32x1024xf32, #tpu.memory_space<vmem>>
    %dma_start3A_397 = arith.constant 0 : i32
    %dma_start3A_398 = tpu.memref_slice %arg8[%add3A_391, %dma_start3A_397] : memref<16384x1024xf32, #tpu.memory_space<hbm>> -> memref<32x1024xf32, #tpu.memory_space<hbm>>
    %dma_start3A_399 = arith.constant 0 : i32
    %dma_start3A_400 = tpu.memref_slice %arg8[%add3A_391, %dma_start3A_399] : memref<16384x1024xf32, #tpu.memory_space<hbm>> -> memref<32x1024xf32, #tpu.memory_space<hbm>>
    %dma_start3A_401 = arith.constant 0 : i32
    %dma_start3A_402 = arith.constant 0 : i32
    %dma_start3A_403 = tpu.memref_slice %arg15[%dma_start3A_392, %dma_start3A_401, %dma_start3A_402] : memref<2x32x1024xf32, #tpu.memory_space<vmem>> -> memref<1x32x1024xf32, #tpu.memory_space<vmem>>
    %dma_start3A_404 = tpu.memref_squeeze %dma_start3A_403 : memref<1x32x1024xf32, #tpu.memory_space<vmem>> -> memref<32x1024xf32, #tpu.memory_space<vmem>>
    tpu.enqueue_dma source(%dma_start3A_404 : memref<32x1024xf32, #tpu.memory_space<vmem>>) target(%dma_start3A_400 : memref<32x1024xf32, #tpu.memory_space<hbm>>) target_semaphore(%arg17 : memref<!tpu.dma_semaphore, #tpu.memory_space<semaphore_mem>>)
    %dma_wait3A_405 = arith.constant 0 : i32
    %dma_wait3A_406 = arith.constant 0 : i32
    %dma_wait3A_407 = arith.constant 0 : i32
    %dma_wait3A_408 = tpu.memref_slice %arg15[%dma_wait3A_405, %dma_wait3A_406, %dma_wait3A_407] : memref<2x32x1024xf32, #tpu.memory_space<vmem>> -> memref<1x32x1024xf32, #tpu.memory_space<vmem>>
    %dma_wait3A_409 = tpu.memref_squeeze %dma_wait3A_408 : memref<1x32x1024xf32, #tpu.memory_space<vmem>> -> memref<32x1024xf32, #tpu.memory_space<vmem>>
    %dma_wait3A_410 = arith.constant 0 : i32
    %dma_wait3A_411 = tpu.memref_slice %arg8[%add3A_360, %dma_wait3A_410] : memref<16384x1024xf32, #tpu.memory_space<hbm>> -> memref<32x1024xf32, #tpu.memory_space<hbm>>
    %dma_wait3A_412 = arith.constant 0 : i32
    %dma_wait3A_413 = tpu.memref_slice %arg8[%add3A_360, %dma_wait3A_412] : memref<16384x1024xf32, #tpu.memory_space<hbm>> -> memref<32x1024xf32, #tpu.memory_space<hbm>>
    %dma_wait3A_414 = arith.constant 0 : i32
    %dma_wait3A_415 = arith.constant 0 : i32
    %dma_wait3A_416 = tpu.memref_slice %arg15[%dma_wait3A_405, %dma_wait3A_414, %dma_wait3A_415] : memref<2x32x1024xf32, #tpu.memory_space<vmem>> -> memref<1x32x1024xf32, #tpu.memory_space<vmem>>
    %dma_wait3A_417 = tpu.memref_squeeze %dma_wait3A_416 : memref<1x32x1024xf32, #tpu.memory_space<vmem>> -> memref<32x1024xf32, #tpu.memory_space<vmem>>
    tpu.wait_dma2 semaphore(%arg16 : memref<!tpu.dma_semaphore, #tpu.memory_space<semaphore_mem>>) src(%dma_wait3A_417 : memref<32x1024xf32, #tpu.memory_space<vmem>>) dst(%dma_wait3A_413 : memref<32x1024xf32, #tpu.memory_space<hbm>>)
    %parallel_loop3A_418 = arith.constant 0 : i32
    %parallel_loop3A_419 = arith.constant 64 : i32
    %parallel_loop3A_420 = arith.constant 1 : i32
    scf.for %parallel_loop3A_555 = %parallel_loop3A_418 to %parallel_loop3A_419 step %parallel_loop3A_420  : i32 {
      %parallel_loop3A_556 = arith.constant 16 : i32
      %parallel_loop3A_557 = arith.muli %parallel_loop3A_555, %parallel_loop3A_556 : i32
      %parallel_loop3A_558 = arith.constant 12 : i32
      %parallel_loop3A_559 = arith.index_cast %parallel_loop3A_558 : i32 to index
      %parallel_loop3A_560 = arith.index_cast %parallel_loop3A_557 : i32 to index
      %parallel_loop3A_561 = tpu.vector_load %arg10[%parallel_loop3A_559, %parallel_loop3A_560] {strides = array<i32>} : memref<16x1024xf32, #tpu.memory_space<vmem>>, vector<1x16xf32>,
      %parallel_loop3A_562 = vector.shape_cast %parallel_loop3A_561 : vector<1x16xf32> to vector<16xf32>
      %parallel_loop3A_563 = arith.constant 0 : i32
      %parallel_loop3A_564 = arith.constant 32 : i32
      %parallel_loop3A_565 = arith.constant 1 : i32
      scf.for %parallel_loop3A_566 = %parallel_loop3A_563 to %parallel_loop3A_564 step %parallel_loop3A_565  : i32 {
        %parallel_loop3A_567 = arith.index_cast %parallel_loop3A_566 : i32 to index
        %parallel_loop3A_568 = arith.index_cast %parallel_loop3A_557 : i32 to index
        %parallel_loop3A_569 = tpu.vector_load %arg11[%parallel_loop3A_567, %parallel_loop3A_568] {strides = array<i32>} : memref<32x1024xf32, #tpu.memory_space<vmem>>, vector<1x16xf32>,
        %parallel_loop3A_570 = vector.shape_cast %parallel_loop3A_569 : vector<1x16xf32> to vector<16xf32>
        %parallel_loop3A_571 = arith.mulf %parallel_loop3A_570, %get3A_54 : vector<16xf32>
        %parallel_loop3A_572 = arith.addf %parallel_loop3A_562, %parallel_loop3A_571 : vector<16xf32>
        %parallel_loop3A_573 = arith.constant 0 : i32
        %parallel_loop3A_574 = arith.index_cast %parallel_loop3A_573 : i32 to index
        %parallel_loop3A_575 = arith.index_cast %parallel_loop3A_566 : i32 to index
        %parallel_loop3A_576 = arith.index_cast %parallel_loop3A_557 : i32 to index
        %parallel_loop3A_577 = tpu.vector_load %arg15[%parallel_loop3A_574, %parallel_loop3A_575, %parallel_loop3A_576] {strides = array<i32>} : memref<2x32x1024xf32, #tpu.memory_space<vmem>>, vector<1x1x16xf32>,
        %parallel_loop3A_578 = vector.shape_cast %parallel_loop3A_577 : vector<1x1x16xf32> to vector<16xf32>
        %parallel_loop3A_579 = vector.shape_cast %parallel_loop3A_572 : vector<16xf32> to vector<1x1x16xf32>
        tpu.vector_store %arg15[%parallel_loop3A_574, %parallel_loop3A_575, %parallel_loop3A_576], %parallel_loop3A_579 {strides = array<i32>} : memref<2x32x1024xf32, #tpu.memory_space<vmem>>, vector<1x1x16xf32>,
      } {sc.loop_unroll_factor = 8 : i64, sc.parallel_access}
    } {sc.loop_unroll_factor = 2 : i64, sc.parallel_access}
    %add3A_421 = arith.constant 384 : i32
    %add3A_422 = arith.addi %mul3A_58, %add3A_421 : i32
    %dma_start3A_423 = arith.constant 0 : i32
    %dma_start3A_424 = arith.constant 0 : i32
    %dma_start3A_425 = arith.constant 0 : i32
    %dma_start3A_426 = tpu.memref_slice %arg15[%dma_start3A_423, %dma_start3A_424, %dma_start3A_425] : memref<2x32x1024xf32, #tpu.memory_space<vmem>> -> memref<1x32x1024xf32, #tpu.memory_space<vmem>>
    %dma_start3A_427 = tpu.memref_squeeze %dma_start3A_426 : memref<1x32x1024xf32, #tpu.memory_space<vmem>> -> memref<32x1024xf32, #tpu.memory_space<vmem>>
    %dma_start3A_428 = arith.constant 0 : i32
    %dma_start3A_429 = tpu.memref_slice %arg8[%add3A_422, %dma_start3A_428] : memref<16384x1024xf32, #tpu.memory_space<hbm>> -> memref<32x1024xf32, #tpu.memory_space<hbm>>
    %dma_start3A_430 = arith.constant 0 : i32
    %dma_start3A_431 = tpu.memref_slice %arg8[%add3A_422, %dma_start3A_430] : memref<16384x1024xf32, #tpu.memory_space<hbm>> -> memref<32x1024xf32, #tpu.memory_space<hbm>>
    %dma_start3A_432 = arith.constant 0 : i32
    %dma_start3A_433 = arith.constant 0 : i32
    %dma_start3A_434 = tpu.memref_slice %arg15[%dma_start3A_423, %dma_start3A_432, %dma_start3A_433] : memref<2x32x1024xf32, #tpu.memory_space<vmem>> -> memref<1x32x1024xf32, #tpu.memory_space<vmem>>
    %dma_start3A_435 = tpu.memref_squeeze %dma_start3A_434 : memref<1x32x1024xf32, #tpu.memory_space<vmem>> -> memref<32x1024xf32, #tpu.memory_space<vmem>>
    tpu.enqueue_dma source(%dma_start3A_435 : memref<32x1024xf32, #tpu.memory_space<vmem>>) target(%dma_start3A_431 : memref<32x1024xf32, #tpu.memory_space<hbm>>) target_semaphore(%arg16 : memref<!tpu.dma_semaphore, #tpu.memory_space<semaphore_mem>>)
    %dma_wait3A_436 = arith.constant 1 : i32
    %dma_wait3A_437 = arith.constant 0 : i32
    %dma_wait3A_438 = arith.constant 0 : i32
    %dma_wait3A_439 = tpu.memref_slice %arg15[%dma_wait3A_436, %dma_wait3A_437, %dma_wait3A_438] : memref<2x32x1024xf32, #tpu.memory_space<vmem>> -> memref<1x32x1024xf32, #tpu.memory_space<vmem>>
    %dma_wait3A_440 = tpu.memref_squeeze %dma_wait3A_439 : memref<1x32x1024xf32, #tpu.memory_space<vmem>> -> memref<32x1024xf32, #tpu.memory_space<vmem>>
    %dma_wait3A_441 = arith.constant 0 : i32
    %dma_wait3A_442 = tpu.memref_slice %arg8[%add3A_391, %dma_wait3A_441] : memref<16384x1024xf32, #tpu.memory_space<hbm>> -> memref<32x1024xf32, #tpu.memory_space<hbm>>
    %dma_wait3A_443 = arith.constant 0 : i32
    %dma_wait3A_444 = tpu.memref_slice %arg8[%add3A_391, %dma_wait3A_443] : memref<16384x1024xf32, #tpu.memory_space<hbm>> -> memref<32x1024xf32, #tpu.memory_space<hbm>>
    %dma_wait3A_445 = arith.constant 0 : i32
    %dma_wait3A_446 = arith.constant 0 : i32
    %dma_wait3A_447 = tpu.memref_slice %arg15[%dma_wait3A_436, %dma_wait3A_445, %dma_wait3A_446] : memref<2x32x1024xf32, #tpu.memory_space<vmem>> -> memref<1x32x1024xf32, #tpu.memory_space<vmem>>
    %dma_wait3A_448 = tpu.memref_squeeze %dma_wait3A_447 : memref<1x32x1024xf32, #tpu.memory_space<vmem>> -> memref<32x1024xf32, #tpu.memory_space<vmem>>
    tpu.wait_dma2 semaphore(%arg17 : memref<!tpu.dma_semaphore, #tpu.memory_space<semaphore_mem>>) src(%dma_wait3A_448 : memref<32x1024xf32, #tpu.memory_space<vmem>>) dst(%dma_wait3A_444 : memref<32x1024xf32, #tpu.memory_space<hbm>>)
    %parallel_loop3A_449 = arith.constant 0 : i32
    %parallel_loop3A_450 = arith.constant 64 : i32
    %parallel_loop3A_451 = arith.constant 1 : i32
    scf.for %parallel_loop3A_555 = %parallel_loop3A_449 to %parallel_loop3A_450 step %parallel_loop3A_451  : i32 {
      %parallel_loop3A_556 = arith.constant 16 : i32
      %parallel_loop3A_557 = arith.muli %parallel_loop3A_555, %parallel_loop3A_556 : i32
      %parallel_loop3A_558 = arith.constant 13 : i32
      %parallel_loop3A_559 = arith.index_cast %parallel_loop3A_558 : i32 to index
      %parallel_loop3A_560 = arith.index_cast %parallel_loop3A_557 : i32 to index
      %parallel_loop3A_561 = tpu.vector_load %arg10[%parallel_loop3A_559, %parallel_loop3A_560] {strides = array<i32>} : memref<16x1024xf32, #tpu.memory_space<vmem>>, vector<1x16xf32>,
      %parallel_loop3A_562 = vector.shape_cast %parallel_loop3A_561 : vector<1x16xf32> to vector<16xf32>
      %parallel_loop3A_563 = arith.constant 0 : i32
      %parallel_loop3A_564 = arith.constant 32 : i32
      %parallel_loop3A_565 = arith.constant 1 : i32
      scf.for %parallel_loop3A_566 = %parallel_loop3A_563 to %parallel_loop3A_564 step %parallel_loop3A_565  : i32 {
        %parallel_loop3A_567 = arith.index_cast %parallel_loop3A_566 : i32 to index
        %parallel_loop3A_568 = arith.index_cast %parallel_loop3A_557 : i32 to index
        %parallel_loop3A_569 = tpu.vector_load %arg11[%parallel_loop3A_567, %parallel_loop3A_568] {strides = array<i32>} : memref<32x1024xf32, #tpu.memory_space<vmem>>, vector<1x16xf32>,
        %parallel_loop3A_570 = vector.shape_cast %parallel_loop3A_569 : vector<1x16xf32> to vector<16xf32>
        %parallel_loop3A_571 = arith.mulf %parallel_loop3A_570, %get3A_54 : vector<16xf32>
        %parallel_loop3A_572 = arith.addf %parallel_loop3A_562, %parallel_loop3A_571 : vector<16xf32>
        %parallel_loop3A_573 = arith.constant 1 : i32
        %parallel_loop3A_574 = arith.index_cast %parallel_loop3A_573 : i32 to index
        %parallel_loop3A_575 = arith.index_cast %parallel_loop3A_566 : i32 to index
        %parallel_loop3A_576 = arith.index_cast %parallel_loop3A_557 : i32 to index
        %parallel_loop3A_577 = tpu.vector_load %arg15[%parallel_loop3A_574, %parallel_loop3A_575, %parallel_loop3A_576] {strides = array<i32>} : memref<2x32x1024xf32, #tpu.memory_space<vmem>>, vector<1x1x16xf32>,
        %parallel_loop3A_578 = vector.shape_cast %parallel_loop3A_577 : vector<1x1x16xf32> to vector<16xf32>
        %parallel_loop3A_579 = vector.shape_cast %parallel_loop3A_572 : vector<16xf32> to vector<1x1x16xf32>
        tpu.vector_store %arg15[%parallel_loop3A_574, %parallel_loop3A_575, %parallel_loop3A_576], %parallel_loop3A_579 {strides = array<i32>} : memref<2x32x1024xf32, #tpu.memory_space<vmem>>, vector<1x1x16xf32>,
      } {sc.loop_unroll_factor = 8 : i64, sc.parallel_access}
    } {sc.loop_unroll_factor = 2 : i64, sc.parallel_access}
    %add3A_452 = arith.constant 416 : i32
    %add3A_453 = arith.addi %mul3A_58, %add3A_452 : i32
    %dma_start3A_454 = arith.constant 1 : i32
    %dma_start3A_455 = arith.constant 0 : i32
    %dma_start3A_456 = arith.constant 0 : i32
    %dma_start3A_457 = tpu.memref_slice %arg15[%dma_start3A_454, %dma_start3A_455, %dma_start3A_456] : memref<2x32x1024xf32, #tpu.memory_space<vmem>> -> memref<1x32x1024xf32, #tpu.memory_space<vmem>>
    %dma_start3A_458 = tpu.memref_squeeze %dma_start3A_457 : memref<1x32x1024xf32, #tpu.memory_space<vmem>> -> memref<32x1024xf32, #tpu.memory_space<vmem>>
    %dma_start3A_459 = arith.constant 0 : i32
    %dma_start3A_460 = tpu.memref_slice %arg8[%add3A_453, %dma_start3A_459] : memref<16384x1024xf32, #tpu.memory_space<hbm>> -> memref<32x1024xf32, #tpu.memory_space<hbm>>
    %dma_start3A_461 = arith.constant 0 : i32
    %dma_start3A_462 = tpu.memref_slice %arg8[%add3A_453, %dma_start3A_461] : memref<16384x1024xf32, #tpu.memory_space<hbm>> -> memref<32x1024xf32, #tpu.memory_space<hbm>>
    %dma_start3A_463 = arith.constant 0 : i32
    %dma_start3A_464 = arith.constant 0 : i32
    %dma_start3A_465 = tpu.memref_slice %arg15[%dma_start3A_454, %dma_start3A_463, %dma_start3A_464] : memref<2x32x1024xf32, #tpu.memory_space<vmem>> -> memref<1x32x1024xf32, #tpu.memory_space<vmem>>
    %dma_start3A_466 = tpu.memref_squeeze %dma_start3A_465 : memref<1x32x1024xf32, #tpu.memory_space<vmem>> -> memref<32x1024xf32, #tpu.memory_space<vmem>>
    tpu.enqueue_dma source(%dma_start3A_466 : memref<32x1024xf32, #tpu.memory_space<vmem>>) target(%dma_start3A_462 : memref<32x1024xf32, #tpu.memory_space<hbm>>) target_semaphore(%arg17 : memref<!tpu.dma_semaphore, #tpu.memory_space<semaphore_mem>>)
    %dma_wait3A_467 = arith.constant 0 : i32
    %dma_wait3A_468 = arith.constant 0 : i32
    %dma_wait3A_469 = arith.constant 0 : i32
    %dma_wait3A_470 = tpu.memref_slice %arg15[%dma_wait3A_467, %dma_wait3A_468, %dma_wait3A_469] : memref<2x32x1024xf32, #tpu.memory_space<vmem>> -> memref<1x32x1024xf32, #tpu.memory_space<vmem>>
    %dma_wait3A_471 = tpu.memref_squeeze %dma_wait3A_470 : memref<1x32x1024xf32, #tpu.memory_space<vmem>> -> memref<32x1024xf32, #tpu.memory_space<vmem>>
    %dma_wait3A_472 = arith.constant 0 : i32
    %dma_wait3A_473 = tpu.memref_slice %arg8[%add3A_422, %dma_wait3A_472] : memref<16384x1024xf32, #tpu.memory_space<hbm>> -> memref<32x1024xf32, #tpu.memory_space<hbm>>
    %dma_wait3A_474 = arith.constant 0 : i32
    %dma_wait3A_475 = tpu.memref_slice %arg8[%add3A_422, %dma_wait3A_474] : memref<16384x1024xf32, #tpu.memory_space<hbm>> -> memref<32x1024xf32, #tpu.memory_space<hbm>>
    %dma_wait3A_476 = arith.constant 0 : i32
    %dma_wait3A_477 = arith.constant 0 : i32
    %dma_wait3A_478 = tpu.memref_slice %arg15[%dma_wait3A_467, %dma_wait3A_476, %dma_wait3A_477] : memref<2x32x1024xf32, #tpu.memory_space<vmem>> -> memref<1x32x1024xf32, #tpu.memory_space<vmem>>
    %dma_wait3A_479 = tpu.memref_squeeze %dma_wait3A_478 : memref<1x32x1024xf32, #tpu.memory_space<vmem>> -> memref<32x1024xf32, #tpu.memory_space<vmem>>
    tpu.wait_dma2 semaphore(%arg16 : memref<!tpu.dma_semaphore, #tpu.memory_space<semaphore_mem>>) src(%dma_wait3A_479 : memref<32x1024xf32, #tpu.memory_space<vmem>>) dst(%dma_wait3A_475 : memref<32x1024xf32, #tpu.memory_space<hbm>>)
    %parallel_loop3A_480 = arith.constant 0 : i32
    %parallel_loop3A_481 = arith.constant 64 : i32
    %parallel_loop3A_482 = arith.constant 1 : i32
    scf.for %parallel_loop3A_555 = %parallel_loop3A_480 to %parallel_loop3A_481 step %parallel_loop3A_482  : i32 {
      %parallel_loop3A_556 = arith.constant 16 : i32
      %parallel_loop3A_557 = arith.muli %parallel_loop3A_555, %parallel_loop3A_556 : i32
      %parallel_loop3A_558 = arith.constant 14 : i32
      %parallel_loop3A_559 = arith.index_cast %parallel_loop3A_558 : i32 to index
      %parallel_loop3A_560 = arith.index_cast %parallel_loop3A_557 : i32 to index
      %parallel_loop3A_561 = tpu.vector_load %arg10[%parallel_loop3A_559, %parallel_loop3A_560] {strides = array<i32>} : memref<16x1024xf32, #tpu.memory_space<vmem>>, vector<1x16xf32>,
      %parallel_loop3A_562 = vector.shape_cast %parallel_loop3A_561 : vector<1x16xf32> to vector<16xf32>
      %parallel_loop3A_563 = arith.constant 0 : i32
      %parallel_loop3A_564 = arith.constant 32 : i32
      %parallel_loop3A_565 = arith.constant 1 : i32
      scf.for %parallel_loop3A_566 = %parallel_loop3A_563 to %parallel_loop3A_564 step %parallel_loop3A_565  : i32 {
        %parallel_loop3A_567 = arith.index_cast %parallel_loop3A_566 : i32 to index
        %parallel_loop3A_568 = arith.index_cast %parallel_loop3A_557 : i32 to index
        %parallel_loop3A_569 = tpu.vector_load %arg11[%parallel_loop3A_567, %parallel_loop3A_568] {strides = array<i32>} : memref<32x1024xf32, #tpu.memory_space<vmem>>, vector<1x16xf32>,
        %parallel_loop3A_570 = vector.shape_cast %parallel_loop3A_569 : vector<1x16xf32> to vector<16xf32>
        %parallel_loop3A_571 = arith.mulf %parallel_loop3A_570, %get3A_54 : vector<16xf32>
        %parallel_loop3A_572 = arith.addf %parallel_loop3A_562, %parallel_loop3A_571 : vector<16xf32>
        %parallel_loop3A_573 = arith.constant 0 : i32
        %parallel_loop3A_574 = arith.index_cast %parallel_loop3A_573 : i32 to index
        %parallel_loop3A_575 = arith.index_cast %parallel_loop3A_566 : i32 to index
        %parallel_loop3A_576 = arith.index_cast %parallel_loop3A_557 : i32 to index
        %parallel_loop3A_577 = tpu.vector_load %arg15[%parallel_loop3A_574, %parallel_loop3A_575, %parallel_loop3A_576] {strides = array<i32>} : memref<2x32x1024xf32, #tpu.memory_space<vmem>>, vector<1x1x16xf32>,
        %parallel_loop3A_578 = vector.shape_cast %parallel_loop3A_577 : vector<1x1x16xf32> to vector<16xf32>
        %parallel_loop3A_579 = vector.shape_cast %parallel_loop3A_572 : vector<16xf32> to vector<1x1x16xf32>
        tpu.vector_store %arg15[%parallel_loop3A_574, %parallel_loop3A_575, %parallel_loop3A_576], %parallel_loop3A_579 {strides = array<i32>} : memref<2x32x1024xf32, #tpu.memory_space<vmem>>, vector<1x1x16xf32>,
      } {sc.loop_unroll_factor = 8 : i64, sc.parallel_access}
    } {sc.loop_unroll_factor = 2 : i64, sc.parallel_access}
    %add3A_483 = arith.constant 448 : i32
    %add3A_484 = arith.addi %mul3A_58, %add3A_483 : i32
    %dma_start3A_485 = arith.constant 0 : i32
    %dma_start3A_486 = arith.constant 0 : i32
    %dma_start3A_487 = arith.constant 0 : i32
    %dma_start3A_488 = tpu.memref_slice %arg15[%dma_start3A_485, %dma_start3A_486, %dma_start3A_487] : memref<2x32x1024xf32, #tpu.memory_space<vmem>> -> memref<1x32x1024xf32, #tpu.memory_space<vmem>>
    %dma_start3A_489 = tpu.memref_squeeze %dma_start3A_488 : memref<1x32x1024xf32, #tpu.memory_space<vmem>> -> memref<32x1024xf32, #tpu.memory_space<vmem>>
    %dma_start3A_490 = arith.constant 0 : i32
    %dma_start3A_491 = tpu.memref_slice %arg8[%add3A_484, %dma_start3A_490] : memref<16384x1024xf32, #tpu.memory_space<hbm>> -> memref<32x1024xf32, #tpu.memory_space<hbm>>
    %dma_start3A_492 = arith.constant 0 : i32
    %dma_start3A_493 = tpu.memref_slice %arg8[%add3A_484, %dma_start3A_492] : memref<16384x1024xf32, #tpu.memory_space<hbm>> -> memref<32x1024xf32, #tpu.memory_space<hbm>>
    %dma_start3A_494 = arith.constant 0 : i32
    %dma_start3A_495 = arith.constant 0 : i32
    %dma_start3A_496 = tpu.memref_slice %arg15[%dma_start3A_485, %dma_start3A_494, %dma_start3A_495] : memref<2x32x1024xf32, #tpu.memory_space<vmem>> -> memref<1x32x1024xf32, #tpu.memory_space<vmem>>
    %dma_start3A_497 = tpu.memref_squeeze %dma_start3A_496 : memref<1x32x1024xf32, #tpu.memory_space<vmem>> -> memref<32x1024xf32, #tpu.memory_space<vmem>>
    tpu.enqueue_dma source(%dma_start3A_497 : memref<32x1024xf32, #tpu.memory_space<vmem>>) target(%dma_start3A_493 : memref<32x1024xf32, #tpu.memory_space<hbm>>) target_semaphore(%arg16 : memref<!tpu.dma_semaphore, #tpu.memory_space<semaphore_mem>>)
    %dma_wait3A_498 = arith.constant 1 : i32
    %dma_wait3A_499 = arith.constant 0 : i32
    %dma_wait3A_500 = arith.constant 0 : i32
    %dma_wait3A_501 = tpu.memref_slice %arg15[%dma_wait3A_498, %dma_wait3A_499, %dma_wait3A_500] : memref<2x32x1024xf32, #tpu.memory_space<vmem>> -> memref<1x32x1024xf32, #tpu.memory_space<vmem>>
    %dma_wait3A_502 = tpu.memref_squeeze %dma_wait3A_501 : memref<1x32x1024xf32, #tpu.memory_space<vmem>> -> memref<32x1024xf32, #tpu.memory_space<vmem>>
    %dma_wait3A_503 = arith.constant 0 : i32
    %dma_wait3A_504 = tpu.memref_slice %arg8[%add3A_453, %dma_wait3A_503] : memref<16384x1024xf32, #tpu.memory_space<hbm>> -> memref<32x1024xf32, #tpu.memory_space<hbm>>
    %dma_wait3A_505 = arith.constant 0 : i32
    %dma_wait3A_506 = tpu.memref_slice %arg8[%add3A_453, %dma_wait3A_505] : memref<16384x1024xf32, #tpu.memory_space<hbm>> -> memref<32x1024xf32, #tpu.memory_space<hbm>>
    %dma_wait3A_507 = arith.constant 0 : i32
    %dma_wait3A_508 = arith.constant 0 : i32
    %dma_wait3A_509 = tpu.memref_slice %arg15[%dma_wait3A_498, %dma_wait3A_507, %dma_wait3A_508] : memref<2x32x1024xf32, #tpu.memory_space<vmem>> -> memref<1x32x1024xf32, #tpu.memory_space<vmem>>
    %dma_wait3A_510 = tpu.memref_squeeze %dma_wait3A_509 : memref<1x32x1024xf32, #tpu.memory_space<vmem>> -> memref<32x1024xf32, #tpu.memory_space<vmem>>
    tpu.wait_dma2 semaphore(%arg17 : memref<!tpu.dma_semaphore, #tpu.memory_space<semaphore_mem>>) src(%dma_wait3A_510 : memref<32x1024xf32, #tpu.memory_space<vmem>>) dst(%dma_wait3A_506 : memref<32x1024xf32, #tpu.memory_space<hbm>>)
    %parallel_loop3A_511 = arith.constant 0 : i32
    %parallel_loop3A_512 = arith.constant 64 : i32
    %parallel_loop3A_513 = arith.constant 1 : i32
    scf.for %parallel_loop3A_555 = %parallel_loop3A_511 to %parallel_loop3A_512 step %parallel_loop3A_513  : i32 {
      %parallel_loop3A_556 = arith.constant 16 : i32
      %parallel_loop3A_557 = arith.muli %parallel_loop3A_555, %parallel_loop3A_556 : i32
      %parallel_loop3A_558 = arith.constant 15 : i32
      %parallel_loop3A_559 = arith.index_cast %parallel_loop3A_558 : i32 to index
      %parallel_loop3A_560 = arith.index_cast %parallel_loop3A_557 : i32 to index
      %parallel_loop3A_561 = tpu.vector_load %arg10[%parallel_loop3A_559, %parallel_loop3A_560] {strides = array<i32>} : memref<16x1024xf32, #tpu.memory_space<vmem>>, vector<1x16xf32>,
      %parallel_loop3A_562 = vector.shape_cast %parallel_loop3A_561 : vector<1x16xf32> to vector<16xf32>
      %parallel_loop3A_563 = arith.constant 0 : i32
      %parallel_loop3A_564 = arith.constant 32 : i32
      %parallel_loop3A_565 = arith.constant 1 : i32
      scf.for %parallel_loop3A_566 = %parallel_loop3A_563 to %parallel_loop3A_564 step %parallel_loop3A_565  : i32 {
        %parallel_loop3A_567 = arith.index_cast %parallel_loop3A_566 : i32 to index
        %parallel_loop3A_568 = arith.index_cast %parallel_loop3A_557 : i32 to index
        %parallel_loop3A_569 = tpu.vector_load %arg11[%parallel_loop3A_567, %parallel_loop3A_568] {strides = array<i32>} : memref<32x1024xf32, #tpu.memory_space<vmem>>, vector<1x16xf32>,
        %parallel_loop3A_570 = vector.shape_cast %parallel_loop3A_569 : vector<1x16xf32> to vector<16xf32>
        %parallel_loop3A_571 = arith.mulf %parallel_loop3A_570, %get3A_54 : vector<16xf32>
        %parallel_loop3A_572 = arith.addf %parallel_loop3A_562, %parallel_loop3A_571 : vector<16xf32>
        %parallel_loop3A_573 = arith.constant 1 : i32
        %parallel_loop3A_574 = arith.index_cast %parallel_loop3A_573 : i32 to index
        %parallel_loop3A_575 = arith.index_cast %parallel_loop3A_566 : i32 to index
        %parallel_loop3A_576 = arith.index_cast %parallel_loop3A_557 : i32 to index
        %parallel_loop3A_577 = tpu.vector_load %arg15[%parallel_loop3A_574, %parallel_loop3A_575, %parallel_loop3A_576] {strides = array<i32>} : memref<2x32x1024xf32, #tpu.memory_space<vmem>>, vector<1x1x16xf32>,
        %parallel_loop3A_578 = vector.shape_cast %parallel_loop3A_577 : vector<1x1x16xf32> to vector<16xf32>
        %parallel_loop3A_579 = vector.shape_cast %parallel_loop3A_572 : vector<16xf32> to vector<1x1x16xf32>
        tpu.vector_store %arg15[%parallel_loop3A_574, %parallel_loop3A_575, %parallel_loop3A_576], %parallel_loop3A_579 {strides = array<i32>} : memref<2x32x1024xf32, #tpu.memory_space<vmem>>, vector<1x1x16xf32>,
      } {sc.loop_unroll_factor = 8 : i64, sc.parallel_access}
    } {sc.loop_unroll_factor = 2 : i64, sc.parallel_access}
    %add3A_514 = arith.constant 480 : i32
    %add3A_515 = arith.addi %mul3A_58, %add3A_514 : i32
    %dma_start3A_516 = arith.constant 1 : i32
    %dma_start3A_517 = arith.constant 0 : i32
    %dma_start3A_518 = arith.constant 0 : i32
    %dma_start3A_519 = tpu.memref_slice %arg15[%dma_start3A_516, %dma_start3A_517, %dma_start3A_518] : memref<2x32x1024xf32, #tpu.memory_space<vmem>> -> memref<1x32x1024xf32, #tpu.memory_space<vmem>>
    %dma_start3A_520 = tpu.memref_squeeze %dma_start3A_519 : memref<1x32x1024xf32, #tpu.memory_space<vmem>> -> memref<32x1024xf32, #tpu.memory_space<vmem>>
    %dma_start3A_521 = arith.constant 0 : i32
    %dma_start3A_522 = tpu.memref_slice %arg8[%add3A_515, %dma_start3A_521] : memref<16384x1024xf32, #tpu.memory_space<hbm>> -> memref<32x1024xf32, #tpu.memory_space<hbm>>
    %dma_start3A_523 = arith.constant 0 : i32
    %dma_start3A_524 = tpu.memref_slice %arg8[%add3A_515, %dma_start3A_523] : memref<16384x1024xf32, #tpu.memory_space<hbm>> -> memref<32x1024xf32, #tpu.memory_space<hbm>>
    %dma_start3A_525 = arith.constant 0 : i32
    %dma_start3A_526 = arith.constant 0 : i32
    %dma_start3A_527 = tpu.memref_slice %arg15[%dma_start3A_516, %dma_start3A_525, %dma_start3A_526] : memref<2x32x1024xf32, #tpu.memory_space<vmem>> -> memref<1x32x1024xf32, #tpu.memory_space<vmem>>
    %dma_start3A_528 = tpu.memref_squeeze %dma_start3A_527 : memref<1x32x1024xf32, #tpu.memory_space<vmem>> -> memref<32x1024xf32, #tpu.memory_space<vmem>>
    tpu.enqueue_dma source(%dma_start3A_528 : memref<32x1024xf32, #tpu.memory_space<vmem>>) target(%dma_start3A_524 : memref<32x1024xf32, #tpu.memory_space<hbm>>) target_semaphore(%arg17 : memref<!tpu.dma_semaphore, #tpu.memory_space<semaphore_mem>>)
    %dma_wait3A_529 = arith.constant 0 : i32
    %dma_wait3A_530 = arith.constant 0 : i32
    %dma_wait3A_531 = arith.constant 0 : i32
    %dma_wait3A_532 = tpu.memref_slice %arg15[%dma_wait3A_529, %dma_wait3A_530, %dma_wait3A_531] : memref<2x32x1024xf32, #tpu.memory_space<vmem>> -> memref<1x32x1024xf32, #tpu.memory_space<vmem>>
    %dma_wait3A_533 = tpu.memref_squeeze %dma_wait3A_532 : memref<1x32x1024xf32, #tpu.memory_space<vmem>> -> memref<32x1024xf32, #tpu.memory_space<vmem>>
    %dma_wait3A_534 = arith.constant 0 : i32
    %dma_wait3A_535 = tpu.memref_slice %arg8[%add3A_484, %dma_wait3A_534] : memref<16384x1024xf32, #tpu.memory_space<hbm>> -> memref<32x1024xf32, #tpu.memory_space<hbm>>
    %dma_wait3A_536 = arith.constant 0 : i32
    %dma_wait3A_537 = tpu.memref_slice %arg8[%add3A_484, %dma_wait3A_536] : memref<16384x1024xf32, #tpu.memory_space<hbm>> -> memref<32x1024xf32, #tpu.memory_space<hbm>>
    %dma_wait3A_538 = arith.constant 0 : i32
    %dma_wait3A_539 = arith.constant 0 : i32
    %dma_wait3A_540 = tpu.memref_slice %arg15[%dma_wait3A_529, %dma_wait3A_538, %dma_wait3A_539] : memref<2x32x1024xf32, #tpu.memory_space<vmem>> -> memref<1x32x1024xf32, #tpu.memory_space<vmem>>
    %dma_wait3A_541 = tpu.memref_squeeze %dma_wait3A_540 : memref<1x32x1024xf32, #tpu.memory_space<vmem>> -> memref<32x1024xf32, #tpu.memory_space<vmem>>
    tpu.wait_dma2 semaphore(%arg16 : memref<!tpu.dma_semaphore, #tpu.memory_space<semaphore_mem>>) src(%dma_wait3A_541 : memref<32x1024xf32, #tpu.memory_space<vmem>>) dst(%dma_wait3A_537 : memref<32x1024xf32, #tpu.memory_space<hbm>>)
    %dma_wait3A_542 = arith.constant 1 : i32
    %dma_wait3A_543 = arith.constant 0 : i32
    %dma_wait3A_544 = arith.constant 0 : i32
    %dma_wait3A_545 = tpu.memref_slice %arg15[%dma_wait3A_542, %dma_wait3A_543, %dma_wait3A_544] : memref<2x32x1024xf32, #tpu.memory_space<vmem>> -> memref<1x32x1024xf32, #tpu.memory_space<vmem>>
    %dma_wait3A_546 = tpu.memref_squeeze %dma_wait3A_545 : memref<1x32x1024xf32, #tpu.memory_space<vmem>> -> memref<32x1024xf32, #tpu.memory_space<vmem>>
    %dma_wait3A_547 = arith.constant 0 : i32
    %dma_wait3A_548 = tpu.memref_slice %arg8[%add3A_515, %dma_wait3A_547] : memref<16384x1024xf32, #tpu.memory_space<hbm>> -> memref<32x1024xf32, #tpu.memory_space<hbm>>
    %dma_wait3A_549 = arith.constant 0 : i32
    %dma_wait3A_550 = tpu.memref_slice %arg8[%add3A_515, %dma_wait3A_549] : memref<16384x1024xf32, #tpu.memory_space<hbm>> -> memref<32x1024xf32, #tpu.memory_space<hbm>>
    %dma_wait3A_551 = arith.constant 0 : i32
    %dma_wait3A_552 = arith.constant 0 : i32
    %dma_wait3A_553 = tpu.memref_slice %arg15[%dma_wait3A_542, %dma_wait3A_551, %dma_wait3A_552] : memref<2x32x1024xf32, #tpu.memory_space<vmem>> -> memref<1x32x1024xf32, #tpu.memory_space<vmem>>
    %dma_wait3A_554 = tpu.memref_squeeze %dma_wait3A_553 : memref<1x32x1024xf32, #tpu.memory_space<vmem>> -> memref<32x1024xf32, #tpu.memory_space<vmem>>
    tpu.wait_dma2 semaphore(%arg17 : memref<!tpu.dma_semaphore, #tpu.memory_space<semaphore_mem>>) src(%dma_wait3A_554 : memref<32x1024xf32, #tpu.memory_space<vmem>>) dst(%dma_wait3A_550 : memref<32x1024xf32, #tpu.memory_space<hbm>>)
    return
  }
}

</mosaic_0001>

<sc_bundles>
// kernel: kernel.3.cloned.1.call-start
scs
__scs_entry_jumppad:
0x0: {  	(pc) =	sbr.rel $0x88, $3  }
0x1: {  	(tag) =	ssettag $0x0;
	lr =	simm.s32 $0x1  }
0x2: {  	[smem:$0x3F98] =	sst lr;
	_ =	strace $0xD0000000  }
0x3: {  	_ = 	snop  }
0x4: {  	_ = 	snop  }
0x5: {  	_ = 	snop  }
0x6: {  	_ = 	snop  }
0x7: {  	_ = 	snop  }
__scs_overlays_trampoline_lowered:
0x8: {  	[smem:$0x3FA7] =	sst s0  }
0x9: {  	[smem:$0x3FA8] =	sst s1  }
0xa: {  	[smem:$0x3FA9] =	sst s2  }
0xb: {  	[smem:$0x3FAA] =	sst s3  }
0xc: {  	[smem:$0x3FAB] =	sst s4  }
0xd: {  	[smem:$0x3FAC] =	sst s5  }
0xe: {  	[smem:$0x3FAD] =	sst s6  }
0xf: {  	[smem:$0x3FAE] =	sst s7  }
0x10: {  	[smem:$0x3FAF] =	sst s8  }
0x11: {  	[smem:$0x3FB0] =	sst s9;
	s0 =	simm.s32 @!p0 $0x0  }
0x12: {  	s1 =	sld [smem:$0x3F96];
	s0 =	simm.s32 @p0 $0x1  }
0x13: {  	[smem:$0x3FB1] =	sst s0;
	s0 =	simm.s32 @!p1 $0x0  }
0x14: {  	s2 =	sld [smem:$0x3F95];
	s0 =	simm.s32 @p1 $0x1  }
0x15: {  	[smem:$0x3FB2] =	sst s0;
	s0 =	simm.s32 @!p2 $0x0  }
0x16: {  	s3 =	sld [smem:$0x3FDB];
	s0 =	simm.s32 @p2 $0x1  }
0x17: {  	s4 =	simm.s32 $0x1BF5;
	[smem:$0x3FB4] =	sst s0  }
0x18: {  	s0 =	sld [smem:$0x3F97];
	_ =	swait.ge [sflag:s4], $0x0  }
0x19: {  	s7 =	sld [smem:$0x3F98]  }
0x1a: {  	s8 =	sadd.s32 $0xFFFFE003, lr  }
0x1b: {  	s9 =	sadd.s32 $0xFFFFFEF7, lr;
	s5 =	simm.s32 $0xFFFFFFFF;
	p2 =	slt.u32 s8, $0xFFFFF086  }
0x1c: {  	p1 =	slt.u32 s9, $0xF7A;
	s5 =	simm.s32 @!p2 $0x0  }
0x1d: {  	s5 =	simm.s32 @p1 $0x1;
	p0 =	seq.s32 s7, s2  }
0x1e: {  	s7 =	smul.u32 @!p0 $0xF7A, s2;
	p2 =	seq.s32 @!p0 s5, $0x0  }
0x1f: {  	s9 =	smul.u32 $0xF7A, s1;
	s8 =	simm.s32 @!p0 $0x1BF5;
	p2 =	por !p2, p0  }
0x20: {  	[sflag:s8] =	ssyncset.s32 @!p0 $0xFFFFF086;
	s6 =	sadd.s32 @!p0 s3, s7;
	s7 =	simm.s32 @!p0 $0x108  }
0x21: {  	s3 =	sadd.s32 s3, s9;
	s6 =	sadd.s32 @!p0 $0x88, s6;
	s7 =	simm.s32 @p2 $0x1082  }
0x22: {  	[simem:s7], [sflag:s8] =	dma.local @!p0 [hbm:s6], $0xF7A  }
0x23: {  	s9 =	sor.u32 $0xD0000000, s2;
	s6 =	simm.s32 $0x108;
	_ =	swait.ge @!p0 [sflag:s8], $0x0  }
0x24: {  	s3 =	sadd.s32 $0x88, s3;
	s6 =	simm.s32 @!p1 $0x1082;
	[sflag:s4] =	ssyncset.s32 $0xFFFFF086  }
0x25: {  	[simem:s6], [sflag:s4] =	dma.local [hbm:s3], $0xF7A  }
0x26: {  	[smem:$0x3F98] =	sst s1;
	(tag) =	ssettag s2;
	_ =	strace s9  }
0x27: {  	s1 =	sld [smem:$0x3FA8]  }
0x28: {  	s2 =	sld [smem:$0x3FA9]  }
0x29: {  	s4 =	sld [smem:$0x3FAB]  }
0x2a: {  	p0 =	seq.s32 s5, $0x0;
	s5 =	sld [smem:$0x3FAC]  }
0x2b: {  	s6 =	sld [smem:$0x3FAD]  }
0x2c: {  	s7 =	sld [smem:$0x3FAE]  }
0x2d: {  	s3 =	simm.s32 $0x108;
	s8 =	sld [smem:$0x3FAF]  }
0x2e: {  	s3 =	simm.s32 @!p0 $0x1082;
	s9 =	sld [smem:$0x3FB0]  }
0x2f: {  	lr =	sadd.s32 s0, s3;
	s0 =	sld [smem:$0x3FA7]  }
0x30: {  	s3 =	sld [smem:$0x3FAA]  }
0x31: {  	[smem:$0x3FB3] =	sst s10  }
0x32: {  	s10 =	sld [smem:$0x3FB1];
	_ =	sdelay $0x3  }
0x33: {  	p0 =	seq.s32 s10, $0x1;
	s10 =	sld [smem:$0x3FB3];
	_ =	sdelay $0x3  }
0x34: {  	[smem:$0x3FB3] =	sst s10  }
0x35: {  	s10 =	sld [smem:$0x3FB2];
	_ =	sdelay $0x3  }
0x36: {  	p1 =	seq.s32 s10, $0x1;
	s10 =	sld [smem:$0x3FB3];
	_ =	sdelay $0x3  }
0x37: {  	[smem:$0x3FB3] =	sst s10  }
0x38: {  	s10 =	sld [smem:$0x3FB4]  }
0x39: {  	_ = 	snop;
	(pc) =	sbr.ind lr, $3  }
0x3a: {  	_ = 	snop  }
0x3b: {  	_ = 	snop  }
0x3c: {  	p2 =	seq.s32 s10, $0x1;
	s10 =	sld [smem:$0x3FB3]  }
0x3d: {  	_ =	shalt  }
0x3e: {  	_ =	shalt  }
0x3f: {  	_ =	shalt  }
0x40: {  	_ =	shalt  }
0x41: {  	_ =	shalt  }
0x42: {  	_ =	shalt  }
0x43: {  	_ =	shalt  }
0x44: {  	_ =	shalt  }
0x45: {  	_ =	shalt  }
0x46: {  	_ =	shalt  }
0x47: {  	_ =	shalt  }
0x48: {  	_ =	shalt  }
0x49: {  	_ =	shalt  }
0x4a: {  	_ =	shalt  }
0x4b: {  	_ =	shalt  }
0x4c: {  	_ =	shalt  }
0x4d: {  	_ =	shalt  }
0x4e: {  	_ =	shalt  }
0x4f: {  	_ =	shalt  }
0x50: {  	_ =	shalt  }
0x51: {  	_ =	shalt  }
0x52: {  	_ =	shalt  }
0x53: {  	_ =	shalt  }
0x54: {  	_ =	shalt  }
0x55: {  	_ =	shalt  }
0x56: {  	_ =	shalt  }
0x57: {  	_ =	shalt  }
0x58: {  	_ =	shalt  }
0x59: {  	_ =	shalt  }
0x5a: {  	_ =	shalt  }
0x5b: {  	_ =	shalt  }
0x5c: {  	_ =	shalt  }
0x5d: {  	_ =	shalt  }
0x5e: {  	_ =	shalt  }
0x5f: {  	_ =	shalt  }
0x60: {  	_ =	shalt  }
0x61: {  	_ =	shalt  }
0x62: {  	_ =	shalt  }
0x63: {  	_ =	shalt  }
0x64: {  	_ =	shalt  }
0x65: {  	_ =	shalt  }
0x66: {  	_ =	shalt  }
0x67: {  	_ =	shalt  }
0x68: {  	_ =	shalt  }
0x69: {  	_ =	shalt  }
0x6a: {  	_ =	shalt  }
0x6b: {  	_ =	shalt  }
0x6c: {  	_ =	shalt  }
0x6d: {  	_ =	shalt  }
0x6e: {  	_ =	shalt  }
0x6f: {  	_ =	shalt  }
0x70: {  	_ =	shalt  }
0x71: {  	_ =	shalt  }
0x72: {  	_ =	shalt  }
0x73: {  	_ =	shalt  }
0x74: {  	_ =	shalt  }
0x75: {  	_ =	shalt  }
0x76: {  	_ =	shalt  }
0x77: {  	_ =	shalt  }
0x78: {  	_ =	shalt  }
0x79: {  	_ =	shalt  }
0x7a: {  	_ =	shalt  }
0x7b: {  	_ =	shalt  }
0x7c: {  	_ =	shalt  }
0x7d: {  	_ =	shalt  }
0x7e: {  	_ =	shalt  }
0x7f: {  	_ =	shalt  }
0x80: {  	_ =	shalt  }
0x81: {  	_ =	shalt  }
0x82: {  	_ =	shalt  }
0x83: {  	_ =	shalt  }
0x84: {  	_ =	shalt  }
0x85: {  	_ =	shalt  }
0x86: {  	_ =	shalt  }
0x87: {  	_ =	shalt  }
.Lfunc_end0:
.L_simem_size_0:
called_computation_lowered:
.L_overlay_start_0:
0x88: {  	s2 =	sld [smem:$0x3FD9]  }
0x89: {  	s3 =	sld [smem:$0x3FFE];
	_ =	sdelay $0x1  }
0x8a: {  	s1 =	srdreg.scid  }
0x8b: {  	s0 =	sand.u32 $0x1, s1  }
0x8c: {  	s17 =	sshll.u32 s0, $0xA;
	s2 =	sadd.s32 s3, s2  }
0x8d: {  	s2 =	sadd.s32 s2, s17  }
0x8e: {  	[smem:$0x3FBF] =	sst s2  }
0x8f: {  	_ = 	snop  }
0x90: {  	s2 =	sld [smem:$0x3FD0];
	(tm) =	ssettm $0x1  }
0x91: {  	s18 =	sld [smem:$0x3FFB];
	_ =	sdelay $0x3  }
0x92: {  	_ =	strace s18  }
0x93: {  	s3 =	sld [smem:$0x3FFC];
	_ =	sdelay $0x3  }
0x94: {  	_ =	strace s3  }
0x95: {  	s3 =	sld [smem:$0x3FFD];
	_ =	sdelay $0x3  }
0x96: {  	_ =	strace s3  }
0x97: {  	_ =	strace $0x8FFFFFFF  }
0x98: {  	s19 =	sld [smem:$0x3FDB];
	_ =	sdelay $0x1  }
0x99: {  	s4 =	simm.s32 $_scs_section_size  }
0x9a: {  	s5 =	simm.s32 $_size__tile_overlayer_lowered;
	s6 =	simm.s32 $_tile_overlayer_lowered  }
0x9b: {  	s22 =	simm.s32 $0x1BFF;
	s21 =	sshll.u32 s6, $0x1;
	s3 =	sadd.s32 s4, s19  }
0x9c: {  	s7 =	simm.s32 $0x0;
	s20 =	sshll.u32 s5, $0x1;
	s5 =	sadd.s32 s21, s3  }
0x9d: {  	[timem:s7], [sflag:s22] =	dma.local [hbm:s5], s20  }
0x9e: {  	_ =	swait.ge [sflag:s22], s20  }
0x9f: {  	s4 =	ssub.s32 $0x0, s20;
	[sflag:s22] =	ssyncset.done $0x0  }
0xa0: {  	[sflag:s22] =	ssyncadd.s32 s4;
	_ =	sdelay $0x1  }
0xa1: {  	s23 =	simm.s32 $0x1B8B  }
0xa2: {  	_ =	swait.ge [sflag:s23], $0x1  }
0xa3: {  	[sflag:s23] =	ssyncset.done $0x0  }
0xa4: {  	s25 =	simm.s32 $0x1B8E;
	s24 =	sld [smem:$0x3FFE];
	[sflag:s23] =	ssyncadd.s32 $0xFFFFFFFF  }
0xa5: {  	s26 =	simm.s32 $execute0_lowered;
	[smem:$0x3FD2] =	sst s25  }
0xa6: {  	s5 =	sshll.u32 s26, $0x1;
	_ =	strace $0x80000046;
	[dreg:$0x1] =	wrdreg $0xFFFFFFFF  }
0xa7: {  	s28 =	simm.s32 $_size_execute0_lowered;
	s3 =	sadd.s32 s3, s5;
	[dreg:$0x0] =	wrdreg $0x0  }
0xa8: {  	s5 =	sshll.u32 s28, $0x1;
	[dreg:$0x2] =	wrdreg s3  }
0xa9: {  	[dreg:$0x3] =	wrdreg s5  }
0xaa: {  	[dreg:$0x4] =	wrdreg $0xC0  }
0xab: {  	_ =	task [dreg:s7], $0x5FFFF  }
0xac: {  	[dreg:$0x1] =	wrdreg $0xFFFFFFFF  }
0xad: {  	[dreg:$0x0] =	wrdreg $0x60  }
0xae: {  	[dreg:$0x2] =	wrdreg s24  }
0xaf: {  	[dreg:$0x3] =	wrdreg s2  }
0xb0: {  	[dreg:$0x4] =	wrdreg $0x9  }
0xb1: {  	_ =	task.clear_ibuf [dreg:s7], $0x5FFFF;
	_ =	strace $0x90000046  }
0xb2: {  	s29 =	simm.s32 $0x9;
	_ =	strace $0x80000048  }
0xb3: {  	_ =	swait.ge [sflag:s29], $0x1  }
0xb4: {  	[sflag:s29] =	ssyncadd.s32 $0xFFFFFFFF  }
0xb5: {  	_ =	strace $0x90000048  }
0xb6: {  	_ =	sfence  }
0xb7: {  	s30 =	sld [smem:$0x0];
	_ =	sdelay $0x2  }
0xb8: {  	s31 =	sshll.u32 s1, $0xD;
	s1 =	sshrl.u32 s1, $0x2  }
0xb9: {  	s3 =	sand.u32 $0x4000, s31;
	s1 =	sadd.s32 s1, s30  }
0xba: {  	s0 =	sor.u32 s3, s0;
	s1 =	sshll.u32 s1, $0x11  }
0xbb: {  	s0 =	sor.u32 s1, s0  }
0xbc: {  	s0 =	sadd.s32 $0x8F2B, s0  }
0xbd: {  	[sflag:s0] =	ssyncadd.remote.s32 $0x1  }
0xbe: {  	_ =	sfence.sel $0xFFFF  }
0xbf: {  	[dreg:$0x0] =	wrdreg $0xFFFFFFFF;
	(pc) =	sbr.abs _section_cstart, $3  }
0xc0: {  	[dreg:$0x1] =	wrdreg $0xFFFFFFFF  }
0xc1: {  	_ =	task.clear_ibuf [dreg:s7], $0x2FFFF;
	_ =	strace $0x9FFFFFFF  }
0xc2: {  	(tm) =	ssettm $0x7FFFFFFF  }
0xc3: {  	_ =	shalt  }
tec
execute0_lowered:
.L_overlay_start_1:
0x0: {  	(tag) =	ssettag $0x1  }
0x1: {  	s0 =	srdreg.scid;
	s3 =	stileid.u32  }
0x2: {  	s0 =	sand.u32 $0x1, s0;
	s1 =	sshll.u32 s3, $0x1  }
0x3: {  	s1 =	sor.u32 s0, s1  }
0x4: {  	p1 =	seq.s32 s0, $0x1;
	p0 =	seq.s32 s1, $0x0  }
0x5: {  	p0 =	por !p0, !p1  }
0x6: {  	s4 =	rddreg [dreg:$0x0];
	s2 =	simm.s32 $0x1;
	p0 =	por !p0, !p0  }
0x7: {  	s5 =	rddreg [dreg:$0x1];
	s2 =	simm.s32 @!p0 $0x0  }
0x8: {  	s8 =	sadd.s32 $0x1400, s4;
	s3 =	ssub.s32 s3, s2;
	s2 =	simm.s32 $0x0  }
0x9: {  	s11 =	sadd.s32 $0x3400, s4;
	s12 =	sadd.s32 $0x3600, s4;
	[smem:$0x7FF] =	sst s2  }
0xa: {  	s7 =	sshll.u32 s0, $0xB;
	_ =	strace $0x80000047;
	[dreg:$0x3] =	wrdreg s8  }
0xb: {  	s7 =	sadd.s32 s7, s4;
	s1 =	sshll.u32 s1, $0x10;
	[dreg:$0x4] =	wrdreg s11  }
0xc: {  	s9 =	sadd.s32 s5, s1;
	s15 =	sadd.s32 $0x2400, s7;
	[dreg:$0x5] =	wrdreg s12  }
0xd: {  	s28 =	simm.s32 $0x2;
	s16 =	sadd.s32 $0x1000, s9;
	[dreg:$0x8] =	wrdreg s15  }
0xe: {  	s30 =	simm.s32 $0xC580;
	s17 =	sadd.s32 $0x2000, s9;
	[dreg:$0x9] =	wrdreg s16  }
0xf: {  	s31 =	simm.s32 $0x14580;
	s18 =	sadd.s32 $0x3000, s9;
	[dreg:$0xa] =	wrdreg s17  }
0x10: {  	s0 =	ssub.s32 $0x2, s0;
	s19 =	sadd.s32 $0x4000, s9;
	[dreg:$0xb] =	wrdreg s18  }
0x11: {  	s13 =	sshrl.u32 s0, $0x1;
	s20 =	sadd.s32 $0x5000, s9;
	[dreg:$0xc] =	wrdreg s19  }
0x12: {  	s0 =	ssub.s32 s0, s13;
	s21 =	sadd.s32 $0x6000, s9;
	[dreg:$0xd] =	wrdreg s20  }
0x13: {  	s1 =	simm.s32 $0x0;
	s22 =	sadd.s32 $0x7000, s9;
	[dreg:$0xe] =	wrdreg s21  }
0x14: {  	s23 =	sadd.s32 $0x8000, s9;
	s24 =	sadd.s32 $0x9000, s9;
	[dreg:$0xf] =	wrdreg s22  }
0x15: {  	s25 =	sadd.s32 $0xA000, s9;
	s26 =	sadd.s32 $0xB000, s9;
	[dreg:$0x10] =	wrdreg s23  }
0x16: {  	s6 =	sshll.u32 s3, $0xA;
	s3 =	sshll.u32 s3, $0x7;
	[dreg:$0x11] =	wrdreg s24  }
0x17: {  	s6 =	sand.u32 $0xFFFFE000, s6;
	s3 =	sand.u32 $0x380, s3;
	[dreg:$0x12] =	wrdreg s25  }
0x18: {  	s29 =	sadd.s32 $0xC000, s9;
	[dreg:$0x13] =	wrdreg s26;
	s6 =	sor.u32 s3, s6  }
0x19: {  	[dreg:$0x14] =	wrdreg s29;
	s23 =	sadd.s32 $0xD000, s9;
	s6 =	sshrl.u32 s6, $0x3  }
0x1a: {  	s24 =	sadd.s32 $0xE000, s9;
	s6 =	sadd.s32 s6, s4;
	s4 =	sadd.s32 $0xA00, s4  }
0x1b: {  	s25 =	smax.u32 s0, $0x1;
	[dreg:$0x6] =	wrdreg s4;
	s14 =	sadd.s32 $0xC00, s6  }
0x1c: {  	s26 =	sadd.s32 $0xF000, s9;
	s3 =	simm.s32 $0x1;
	[dreg:$0x7] =	wrdreg s14  }
.LBB2_1:
0x1d: {  	s0 =	rddreg [dreg:$0x7];
	s4 =	simm.s32 $0x80;
	s5 =	simm.s32 $0x400  }
0x1e: {  	[tilespmem:s2], [sflag:$0x1] =	stream.strided.gather [hbm4b:s0+s4], $0x400, s5, s4, $0x38;
	[tilespmem:$0x1C580] =	vst v63  }
0x1f: {  	s7 =	rddreg [dreg:$0x8]  }
0x20: {  	[tilespmem:s5], [sflag:$0x1] =	stream.linear.gather [hbm4b:s7+s2], $0x4000, $0x38;
	[tilespmem:$0x1C580] =	vst v63  }
0x21: {  	s8 =	rddreg [dreg:$0x4];
	s10 =	simm.s32 $0xC400  }
0x22: {  	[tilespmem:s10], [sflag:$0x1] =	stream.linear.gather [hbm4b:s8+s2], $0x80, $0x38;
	[tilespmem:$0x1C580] =	vst v63  }
0x23: {  	s11 =	rddreg [dreg:$0x5];
	s12 =	simm.s32 $0xC480  }
0x24: {  	[tilespmem:s12], [sflag:$0x1] =	stream.linear.gather [hbm4b:s11+s2], $0x80, $0x38;
	[tilespmem:$0x1C580] =	vst v63  }
0x25: {  	s13 =	rddreg [dreg:$0x6];
	s14 =	simm.s32 $0xC500  }
0x26: {  	[tilespmem:s14], [sflag:$0x1] =	stream.linear.gather [hbm4b:s13+s2], $0x80, $0x38;
	[tilespmem:$0x1C580] =	vst v63  }
0x27: {  	s15 =	rddreg [dreg:$0x3];
	s16 =	simm.s32 $0x4400  }
0x28: {  	[tilespmem:s16], [sflag:$0x2] =	stream.linear.gather [hbm4b:s15+s2], $0x8000, $0x38;
	[tilespmem:$0x1C580] =	vst v63  }
0x29: {  	_ =	swait.ge [sflag:s3], $0x400  }
0x2a: {  	[sflag:s3] =	ssyncset.done $0x0  }
0x2b: {  	[sflag:s3] =	ssyncadd.s32 $0xFFFFFC00  }
0x2c: {  	_ =	swait.ge [sflag:s3], $0x4000  }
0x2d: {  	[sflag:s3] =	ssyncset.done $0x0  }
0x2e: {  	[sflag:s3] =	ssyncadd.s32 $0xFFFFC000  }
0x2f: {  	_ =	swait.ge [sflag:s3], $0x80  }
0x30: {  	[sflag:s3] =	ssyncset.done $0x0  }
0x31: {  	[sflag:s3] =	ssyncadd.s32 $0xFFFFFF80  }
0x32: {  	_ =	swait.ge [sflag:s3], $0x80  }
0x33: {  	[sflag:s3] =	ssyncset.done $0x0  }
0x34: {  	[sflag:s3] =	ssyncadd.s32 $0xFFFFFF80  }
0x35: {  	_ =	swait.ge [sflag:s3], $0x80  }
0x36: {  	[sflag:s3] =	ssyncset.done $0x0  }
0x37: {  	[sflag:s3] =	ssyncadd.s32 $0xFFFFFF80  }
0x38: {  	v4 =	vld [tilespmem:$0xC400]  }
0x39: {  	s17 =	sand.u32 $0x70, s2;
	s18 =	sand.u32 $0x1C00, s2;
	v1 =	vld [tilespmem:$0xC480]  }
0x3a: {  	s0 =	sor.u32 s17, s18;
	v0 =	vld [tilespmem:s2+$0x0]  }
0x3b: {  	v3 =	vld [tilespmem:s0+$0x400]  }
0x3c: {  	v5 =	vld [tilespmem:s0+$0x480]  }
0x3d: {  	v6 =	vld [tilespmem:s0+$0x500]  }
0x3e: {  	v7 =	vld [tilespmem:s0+$0x580]  }
0x3f: {  	v8 =	vld [tilespmem:s0+$0x600]  }
0x40: {  	v9 =	vld [tilespmem:s0+$0x700];
	v2 =	vmul.f32 v0, v4;
	v0 =	vmul.f32 v3, v1  }
0x41: {  	v3 =	vld [tilespmem:s0+$0x680];
	v5 =	vmul.f32 v5, v1  }
0x42: {  	v6 =	vmul.f32 v6, v1;
	v10 =	vadd.f32 v0, v2  }
0x43: {  	v7 =	vmul.f32 v7, v1;
	v5 =	vadd.f32 v5, v2  }
0x44: {  	v8 =	vmul.f32 v8, v1;
	v0 =	vld [tilespmem:$0xC500];
	v6 =	vadd.f32 v6, v2;
	[tilespmem:s0+$0x400] =	vst v10  }
0x45: {  	[tilespmem:s0+$0x480] =	vst v5;
	v5 =	vadd.f32 v7, v2;
	v7 =	vmul.f32 v9, v1  }
0x46: {  	s19 =	simm.s32 $0x10;
	s6 =	simm.s32 $0x80;
	[tilespmem:s0+$0x500] =	vst v6;
	v6 =	vadd.f32 v8, v2;
	v3 =	vmul.f32 v3, v1  }
0x47: {  	s7 =	sand.u32 $0x70, s19;
	s8 =	sand.u32 $0x1C00, s6;
	[tilespmem:s0+$0x580] =	vst v5;
	v5 =	vadd.f32 v7, v2  }
0x48: {  	s4 =	sor.u32 s7, s8;
	[tilespmem:s0+$0x600] =	vst v6;
	v3 =	vadd.f32 v3, v2  }
0x49: {  	s20 =	sor.u32 s2, s2;
	v7 =	vld [tilespmem:s4+$0x480];
	[tilespmem:s0+$0x700] =	vst v5  }
0x4a: {  	s10 =	sor.u32 $0x380, s20;
	[tilespmem:s0+$0x680] =	vst v3;
	v3 =	vld [tilespmem:s19+$0x0]  }
0x4b: {  	v5 =	vld [tilespmem:s10+$0x400]  }
0x4c: {  	v6 =	vld [tilespmem:s4+$0x400]  }
0x4d: {  	v9 =	vld [tilespmem:s4+$0x580]  }
0x4e: {  	v8 =	vld [tilespmem:s4+$0x500]  }
0x4f: {  	v11 =	vld [tilespmem:s4+$0x680];
	v7 =	vmul.f32 v7, v1;
	v3 =	vmul.f32 v3, v4  }
0x50: {  	v10 =	vld [tilespmem:s4+$0x600];
	v5 =	vmul.f32 v5, v1  }
0x51: {  	v6 =	vmul.f32 v6, v1;
	v7 =	vadd.f32 v7, v3  }
0x52: {  	v12 =	vld [tilespmem:s4+$0x700];
	v9 =	vmul.f32 v9, v1;
	v5 =	vadd.f32 v5, v2  }
0x53: {  	v8 =	vmul.f32 v8, v1;
	v6 =	vadd.f32 v6, v3;
	[tilespmem:s4+$0x480] =	vst v7  }
0x54: {  	v7 =	vadd.f32 v9, v3;
	[tilespmem:s10+$0x400] =	vst v5  }
0x55: {  	[tilespmem:s4+$0x400] =	vst v6;
	v6 =	vmul.f32 v10, v1;
	v9 =	vmul.f32 v11, v1;
	v5 =	vadd.f32 v8, v3;
	v8 =	vld [tilespmem:s0+$0x2780]  }
0x56: {  	v10 =	vld [tilespmem:s0+$0x2400];
	[tilespmem:s4+$0x580] =	vst v7  }
0x57: {  	v11 =	vld [tilespmem:s0+$0x2480];
	v7 =	vadd.f32 v9, v3;
	[tilespmem:s4+$0x500] =	vst v5;
	v5 =	vadd.f32 v6, v3;
	v6 =	vmul.f32 v12, v1  }
0x58: {  	v9 =	vld [tilespmem:s0+$0x2500]  }
0x59: {  	v12 =	vld [tilespmem:s0+$0x2580];
	[tilespmem:s4+$0x680] =	vst v7;
	v6 =	vadd.f32 v6, v3  }
0x5a: {  	s29 =	simm.s32 $0x20;
	s5 =	sor.u32 s6, s19;
	s6 =	simm.s32 $0x100;
	v7 =	vld [tilespmem:s0+$0x2600];
	[tilespmem:s4+$0x600] =	vst v5;
	v8 =	vmul.f32 v8, v1  }
0x5b: {  	s21 =	sand.u32 $0x70, s29;
	s22 =	sand.u32 $0x1C00, s6;
	s7 =	sor.u32 $0x380, s5;
	v5 =	vld [tilespmem:s29+$0x0];
	[tilespmem:s4+$0x700] =	vst v6;
	v6 =	vmul.f32 v10, v1  }
0x5c: {  	s5 =	sor.u32 s21, s22;
	v10 =	vmul.f32 v11, v1;
	v14 =	vld [tilespmem:s7+$0x400];
	v11 =	vadd.f32 v8, v2  }
0x5d: {  	v13 =	vmul.f32 v9, v1;
	v8 =	vld [tilespmem:s5+$0x400];
	v6 =	vadd.f32 v6, v2  }
0x5e: {  	v9 =	vld [tilespmem:s5+$0x480];
	v15 =	vadd.f32 v10, v2;
	[tilespmem:s0+$0x2780] =	vst v11;
	v11 =	vmul.f32 v12, v1  }
0x5f: {  	v10 =	vld [tilespmem:s5+$0x500];
	v16 =	vadd.f32 v13, v2;
	v7 =	vmul.f32 v7, v1;
	[tilespmem:s0+$0x2400] =	vst v6  }
0x60: {  	v13 =	vld [tilespmem:s5+$0x580];
	[tilespmem:s0+$0x2480] =	vst v15;
	v6 =	vadd.f32 v11, v2  }
0x61: {  	s8 =	simm.s32 $0x30;
	s10 =	simm.s32 $0x20;
	[tilespmem:s0+$0x2500] =	vst v16;
	v7 =	vadd.f32 v7, v2;
	v11 =	vld [tilespmem:s5+$0x600];
	v12 =	vmul.f32 v14, v1  }
.LBB2_2:
0x62: {  	p0 =	sne.s32 s8, $0x3F0;
	v14 =	vmul.f32 v5, v4;
	v5 =	vmul.f32 v8, v1;
	v8 =	vld [tilespmem:s5+$0x680];
	[tilespmem:s0+$0x2580] =	vst v6  }
0x63: {  	v6 =	vmul.f32 v9, v1;
	v9 =	vld [tilespmem:s5+$0x700];
	v12 =	vadd.f32 v12, v3;
	[tilespmem:s0+$0x2600] =	vst v7  }
0x64: {  	v5 =	vadd.f32 v5, v14;
	v7 =	vmul.f32 v10, v1;
	v10 =	vld [tilespmem:s0+$0x2680]  }
0x65: {  	v6 =	vadd.f32 v6, v14;
	v13 =	vmul.f32 v13, v1;
	[tilespmem:s7+$0x400] =	vst v12;
	v12 =	vld [tilespmem:s0+$0x2700]  }
0x66: {  	[tilespmem:s5+$0x400] =	vst v5;
	v5 =	vadd.f32 v7, v14;
	v7 =	vmul.f32 v11, v1;
	v11 =	vld [tilespmem:s4+$0x2780]  }
0x67: {  	[tilespmem:s5+$0x480] =	vst v6;
	v6 =	vadd.f32 v13, v14;
	v8 =	vmul.f32 v8, v1;
	v13 =	vld [tilespmem:s4+$0x2400]  }
0x68: {  	[tilespmem:s5+$0x500] =	vst v5;
	v5 =	vadd.f32 v7, v14;
	v7 =	vmul.f32 v9, v1;
	v9 =	vld [tilespmem:s4+$0x2480]  }
0x69: {  	[tilespmem:s5+$0x580] =	vst v6;
	v6 =	vadd.f32 v8, v14;
	v15 =	vld [tilespmem:s4+$0x2500];
	v8 =	vmul.f32 v10, v1  }
0x6a: {  	[tilespmem:s5+$0x600] =	vst v5;
	v7 =	vadd.f32 v7, v14;
	v10 =	vld [tilespmem:s4+$0x2580];
	v12 =	vmul.f32 v12, v1  }
0x6b: {  	s10 =	sadd.s32 $0x10, s10;
	s7 =	sor.u32 s6, s29;
	s6 =	sadd.s32 $0x80, s6;
	[tilespmem:s5+$0x680] =	vst v6;
	v6 =	vld [tilespmem:s4+$0x2600];
	v11 =	vmul.f32 v11, v1;
	v8 =	vadd.f32 v8, v2  }
0x6c: {  	s11 =	sand.u32 $0x70, s8;
	s12 =	sand.u32 $0x1C00, s6;
	s7 =	sor.u32 $0x380, s7;
	v5 =	vld [tilespmem:s10+$0x0];
	[tilespmem:s5+$0x700] =	vst v7;
	v7 =	vmul.f32 v13, v1;
	v12 =	vadd.f32 v12, v2;
	v2 =	vmovc v3;
	v3 =	vmov v14  }
0x6d: {  	s29 =	smov.u32 s8;
	s11 =	sor.u32 s11, s12;
	v14 =	vld [tilespmem:s7+$0x400];
	v13 =	vmul.f32 v9, v1;
	v11 =	vadd.f32 v11, v2;
	[tilespmem:s0+$0x2680] =	vst v8  }
.Ltmp0:
0x6e: {  	v8 =	vld [tilespmem:s11+$0x400];
	v7 =	vadd.f32 v7, v2;
	v15 =	vmul.f32 v15, v1;
	[tilespmem:s0+$0x2700] =	vst v12;
	s0 =	smov.u32 s4;
	s4 =	smov.u32 s5;
	(pc) =	sbr.rel @p0 .LBB2_2-.Ltmp0, $4  }
0x6f: {  	s5 =	smov.u32 s11;
	v9 =	vld [tilespmem:s11+$0x480];
	v12 =	vadd.f32 v13, v2;
	v16 =	vmul.f32 v10, v1;
	[tilespmem:s0+$0x2780] =	vst v11  }
0x70: {  	v10 =	vld [tilespmem:s5+$0x500];
	[tilespmem:s0+$0x2400] =	vst v7;
	v7 =	vadd.f32 v15, v2;
	v15 =	vmul.f32 v6, v1  }
0x71: {  	v13 =	vld [tilespmem:s5+$0x580];
	[tilespmem:s0+$0x2480] =	vst v12;
	v6 =	vadd.f32 v16, v2  }
0x72: {  	s8 =	sadd.s32 $0x10, s8;
	v11 =	vld [tilespmem:s5+$0x600];
	v12 =	vmul.f32 v14, v1;
	[tilespmem:s0+$0x2500] =	vst v7;
	v7 =	vadd.f32 v15, v2  }
0x73: {  	v4 =	vmul.f32 v5, v4;
	v22 =	vmul.f32 v8, v1;
	v23 =	vld [tilespmem:s5+$0x680]  }
0x74: {  	v14 =	vld [tilespmem:s5+$0x700];
	v9 =	vmul.f32 v9, v1  }
0x75: {  	v5 =	vadd.f32 v22, v4;
	v10 =	vmul.f32 v10, v1  }
0x76: {  	v9 =	vadd.f32 v9, v4;
	v13 =	vmul.f32 v13, v1  }
0x77: {  	[tilespmem:s5+$0x400] =	vst v5;
	v24 =	vadd.f32 v10, v4;
	v25 =	vmul.f32 v11, v1  }
0x78: {  	[tilespmem:s5+$0x480] =	vst v9;
	v26 =	vadd.f32 v13, v4;
	v8 =	vmul.f32 v23, v1  }
0x79: {  	v28 =	vmul.f32 v14, v1;
	[tilespmem:s5+$0x500] =	vst v24;
	v27 =	vadd.f32 v25, v4  }
0x7a: {  	[tilespmem:s5+$0x580] =	vst v26;
	v8 =	vadd.f32 v8, v4  }
0x7b: {  	v29 =	vadd.f32 v28, v4;
	[tilespmem:s5+$0x600] =	vst v27  }
0x7c: {  	s6 =	sor.u32 s6, s29;
	[tilespmem:s5+$0x680] =	vst v8  }
0x7d: {  	s6 =	sor.u32 $0x380, s6;
	[tilespmem:s5+$0x700] =	vst v29  }
0x7e: {  	v30 =	vadd.f32 v12, v3;
	v5 =	vld [tilespmem:s6+$0x400]  }
0x7f: {  	v56 =	vld [tilespmem:s0+$0x2680]  }
0x80: {  	v58 =	vld [tilespmem:s0+$0x2700];
	[tilespmem:s7+$0x400] =	vst v30  }
0x81: {  	v32 =	vld [tilespmem:s4+$0x2480]  }
0x82: {  	v33 =	vld [tilespmem:s4+$0x2500]  }
0x83: {  	v34 =	vld [tilespmem:s4+$0x2580];
	v5 =	vmul.f32 v5, v1  }
0x84: {  	v35 =	vld [tilespmem:s4+$0x2600]  }
0x85: {  	v60 =	vld [tilespmem:s4+$0x2680];
	v5 =	vadd.f32 v5, v4  }
0x86: {  	v8 =	vld [tilespmem:s4+$0x2780];
	v38 =	vmul.f32 v32, v1  }
0x87: {  	v31 =	vld [tilespmem:s4+$0x2400];
	v40 =	vmul.f32 v33, v1;
	[tilespmem:s6+$0x400] =	vst v5  }
0x88: {  	[tilespmem:s0+$0x2580] =	vst v6;
	v12 =	vmul.f32 v34, v1;
	v6 =	vadd.f32 v38, v3;
	v37 =	vld [tilespmem:s5+$0x2780]  }
0x89: {  	[tilespmem:s0+$0x2600] =	vst v7;
	v44 =	vmul.f32 v35, v1;
	v43 =	vadd.f32 v40, v3;
	v39 =	vld [tilespmem:s5+$0x2400]  }
0x8a: {  	v7 =	vmul.f32 v60, v1;
	v46 =	vadd.f32 v12, v3;
	[tilespmem:s4+$0x2480] =	vst v6;
	v41 =	vld [tilespmem:s5+$0x2480]  }
0x8b: {  	v48 =	vadd.f32 v44, v3;
	[tilespmem:s4+$0x2500] =	vst v43;
	v8 =	vmul.f32 v8, v1;
	v42 =	vld [tilespmem:s5+$0x2500]  }
0x8c: {  	v36 =	vmul.f32 v31, v1;
	v7 =	vadd.f32 v7, v3;
	[tilespmem:s4+$0x2580] =	vst v46;
	v45 =	vld [tilespmem:s5+$0x2580]  }
0x8d: {  	[tilespmem:s4+$0x2600] =	vst v48;
	v8 =	vadd.f32 v8, v3;
	v47 =	vld [tilespmem:s5+$0x2600];
	v9 =	vmul.f32 v37, v1  }
0x8e: {  	v61 =	vld [tilespmem:s4+$0x2700];
	[tilespmem:s4+$0x2680] =	vst v7;
	v5 =	vadd.f32 v36, v3;
	v49 =	vmul.f32 v39, v1  }
0x8f: {  	[tilespmem:s4+$0x2780] =	vst v8;
	v62 =	vld [tilespmem:s5+$0x2680];
	v50 =	vmul.f32 v41, v1;
	v9 =	vadd.f32 v9, v4  }
0x90: {  	v63 =	vld [tilespmem:s5+$0x2700];
	[tilespmem:s4+$0x2400] =	vst v5;
	v52 =	vmul.f32 v42, v1;
	v51 =	vadd.f32 v49, v4  }
0x91: {  	v53 =	vmul.f32 v45, v1;
	v6 =	vadd.f32 v50, v4;
	[tilespmem:s5+$0x2780] =	vst v9  }
0x92: {  	v55 =	vmul.f32 v47, v1;
	v54 =	vadd.f32 v52, v4;
	[tilespmem:s5+$0x2400] =	vst v51  }
0x93: {  	v57 =	vadd.f32 v53, v4;
	[tilespmem:s5+$0x2480] =	vst v6;
	v9 =	vmul.f32 v56, v1  }
0x94: {  	v8 =	vmul.f32 v58, v1;
	v5 =	vmul.f32 v62, v1;
	v59 =	vadd.f32 v55, v4;
	[tilespmem:s5+$0x2500] =	vst v54  }
0x95: {  	[tilespmem:s5+$0x2580] =	vst v57;
	v6 =	vmul.f32 v61, v1;
	v1 =	vmul.f32 v63, v1;
	v9 =	vadd.f32 v9, v2  }
0x96: {  	[tilespmem:s5+$0x2600] =	vst v59;
	v2 =	vadd.f32 v8, v2  }
0x97: {  	v1 =	vadd.f32 v1, v4;
	[tilespmem:s0+$0x2680] =	vst v9  }
0x98: {  	[tilespmem:s0+$0x2700] =	vst v2;
	v2 =	vadd.f32 v6, v3  }
0x99: {  	v3 =	vadd.f32 v5, v4;
	[tilespmem:s5+$0x2700] =	vst v1  }
0x9a: {  	[tilespmem:s4+$0x2700] =	vst v2  }
0x9b: {  	[tilespmem:s5+$0x2680] =	vst v3  }
0x9c: {  	_ =	swait.ge [sflag:s28], $0x8000  }
0x9d: {  	s29 =	simm.s32 $0x0;
	s0 =	simm.s32 $0x10;
	[sflag:s28] =	ssyncset.done $0x0  }
0x9e: {  	s5 =	simm.s32 $0x0;
	s4 =	simm.s32 $0x0;
	[sflag:s28] =	ssyncadd.s32 $0xFFFF8000  }
.LBB2_4:
0x9f: {  	s6 =	sshll.u32 s4, $0x2;
	s12 =	sand.u32 $0x3, s29;
	s7 =	sshll.u32 s5, $0x7  }
0xa0: {  	s10 =	sshll.u32 s5, $0x4;
	s6 =	sand.u32 $0xFFFFF000, s6;
	s8 =	sshll.u32 s12, $0x7  }
0xa1: {  	s11 =	sand.u32 $0x1C00, s7;
	s7 =	sand.u32 $0x60, s10;
	s10 =	sor.u32 $0x380, s10  }
0xa2: {  	s6 =	sor.u32 s8, s6;
	s8 =	sadd.s32 $0x400, s11;
	s21 =	sor.u32 s10, s4  }
0xa3: {  	s11 =	sor.u32 $0x300, s7;
	s20 =	sor.u32 s7, s8;
	v3 =	vld [tilespmem:s21+$0x4400]  }
0xa4: {  	s15 =	sshrl.u32 s6, $0x2;
	s17 =	sor.u32 s11, s4;
	v2 =	vld [tilespmem:s20+$0x0]  }
0xa5: {  	s13 =	sadd.s32 $0x4580, s15;
	v4 =	vld [tilespmem:s17+$0x4400]  }
0xa6: {  	v1 =	vld [tilespmem:s13+$0x100]  }
0xa7: {  	v6 =	vld [tilespmem:s13+$0xFFFFFF80]  }
0xa8: {  	v5 =	vld [tilespmem:s13+$0xFFFFFF00]  }
0xa9: {  	v8 =	vld [tilespmem:s13+$0x80]  }
0xaa: {  	v7 =	vld [tilespmem:s13+$0x0];
	v3 =	vmul.f32 v3, v0  }
0xab: {  	v1 =	vmul.f32 v1, v0  }
0xac: {  	s19 =	sadd.s32 $0x2000, s4;
	v9 =	vld [tilespmem:s13+$0xFFFFFE80];
	s20 =	sadd.s32 $0x2000, s13;
	v3 =	vadd.f32 v3, v2;
	v6 =	vmul.f32 v6, v0  }
0xad: {  	s14 =	sor.u32 s10, s19;
	v10 =	vld [tilespmem:s20+$0x100];
	v4 =	vmul.f32 v4, v0;
	v1 =	vadd.f32 v1, v2  }
0xae: {  	v11 =	vld [tilespmem:s14+$0x4400];
	s16 =	sadd.s32 $0xC700, s15;
	s13 =	sor.u32 s11, s19;
	v5 =	vmul.f32 v5, v0;
	v8 =	vmul.f32 v8, v0;
	[tilespmem:s21+$0xC580] =	vst v3;
	v13 =	vadd.f32 v6, v2  }
0xaf: {  	v12 =	vld [tilespmem:s13+$0x4400];
	v7 =	vmul.f32 v7, v0;
	[tilespmem:s16+$0x100] =	vst v1;
	v1 =	vadd.f32 v4, v2  }
0xb0: {  	v63 =	vadd.f32 v8, v2;
	v4 =	vadd.f32 v5, v2;
	v5 =	vld [tilespmem:s20+$0xFFFFFF00];
	[tilespmem:s16+$0xFFFFFF80] =	vst v13  }
0xb1: {  	v6 =	vld [tilespmem:s20+$0xFFFFFF80];
	[tilespmem:s17+$0xC580] =	vst v1;
	v1 =	vadd.f32 v7, v2;
	v7 =	vmul.f32 v9, v0  }
0xb2: {  	s18 =	simm.s32 $0x8;
	s22 =	sshll.u32 s12, $0x5;
	v3 =	vld [tilespmem:s20+$0x0];
	[tilespmem:s16+$0x80] =	vst v63;
	v9 =	vmul.f32 v10, v0  }
0xb3: {  	s12 =	sadd.s32 s22, s0;
	s6 =	sadd.s32 $0xC710, s15;
	s15 =	sadd.s32 $0x4590, s15;
	[tilespmem:s16+$0xFFFFFF00] =	vst v4;
	v4 =	vld [tilespmem:s20+$0x80];
	v10 =	vmul.f32 v11, v0;
	v11 =	vadd.f32 v7, v2  }
0xb4: {  	s19 =	sadd.s32 $0x2000, s19;
	s17 =	sadd.s32 $0x2000, s16;
	[tilespmem:s16+$0x0] =	vst v1;
	v7 =	vld [tilespmem:s20+$0xFFFFFE80];
	v8 =	vadd.f32 v9, v2;
	v9 =	vmul.f32 v12, v0;
	s20 =	sadd.s32 $0x2000, s20  }
.LBB2_5:
0xb5: {  	v1 =	vld [tilespmem:s20+$0x100];
	s21 =	sor.u32 s11, s19;
	s22 =	sor.u32 s10, s19;
	s18 =	sadd.s32 $0x8, s18;
	v5 =	vmul.f32 v5, v0;
	v10 =	vadd.f32 v10, v2;
	[tilespmem:s16+$0xFFFFFE80] =	vst v11  }
0xb6: {  	s16 =	smov.u32 s17;
	v11 =	vld [tilespmem:s22+$0x4400];
	p0 =	slt.u32 s18, $0x18;
	v6 =	vmul.f32 v6, v0;
	[tilespmem:s17+$0x100] =	vst v8;
	v8 =	vadd.f32 v9, v2  }
0xb7: {  	v9 =	vld [tilespmem:s21+$0x4400];
	v12 =	vadd.f32 v5, v2;
	v3 =	vmul.f32 v3, v0;
	[tilespmem:s14+$0xC580] =	vst v10;
	s14 =	smov.u32 s22  }
.Ltmp1:
0xb8: {  	v5 =	vld [tilespmem:s20+$0xFFFFFF00];
	v10 =	vadd.f32 v6, v2;
	v4 =	vmul.f32 v4, v0;
	[tilespmem:s13+$0xC580] =	vst v8;
	s13 =	smov.u32 s21;
	(pc) =	sbr.rel @p0 .LBB2_5-.Ltmp1, $4  }
0xb9: {  	v6 =	vld [tilespmem:s20+$0xFFFFFF80];
	v7 =	vmul.f32 v7, v0;
	[tilespmem:s17+$0xFFFFFF00] =	vst v12;
	v8 =	vadd.f32 v3, v2  }
0xba: {  	v3 =	vld [tilespmem:s20+$0x0];
	v1 =	vmul.f32 v1, v0;
	[tilespmem:s17+$0xFFFFFF80] =	vst v10;
	v12 =	vadd.f32 v4, v2  }
0xbb: {  	v4 =	vld [tilespmem:s20+$0x80];
	v10 =	vmul.f32 v11, v0;
	v11 =	vadd.f32 v7, v2;
	[tilespmem:s17+$0x0] =	vst v8  }
0xbc: {  	s19 =	sadd.s32 $0x2000, s19;
	s17 =	sadd.s32 $0x2000, s17;
	v7 =	vld [tilespmem:s20+$0xFFFFFE80];
	v8 =	vadd.f32 v1, v2;
	v9 =	vmul.f32 v9, v0;
	s20 =	sadd.s32 $0x2000, s20;
	[tilespmem:s16+$0x80] =	vst v12  }
0xbd: {  	s7 =	sadd.s32 s7, s8;
	[tilespmem:s16+$0xFFFFFE80] =	vst v11;
	v11 =	vld [tilespmem:s15+$0x100]  }
0xbe: {  	v5 =	vmul.f32 v5, v0;
	v10 =	vadd.f32 v10, v2;
	s10 =	sor.u32 $0x380, s12;
	v1 =	vld [tilespmem:s7+$0x10]  }
0xbf: {  	s11 =	sor.u32 $0x300, s12;
	v6 =	vmul.f32 v6, v0;
	[tilespmem:s17+$0x100] =	vst v8;
	v8 =	vadd.f32 v9, v2;
	v9 =	vld [tilespmem:s10+$0x4400]  }
0xc0: {  	v5 =	vadd.f32 v5, v2;
	v3 =	vmul.f32 v3, v0;
	[tilespmem:s14+$0xC580] =	vst v10;
	v10 =	vld [tilespmem:s11+$0x4400]  }
0xc1: {  	v6 =	vadd.f32 v6, v2;
	v4 =	vmul.f32 v4, v0;
	[tilespmem:s13+$0xC580] =	vst v8;
	v8 =	vld [tilespmem:s15+$0xFFFFFF00]  }
0xc2: {  	v7 =	vmul.f32 v7, v0;
	[tilespmem:s17+$0xFFFFFF00] =	vst v5;
	v3 =	vadd.f32 v3, v2;
	v5 =	vld [tilespmem:s15+$0xFFFFFF80]  }
0xc3: {  	[tilespmem:s17+$0xFFFFFF80] =	vst v6;
	v4 =	vadd.f32 v4, v2;
	v6 =	vld [tilespmem:s15+$0x0];
	v11 =	vmul.f32 v11, v0  }
0xc4: {  	v2 =	vadd.f32 v7, v2;
	[tilespmem:s17+$0x0] =	vst v3;
	v7 =	vld [tilespmem:s15+$0x80];
	v3 =	vmul.f32 v9, v0  }
0xc5: {  	s21 =	sadd.s32 $0x2000, s12;
	s22 =	sadd.s32 $0x2000, s15;
	[tilespmem:s17+$0x80] =	vst v4;
	v4 =	vld [tilespmem:s15+$0xFFFFFE80];
	v9 =	vadd.f32 v11, v1;
	v10 =	vmul.f32 v10, v0  }
0xc6: {  	s7 =	sor.u32 $0x380, s21;
	v11 =	vld [tilespmem:s22+$0x100];
	[tilespmem:s17+$0xFFFFFE80] =	vst v2;
	v2 =	vmul.f32 v8, v0;
	v3 =	vadd.f32 v3, v1  }
0xc7: {  	s8 =	sor.u32 $0x300, s21;
	v8 =	vld [tilespmem:s7+$0x4400];
	v5 =	vmul.f32 v5, v0;
	[tilespmem:s6+$0x100] =	vst v9;
	v9 =	vadd.f32 v10, v1  }
0xc8: {  	v12 =	vld [tilespmem:s8+$0x4400];
	v2 =	vadd.f32 v2, v1;
	v6 =	vmul.f32 v6, v0;
	[tilespmem:s10+$0xC580] =	vst v3  }
0xc9: {  	v3 =	vld [tilespmem:s22+$0xFFFFFF00];
	v10 =	vadd.f32 v5, v1;
	v7 =	vmul.f32 v7, v0;
	[tilespmem:s11+$0xC580] =	vst v9  }
0xca: {  	v5 =	vld [tilespmem:s22+$0xFFFFFF80];
	[tilespmem:s6+$0xFFFFFF00] =	vst v2;
	v6 =	vadd.f32 v6, v1;
	v9 =	vmul.f32 v4, v0  }
0xcb: {  	v2 =	vld [tilespmem:s22+$0x0];
	v11 =	vmul.f32 v11, v0;
	[tilespmem:s6+$0xFFFFFF80] =	vst v10;
	v13 =	vadd.f32 v7, v1  }
0xcc: {  	s12 =	sadd.s32 $0x2000, s21;
	v4 =	vld [tilespmem:s22+$0x80];
	v7 =	vmul.f32 v8, v0;
	[tilespmem:s6+$0x0] =	vst v6;
	v10 =	vadd.f32 v9, v1  }
0xcd: {  	s13 =	sadd.s32 $0x2000, s22;
	s10 =	sadd.s32 $0x2000, s6;
	s11 =	simm.s32 $0x8;
	v6 =	vld [tilespmem:s22+$0xFFFFFE80];
	v8 =	vadd.f32 v11, v1;
	v9 =	vmul.f32 v12, v0;
	[tilespmem:s6+$0x80] =	vst v13  }
.LBB2_7:
0xce: {  	v11 =	vld [tilespmem:s13+$0x100];
	s14 =	sor.u32 $0x300, s12;
	s15 =	sor.u32 $0x380, s12;
	s11 =	sadd.s32 $0x8, s11;
	v3 =	vmul.f32 v3, v0;
	v7 =	vadd.f32 v7, v1;
	[tilespmem:s6+$0xFFFFFE80] =	vst v10  }
0xcf: {  	s6 =	smov.u32 s10;
	v10 =	vld [tilespmem:s15+$0x4400];
	p0 =	slt.u32 s11, $0x18;
	v5 =	vmul.f32 v5, v0;
	[tilespmem:s10+$0x100] =	vst v8;
	v8 =	vadd.f32 v9, v1  }
0xd0: {  	v9 =	vld [tilespmem:s14+$0x4400];
	v12 =	vadd.f32 v3, v1;
	v2 =	vmul.f32 v2, v0;
	[tilespmem:s7+$0xC580] =	vst v7;
	s7 =	smov.u32 s15  }
.Ltmp2:
0xd1: {  	v3 =	vld [tilespmem:s13+$0xFFFFFF00];
	v7 =	vadd.f32 v5, v1;
	v4 =	vmul.f32 v4, v0;
	[tilespmem:s8+$0xC580] =	vst v8;
	s8 =	smov.u32 s14;
	(pc) =	sbr.rel @p0 .LBB2_7-.Ltmp2, $4  }
0xd2: {  	v5 =	vld [tilespmem:s13+$0xFFFFFF80];
	v6 =	vmul.f32 v6, v0;
	[tilespmem:s10+$0xFFFFFF00] =	vst v12;
	v8 =	vadd.f32 v2, v1  }
0xd3: {  	v2 =	vld [tilespmem:s13+$0x0];
	v11 =	vmul.f32 v11, v0;
	[tilespmem:s10+$0xFFFFFF80] =	vst v7;
	v12 =	vadd.f32 v4, v1  }
0xd4: {  	v4 =	vld [tilespmem:s13+$0x80];
	v7 =	vmul.f32 v10, v0;
	v10 =	vadd.f32 v6, v1;
	[tilespmem:s10+$0x0] =	vst v8  }
0xd5: {  	s12 =	sadd.s32 $0x2000, s12;
	s10 =	sadd.s32 $0x2000, s10;
	v6 =	vld [tilespmem:s13+$0xFFFFFE80];
	v8 =	vadd.f32 v11, v1;
	v9 =	vmul.f32 v9, v0;
	s13 =	sadd.s32 $0x2000, s13;
	[tilespmem:s6+$0x80] =	vst v12  }
0xd6: {  	v3 =	vmul.f32 v3, v0;
	v7 =	vadd.f32 v7, v1;
	[tilespmem:s6+$0xFFFFFE80] =	vst v10  }
0xd7: {  	v5 =	vmul.f32 v5, v0;
	[tilespmem:s10+$0x100] =	vst v8;
	v63 =	vadd.f32 v9, v1  }
0xd8: {  	v3 =	vadd.f32 v3, v1;
	v2 =	vmul.f32 v2, v0;
	[tilespmem:s7+$0xC580] =	vst v7  }
0xd9: {  	p0 =	slt.u32 s5, $0x3E;
	v5 =	vadd.f32 v5, v1;
	v4 =	vmul.f32 v4, v0;
	[tilespmem:s8+$0xC580] =	vst v63  }
.Ltmp3:
0xda: {  	v6 =	vmul.f32 v6, v0;
	[tilespmem:s10+$0xFFFFFF00] =	vst v3;
	v2 =	vadd.f32 v2, v1;
	(pc) =	sbr.rel @p0 .LBB2_4-.Ltmp3, $4  }
0xdb: {  	[tilespmem:s10+$0xFFFFFF80] =	vst v5;
	v3 =	vadd.f32 v4, v1  }
0xdc: {  	v1 =	vadd.f32 v6, v1;
	[tilespmem:s10+$0x0] =	vst v2  }
0xdd: {  	s22 =	sadd.s32 $0x2, s5;
	s4 =	sadd.s32 $0x100, s4;
	[tilespmem:s10+$0x80] =	vst v3  }
0xde: {  	s29 =	sadd.s32 $0x1, s29;
	s0 =	sadd.s32 $0x100, s0;
	s5 =	smov.u32 s22;
	[tilespmem:s10+$0xFFFFFE80] =	vst v1  }
0xdf: {  	s5 =	simm.s32 $0x0;
	s0 =	simm.s32 $0x0;
	s4 =	simm.s32 $0x0  }
0xe0: {  	[hbm4b:s9+s5] =	stream.linear.scatter [tilespmem:s30], [sflag:$0x1], $0x8000, $0x38;
	[tilespmem:$0x1C580] =	vst v63  }
.LBB2_10:
0xe1: {  	s6 =	sshll.u32 s4, $0x7;
	s7 =	sshll.u32 s5, $0x7  }
0xe2: {  	s22 =	sshll.u32 s5, $0x4;
	s14 =	sand.u32 $0x3FFFFC00, s0;
	s7 =	sand.u32 $0x1C00, s7  }
0xe3: {  	s8 =	sand.u32 $0x180, s6;
	s6 =	sand.u32 $0x60, s22;
	s7 =	sadd.s32 $0x400, s7  }
0xe4: {  	s11 =	sadd.s32 $0x4780, s14;
	s10 =	sshrl.u32 s8, $0x2;
	s12 =	sor.u32 s6, s7  }
0xe5: {  	s8 =	sadd.s32 s10, s11;
	v3 =	vld [tilespmem:s12+$0x80]  }
0xe6: {  	v1 =	vld [tilespmem:s8+$0x0]  }
0xe7: {  	v2 =	vld [tilespmem:s8+$0xFFFFFC80]  }
0xe8: {  	v4 =	vld [tilespmem:s8+$0xFFFFFD00]  }
0xe9: {  	v5 =	vld [tilespmem:s8+$0xFFFFFD80]  }
0xea: {  	v6 =	vld [tilespmem:s8+$0xFFFFFE00];
	_ =	sdelay $0x1  }
0xeb: {  	v8 =	vld [tilespmem:s8+$0xFFFFFE80];
	v1 =	vmul.f32 v1, v0  }
0xec: {  	s13 =	sadd.s32 $0x2000, s11;
	v9 =	vld [tilespmem:s8+$0xFFFFFF00];
	v2 =	vmul.f32 v2, v0  }
0xed: {  	s29 =	sadd.s32 $0xC580, s14;
	s12 =	sadd.s32 s10, s13;
	v10 =	vld [tilespmem:s8+$0xFFFFFF80];
	v4 =	vmul.f32 v4, v0;
	v1 =	vadd.f32 v1, v3  }
0xee: {  	s11 =	sadd.s32 s10, s29;
	v12 =	vld [tilespmem:s12+$0x0];
	v5 =	vmul.f32 v5, v0;
	v13 =	vmul.f32 v6, v0;
	v11 =	vadd.f32 v2, v3  }
0xef: {  	v2 =	vld [tilespmem:s12+$0xFFFFFC80];
	v4 =	vadd.f32 v4, v3;
	[tilespmem:s11+$0x8380] =	vst v1  }
0xf0: {  	v7 =	vld [tilespmem:s12+$0xFFFFFD00];
	v13 =	vadd.f32 v13, v3;
	[tilespmem:s11+$0x8000] =	vst v11;
	v1 =	vadd.f32 v5, v3;
	v5 =	vmul.f32 v8, v0  }
0xf1: {  	v6 =	vld [tilespmem:s12+$0xFFFFFD80];
	v14 =	vmul.f32 v9, v0;
	[tilespmem:s11+$0x8080] =	vst v4  }
0xf2: {  	s16 =	simm.s32 $0x8;
	v4 =	vld [tilespmem:s12+$0xFFFFFE00];
	v11 =	vmul.f32 v10, v0;
	[tilespmem:s11+$0x8180] =	vst v13;
	v9 =	vadd.f32 v5, v3  }
0xf3: {  	s15 =	smov.u32 s29;
	s8 =	sadd.s32 $0x4790, s14;
	s14 =	smov.u32 s10;
	v8 =	vmul.f32 v12, v0;
	v10 =	vadd.f32 v14, v3;
	[tilespmem:s11+$0x8100] =	vst v1;
	v5 =	vld [tilespmem:s12+$0xFFFFFE80]  }
.LBB2_11:
0xf4: {  	s16 =	sadd.s32 $0x8, s16;
	v1 =	vmul.f32 v2, v0;
	v12 =	vld [tilespmem:s12+$0xFFFFFF00];
	s13 =	sadd.s32 $0x2000, s13;
	[tilespmem:s11+$0x8200] =	vst v9;
	v2 =	vadd.f32 v11, v3  }
0xf5: {  	s15 =	sadd.s32 $0x2000, s15;
	p0 =	slt.u32 s16, $0x18;
	v7 =	vmul.f32 v7, v0;
	v11 =	vld [tilespmem:s12+$0xFFFFFF80];
	s12 =	sadd.s32 s10, s13;
	v8 =	vadd.f32 v8, v3;
	[tilespmem:s11+$0x8280] =	vst v10  }
0xf6: {  	v10 =	vld [tilespmem:s12+$0x0];
	v1 =	vadd.f32 v1, v3;
	v6 =	vmul.f32 v6, v0;
	[tilespmem:s11+$0x8300] =	vst v2;
	s11 =	sadd.s32 s14, s15;
	s14 =	smov.u32 s10  }
.Ltmp4:
0xf7: {  	v2 =	vld [tilespmem:s12+$0xFFFFFC80];
	v9 =	vadd.f32 v7, v3;
	v4 =	vmul.f32 v4, v0;
	[tilespmem:s11+$0x8380] =	vst v8;
	(pc) =	sbr.rel @p0 .LBB2_11-.Ltmp4, $4  }
0xf8: {  	v7 =	vld [tilespmem:s12+$0xFFFFFD00];
	[tilespmem:s11+$0x8000] =	vst v1;
	v1 =	vadd.f32 v6, v3;
	v5 =	vmul.f32 v5, v0  }
0xf9: {  	v6 =	vld [tilespmem:s12+$0xFFFFFD80];
	[tilespmem:s11+$0x8080] =	vst v9;
	v13 =	vadd.f32 v4, v3;
	v12 =	vmul.f32 v12, v0  }
0xfa: {  	v4 =	vld [tilespmem:s12+$0xFFFFFE00];
	[tilespmem:s11+$0x8100] =	vst v1;
	v9 =	vadd.f32 v5, v3;
	v11 =	vmul.f32 v11, v0  }
0xfb: {  	v5 =	vld [tilespmem:s12+$0xFFFFFE80];
	v8 =	vmul.f32 v10, v0;
	[tilespmem:s11+$0x8180] =	vst v13;
	v10 =	vadd.f32 v12, v3  }
0xfc: {  	v1 =	vmov s10;
	_ =	sdelay $0x1  }
0xfd: {  	v12 =	vld [tilespmem:s12+$0xFFFFFF00]  }
0xfe: {  	v13 =	vld [tilespmem:s12+$0xFFFFFF80];
	s6 =	sadd.s32 s6, s7  }
0xff: {  	v14 =	vmul.f32 v2, v0;
	[tilespmem:s11+$0x8200] =	vst v9;
	v9 =	vadd.f32 v11, v3;
	v2 =	vld [tilespmem:s6+$0x90]  }
0x100: {  	s21 =	sadd.s32 $0x2000, s15;
	v7 =	vmul.f32 v7, v0;
	v8 =	vadd.f32 v8, v3;
	[tilespmem:s11+$0x8280] =	vst v10;
	v10 =	vld.idx.msk [tilespmem:v1+s8+$0x0 ss:$0x1], $0xffff  }
0x101: {  	s6 =	sadd.s32 s14, s21;
	v11 =	vadd.f32 v14, v3;
	v6 =	vmul.f32 v6, v0;
	[tilespmem:s11+$0x8300] =	vst v9;
	v9 =	vld.idx.msk [tilespmem:v1+s8+$0xFFFFFD00 ss:$0x1], $0xffff  }
0x102: {  	v7 =	vadd.f32 v7, v3;
	v4 =	vmul.f32 v4, v0;
	[tilespmem:s6+$0x8380] =	vst v8;
	v8 =	vld.idx.msk [tilespmem:v1+s8+$0xFFFFFD80 ss:$0x1], $0xffff  }
0x103: {  	[tilespmem:s6+$0x8000] =	vst v11;
	v6 =	vadd.f32 v6, v3;
	v5 =	vmul.f32 v5, v0;
	v11 =	vld.idx.msk [tilespmem:v1+s8+$0xFFFFFE00 ss:$0x1], $0xffff  }
0x104: {  	[tilespmem:s6+$0x8080] =	vst v7;
	v4 =	vadd.f32 v4, v3;
	v7 =	vmul.f32 v12, v0;
	v12 =	vld.idx.msk [tilespmem:v1+s8+$0xFFFFFE80 ss:$0x1], $0xffff  }
0x105: {  	v14 =	vld.idx.msk [tilespmem:v1+s8+$0xFFFFFF80 ss:$0x1], $0xffff;
	[tilespmem:s6+$0x8100] =	vst v6;
	v5 =	vadd.f32 v5, v3;
	v6 =	vmul.f32 v13, v0  }
0x106: {  	s22 =	sadd.s32 $0x2000, s8;
	v13 =	vld.idx.msk [tilespmem:v1+s8+$0xFFFFFF00 ss:$0x1], $0xffff;
	[tilespmem:s6+$0x8180] =	vst v4;
	v4 =	vadd.f32 v7, v3;
	v7 =	vmul.f32 v10, v0  }
0x107: {  	v15 =	vld.idx.msk [tilespmem:v1+s22+$0xFFFFFD00 ss:$0x1], $0xffff;
	[tilespmem:s6+$0x8200] =	vst v5;
	v3 =	vadd.f32 v6, v3;
	v6 =	vmul.f32 v9, v0  }
0x108: {  	v5 =	vld.idx.msk [tilespmem:v1+s8+$0xFFFFFC80 ss:$0x1], $0xffff;
	[tilespmem:s6+$0x8280] =	vst v4;
	v4 =	vmul.f32 v8, v0;
	v8 =	vadd.f32 v7, v2  }
0x109: {  	v9 =	vld.idx.msk [tilespmem:v1+s22+$0x0 ss:$0x1], $0xffff;
	[tilespmem:s6+$0x8300] =	vst v3;
	v10 =	vmul.f32 v11, v0;
	v3 =	vadd.f32 v6, v2  }
0x10a: {  	v12 =	vmul.f32 v12, v0;
	v7 =	vld.idx.msk [tilespmem:v1+s22+$0xFFFFFD80 ss:$0x1], $0xffff;
	v11 =	vadd.f32 v4, v2;
	[tilespmem:v1+s29+$0x8390 ss:$0x1] =	vst.idx.msk $0xffff, v8  }
0x10b: {  	v6 =	vld.idx.msk [tilespmem:v1+s22+$0xFFFFFE00 ss:$0x1], $0xffff;
	[tilespmem:v1+s29+$0x8090 ss:$0x1] =	vst.idx.msk $0xffff, v3;
	v8 =	vadd.f32 v10, v2;
	v10 =	vmul.f32 v13, v0  }
0x10c: {  	v4 =	vld.idx.msk [tilespmem:v1+s22+$0xFFFFFE80 ss:$0x1], $0xffff;
	[tilespmem:v1+s29+$0x8110 ss:$0x1] =	vst.idx.msk $0xffff, v11;
	v11 =	vadd.f32 v12, v2;
	v12 =	vmul.f32 v14, v0  }
0x10d: {  	v3 =	vld.idx.msk [tilespmem:v1+s22+$0xFFFFFF00 ss:$0x1], $0xffff;
	v13 =	vmul.f32 v5, v0;
	[tilespmem:v1+s29+$0x8190 ss:$0x1] =	vst.idx.msk $0xffff, v8;
	v14 =	vadd.f32 v10, v2  }
0x10e: {  	v5 =	vld.idx.msk [tilespmem:v1+s22+$0xFFFFFF80 ss:$0x1], $0xffff;
	v9 =	vmul.f32 v9, v0;
	[tilespmem:v1+s29+$0x8210 ss:$0x1] =	vst.idx.msk $0xffff, v11;
	v10 =	vadd.f32 v12, v2  }
0x10f: {  	s7 =	sadd.s32 $0x2000, s22;
	s6 =	simm.s32 $0x8;
	v8 =	vld.idx.msk [tilespmem:v1+s22+$0xFFFFFC80 ss:$0x1], $0xffff;
	v11 =	vmul.f32 v15, v0;
	v12 =	vadd.f32 v13, v2;
	[tilespmem:v1+s29+$0x8290 ss:$0x1] =	vst.idx.msk $0xffff, v14  }
.LBB2_13:
0x110: {  	v13 =	vld.idx.msk [tilespmem:v1+s7+$0x0 ss:$0x1], $0xffff;
	s6 =	sadd.s32 $0x8, s6;
	v14 =	vmul.f32 v7, v0;
	v9 =	vadd.f32 v9, v2;
	[tilespmem:v1+s29+$0x8310 ss:$0x1] =	vst.idx.msk $0xffff, v10  }
0x111: {  	v15 =	vld.idx.msk [tilespmem:v1+s7+$0xFFFFFD00 ss:$0x1], $0xffff;
	p0 =	slt.u32 s6, $0x18;
	v10 =	vadd.f32 v11, v2;
	v11 =	vmul.f32 v6, v0;
	[tilespmem:v1+s29+$0x8010 ss:$0x1] =	vst.idx.msk $0xffff, v12;
	s29 =	sadd.s32 $0x2000, s29  }
0x112: {  	v7 =	vld.idx.msk [tilespmem:v1+s7+$0xFFFFFD80 ss:$0x1], $0xffff;
	v12 =	vadd.f32 v14, v2;
	v14 =	vmul.f32 v4, v0;
	[tilespmem:v1+s29+$0x8390 ss:$0x1] =	vst.idx.msk $0xffff, v9  }
.Ltmp5:
0x113: {  	v6 =	vld.idx.msk [tilespmem:v1+s7+$0xFFFFFE00 ss:$0x1], $0xffff;
	[tilespmem:v1+s29+$0x8090 ss:$0x1] =	vst.idx.msk $0xffff, v10;
	v9 =	vadd.f32 v11, v2;
	v10 =	vmul.f32 v3, v0;
	(pc) =	sbr.rel @p0 .LBB2_13-.Ltmp5, $4  }
0x114: {  	v4 =	vld.idx.msk [tilespmem:v1+s7+$0xFFFFFE80 ss:$0x1], $0xffff;
	[tilespmem:v1+s29+$0x8110 ss:$0x1] =	vst.idx.msk $0xffff, v12;
	v11 =	vadd.f32 v14, v2;
	v12 =	vmul.f32 v5, v0  }
0x115: {  	v14 =	vmul.f32 v8, v0;
	v3 =	vld.idx.msk [tilespmem:v1+s7+$0xFFFFFF00 ss:$0x1], $0xffff;
	[tilespmem:v1+s29+$0x8190 ss:$0x1] =	vst.idx.msk $0xffff, v9;
	v16 =	vadd.f32 v10, v2  }
0x116: {  	v9 =	vmul.f32 v13, v0;
	v5 =	vld.idx.msk [tilespmem:v1+s7+$0xFFFFFF80 ss:$0x1], $0xffff;
	[tilespmem:v1+s29+$0x8210 ss:$0x1] =	vst.idx.msk $0xffff, v11;
	v10 =	vadd.f32 v12, v2  }
0x117: {  	v11 =	vmul.f32 v15, v0;
	v12 =	vadd.f32 v14, v2;
	v8 =	vld.idx.msk [tilespmem:v1+s7+$0xFFFFFC80 ss:$0x1], $0xffff;
	s7 =	sadd.s32 $0x2000, s7;
	[tilespmem:v1+s29+$0x8290 ss:$0x1] =	vst.idx.msk $0xffff, v16  }
0x118: {  	_ =	sdelay $0x3  }
0x119: {  	v7 =	vmul.f32 v7, v0;
	v9 =	vadd.f32 v9, v2;
	[tilespmem:v1+s29+$0x8310 ss:$0x1] =	vst.idx.msk $0xffff, v10  }
0x11a: {  	v6 =	vmul.f32 v6, v0;
	s6 =	sadd.s32 $0x2000, s29;
	v61 =	vadd.f32 v11, v2;
	[tilespmem:v1+s29+$0x8010 ss:$0x1] =	vst.idx.msk $0xffff, v12  }
0x11b: {  	v4 =	vmul.f32 v4, v0;
	v7 =	vadd.f32 v7, v2;
	[tilespmem:v1+s6+$0x8390 ss:$0x1] =	vst.idx.msk $0xffff, v9  }
0x11c: {  	v6 =	vadd.f32 v6, v2;
	v3 =	vmul.f32 v3, v0;
	[tilespmem:v1+s6+$0x8090 ss:$0x1] =	vst.idx.msk $0xffff, v61  }
0x11d: {  	p0 =	slt.u32 s5, $0x3E;
	v4 =	vadd.f32 v4, v2;
	v5 =	vmul.f32 v5, v0;
	[tilespmem:v1+s6+$0x8110 ss:$0x1] =	vst.idx.msk $0xffff, v7  }
.Ltmp6:
0x11e: {  	v62 =	vmul.f32 v8, v0;
	[tilespmem:v1+s6+$0x8190 ss:$0x1] =	vst.idx.msk $0xffff, v6;
	v3 =	vadd.f32 v3, v2;
	(pc) =	sbr.rel @p0 .LBB2_10-.Ltmp6, $4  }
0x11f: {  	[tilespmem:v1+s6+$0x8210 ss:$0x1] =	vst.idx.msk $0xffff, v4;
	v63 =	vadd.f32 v5, v2  }
0x120: {  	v2 =	vadd.f32 v62, v2;
	[tilespmem:v1+s6+$0x8290 ss:$0x1] =	vst.idx.msk $0xffff, v3  }
0x121: {  	[tilespmem:v1+s6+$0x8310 ss:$0x1] =	vst.idx.msk $0xffff, v63  }
0x122: {  	s5 =	sadd.s32 $0x2, s5;
	s4 =	sadd.s32 $0x1, s4;
	s0 =	sadd.s32 $0x100, s0;
	[tilespmem:v1+s6+$0x8010 ss:$0x1] =	vst.idx.msk $0xffff, v2  }
0x123: {  	s29 =	simm.s32 $0x0;
	s0 =	rddreg [dreg:$0x9]  }
0x124: {  	[hbm4b:s0+s29] =	stream.linear.scatter [tilespmem:s31], [sflag:$0x2], $0x8000, $0x38;
	[tilespmem:$0x1C580] =	vst v63  }
0x125: {  	_ =	swait.ge [sflag:s3], $0x8000  }
0x126: {  	s4 =	simm.s32 $0x0;
	[sflag:s3] =	ssyncset.done $0x0  }
0x127: {  	s5 =	simm.s32 $0x0;
	s0 =	simm.s32 $0x10;
	[sflag:s3] =	ssyncadd.s32 $0xFFFF8000  }
.LBB2_16:
0x128: {  	s6 =	sshll.u32 s5, $0x2;
	s12 =	sand.u32 $0x3, s4;
	s7 =	sshll.u32 s29, $0x7  }
0x129: {  	s10 =	sshll.u32 s29, $0x4;
	s6 =	sand.u32 $0xFFFFF000, s6;
	s8 =	sshll.u32 s12, $0x7  }
0x12a: {  	s11 =	sand.u32 $0x1C00, s7;
	s7 =	sand.u32 $0x60, s10;
	s10 =	sor.u32 $0x380, s10  }
0x12b: {  	s6 =	sor.u32 s8, s6;
	s8 =	sadd.s32 $0x400, s11;
	s21 =	sor.u32 s10, s5  }
0x12c: {  	s11 =	sor.u32 $0x300, s7;
	s20 =	sor.u32 s7, s8;
	v3 =	vld [tilespmem:s21+$0x4400]  }
0x12d: {  	s15 =	sshrl.u32 s6, $0x2;
	s17 =	sor.u32 s11, s5;
	v2 =	vld [tilespmem:s20+$0x100]  }
0x12e: {  	s13 =	sadd.s32 $0x4580, s15;
	v4 =	vld [tilespmem:s17+$0x4400]  }
0x12f: {  	v1 =	vld [tilespmem:s13+$0x100]  }
0x130: {  	v6 =	vld [tilespmem:s13+$0xFFFFFF80]  }
0x131: {  	v5 =	vld [tilespmem:s13+$0xFFFFFF00]  }
0x132: {  	v8 =	vld [tilespmem:s13+$0x80]  }
0x133: {  	v7 =	vld [tilespmem:s13+$0x0];
	v3 =	vmul.f32 v3, v0  }
0x134: {  	v1 =	vmul.f32 v1, v0  }
0x135: {  	s19 =	sadd.s32 $0x2000, s5;
	v9 =	vld [tilespmem:s13+$0xFFFFFE80];
	s20 =	sadd.s32 $0x2000, s13;
	v3 =	vadd.f32 v3, v2;
	v6 =	vmul.f32 v6, v0  }
0x136: {  	s14 =	sor.u32 s10, s19;
	v10 =	vld [tilespmem:s20+$0x100];
	v4 =	vmul.f32 v4, v0;
	v1 =	vadd.f32 v1, v2  }
0x137: {  	v11 =	vld [tilespmem:s14+$0x4400];
	s16 =	sadd.s32 $0xC700, s15;
	s13 =	sor.u32 s11, s19;
	v5 =	vmul.f32 v5, v0;
	v8 =	vmul.f32 v8, v0;
	[tilespmem:s21+$0xC580] =	vst v3;
	v13 =	vadd.f32 v6, v2  }
0x138: {  	v12 =	vld [tilespmem:s13+$0x4400];
	v7 =	vmul.f32 v7, v0;
	[tilespmem:s16+$0x100] =	vst v1;
	v1 =	vadd.f32 v4, v2  }
0x139: {  	v63 =	vadd.f32 v8, v2;
	v4 =	vadd.f32 v5, v2;
	v5 =	vld [tilespmem:s20+$0xFFFFFF00];
	[tilespmem:s16+$0xFFFFFF80] =	vst v13  }
0x13a: {  	v6 =	vld [tilespmem:s20+$0xFFFFFF80];
	[tilespmem:s17+$0xC580] =	vst v1;
	v1 =	vadd.f32 v7, v2;
	v7 =	vmul.f32 v9, v0  }
0x13b: {  	s18 =	simm.s32 $0x8;
	s22 =	sshll.u32 s12, $0x5;
	v3 =	vld [tilespmem:s20+$0x0];
	[tilespmem:s16+$0x80] =	vst v63;
	v9 =	vmul.f32 v10, v0  }
0x13c: {  	s12 =	sadd.s32 s22, s0;
	s6 =	sadd.s32 $0xC710, s15;
	s15 =	sadd.s32 $0x4590, s15;
	[tilespmem:s16+$0xFFFFFF00] =	vst v4;
	v4 =	vld [tilespmem:s20+$0x80];
	v10 =	vmul.f32 v11, v0;
	v11 =	vadd.f32 v7, v2  }
0x13d: {  	s19 =	sadd.s32 $0x2000, s19;
	s17 =	sadd.s32 $0x2000, s16;
	[tilespmem:s16+$0x0] =	vst v1;
	v7 =	vld [tilespmem:s20+$0xFFFFFE80];
	v8 =	vadd.f32 v9, v2;
	v9 =	vmul.f32 v12, v0;
	s20 =	sadd.s32 $0x2000, s20  }
.LBB2_17:
0x13e: {  	v1 =	vld [tilespmem:s20+$0x100];
	s21 =	sor.u32 s11, s19;
	s22 =	sor.u32 s10, s19;
	s18 =	sadd.s32 $0x8, s18;
	v5 =	vmul.f32 v5, v0;
	v10 =	vadd.f32 v10, v2;
	[tilespmem:s16+$0xFFFFFE80] =	vst v11  }
0x13f: {  	s16 =	smov.u32 s17;
	v11 =	vld [tilespmem:s22+$0x4400];
	p0 =	slt.u32 s18, $0x18;
	v6 =	vmul.f32 v6, v0;
	[tilespmem:s17+$0x100] =	vst v8;
	v8 =	vadd.f32 v9, v2  }
0x140: {  	v9 =	vld [tilespmem:s21+$0x4400];
	v12 =	vadd.f32 v5, v2;
	v3 =	vmul.f32 v3, v0;
	[tilespmem:s14+$0xC580] =	vst v10;
	s14 =	smov.u32 s22  }
.Ltmp7:
0x141: {  	v5 =	vld [tilespmem:s20+$0xFFFFFF00];
	v10 =	vadd.f32 v6, v2;
	v4 =	vmul.f32 v4, v0;
	[tilespmem:s13+$0xC580] =	vst v8;
	s13 =	smov.u32 s21;
	(pc) =	sbr.rel @p0 .LBB2_17-.Ltmp7, $4  }
0x142: {  	v6 =	vld [tilespmem:s20+$0xFFFFFF80];
	v7 =	vmul.f32 v7, v0;
	[tilespmem:s17+$0xFFFFFF00] =	vst v12;
	v8 =	vadd.f32 v3, v2  }
0x143: {  	v3 =	vld [tilespmem:s20+$0x0];
	v1 =	vmul.f32 v1, v0;
	[tilespmem:s17+$0xFFFFFF80] =	vst v10;
	v12 =	vadd.f32 v4, v2  }
0x144: {  	v4 =	vld [tilespmem:s20+$0x80];
	v10 =	vmul.f32 v11, v0;
	v11 =	vadd.f32 v7, v2;
	[tilespmem:s17+$0x0] =	vst v8  }
0x145: {  	s19 =	sadd.s32 $0x2000, s19;
	s17 =	sadd.s32 $0x2000, s17;
	v7 =	vld [tilespmem:s20+$0xFFFFFE80];
	v8 =	vadd.f32 v1, v2;
	v9 =	vmul.f32 v9, v0;
	s20 =	sadd.s32 $0x2000, s20;
	[tilespmem:s16+$0x80] =	vst v12  }
0x146: {  	s7 =	sadd.s32 s7, s8;
	[tilespmem:s16+$0xFFFFFE80] =	vst v11;
	v11 =	vld [tilespmem:s15+$0x100]  }
0x147: {  	v5 =	vmul.f32 v5, v0;
	v10 =	vadd.f32 v10, v2;
	s10 =	sor.u32 $0x380, s12;
	v1 =	vld [tilespmem:s7+$0x110]  }
0x148: {  	s11 =	sor.u32 $0x300, s12;
	v6 =	vmul.f32 v6, v0;
	[tilespmem:s17+$0x100] =	vst v8;
	v8 =	vadd.f32 v9, v2;
	v9 =	vld [tilespmem:s10+$0x4400]  }
0x149: {  	v5 =	vadd.f32 v5, v2;
	v3 =	vmul.f32 v3, v0;
	[tilespmem:s14+$0xC580] =	vst v10;
	v10 =	vld [tilespmem:s11+$0x4400]  }
0x14a: {  	v6 =	vadd.f32 v6, v2;
	v4 =	vmul.f32 v4, v0;
	[tilespmem:s13+$0xC580] =	vst v8;
	v8 =	vld [tilespmem:s15+$0xFFFFFF00]  }
0x14b: {  	v7 =	vmul.f32 v7, v0;
	[tilespmem:s17+$0xFFFFFF00] =	vst v5;
	v3 =	vadd.f32 v3, v2;
	v5 =	vld [tilespmem:s15+$0xFFFFFF80]  }
0x14c: {  	[tilespmem:s17+$0xFFFFFF80] =	vst v6;
	v4 =	vadd.f32 v4, v2;
	v6 =	vld [tilespmem:s15+$0x0];
	v11 =	vmul.f32 v11, v0  }
0x14d: {  	v2 =	vadd.f32 v7, v2;
	[tilespmem:s17+$0x0] =	vst v3;
	v7 =	vld [tilespmem:s15+$0x80];
	v3 =	vmul.f32 v9, v0  }
0x14e: {  	s21 =	sadd.s32 $0x2000, s12;
	s22 =	sadd.s32 $0x2000, s15;
	[tilespmem:s17+$0x80] =	vst v4;
	v4 =	vld [tilespmem:s15+$0xFFFFFE80];
	v9 =	vadd.f32 v11, v1;
	v10 =	vmul.f32 v10, v0  }
0x14f: {  	s7 =	sor.u32 $0x380, s21;
	v11 =	vld [tilespmem:s22+$0x100];
	[tilespmem:s17+$0xFFFFFE80] =	vst v2;
	v2 =	vmul.f32 v8, v0;
	v3 =	vadd.f32 v3, v1  }
0x150: {  	s8 =	sor.u32 $0x300, s21;
	v8 =	vld [tilespmem:s7+$0x4400];
	v5 =	vmul.f32 v5, v0;
	[tilespmem:s6+$0x100] =	vst v9;
	v9 =	vadd.f32 v10, v1  }
0x151: {  	v12 =	vld [tilespmem:s8+$0x4400];
	v2 =	vadd.f32 v2, v1;
	v6 =	vmul.f32 v6, v0;
	[tilespmem:s10+$0xC580] =	vst v3  }
0x152: {  	v3 =	vld [tilespmem:s22+$0xFFFFFF00];
	v10 =	vadd.f32 v5, v1;
	v7 =	vmul.f32 v7, v0;
	[tilespmem:s11+$0xC580] =	vst v9  }
0x153: {  	v5 =	vld [tilespmem:s22+$0xFFFFFF80];
	[tilespmem:s6+$0xFFFFFF00] =	vst v2;
	v6 =	vadd.f32 v6, v1;
	v9 =	vmul.f32 v4, v0  }
0x154: {  	v2 =	vld [tilespmem:s22+$0x0];
	v11 =	vmul.f32 v11, v0;
	[tilespmem:s6+$0xFFFFFF80] =	vst v10;
	v13 =	vadd.f32 v7, v1  }
0x155: {  	s12 =	sadd.s32 $0x2000, s21;
	v4 =	vld [tilespmem:s22+$0x80];
	v7 =	vmul.f32 v8, v0;
	[tilespmem:s6+$0x0] =	vst v6;
	v10 =	vadd.f32 v9, v1  }
0x156: {  	s13 =	sadd.s32 $0x2000, s22;
	s10 =	sadd.s32 $0x2000, s6;
	s11 =	simm.s32 $0x8;
	v6 =	vld [tilespmem:s22+$0xFFFFFE80];
	v8 =	vadd.f32 v11, v1;
	v9 =	vmul.f32 v12, v0;
	[tilespmem:s6+$0x80] =	vst v13  }
.LBB2_19:
0x157: {  	v11 =	vld [tilespmem:s13+$0x100];
	s14 =	sor.u32 $0x300, s12;
	s15 =	sor.u32 $0x380, s12;
	s11 =	sadd.s32 $0x8, s11;
	v3 =	vmul.f32 v3, v0;
	v7 =	vadd.f32 v7, v1;
	[tilespmem:s6+$0xFFFFFE80] =	vst v10  }
0x158: {  	s6 =	smov.u32 s10;
	v10 =	vld [tilespmem:s15+$0x4400];
	p0 =	slt.u32 s11, $0x18;
	v5 =	vmul.f32 v5, v0;
	[tilespmem:s10+$0x100] =	vst v8;
	v8 =	vadd.f32 v9, v1  }
0x159: {  	v9 =	vld [tilespmem:s14+$0x4400];
	v12 =	vadd.f32 v3, v1;
	v2 =	vmul.f32 v2, v0;
	[tilespmem:s7+$0xC580] =	vst v7;
	s7 =	smov.u32 s15  }
.Ltmp8:
0x15a: {  	v3 =	vld [tilespmem:s13+$0xFFFFFF00];
	v7 =	vadd.f32 v5, v1;
	v4 =	vmul.f32 v4, v0;
	[tilespmem:s8+$0xC580] =	vst v8;
	s8 =	smov.u32 s14;
	(pc) =	sbr.rel @p0 .LBB2_19-.Ltmp8, $4  }
0x15b: {  	v5 =	vld [tilespmem:s13+$0xFFFFFF80];
	v6 =	vmul.f32 v6, v0;
	[tilespmem:s10+$0xFFFFFF00] =	vst v12;
	v8 =	vadd.f32 v2, v1  }
0x15c: {  	v2 =	vld [tilespmem:s13+$0x0];
	v11 =	vmul.f32 v11, v0;
	[tilespmem:s10+$0xFFFFFF80] =	vst v7;
	v12 =	vadd.f32 v4, v1  }
0x15d: {  	v4 =	vld [tilespmem:s13+$0x80];
	v7 =	vmul.f32 v10, v0;
	v10 =	vadd.f32 v6, v1;
	[tilespmem:s10+$0x0] =	vst v8  }
0x15e: {  	s12 =	sadd.s32 $0x2000, s12;
	s10 =	sadd.s32 $0x2000, s10;
	v6 =	vld [tilespmem:s13+$0xFFFFFE80];
	v8 =	vadd.f32 v11, v1;
	v9 =	vmul.f32 v9, v0;
	s13 =	sadd.s32 $0x2000, s13;
	[tilespmem:s6+$0x80] =	vst v12  }
0x15f: {  	v3 =	vmul.f32 v3, v0;
	v7 =	vadd.f32 v7, v1;
	[tilespmem:s6+$0xFFFFFE80] =	vst v10  }
0x160: {  	v5 =	vmul.f32 v5, v0;
	[tilespmem:s10+$0x100] =	vst v8;
	v63 =	vadd.f32 v9, v1  }
0x161: {  	v3 =	vadd.f32 v3, v1;
	v2 =	vmul.f32 v2, v0;
	[tilespmem:s7+$0xC580] =	vst v7  }
0x162: {  	p0 =	slt.u32 s29, $0x3E;
	v5 =	vadd.f32 v5, v1;
	v4 =	vmul.f32 v4, v0;
	[tilespmem:s8+$0xC580] =	vst v63  }
.Ltmp9:
0x163: {  	v6 =	vmul.f32 v6, v0;
	[tilespmem:s10+$0xFFFFFF00] =	vst v3;
	v2 =	vadd.f32 v2, v1;
	(pc) =	sbr.rel @p0 .LBB2_16-.Ltmp9, $4  }
0x164: {  	[tilespmem:s10+$0xFFFFFF80] =	vst v5;
	v3 =	vadd.f32 v4, v1  }
0x165: {  	v1 =	vadd.f32 v6, v1;
	[tilespmem:s10+$0x0] =	vst v2  }
0x166: {  	s22 =	sadd.s32 $0x2, s29;
	s5 =	sadd.s32 $0x100, s5;
	[tilespmem:s10+$0x80] =	vst v3  }
0x167: {  	s4 =	sadd.s32 $0x1, s4;
	s0 =	sadd.s32 $0x100, s0;
	s29 =	smov.u32 s22;
	[tilespmem:s10+$0xFFFFFE80] =	vst v1  }
0x168: {  	s0 =	simm.s32 $0x0;
	s4 =	rddreg [dreg:$0xa]  }
0x169: {  	[hbm4b:s4+s0] =	stream.linear.scatter [tilespmem:s30], [sflag:$0x1], $0x8000, $0x38;
	[tilespmem:$0x1C580] =	vst v63  }
0x16a: {  	_ =	swait.ge [sflag:s28], $0x8000  }
0x16b: {  	[sflag:s28] =	ssyncset.done $0x0  }
0x16c: {  	s5 =	simm.s32 $0x0;
	s4 =	simm.s32 $0x0;
	[sflag:s28] =	ssyncadd.s32 $0xFFFF8000  }
.LBB2_22:
0x16d: {  	s6 =	sshll.u32 s5, $0x7;
	s7 =	sshll.u32 s0, $0x7  }
0x16e: {  	s22 =	sshll.u32 s0, $0x4;
	s14 =	sand.u32 $0x3FFFFC00, s4;
	s7 =	sand.u32 $0x1C00, s7  }
0x16f: {  	s8 =	sand.u32 $0x180, s6;
	s6 =	sand.u32 $0x60, s22;
	s7 =	sadd.s32 $0x400, s7  }
0x170: {  	s11 =	sadd.s32 $0x4780, s14;
	s10 =	sshrl.u32 s8, $0x2;
	s12 =	sor.u32 s6, s7  }
0x171: {  	s8 =	sadd.s32 s10, s11;
	v3 =	vld [tilespmem:s12+$0x180]  }
0x172: {  	v1 =	vld [tilespmem:s8+$0x0]  }
0x173: {  	v2 =	vld [tilespmem:s8+$0xFFFFFC80]  }
0x174: {  	v4 =	vld [tilespmem:s8+$0xFFFFFD00]  }
0x175: {  	v5 =	vld [tilespmem:s8+$0xFFFFFD80]  }
0x176: {  	v6 =	vld [tilespmem:s8+$0xFFFFFE00];
	_ =	sdelay $0x1  }
0x177: {  	v8 =	vld [tilespmem:s8+$0xFFFFFE80];
	v1 =	vmul.f32 v1, v0  }
0x178: {  	s13 =	sadd.s32 $0x2000, s11;
	v9 =	vld [tilespmem:s8+$0xFFFFFF00];
	v2 =	vmul.f32 v2, v0  }
0x179: {  	s29 =	sadd.s32 $0xC580, s14;
	s12 =	sadd.s32 s10, s13;
	v10 =	vld [tilespmem:s8+$0xFFFFFF80];
	v4 =	vmul.f32 v4, v0;
	v1 =	vadd.f32 v1, v3  }
0x17a: {  	s11 =	sadd.s32 s10, s29;
	v12 =	vld [tilespmem:s12+$0x0];
	v5 =	vmul.f32 v5, v0;
	v13 =	vmul.f32 v6, v0;
	v11 =	vadd.f32 v2, v3  }
0x17b: {  	v2 =	vld [tilespmem:s12+$0xFFFFFC80];
	v4 =	vadd.f32 v4, v3;
	[tilespmem:s11+$0x8380] =	vst v1  }
0x17c: {  	v7 =	vld [tilespmem:s12+$0xFFFFFD00];
	v13 =	vadd.f32 v13, v3;
	[tilespmem:s11+$0x8000] =	vst v11;
	v1 =	vadd.f32 v5, v3;
	v5 =	vmul.f32 v8, v0  }
0x17d: {  	v6 =	vld [tilespmem:s12+$0xFFFFFD80];
	v14 =	vmul.f32 v9, v0;
	[tilespmem:s11+$0x8080] =	vst v4  }
0x17e: {  	s16 =	simm.s32 $0x8;
	v4 =	vld [tilespmem:s12+$0xFFFFFE00];
	v11 =	vmul.f32 v10, v0;
	[tilespmem:s11+$0x8180] =	vst v13;
	v9 =	vadd.f32 v5, v3  }
0x17f: {  	s15 =	smov.u32 s29;
	s8 =	sadd.s32 $0x4790, s14;
	s14 =	smov.u32 s10;
	v8 =	vmul.f32 v12, v0;
	v10 =	vadd.f32 v14, v3;
	[tilespmem:s11+$0x8100] =	vst v1;
	v5 =	vld [tilespmem:s12+$0xFFFFFE80]  }
.LBB2_23:
0x180: {  	s16 =	sadd.s32 $0x8, s16;
	v1 =	vmul.f32 v2, v0;
	v12 =	vld [tilespmem:s12+$0xFFFFFF00];
	s13 =	sadd.s32 $0x2000, s13;
	[tilespmem:s11+$0x8200] =	vst v9;
	v2 =	vadd.f32 v11, v3  }
0x181: {  	s15 =	sadd.s32 $0x2000, s15;
	p0 =	slt.u32 s16, $0x18;
	v7 =	vmul.f32 v7, v0;
	v11 =	vld [tilespmem:s12+$0xFFFFFF80];
	s12 =	sadd.s32 s10, s13;
	v8 =	vadd.f32 v8, v3;
	[tilespmem:s11+$0x8280] =	vst v10  }
0x182: {  	v10 =	vld [tilespmem:s12+$0x0];
	v1 =	vadd.f32 v1, v3;
	v6 =	vmul.f32 v6, v0;
	[tilespmem:s11+$0x8300] =	vst v2;
	s11 =	sadd.s32 s14, s15;
	s14 =	smov.u32 s10  }
.Ltmp10:
0x183: {  	v2 =	vld [tilespmem:s12+$0xFFFFFC80];
	v9 =	vadd.f32 v7, v3;
	v4 =	vmul.f32 v4, v0;
	[tilespmem:s11+$0x8380] =	vst v8;
	(pc) =	sbr.rel @p0 .LBB2_23-.Ltmp10, $4  }
0x184: {  	v7 =	vld [tilespmem:s12+$0xFFFFFD00];
	[tilespmem:s11+$0x8000] =	vst v1;
	v1 =	vadd.f32 v6, v3;
	v5 =	vmul.f32 v5, v0  }
0x185: {  	v6 =	vld [tilespmem:s12+$0xFFFFFD80];
	[tilespmem:s11+$0x8080] =	vst v9;
	v13 =	vadd.f32 v4, v3;
	v12 =	vmul.f32 v12, v0  }
0x186: {  	v4 =	vld [tilespmem:s12+$0xFFFFFE00];
	[tilespmem:s11+$0x8100] =	vst v1;
	v9 =	vadd.f32 v5, v3;
	v11 =	vmul.f32 v11, v0  }
0x187: {  	v5 =	vld [tilespmem:s12+$0xFFFFFE80];
	v8 =	vmul.f32 v10, v0;
	[tilespmem:s11+$0x8180] =	vst v13;
	v10 =	vadd.f32 v12, v3  }
0x188: {  	v1 =	vmov s10;
	_ =	sdelay $0x1  }
0x189: {  	v12 =	vld [tilespmem:s12+$0xFFFFFF00]  }
0x18a: {  	v13 =	vld [tilespmem:s12+$0xFFFFFF80];
	s6 =	sadd.s32 s6, s7  }
0x18b: {  	v14 =	vmul.f32 v2, v0;
	[tilespmem:s11+$0x8200] =	vst v9;
	v9 =	vadd.f32 v11, v3;
	v2 =	vld [tilespmem:s6+$0x190]  }
0x18c: {  	s21 =	sadd.s32 $0x2000, s15;
	v7 =	vmul.f32 v7, v0;
	v8 =	vadd.f32 v8, v3;
	[tilespmem:s11+$0x8280] =	vst v10;
	v10 =	vld.idx.msk [tilespmem:v1+s8+$0x0 ss:$0x1], $0xffff  }
0x18d: {  	s6 =	sadd.s32 s14, s21;
	v11 =	vadd.f32 v14, v3;
	v6 =	vmul.f32 v6, v0;
	[tilespmem:s11+$0x8300] =	vst v9;
	v9 =	vld.idx.msk [tilespmem:v1+s8+$0xFFFFFD00 ss:$0x1], $0xffff  }
0x18e: {  	v7 =	vadd.f32 v7, v3;
	v4 =	vmul.f32 v4, v0;
	[tilespmem:s6+$0x8380] =	vst v8;
	v8 =	vld.idx.msk [tilespmem:v1+s8+$0xFFFFFD80 ss:$0x1], $0xffff  }
0x18f: {  	[tilespmem:s6+$0x8000] =	vst v11;
	v6 =	vadd.f32 v6, v3;
	v5 =	vmul.f32 v5, v0;
	v11 =	vld.idx.msk [tilespmem:v1+s8+$0xFFFFFE00 ss:$0x1], $0xffff  }
0x190: {  	[tilespmem:s6+$0x8080] =	vst v7;
	v4 =	vadd.f32 v4, v3;
	v7 =	vmul.f32 v12, v0;
	v12 =	vld.idx.msk [tilespmem:v1+s8+$0xFFFFFE80 ss:$0x1], $0xffff  }
0x191: {  	v14 =	vld.idx.msk [tilespmem:v1+s8+$0xFFFFFF80 ss:$0x1], $0xffff;
	[tilespmem:s6+$0x8100] =	vst v6;
	v5 =	vadd.f32 v5, v3;
	v6 =	vmul.f32 v13, v0  }
0x192: {  	s22 =	sadd.s32 $0x2000, s8;
	v13 =	vld.idx.msk [tilespmem:v1+s8+$0xFFFFFF00 ss:$0x1], $0xffff;
	[tilespmem:s6+$0x8180] =	vst v4;
	v4 =	vadd.f32 v7, v3;
	v7 =	vmul.f32 v10, v0  }
0x193: {  	v15 =	vld.idx.msk [tilespmem:v1+s22+$0xFFFFFD00 ss:$0x1], $0xffff;
	[tilespmem:s6+$0x8200] =	vst v5;
	v3 =	vadd.f32 v6, v3;
	v6 =	vmul.f32 v9, v0  }
0x194: {  	v5 =	vld.idx.msk [tilespmem:v1+s8+$0xFFFFFC80 ss:$0x1], $0xffff;
	[tilespmem:s6+$0x8280] =	vst v4;
	v4 =	vmul.f32 v8, v0;
	v8 =	vadd.f32 v7, v2  }
0x195: {  	v9 =	vld.idx.msk [tilespmem:v1+s22+$0x0 ss:$0x1], $0xffff;
	[tilespmem:s6+$0x8300] =	vst v3;
	v10 =	vmul.f32 v11, v0;
	v3 =	vadd.f32 v6, v2  }
0x196: {  	v12 =	vmul.f32 v12, v0;
	v7 =	vld.idx.msk [tilespmem:v1+s22+$0xFFFFFD80 ss:$0x1], $0xffff;
	v11 =	vadd.f32 v4, v2;
	[tilespmem:v1+s29+$0x8390 ss:$0x1] =	vst.idx.msk $0xffff, v8  }
0x197: {  	v6 =	vld.idx.msk [tilespmem:v1+s22+$0xFFFFFE00 ss:$0x1], $0xffff;
	[tilespmem:v1+s29+$0x8090 ss:$0x1] =	vst.idx.msk $0xffff, v3;
	v8 =	vadd.f32 v10, v2;
	v10 =	vmul.f32 v13, v0  }
0x198: {  	v4 =	vld.idx.msk [tilespmem:v1+s22+$0xFFFFFE80 ss:$0x1], $0xffff;
	[tilespmem:v1+s29+$0x8110 ss:$0x1] =	vst.idx.msk $0xffff, v11;
	v11 =	vadd.f32 v12, v2;
	v12 =	vmul.f32 v14, v0  }
0x199: {  	v3 =	vld.idx.msk [tilespmem:v1+s22+$0xFFFFFF00 ss:$0x1], $0xffff;
	v13 =	vmul.f32 v5, v0;
	[tilespmem:v1+s29+$0x8190 ss:$0x1] =	vst.idx.msk $0xffff, v8;
	v14 =	vadd.f32 v10, v2  }
0x19a: {  	v5 =	vld.idx.msk [tilespmem:v1+s22+$0xFFFFFF80 ss:$0x1], $0xffff;
	v9 =	vmul.f32 v9, v0;
	[tilespmem:v1+s29+$0x8210 ss:$0x1] =	vst.idx.msk $0xffff, v11;
	v10 =	vadd.f32 v12, v2  }
0x19b: {  	s7 =	sadd.s32 $0x2000, s22;
	s6 =	simm.s32 $0x8;
	v8 =	vld.idx.msk [tilespmem:v1+s22+$0xFFFFFC80 ss:$0x1], $0xffff;
	v11 =	vmul.f32 v15, v0;
	v12 =	vadd.f32 v13, v2;
	[tilespmem:v1+s29+$0x8290 ss:$0x1] =	vst.idx.msk $0xffff, v14  }
.LBB2_25:
0x19c: {  	v13 =	vld.idx.msk [tilespmem:v1+s7+$0x0 ss:$0x1], $0xffff;
	s6 =	sadd.s32 $0x8, s6;
	v14 =	vmul.f32 v7, v0;
	v9 =	vadd.f32 v9, v2;
	[tilespmem:v1+s29+$0x8310 ss:$0x1] =	vst.idx.msk $0xffff, v10  }
0x19d: {  	v15 =	vld.idx.msk [tilespmem:v1+s7+$0xFFFFFD00 ss:$0x1], $0xffff;
	p0 =	slt.u32 s6, $0x18;
	v10 =	vadd.f32 v11, v2;
	v11 =	vmul.f32 v6, v0;
	[tilespmem:v1+s29+$0x8010 ss:$0x1] =	vst.idx.msk $0xffff, v12;
	s29 =	sadd.s32 $0x2000, s29  }
0x19e: {  	v7 =	vld.idx.msk [tilespmem:v1+s7+$0xFFFFFD80 ss:$0x1], $0xffff;
	v12 =	vadd.f32 v14, v2;
	v14 =	vmul.f32 v4, v0;
	[tilespmem:v1+s29+$0x8390 ss:$0x1] =	vst.idx.msk $0xffff, v9  }
.Ltmp11:
0x19f: {  	v6 =	vld.idx.msk [tilespmem:v1+s7+$0xFFFFFE00 ss:$0x1], $0xffff;
	[tilespmem:v1+s29+$0x8090 ss:$0x1] =	vst.idx.msk $0xffff, v10;
	v9 =	vadd.f32 v11, v2;
	v10 =	vmul.f32 v3, v0;
	(pc) =	sbr.rel @p0 .LBB2_25-.Ltmp11, $4  }
0x1a0: {  	v4 =	vld.idx.msk [tilespmem:v1+s7+$0xFFFFFE80 ss:$0x1], $0xffff;
	[tilespmem:v1+s29+$0x8110 ss:$0x1] =	vst.idx.msk $0xffff, v12;
	v11 =	vadd.f32 v14, v2;
	v12 =	vmul.f32 v5, v0  }
0x1a1: {  	v14 =	vmul.f32 v8, v0;
	v3 =	vld.idx.msk [tilespmem:v1+s7+$0xFFFFFF00 ss:$0x1], $0xffff;
	[tilespmem:v1+s29+$0x8190 ss:$0x1] =	vst.idx.msk $0xffff, v9;
	v16 =	vadd.f32 v10, v2  }
0x1a2: {  	v9 =	vmul.f32 v13, v0;
	v5 =	vld.idx.msk [tilespmem:v1+s7+$0xFFFFFF80 ss:$0x1], $0xffff;
	[tilespmem:v1+s29+$0x8210 ss:$0x1] =	vst.idx.msk $0xffff, v11;
	v10 =	vadd.f32 v12, v2  }
0x1a3: {  	v11 =	vmul.f32 v15, v0;
	v12 =	vadd.f32 v14, v2;
	v8 =	vld.idx.msk [tilespmem:v1+s7+$0xFFFFFC80 ss:$0x1], $0xffff;
	s7 =	sadd.s32 $0x2000, s7;
	[tilespmem:v1+s29+$0x8290 ss:$0x1] =	vst.idx.msk $0xffff, v16  }
0x1a4: {  	_ =	sdelay $0x3  }
0x1a5: {  	v7 =	vmul.f32 v7, v0;
	v9 =	vadd.f32 v9, v2;
	[tilespmem:v1+s29+$0x8310 ss:$0x1] =	vst.idx.msk $0xffff, v10  }
0x1a6: {  	v6 =	vmul.f32 v6, v0;
	s6 =	sadd.s32 $0x2000, s29;
	v61 =	vadd.f32 v11, v2;
	[tilespmem:v1+s29+$0x8010 ss:$0x1] =	vst.idx.msk $0xffff, v12  }
0x1a7: {  	v4 =	vmul.f32 v4, v0;
	v7 =	vadd.f32 v7, v2;
	[tilespmem:v1+s6+$0x8390 ss:$0x1] =	vst.idx.msk $0xffff, v9  }
0x1a8: {  	v6 =	vadd.f32 v6, v2;
	v3 =	vmul.f32 v3, v0;
	[tilespmem:v1+s6+$0x8090 ss:$0x1] =	vst.idx.msk $0xffff, v61  }
0x1a9: {  	p0 =	slt.u32 s0, $0x3E;
	v4 =	vadd.f32 v4, v2;
	v5 =	vmul.f32 v5, v0;
	[tilespmem:v1+s6+$0x8110 ss:$0x1] =	vst.idx.msk $0xffff, v7  }
.Ltmp12:
0x1aa: {  	v62 =	vmul.f32 v8, v0;
	[tilespmem:v1+s6+$0x8190 ss:$0x1] =	vst.idx.msk $0xffff, v6;
	v3 =	vadd.f32 v3, v2;
	(pc) =	sbr.rel @p0 .LBB2_22-.Ltmp12, $4  }
0x1ab: {  	[tilespmem:v1+s6+$0x8210 ss:$0x1] =	vst.idx.msk $0xffff, v4;
	v63 =	vadd.f32 v5, v2  }
0x1ac: {  	v2 =	vadd.f32 v62, v2;
	[tilespmem:v1+s6+$0x8290 ss:$0x1] =	vst.idx.msk $0xffff, v3  }
0x1ad: {  	[tilespmem:v1+s6+$0x8310 ss:$0x1] =	vst.idx.msk $0xffff, v63  }
0x1ae: {  	s0 =	sadd.s32 $0x2, s0;
	s5 =	sadd.s32 $0x1, s5;
	s4 =	sadd.s32 $0x100, s4;
	[tilespmem:v1+s6+$0x8010 ss:$0x1] =	vst.idx.msk $0xffff, v2  }
0x1af: {  	s29 =	simm.s32 $0x0;
	s0 =	rddreg [dreg:$0xb]  }
0x1b0: {  	[hbm4b:s0+s29] =	stream.linear.scatter [tilespmem:s31], [sflag:$0x2], $0x8000, $0x38;
	[tilespmem:$0x1C580] =	vst v63  }
0x1b1: {  	_ =	swait.ge [sflag:s3], $0x8000  }
0x1b2: {  	s4 =	simm.s32 $0x0;
	[sflag:s3] =	ssyncset.done $0x0  }
0x1b3: {  	s5 =	simm.s32 $0x0;
	s0 =	simm.s32 $0x10;
	[sflag:s3] =	ssyncadd.s32 $0xFFFF8000  }
.LBB2_28:
0x1b4: {  	s6 =	sshll.u32 s5, $0x2;
	s12 =	sand.u32 $0x3, s4;
	s7 =	sshll.u32 s29, $0x7  }
0x1b5: {  	s10 =	sshll.u32 s29, $0x4;
	s6 =	sand.u32 $0xFFFFF000, s6;
	s8 =	sshll.u32 s12, $0x7  }
0x1b6: {  	s11 =	sand.u32 $0x1C00, s7;
	s7 =	sand.u32 $0x60, s10;
	s10 =	sor.u32 $0x380, s10  }
0x1b7: {  	s6 =	sor.u32 s8, s6;
	s8 =	sadd.s32 $0x400, s11;
	s21 =	sor.u32 s10, s5  }
0x1b8: {  	s11 =	sor.u32 $0x300, s7;
	s20 =	sor.u32 s7, s8;
	v3 =	vld [tilespmem:s21+$0x4400]  }
0x1b9: {  	s15 =	sshrl.u32 s6, $0x2;
	s17 =	sor.u32 s11, s5;
	v2 =	vld [tilespmem:s20+$0x200]  }
0x1ba: {  	s13 =	sadd.s32 $0x4580, s15;
	v4 =	vld [tilespmem:s17+$0x4400]  }
0x1bb: {  	v1 =	vld [tilespmem:s13+$0x100]  }
0x1bc: {  	v6 =	vld [tilespmem:s13+$0xFFFFFF80]  }
0x1bd: {  	v5 =	vld [tilespmem:s13+$0xFFFFFF00]  }
0x1be: {  	v8 =	vld [tilespmem:s13+$0x80]  }
0x1bf: {  	v7 =	vld [tilespmem:s13+$0x0];
	v3 =	vmul.f32 v3, v0  }
0x1c0: {  	v1 =	vmul.f32 v1, v0  }
0x1c1: {  	s19 =	sadd.s32 $0x2000, s5;
	v9 =	vld [tilespmem:s13+$0xFFFFFE80];
	s20 =	sadd.s32 $0x2000, s13;
	v3 =	vadd.f32 v3, v2;
	v6 =	vmul.f32 v6, v0  }
0x1c2: {  	s14 =	sor.u32 s10, s19;
	v10 =	vld [tilespmem:s20+$0x100];
	v4 =	vmul.f32 v4, v0;
	v1 =	vadd.f32 v1, v2  }
0x1c3: {  	v11 =	vld [tilespmem:s14+$0x4400];
	s16 =	sadd.s32 $0xC700, s15;
	s13 =	sor.u32 s11, s19;
	v5 =	vmul.f32 v5, v0;
	v8 =	vmul.f32 v8, v0;
	[tilespmem:s21+$0xC580] =	vst v3;
	v13 =	vadd.f32 v6, v2  }
0x1c4: {  	v12 =	vld [tilespmem:s13+$0x4400];
	v7 =	vmul.f32 v7, v0;
	[tilespmem:s16+$0x100] =	vst v1;
	v1 =	vadd.f32 v4, v2  }
0x1c5: {  	v63 =	vadd.f32 v8, v2;
	v4 =	vadd.f32 v5, v2;
	v5 =	vld [tilespmem:s20+$0xFFFFFF00];
	[tilespmem:s16+$0xFFFFFF80] =	vst v13  }
0x1c6: {  	v6 =	vld [tilespmem:s20+$0xFFFFFF80];
	[tilespmem:s17+$0xC580] =	vst v1;
	v1 =	vadd.f32 v7, v2;
	v7 =	vmul.f32 v9, v0  }
0x1c7: {  	s18 =	simm.s32 $0x8;
	s22 =	sshll.u32 s12, $0x5;
	v3 =	vld [tilespmem:s20+$0x0];
	[tilespmem:s16+$0x80] =	vst v63;
	v9 =	vmul.f32 v10, v0  }
0x1c8: {  	s12 =	sadd.s32 s22, s0;
	s6 =	sadd.s32 $0xC710, s15;
	s15 =	sadd.s32 $0x4590, s15;
	[tilespmem:s16+$0xFFFFFF00] =	vst v4;
	v4 =	vld [tilespmem:s20+$0x80];
	v10 =	vmul.f32 v11, v0;
	v11 =	vadd.f32 v7, v2  }
0x1c9: {  	s19 =	sadd.s32 $0x2000, s19;
	s17 =	sadd.s32 $0x2000, s16;
	[tilespmem:s16+$0x0] =	vst v1;
	v7 =	vld [tilespmem:s20+$0xFFFFFE80];
	v8 =	vadd.f32 v9, v2;
	v9 =	vmul.f32 v12, v0;
	s20 =	sadd.s32 $0x2000, s20  }
.LBB2_29:
0x1ca: {  	v1 =	vld [tilespmem:s20+$0x100];
	s21 =	sor.u32 s11, s19;
	s22 =	sor.u32 s10, s19;
	s18 =	sadd.s32 $0x8, s18;
	v5 =	vmul.f32 v5, v0;
	v10 =	vadd.f32 v10, v2;
	[tilespmem:s16+$0xFFFFFE80] =	vst v11  }
0x1cb: {  	s16 =	smov.u32 s17;
	v11 =	vld [tilespmem:s22+$0x4400];
	p0 =	slt.u32 s18, $0x18;
	v6 =	vmul.f32 v6, v0;
	[tilespmem:s17+$0x100] =	vst v8;
	v8 =	vadd.f32 v9, v2  }
0x1cc: {  	v9 =	vld [tilespmem:s21+$0x4400];
	v12 =	vadd.f32 v5, v2;
	v3 =	vmul.f32 v3, v0;
	[tilespmem:s14+$0xC580] =	vst v10;
	s14 =	smov.u32 s22  }
.Ltmp13:
0x1cd: {  	v5 =	vld [tilespmem:s20+$0xFFFFFF00];
	v10 =	vadd.f32 v6, v2;
	v4 =	vmul.f32 v4, v0;
	[tilespmem:s13+$0xC580] =	vst v8;
	s13 =	smov.u32 s21;
	(pc) =	sbr.rel @p0 .LBB2_29-.Ltmp13, $4  }
0x1ce: {  	v6 =	vld [tilespmem:s20+$0xFFFFFF80];
	v7 =	vmul.f32 v7, v0;
	[tilespmem:s17+$0xFFFFFF00] =	vst v12;
	v8 =	vadd.f32 v3, v2  }
0x1cf: {  	v3 =	vld [tilespmem:s20+$0x0];
	v1 =	vmul.f32 v1, v0;
	[tilespmem:s17+$0xFFFFFF80] =	vst v10;
	v12 =	vadd.f32 v4, v2  }
0x1d0: {  	v4 =	vld [tilespmem:s20+$0x80];
	v10 =	vmul.f32 v11, v0;
	v11 =	vadd.f32 v7, v2;
	[tilespmem:s17+$0x0] =	vst v8  }
0x1d1: {  	s19 =	sadd.s32 $0x2000, s19;
	s17 =	sadd.s32 $0x2000, s17;
	v7 =	vld [tilespmem:s20+$0xFFFFFE80];
	v8 =	vadd.f32 v1, v2;
	v9 =	vmul.f32 v9, v0;
	s20 =	sadd.s32 $0x2000, s20;
	[tilespmem:s16+$0x80] =	vst v12  }
0x1d2: {  	s7 =	sadd.s32 s7, s8;
	[tilespmem:s16+$0xFFFFFE80] =	vst v11;
	v11 =	vld [tilespmem:s15+$0x100]  }
0x1d3: {  	v5 =	vmul.f32 v5, v0;
	v10 =	vadd.f32 v10, v2;
	s10 =	sor.u32 $0x380, s12;
	v1 =	vld [tilespmem:s7+$0x210]  }
0x1d4: {  	s11 =	sor.u32 $0x300, s12;
	v6 =	vmul.f32 v6, v0;
	[tilespmem:s17+$0x100] =	vst v8;
	v8 =	vadd.f32 v9, v2;
	v9 =	vld [tilespmem:s10+$0x4400]  }
0x1d5: {  	v5 =	vadd.f32 v5, v2;
	v3 =	vmul.f32 v3, v0;
	[tilespmem:s14+$0xC580] =	vst v10;
	v10 =	vld [tilespmem:s11+$0x4400]  }
0x1d6: {  	v6 =	vadd.f32 v6, v2;
	v4 =	vmul.f32 v4, v0;
	[tilespmem:s13+$0xC580] =	vst v8;
	v8 =	vld [tilespmem:s15+$0xFFFFFF00]  }
0x1d7: {  	v7 =	vmul.f32 v7, v0;
	[tilespmem:s17+$0xFFFFFF00] =	vst v5;
	v3 =	vadd.f32 v3, v2;
	v5 =	vld [tilespmem:s15+$0xFFFFFF80]  }
0x1d8: {  	[tilespmem:s17+$0xFFFFFF80] =	vst v6;
	v4 =	vadd.f32 v4, v2;
	v6 =	vld [tilespmem:s15+$0x0];
	v11 =	vmul.f32 v11, v0  }
0x1d9: {  	v2 =	vadd.f32 v7, v2;
	[tilespmem:s17+$0x0] =	vst v3;
	v7 =	vld [tilespmem:s15+$0x80];
	v3 =	vmul.f32 v9, v0  }
0x1da: {  	s21 =	sadd.s32 $0x2000, s12;
	s22 =	sadd.s32 $0x2000, s15;
	[tilespmem:s17+$0x80] =	vst v4;
	v4 =	vld [tilespmem:s15+$0xFFFFFE80];
	v9 =	vadd.f32 v11, v1;
	v10 =	vmul.f32 v10, v0  }
0x1db: {  	s7 =	sor.u32 $0x380, s21;
	v11 =	vld [tilespmem:s22+$0x100];
	[tilespmem:s17+$0xFFFFFE80] =	vst v2;
	v2 =	vmul.f32 v8, v0;
	v3 =	vadd.f32 v3, v1  }
0x1dc: {  	s8 =	sor.u32 $0x300, s21;
	v8 =	vld [tilespmem:s7+$0x4400];
	v5 =	vmul.f32 v5, v0;
	[tilespmem:s6+$0x100] =	vst v9;
	v9 =	vadd.f32 v10, v1  }
0x1dd: {  	v12 =	vld [tilespmem:s8+$0x4400];
	v2 =	vadd.f32 v2, v1;
	v6 =	vmul.f32 v6, v0;
	[tilespmem:s10+$0xC580] =	vst v3  }
0x1de: {  	v3 =	vld [tilespmem:s22+$0xFFFFFF00];
	v10 =	vadd.f32 v5, v1;
	v7 =	vmul.f32 v7, v0;
	[tilespmem:s11+$0xC580] =	vst v9  }
0x1df: {  	v5 =	vld [tilespmem:s22+$0xFFFFFF80];
	[tilespmem:s6+$0xFFFFFF00] =	vst v2;
	v6 =	vadd.f32 v6, v1;
	v9 =	vmul.f32 v4, v0  }
0x1e0: {  	v2 =	vld [tilespmem:s22+$0x0];
	v11 =	vmul.f32 v11, v0;
	[tilespmem:s6+$0xFFFFFF80] =	vst v10;
	v13 =	vadd.f32 v7, v1  }
0x1e1: {  	s12 =	sadd.s32 $0x2000, s21;
	v4 =	vld [tilespmem:s22+$0x80];
	v7 =	vmul.f32 v8, v0;
	[tilespmem:s6+$0x0] =	vst v6;
	v10 =	vadd.f32 v9, v1  }
0x1e2: {  	s13 =	sadd.s32 $0x2000, s22;
	s10 =	sadd.s32 $0x2000, s6;
	s11 =	simm.s32 $0x8;
	v6 =	vld [tilespmem:s22+$0xFFFFFE80];
	v8 =	vadd.f32 v11, v1;
	v9 =	vmul.f32 v12, v0;
	[tilespmem:s6+$0x80] =	vst v13  }
.LBB2_31:
0x1e3: {  	v11 =	vld [tilespmem:s13+$0x100];
	s14 =	sor.u32 $0x300, s12;
	s15 =	sor.u32 $0x380, s12;
	s11 =	sadd.s32 $0x8, s11;
	v3 =	vmul.f32 v3, v0;
	v7 =	vadd.f32 v7, v1;
	[tilespmem:s6+$0xFFFFFE80] =	vst v10  }
0x1e4: {  	s6 =	smov.u32 s10;
	v10 =	vld [tilespmem:s15+$0x4400];
	p0 =	slt.u32 s11, $0x18;
	v5 =	vmul.f32 v5, v0;
	[tilespmem:s10+$0x100] =	vst v8;
	v8 =	vadd.f32 v9, v1  }
0x1e5: {  	v9 =	vld [tilespmem:s14+$0x4400];
	v12 =	vadd.f32 v3, v1;
	v2 =	vmul.f32 v2, v0;
	[tilespmem:s7+$0xC580] =	vst v7;
	s7 =	smov.u32 s15  }
.Ltmp14:
0x1e6: {  	v3 =	vld [tilespmem:s13+$0xFFFFFF00];
	v7 =	vadd.f32 v5, v1;
	v4 =	vmul.f32 v4, v0;
	[tilespmem:s8+$0xC580] =	vst v8;
	s8 =	smov.u32 s14;
	(pc) =	sbr.rel @p0 .LBB2_31-.Ltmp14, $4  }
0x1e7: {  	v5 =	vld [tilespmem:s13+$0xFFFFFF80];
	v6 =	vmul.f32 v6, v0;
	[tilespmem:s10+$0xFFFFFF00] =	vst v12;
	v8 =	vadd.f32 v2, v1  }
0x1e8: {  	v2 =	vld [tilespmem:s13+$0x0];
	v11 =	vmul.f32 v11, v0;
	[tilespmem:s10+$0xFFFFFF80] =	vst v7;
	v12 =	vadd.f32 v4, v1  }
0x1e9: {  	v4 =	vld [tilespmem:s13+$0x80];
	v7 =	vmul.f32 v10, v0;
	v10 =	vadd.f32 v6, v1;
	[tilespmem:s10+$0x0] =	vst v8  }
0x1ea: {  	s12 =	sadd.s32 $0x2000, s12;
	s10 =	sadd.s32 $0x2000, s10;
	v6 =	vld [tilespmem:s13+$0xFFFFFE80];
	v8 =	vadd.f32 v11, v1;
	v9 =	vmul.f32 v9, v0;
	s13 =	sadd.s32 $0x2000, s13;
	[tilespmem:s6+$0x80] =	vst v12  }
0x1eb: {  	v3 =	vmul.f32 v3, v0;
	v7 =	vadd.f32 v7, v1;
	[tilespmem:s6+$0xFFFFFE80] =	vst v10  }
0x1ec: {  	v5 =	vmul.f32 v5, v0;
	[tilespmem:s10+$0x100] =	vst v8;
	v63 =	vadd.f32 v9, v1  }
0x1ed: {  	v3 =	vadd.f32 v3, v1;
	v2 =	vmul.f32 v2, v0;
	[tilespmem:s7+$0xC580] =	vst v7  }
0x1ee: {  	p0 =	slt.u32 s29, $0x3E;
	v5 =	vadd.f32 v5, v1;
	v4 =	vmul.f32 v4, v0;
	[tilespmem:s8+$0xC580] =	vst v63  }
.Ltmp15:
0x1ef: {  	v6 =	vmul.f32 v6, v0;
	[tilespmem:s10+$0xFFFFFF00] =	vst v3;
	v2 =	vadd.f32 v2, v1;
	(pc) =	sbr.rel @p0 .LBB2_28-.Ltmp15, $4  }
0x1f0: {  	[tilespmem:s10+$0xFFFFFF80] =	vst v5;
	v3 =	vadd.f32 v4, v1  }
0x1f1: {  	v1 =	vadd.f32 v6, v1;
	[tilespmem:s10+$0x0] =	vst v2  }
0x1f2: {  	s22 =	sadd.s32 $0x2, s29;
	s5 =	sadd.s32 $0x100, s5;
	[tilespmem:s10+$0x80] =	vst v3  }
0x1f3: {  	s4 =	sadd.s32 $0x1, s4;
	s0 =	sadd.s32 $0x100, s0;
	s29 =	smov.u32 s22;
	[tilespmem:s10+$0xFFFFFE80] =	vst v1  }
0x1f4: {  	s0 =	simm.s32 $0x0;
	s4 =	rddreg [dreg:$0xc]  }
0x1f5: {  	[hbm4b:s4+s0] =	stream.linear.scatter [tilespmem:s30], [sflag:$0x1], $0x8000, $0x38;
	[tilespmem:$0x1C580] =	vst v63  }
0x1f6: {  	_ =	swait.ge [sflag:s28], $0x8000  }
0x1f7: {  	[sflag:s28] =	ssyncset.done $0x0  }
0x1f8: {  	s5 =	simm.s32 $0x0;
	s4 =	simm.s32 $0x0;
	[sflag:s28] =	ssyncadd.s32 $0xFFFF8000  }
.LBB2_34:
0x1f9: {  	s6 =	sshll.u32 s5, $0x7;
	s7 =	sshll.u32 s0, $0x7  }
0x1fa: {  	s22 =	sshll.u32 s0, $0x4;
	s14 =	sand.u32 $0x3FFFFC00, s4;
	s7 =	sand.u32 $0x1C00, s7  }
0x1fb: {  	s8 =	sand.u32 $0x180, s6;
	s6 =	sand.u32 $0x60, s22;
	s7 =	sadd.s32 $0x400, s7  }
0x1fc: {  	s11 =	sadd.s32 $0x4780, s14;
	s10 =	sshrl.u32 s8, $0x2;
	s12 =	sor.u32 s6, s7  }
0x1fd: {  	s8 =	sadd.s32 s10, s11;
	v3 =	vld [tilespmem:s12+$0x280]  }
0x1fe: {  	v1 =	vld [tilespmem:s8+$0x0]  }
0x1ff: {  	v2 =	vld [tilespmem:s8+$0xFFFFFC80]  }
0x200: {  	v4 =	vld [tilespmem:s8+$0xFFFFFD00]  }
0x201: {  	v5 =	vld [tilespmem:s8+$0xFFFFFD80]  }
0x202: {  	v6 =	vld [tilespmem:s8+$0xFFFFFE00];
	_ =	sdelay $0x1  }
0x203: {  	v8 =	vld [tilespmem:s8+$0xFFFFFE80];
	v1 =	vmul.f32 v1, v0  }
0x204: {  	s13 =	sadd.s32 $0x2000, s11;
	v9 =	vld [tilespmem:s8+$0xFFFFFF00];
	v2 =	vmul.f32 v2, v0  }
0x205: {  	s29 =	sadd.s32 $0xC580, s14;
	s12 =	sadd.s32 s10, s13;
	v10 =	vld [tilespmem:s8+$0xFFFFFF80];
	v4 =	vmul.f32 v4, v0;
	v1 =	vadd.f32 v1, v3  }
0x206: {  	s11 =	sadd.s32 s10, s29;
	v12 =	vld [tilespmem:s12+$0x0];
	v5 =	vmul.f32 v5, v0;
	v13 =	vmul.f32 v6, v0;
	v11 =	vadd.f32 v2, v3  }
0x207: {  	v2 =	vld [tilespmem:s12+$0xFFFFFC80];
	v4 =	vadd.f32 v4, v3;
	[tilespmem:s11+$0x8380] =	vst v1  }
0x208: {  	v7 =	vld [tilespmem:s12+$0xFFFFFD00];
	v13 =	vadd.f32 v13, v3;
	[tilespmem:s11+$0x8000] =	vst v11;
	v1 =	vadd.f32 v5, v3;
	v5 =	vmul.f32 v8, v0  }
0x209: {  	v6 =	vld [tilespmem:s12+$0xFFFFFD80];
	v14 =	vmul.f32 v9, v0;
	[tilespmem:s11+$0x8080] =	vst v4  }
0x20a: {  	s16 =	simm.s32 $0x8;
	v4 =	vld [tilespmem:s12+$0xFFFFFE00];
	v11 =	vmul.f32 v10, v0;
	[tilespmem:s11+$0x8180] =	vst v13;
	v9 =	vadd.f32 v5, v3  }
0x20b: {  	s15 =	smov.u32 s29;
	s8 =	sadd.s32 $0x4790, s14;
	s14 =	smov.u32 s10;
	v8 =	vmul.f32 v12, v0;
	v10 =	vadd.f32 v14, v3;
	[tilespmem:s11+$0x8100] =	vst v1;
	v5 =	vld [tilespmem:s12+$0xFFFFFE80]  }
.LBB2_35:
0x20c: {  	s16 =	sadd.s32 $0x8, s16;
	v1 =	vmul.f32 v2, v0;
	v12 =	vld [tilespmem:s12+$0xFFFFFF00];
	s13 =	sadd.s32 $0x2000, s13;
	[tilespmem:s11+$0x8200] =	vst v9;
	v2 =	vadd.f32 v11, v3  }
0x20d: {  	s15 =	sadd.s32 $0x2000, s15;
	p0 =	slt.u32 s16, $0x18;
	v7 =	vmul.f32 v7, v0;
	v11 =	vld [tilespmem:s12+$0xFFFFFF80];
	s12 =	sadd.s32 s10, s13;
	v8 =	vadd.f32 v8, v3;
	[tilespmem:s11+$0x8280] =	vst v10  }
0x20e: {  	v10 =	vld [tilespmem:s12+$0x0];
	v1 =	vadd.f32 v1, v3;
	v6 =	vmul.f32 v6, v0;
	[tilespmem:s11+$0x8300] =	vst v2;
	s11 =	sadd.s32 s14, s15;
	s14 =	smov.u32 s10  }
.Ltmp16:
0x20f: {  	v2 =	vld [tilespmem:s12+$0xFFFFFC80];
	v9 =	vadd.f32 v7, v3;
	v4 =	vmul.f32 v4, v0;
	[tilespmem:s11+$0x8380] =	vst v8;
	(pc) =	sbr.rel @p0 .LBB2_35-.Ltmp16, $4  }
0x210: {  	v7 =	vld [tilespmem:s12+$0xFFFFFD00];
	[tilespmem:s11+$0x8000] =	vst v1;
	v1 =	vadd.f32 v6, v3;
	v5 =	vmul.f32 v5, v0  }
0x211: {  	v6 =	vld [tilespmem:s12+$0xFFFFFD80];
	[tilespmem:s11+$0x8080] =	vst v9;
	v13 =	vadd.f32 v4, v3;
	v12 =	vmul.f32 v12, v0  }
0x212: {  	v4 =	vld [tilespmem:s12+$0xFFFFFE00];
	[tilespmem:s11+$0x8100] =	vst v1;
	v9 =	vadd.f32 v5, v3;
	v11 =	vmul.f32 v11, v0  }
0x213: {  	v5 =	vld [tilespmem:s12+$0xFFFFFE80];
	v8 =	vmul.f32 v10, v0;
	[tilespmem:s11+$0x8180] =	vst v13;
	v10 =	vadd.f32 v12, v3  }
0x214: {  	v1 =	vmov s10;
	_ =	sdelay $0x1  }
0x215: {  	v12 =	vld [tilespmem:s12+$0xFFFFFF00]  }
0x216: {  	v13 =	vld [tilespmem:s12+$0xFFFFFF80];
	s6 =	sadd.s32 s6, s7  }
0x217: {  	v14 =	vmul.f32 v2, v0;
	[tilespmem:s11+$0x8200] =	vst v9;
	v9 =	vadd.f32 v11, v3;
	v2 =	vld [tilespmem:s6+$0x290]  }
0x218: {  	s21 =	sadd.s32 $0x2000, s15;
	v7 =	vmul.f32 v7, v0;
	v8 =	vadd.f32 v8, v3;
	[tilespmem:s11+$0x8280] =	vst v10;
	v10 =	vld.idx.msk [tilespmem:v1+s8+$0x0 ss:$0x1], $0xffff  }
0x219: {  	s6 =	sadd.s32 s14, s21;
	v11 =	vadd.f32 v14, v3;
	v6 =	vmul.f32 v6, v0;
	[tilespmem:s11+$0x8300] =	vst v9;
	v9 =	vld.idx.msk [tilespmem:v1+s8+$0xFFFFFD00 ss:$0x1], $0xffff  }
0x21a: {  	v7 =	vadd.f32 v7, v3;
	v4 =	vmul.f32 v4, v0;
	[tilespmem:s6+$0x8380] =	vst v8;
	v8 =	vld.idx.msk [tilespmem:v1+s8+$0xFFFFFD80 ss:$0x1], $0xffff  }
0x21b: {  	[tilespmem:s6+$0x8000] =	vst v11;
	v6 =	vadd.f32 v6, v3;
	v5 =	vmul.f32 v5, v0;
	v11 =	vld.idx.msk [tilespmem:v1+s8+$0xFFFFFE00 ss:$0x1], $0xffff  }
0x21c: {  	[tilespmem:s6+$0x8080] =	vst v7;
	v4 =	vadd.f32 v4, v3;
	v7 =	vmul.f32 v12, v0;
	v12 =	vld.idx.msk [tilespmem:v1+s8+$0xFFFFFE80 ss:$0x1], $0xffff  }
0x21d: {  	v14 =	vld.idx.msk [tilespmem:v1+s8+$0xFFFFFF80 ss:$0x1], $0xffff;
	[tilespmem:s6+$0x8100] =	vst v6;
	v5 =	vadd.f32 v5, v3;
	v6 =	vmul.f32 v13, v0  }
0x21e: {  	s22 =	sadd.s32 $0x2000, s8;
	v13 =	vld.idx.msk [tilespmem:v1+s8+$0xFFFFFF00 ss:$0x1], $0xffff;
	[tilespmem:s6+$0x8180] =	vst v4;
	v4 =	vadd.f32 v7, v3;
	v7 =	vmul.f32 v10, v0  }
0x21f: {  	v15 =	vld.idx.msk [tilespmem:v1+s22+$0xFFFFFD00 ss:$0x1], $0xffff;
	[tilespmem:s6+$0x8200] =	vst v5;
	v3 =	vadd.f32 v6, v3;
	v6 =	vmul.f32 v9, v0  }
0x220: {  	v5 =	vld.idx.msk [tilespmem:v1+s8+$0xFFFFFC80 ss:$0x1], $0xffff;
	[tilespmem:s6+$0x8280] =	vst v4;
	v4 =	vmul.f32 v8, v0;
	v8 =	vadd.f32 v7, v2  }
0x221: {  	v9 =	vld.idx.msk [tilespmem:v1+s22+$0x0 ss:$0x1], $0xffff;
	[tilespmem:s6+$0x8300] =	vst v3;
	v10 =	vmul.f32 v11, v0;
	v3 =	vadd.f32 v6, v2  }
0x222: {  	v12 =	vmul.f32 v12, v0;
	v7 =	vld.idx.msk [tilespmem:v1+s22+$0xFFFFFD80 ss:$0x1], $0xffff;
	v11 =	vadd.f32 v4, v2;
	[tilespmem:v1+s29+$0x8390 ss:$0x1] =	vst.idx.msk $0xffff, v8  }
0x223: {  	v6 =	vld.idx.msk [tilespmem:v1+s22+$0xFFFFFE00 ss:$0x1], $0xffff;
	[tilespmem:v1+s29+$0x8090 ss:$0x1] =	vst.idx.msk $0xffff, v3;
	v8 =	vadd.f32 v10, v2;
	v10 =	vmul.f32 v13, v0  }
0x224: {  	v4 =	vld.idx.msk [tilespmem:v1+s22+$0xFFFFFE80 ss:$0x1], $0xffff;
	[tilespmem:v1+s29+$0x8110 ss:$0x1] =	vst.idx.msk $0xffff, v11;
	v11 =	vadd.f32 v12, v2;
	v12 =	vmul.f32 v14, v0  }
0x225: {  	v3 =	vld.idx.msk [tilespmem:v1+s22+$0xFFFFFF00 ss:$0x1], $0xffff;
	v13 =	vmul.f32 v5, v0;
	[tilespmem:v1+s29+$0x8190 ss:$0x1] =	vst.idx.msk $0xffff, v8;
	v14 =	vadd.f32 v10, v2  }
0x226: {  	v5 =	vld.idx.msk [tilespmem:v1+s22+$0xFFFFFF80 ss:$0x1], $0xffff;
	v9 =	vmul.f32 v9, v0;
	[tilespmem:v1+s29+$0x8210 ss:$0x1] =	vst.idx.msk $0xffff, v11;
	v10 =	vadd.f32 v12, v2  }
0x227: {  	s7 =	sadd.s32 $0x2000, s22;
	s6 =	simm.s32 $0x8;
	v8 =	vld.idx.msk [tilespmem:v1+s22+$0xFFFFFC80 ss:$0x1], $0xffff;
	v11 =	vmul.f32 v15, v0;
	v12 =	vadd.f32 v13, v2;
	[tilespmem:v1+s29+$0x8290 ss:$0x1] =	vst.idx.msk $0xffff, v14  }
.LBB2_37:
0x228: {  	v13 =	vld.idx.msk [tilespmem:v1+s7+$0x0 ss:$0x1], $0xffff;
	s6 =	sadd.s32 $0x8, s6;
	v14 =	vmul.f32 v7, v0;
	v9 =	vadd.f32 v9, v2;
	[tilespmem:v1+s29+$0x8310 ss:$0x1] =	vst.idx.msk $0xffff, v10  }
0x229: {  	v15 =	vld.idx.msk [tilespmem:v1+s7+$0xFFFFFD00 ss:$0x1], $0xffff;
	p0 =	slt.u32 s6, $0x18;
	v10 =	vadd.f32 v11, v2;
	v11 =	vmul.f32 v6, v0;
	[tilespmem:v1+s29+$0x8010 ss:$0x1] =	vst.idx.msk $0xffff, v12;
	s29 =	sadd.s32 $0x2000, s29  }
0x22a: {  	v7 =	vld.idx.msk [tilespmem:v1+s7+$0xFFFFFD80 ss:$0x1], $0xffff;
	v12 =	vadd.f32 v14, v2;
	v14 =	vmul.f32 v4, v0;
	[tilespmem:v1+s29+$0x8390 ss:$0x1] =	vst.idx.msk $0xffff, v9  }
.Ltmp17:
0x22b: {  	v6 =	vld.idx.msk [tilespmem:v1+s7+$0xFFFFFE00 ss:$0x1], $0xffff;
	[tilespmem:v1+s29+$0x8090 ss:$0x1] =	vst.idx.msk $0xffff, v10;
	v9 =	vadd.f32 v11, v2;
	v10 =	vmul.f32 v3, v0;
	(pc) =	sbr.rel @p0 .LBB2_37-.Ltmp17, $4  }
0x22c: {  	v4 =	vld.idx.msk [tilespmem:v1+s7+$0xFFFFFE80 ss:$0x1], $0xffff;
	[tilespmem:v1+s29+$0x8110 ss:$0x1] =	vst.idx.msk $0xffff, v12;
	v11 =	vadd.f32 v14, v2;
	v12 =	vmul.f32 v5, v0  }
0x22d: {  	v14 =	vmul.f32 v8, v0;
	v3 =	vld.idx.msk [tilespmem:v1+s7+$0xFFFFFF00 ss:$0x1], $0xffff;
	[tilespmem:v1+s29+$0x8190 ss:$0x1] =	vst.idx.msk $0xffff, v9;
	v16 =	vadd.f32 v10, v2  }
0x22e: {  	v9 =	vmul.f32 v13, v0;
	v5 =	vld.idx.msk [tilespmem:v1+s7+$0xFFFFFF80 ss:$0x1], $0xffff;
	[tilespmem:v1+s29+$0x8210 ss:$0x1] =	vst.idx.msk $0xffff, v11;
	v10 =	vadd.f32 v12, v2  }
0x22f: {  	v11 =	vmul.f32 v15, v0;
	v12 =	vadd.f32 v14, v2;
	v8 =	vld.idx.msk [tilespmem:v1+s7+$0xFFFFFC80 ss:$0x1], $0xffff;
	s7 =	sadd.s32 $0x2000, s7;
	[tilespmem:v1+s29+$0x8290 ss:$0x1] =	vst.idx.msk $0xffff, v16  }
0x230: {  	_ =	sdelay $0x3  }
0x231: {  	v7 =	vmul.f32 v7, v0;
	v9 =	vadd.f32 v9, v2;
	[tilespmem:v1+s29+$0x8310 ss:$0x1] =	vst.idx.msk $0xffff, v10  }
0x232: {  	v6 =	vmul.f32 v6, v0;
	s6 =	sadd.s32 $0x2000, s29;
	v61 =	vadd.f32 v11, v2;
	[tilespmem:v1+s29+$0x8010 ss:$0x1] =	vst.idx.msk $0xffff, v12  }
0x233: {  	v4 =	vmul.f32 v4, v0;
	v7 =	vadd.f32 v7, v2;
	[tilespmem:v1+s6+$0x8390 ss:$0x1] =	vst.idx.msk $0xffff, v9  }
0x234: {  	v6 =	vadd.f32 v6, v2;
	v3 =	vmul.f32 v3, v0;
	[tilespmem:v1+s6+$0x8090 ss:$0x1] =	vst.idx.msk $0xffff, v61  }
0x235: {  	p0 =	slt.u32 s0, $0x3E;
	v4 =	vadd.f32 v4, v2;
	v5 =	vmul.f32 v5, v0;
	[tilespmem:v1+s6+$0x8110 ss:$0x1] =	vst.idx.msk $0xffff, v7  }
.Ltmp18:
0x236: {  	v62 =	vmul.f32 v8, v0;
	[tilespmem:v1+s6+$0x8190 ss:$0x1] =	vst.idx.msk $0xffff, v6;
	v3 =	vadd.f32 v3, v2;
	(pc) =	sbr.rel @p0 .LBB2_34-.Ltmp18, $4  }
0x237: {  	[tilespmem:v1+s6+$0x8210 ss:$0x1] =	vst.idx.msk $0xffff, v4;
	v63 =	vadd.f32 v5, v2  }
0x238: {  	v2 =	vadd.f32 v62, v2;
	[tilespmem:v1+s6+$0x8290 ss:$0x1] =	vst.idx.msk $0xffff, v3  }
0x239: {  	[tilespmem:v1+s6+$0x8310 ss:$0x1] =	vst.idx.msk $0xffff, v63  }
0x23a: {  	s0 =	sadd.s32 $0x2, s0;
	s5 =	sadd.s32 $0x1, s5;
	s4 =	sadd.s32 $0x100, s4;
	[tilespmem:v1+s6+$0x8010 ss:$0x1] =	vst.idx.msk $0xffff, v2  }
0x23b: {  	s4 =	simm.s32 $0x0;
	s0 =	rddreg [dreg:$0xd]  }
0x23c: {  	[hbm4b:s0+s4] =	stream.linear.scatter [tilespmem:s31], [sflag:$0x2], $0x8000, $0x38;
	[tilespmem:$0x1C580] =	vst v63  }
0x23d: {  	_ =	swait.ge [sflag:s3], $0x8000  }
0x23e: {  	s5 =	simm.s32 $0x0;
	[sflag:s3] =	ssyncset.done $0x0  }
0x23f: {  	s29 =	simm.s32 $0x0;
	s0 =	simm.s32 $0x10;
	[sflag:s3] =	ssyncadd.s32 $0xFFFF8000  }
.LBB2_40:
0x240: {  	s6 =	sand.u32 $0x3, s5;
	s7 =	sshll.u32 s29, $0x2  }
0x241: {  	s11 =	sshll.u32 s4, $0x4;
	s8 =	sand.u32 $0xFFFFF000, s7;
	s10 =	sshll.u32 s6, $0x7  }
0x242: {  	s7 =	sand.u32 $0x60, s11;
	s11 =	sor.u32 $0x380, s11;
	s12 =	sor.u32 s10, s8  }
0x243: {  	s8 =	sshll.u32 s4, $0x7;
	s10 =	sor.u32 $0x300, s7;
	s22 =	sor.u32 s11, s29  }
0x244: {  	s21 =	sor.u32 s8, s10;
	v3 =	vld [tilespmem:s22+$0x4400]  }
0x245: {  	s15 =	sshrl.u32 s12, $0x2;
	s17 =	sor.u32 s10, s29;
	v2 =	vld [tilespmem:s21+$0x400]  }
0x246: {  	s13 =	sadd.s32 $0x4580, s15;
	v4 =	vld [tilespmem:s17+$0x4400]  }
0x247: {  	v1 =	vld [tilespmem:s13+$0x100]  }
0x248: {  	v6 =	vld [tilespmem:s13+$0xFFFFFF80]  }
0x249: {  	v5 =	vld [tilespmem:s13+$0xFFFFFF00]  }
0x24a: {  	v8 =	vld [tilespmem:s13+$0x80]  }
0x24b: {  	v7 =	vld [tilespmem:s13+$0x0];
	v3 =	vmul.f32 v3, v0  }
0x24c: {  	v1 =	vmul.f32 v1, v0  }
0x24d: {  	s19 =	sadd.s32 $0x2000, s29;
	v9 =	vld [tilespmem:s13+$0xFFFFFE80];
	s20 =	sadd.s32 $0x2000, s13;
	v3 =	vadd.f32 v3, v2;
	v6 =	vmul.f32 v6, v0  }
0x24e: {  	s14 =	sor.u32 s11, s19;
	v10 =	vld [tilespmem:s20+$0x100];
	v4 =	vmul.f32 v4, v0;
	v1 =	vadd.f32 v1, v2  }
0x24f: {  	v11 =	vld [tilespmem:s14+$0x4400];
	s16 =	sadd.s32 $0xC700, s15;
	s13 =	sor.u32 s10, s19;
	v5 =	vmul.f32 v5, v0;
	v8 =	vmul.f32 v8, v0;
	[tilespmem:s22+$0xC580] =	vst v3;
	v13 =	vadd.f32 v6, v2  }
0x250: {  	v12 =	vld [tilespmem:s13+$0x4400];
	v7 =	vmul.f32 v7, v0;
	[tilespmem:s16+$0x100] =	vst v1;
	v1 =	vadd.f32 v4, v2  }
0x251: {  	v63 =	vadd.f32 v8, v2;
	v4 =	vadd.f32 v5, v2;
	v5 =	vld [tilespmem:s20+$0xFFFFFF00];
	[tilespmem:s16+$0xFFFFFF80] =	vst v13  }
0x252: {  	v6 =	vld [tilespmem:s20+$0xFFFFFF80];
	[tilespmem:s17+$0xC580] =	vst v1;
	v1 =	vadd.f32 v7, v2;
	v7 =	vmul.f32 v9, v0  }
0x253: {  	s18 =	simm.s32 $0x8;
	s6 =	sshll.u32 s6, $0x5;
	v3 =	vld [tilespmem:s20+$0x0];
	[tilespmem:s16+$0x80] =	vst v63;
	v9 =	vmul.f32 v10, v0  }
0x254: {  	s12 =	sadd.s32 s6, s0;
	s6 =	sadd.s32 $0xC710, s15;
	s15 =	sadd.s32 $0x4590, s15;
	[tilespmem:s16+$0xFFFFFF00] =	vst v4;
	v4 =	vld [tilespmem:s20+$0x80];
	v10 =	vmul.f32 v11, v0;
	v11 =	vadd.f32 v7, v2  }
0x255: {  	s19 =	sadd.s32 $0x2000, s19;
	s17 =	sadd.s32 $0x2000, s16;
	[tilespmem:s16+$0x0] =	vst v1;
	v7 =	vld [tilespmem:s20+$0xFFFFFE80];
	v8 =	vadd.f32 v9, v2;
	v9 =	vmul.f32 v12, v0;
	s20 =	sadd.s32 $0x2000, s20  }
.LBB2_41:
0x256: {  	v1 =	vld [tilespmem:s20+$0x100];
	s21 =	sor.u32 s10, s19;
	s22 =	sor.u32 s11, s19;
	s18 =	sadd.s32 $0x8, s18;
	v5 =	vmul.f32 v5, v0;
	v10 =	vadd.f32 v10, v2;
	[tilespmem:s16+$0xFFFFFE80] =	vst v11  }
0x257: {  	s16 =	smov.u32 s17;
	v11 =	vld [tilespmem:s22+$0x4400];
	p0 =	slt.u32 s18, $0x18;
	v6 =	vmul.f32 v6, v0;
	[tilespmem:s17+$0x100] =	vst v8;
	v8 =	vadd.f32 v9, v2  }
0x258: {  	v9 =	vld [tilespmem:s21+$0x4400];
	v12 =	vadd.f32 v5, v2;
	v3 =	vmul.f32 v3, v0;
	[tilespmem:s14+$0xC580] =	vst v10;
	s14 =	smov.u32 s22  }
.Ltmp19:
0x259: {  	v5 =	vld [tilespmem:s20+$0xFFFFFF00];
	v10 =	vadd.f32 v6, v2;
	v4 =	vmul.f32 v4, v0;
	[tilespmem:s13+$0xC580] =	vst v8;
	s13 =	smov.u32 s21;
	(pc) =	sbr.rel @p0 .LBB2_41-.Ltmp19, $4  }
0x25a: {  	v6 =	vld [tilespmem:s20+$0xFFFFFF80];
	v7 =	vmul.f32 v7, v0;
	[tilespmem:s17+$0xFFFFFF00] =	vst v12;
	v8 =	vadd.f32 v3, v2  }
0x25b: {  	v3 =	vld [tilespmem:s20+$0x0];
	v1 =	vmul.f32 v1, v0;
	[tilespmem:s17+$0xFFFFFF80] =	vst v10;
	v12 =	vadd.f32 v4, v2  }
0x25c: {  	v4 =	vld [tilespmem:s20+$0x80];
	v10 =	vmul.f32 v11, v0;
	v11 =	vadd.f32 v7, v2;
	[tilespmem:s17+$0x0] =	vst v8  }
0x25d: {  	s19 =	sadd.s32 $0x2000, s19;
	s17 =	sadd.s32 $0x2000, s17;
	v7 =	vld [tilespmem:s20+$0xFFFFFE80];
	v8 =	vadd.f32 v1, v2;
	v9 =	vmul.f32 v9, v0;
	s20 =	sadd.s32 $0x2000, s20;
	[tilespmem:s16+$0x80] =	vst v12  }
0x25e: {  	s7 =	sor.u32 s8, s7;
	[tilespmem:s16+$0xFFFFFE80] =	vst v11;
	v11 =	vld [tilespmem:s15+$0x100];
	s10 =	sor.u32 $0x380, s12  }
0x25f: {  	v5 =	vmul.f32 v5, v0;
	v10 =	vadd.f32 v10, v2;
	s7 =	sor.u32 $0x310, s7;
	[tilespmem:s17+$0x100] =	vst v8;
	v8 =	vadd.f32 v9, v2;
	v9 =	vld [tilespmem:s10+$0x4400]  }
0x260: {  	s11 =	sor.u32 $0x300, s12;
	v6 =	vmul.f32 v6, v0;
	v1 =	vld [tilespmem:s7+$0x400]  }
0x261: {  	v5 =	vadd.f32 v5, v2;
	v3 =	vmul.f32 v3, v0;
	[tilespmem:s14+$0xC580] =	vst v10;
	v10 =	vld [tilespmem:s11+$0x4400]  }
0x262: {  	v6 =	vadd.f32 v6, v2;
	v4 =	vmul.f32 v4, v0;
	[tilespmem:s13+$0xC580] =	vst v8;
	v8 =	vld [tilespmem:s15+$0xFFFFFF00]  }
0x263: {  	v7 =	vmul.f32 v7, v0;
	[tilespmem:s17+$0xFFFFFF00] =	vst v5;
	v3 =	vadd.f32 v3, v2;
	v5 =	vld [tilespmem:s15+$0xFFFFFF80]  }
0x264: {  	[tilespmem:s17+$0xFFFFFF80] =	vst v6;
	v4 =	vadd.f32 v4, v2;
	v6 =	vld [tilespmem:s15+$0x0];
	v11 =	vmul.f32 v11, v0  }
0x265: {  	v2 =	vadd.f32 v7, v2;
	[tilespmem:s17+$0x0] =	vst v3;
	v7 =	vld [tilespmem:s15+$0x80];
	v3 =	vmul.f32 v9, v0  }
0x266: {  	s21 =	sadd.s32 $0x2000, s12;
	s22 =	sadd.s32 $0x2000, s15;
	[tilespmem:s17+$0x80] =	vst v4;
	v4 =	vld [tilespmem:s15+$0xFFFFFE80];
	v9 =	vadd.f32 v11, v1;
	v10 =	vmul.f32 v10, v0  }
0x267: {  	s7 =	sor.u32 $0x380, s21;
	v11 =	vld [tilespmem:s22+$0x100];
	[tilespmem:s17+$0xFFFFFE80] =	vst v2;
	v2 =	vmul.f32 v8, v0;
	v3 =	vadd.f32 v3, v1  }
0x268: {  	s8 =	sor.u32 $0x300, s21;
	v8 =	vld [tilespmem:s7+$0x4400];
	v5 =	vmul.f32 v5, v0;
	[tilespmem:s6+$0x100] =	vst v9;
	v9 =	vadd.f32 v10, v1  }
0x269: {  	v12 =	vld [tilespmem:s8+$0x4400];
	v2 =	vadd.f32 v2, v1;
	v6 =	vmul.f32 v6, v0;
	[tilespmem:s10+$0xC580] =	vst v3  }
0x26a: {  	v3 =	vld [tilespmem:s22+$0xFFFFFF00];
	v10 =	vadd.f32 v5, v1;
	v7 =	vmul.f32 v7, v0;
	[tilespmem:s11+$0xC580] =	vst v9  }
0x26b: {  	v5 =	vld [tilespmem:s22+$0xFFFFFF80];
	[tilespmem:s6+$0xFFFFFF00] =	vst v2;
	v6 =	vadd.f32 v6, v1;
	v9 =	vmul.f32 v4, v0  }
0x26c: {  	v2 =	vld [tilespmem:s22+$0x0];
	v11 =	vmul.f32 v11, v0;
	[tilespmem:s6+$0xFFFFFF80] =	vst v10;
	v13 =	vadd.f32 v7, v1  }
0x26d: {  	s12 =	sadd.s32 $0x2000, s21;
	v4 =	vld [tilespmem:s22+$0x80];
	v7 =	vmul.f32 v8, v0;
	[tilespmem:s6+$0x0] =	vst v6;
	v10 =	vadd.f32 v9, v1  }
0x26e: {  	s13 =	sadd.s32 $0x2000, s22;
	s10 =	sadd.s32 $0x2000, s6;
	s11 =	simm.s32 $0x8;
	v6 =	vld [tilespmem:s22+$0xFFFFFE80];
	v8 =	vadd.f32 v11, v1;
	v9 =	vmul.f32 v12, v0;
	[tilespmem:s6+$0x80] =	vst v13  }
.LBB2_43:
0x26f: {  	v11 =	vld [tilespmem:s13+$0x100];
	s14 =	sor.u32 $0x300, s12;
	s15 =	sor.u32 $0x380, s12;
	s11 =	sadd.s32 $0x8, s11;
	v3 =	vmul.f32 v3, v0;
	v7 =	vadd.f32 v7, v1;
	[tilespmem:s6+$0xFFFFFE80] =	vst v10  }
0x270: {  	s6 =	smov.u32 s10;
	v10 =	vld [tilespmem:s15+$0x4400];
	p0 =	slt.u32 s11, $0x18;
	v5 =	vmul.f32 v5, v0;
	[tilespmem:s10+$0x100] =	vst v8;
	v8 =	vadd.f32 v9, v1  }
0x271: {  	v9 =	vld [tilespmem:s14+$0x4400];
	v12 =	vadd.f32 v3, v1;
	v2 =	vmul.f32 v2, v0;
	[tilespmem:s7+$0xC580] =	vst v7;
	s7 =	smov.u32 s15  }
.Ltmp20:
0x272: {  	v3 =	vld [tilespmem:s13+$0xFFFFFF00];
	v7 =	vadd.f32 v5, v1;
	v4 =	vmul.f32 v4, v0;
	[tilespmem:s8+$0xC580] =	vst v8;
	s8 =	smov.u32 s14;
	(pc) =	sbr.rel @p0 .LBB2_43-.Ltmp20, $4  }
0x273: {  	v5 =	vld [tilespmem:s13+$0xFFFFFF80];
	v6 =	vmul.f32 v6, v0;
	[tilespmem:s10+$0xFFFFFF00] =	vst v12;
	v8 =	vadd.f32 v2, v1  }
0x274: {  	v2 =	vld [tilespmem:s13+$0x0];
	v11 =	vmul.f32 v11, v0;
	[tilespmem:s10+$0xFFFFFF80] =	vst v7;
	v12 =	vadd.f32 v4, v1  }
0x275: {  	v4 =	vld [tilespmem:s13+$0x80];
	v7 =	vmul.f32 v10, v0;
	v10 =	vadd.f32 v6, v1;
	[tilespmem:s10+$0x0] =	vst v8  }
0x276: {  	s12 =	sadd.s32 $0x2000, s12;
	s10 =	sadd.s32 $0x2000, s10;
	v6 =	vld [tilespmem:s13+$0xFFFFFE80];
	v8 =	vadd.f32 v11, v1;
	v9 =	vmul.f32 v9, v0;
	s13 =	sadd.s32 $0x2000, s13;
	[tilespmem:s6+$0x80] =	vst v12  }
0x277: {  	v3 =	vmul.f32 v3, v0;
	v7 =	vadd.f32 v7, v1;
	[tilespmem:s6+$0xFFFFFE80] =	vst v10  }
0x278: {  	v5 =	vmul.f32 v5, v0;
	[tilespmem:s10+$0x100] =	vst v8;
	v63 =	vadd.f32 v9, v1  }
0x279: {  	v3 =	vadd.f32 v3, v1;
	v2 =	vmul.f32 v2, v0;
	[tilespmem:s7+$0xC580] =	vst v7  }
0x27a: {  	p0 =	slt.u32 s4, $0x3E;
	v5 =	vadd.f32 v5, v1;
	v4 =	vmul.f32 v4, v0;
	[tilespmem:s8+$0xC580] =	vst v63  }
.Ltmp21:
0x27b: {  	v6 =	vmul.f32 v6, v0;
	[tilespmem:s10+$0xFFFFFF00] =	vst v3;
	v2 =	vadd.f32 v2, v1;
	(pc) =	sbr.rel @p0 .LBB2_40-.Ltmp21, $4  }
0x27c: {  	[tilespmem:s10+$0xFFFFFF80] =	vst v5;
	v3 =	vadd.f32 v4, v1  }
0x27d: {  	v1 =	vadd.f32 v6, v1;
	[tilespmem:s10+$0x0] =	vst v2  }
0x27e: {  	s22 =	sadd.s32 $0x2, s4;
	s29 =	sadd.s32 $0x100, s29;
	[tilespmem:s10+$0x80] =	vst v3  }
0x27f: {  	s5 =	sadd.s32 $0x1, s5;
	s0 =	sadd.s32 $0x100, s0;
	s4 =	smov.u32 s22;
	[tilespmem:s10+$0xFFFFFE80] =	vst v1  }
0x280: {  	s0 =	simm.s32 $0x0;
	s4 =	rddreg [dreg:$0xe]  }
0x281: {  	[hbm4b:s4+s0] =	stream.linear.scatter [tilespmem:s30], [sflag:$0x1], $0x8000, $0x38;
	[tilespmem:$0x1C580] =	vst v63  }
0x282: {  	_ =	swait.ge [sflag:s28], $0x8000  }
0x283: {  	[sflag:s28] =	ssyncset.done $0x0  }
0x284: {  	s5 =	simm.s32 $0x0;
	s4 =	simm.s32 $0x0;
	[sflag:s28] =	ssyncadd.s32 $0xFFFF8000  }
.LBB2_46:
0x285: {  	s7 =	sshll.u32 s5, $0x7;
	s13 =	sshll.u32 s0, $0x4;
	s6 =	sshll.u32 s0, $0x7  }
0x286: {  	s14 =	sand.u32 $0x3FFFFC00, s4;
	s7 =	sand.u32 $0x180, s7;
	s8 =	sor.u32 s13, s6  }
0x287: {  	s10 =	sadd.s32 $0x4780, s14;
	s11 =	sor.u32 $0x380, s8;
	s8 =	sshrl.u32 s7, $0x2  }
0x288: {  	v3 =	vld [tilespmem:s11+$0x400];
	s7 =	sadd.s32 s8, s10  }
0x289: {  	v1 =	vld [tilespmem:s7+$0x0]  }
0x28a: {  	v2 =	vld [tilespmem:s7+$0xFFFFFC80]  }
0x28b: {  	v4 =	vld [tilespmem:s7+$0xFFFFFD00]  }
0x28c: {  	v5 =	vld [tilespmem:s7+$0xFFFFFD80]  }
0x28d: {  	v6 =	vld [tilespmem:s7+$0xFFFFFE00];
	_ =	sdelay $0x1  }
0x28e: {  	v8 =	vld [tilespmem:s7+$0xFFFFFE80];
	v1 =	vmul.f32 v1, v0  }
0x28f: {  	s12 =	sadd.s32 $0x2000, s10;
	v9 =	vld [tilespmem:s7+$0xFFFFFF00];
	v2 =	vmul.f32 v2, v0  }
0x290: {  	s29 =	sadd.s32 $0xC580, s14;
	s11 =	sadd.s32 s8, s12;
	v10 =	vld [tilespmem:s7+$0xFFFFFF80];
	v4 =	vmul.f32 v4, v0;
	v1 =	vadd.f32 v1, v3  }
0x291: {  	s10 =	sadd.s32 s8, s29;
	v12 =	vld [tilespmem:s11+$0x0];
	v5 =	vmul.f32 v5, v0;
	v13 =	vmul.f32 v6, v0;
	v11 =	vadd.f32 v2, v3  }
0x292: {  	v2 =	vld [tilespmem:s11+$0xFFFFFC80];
	v4 =	vadd.f32 v4, v3;
	[tilespmem:s10+$0x8380] =	vst v1  }
0x293: {  	v7 =	vld [tilespmem:s11+$0xFFFFFD00];
	v13 =	vadd.f32 v13, v3;
	[tilespmem:s10+$0x8000] =	vst v11;
	v1 =	vadd.f32 v5, v3;
	v5 =	vmul.f32 v8, v0  }
0x294: {  	v6 =	vld [tilespmem:s11+$0xFFFFFD80];
	v14 =	vmul.f32 v9, v0;
	[tilespmem:s10+$0x8080] =	vst v4  }
0x295: {  	s16 =	simm.s32 $0x8;
	s15 =	sand.u32 $0x60, s13;
	v4 =	vld [tilespmem:s11+$0xFFFFFE00];
	v11 =	vmul.f32 v10, v0;
	[tilespmem:s10+$0x8180] =	vst v13;
	v9 =	vadd.f32 v5, v3  }
0x296: {  	s13 =	smov.u32 s8;
	s7 =	sadd.s32 $0x4790, s14;
	s14 =	smov.u32 s29;
	v8 =	vmul.f32 v12, v0;
	v10 =	vadd.f32 v14, v3;
	[tilespmem:s10+$0x8100] =	vst v1;
	v5 =	vld [tilespmem:s11+$0xFFFFFE80]  }
.LBB2_47:
0x297: {  	s16 =	sadd.s32 $0x8, s16;
	v1 =	vmul.f32 v2, v0;
	v12 =	vld [tilespmem:s11+$0xFFFFFF00];
	s12 =	sadd.s32 $0x2000, s12;
	[tilespmem:s10+$0x8200] =	vst v9;
	v2 =	vadd.f32 v11, v3  }
0x298: {  	s14 =	sadd.s32 $0x2000, s14;
	p0 =	slt.u32 s16, $0x18;
	v7 =	vmul.f32 v7, v0;
	v11 =	vld [tilespmem:s11+$0xFFFFFF80];
	s11 =	sadd.s32 s8, s12;
	v8 =	vadd.f32 v8, v3;
	[tilespmem:s10+$0x8280] =	vst v10  }
0x299: {  	v10 =	vld [tilespmem:s11+$0x0];
	v1 =	vadd.f32 v1, v3;
	v6 =	vmul.f32 v6, v0;
	[tilespmem:s10+$0x8300] =	vst v2;
	s10 =	sadd.s32 s13, s14;
	s13 =	smov.u32 s8  }
.Ltmp22:
0x29a: {  	v2 =	vld [tilespmem:s11+$0xFFFFFC80];
	v9 =	vadd.f32 v7, v3;
	v4 =	vmul.f32 v4, v0;
	[tilespmem:s10+$0x8380] =	vst v8;
	(pc) =	sbr.rel @p0 .LBB2_47-.Ltmp22, $4  }
0x29b: {  	v7 =	vld [tilespmem:s11+$0xFFFFFD00];
	[tilespmem:s10+$0x8000] =	vst v1;
	v1 =	vadd.f32 v6, v3;
	v5 =	vmul.f32 v5, v0  }
0x29c: {  	v6 =	vld [tilespmem:s11+$0xFFFFFD80];
	[tilespmem:s10+$0x8080] =	vst v9;
	v13 =	vadd.f32 v4, v3;
	v12 =	vmul.f32 v12, v0  }
0x29d: {  	v4 =	vld [tilespmem:s11+$0xFFFFFE00];
	[tilespmem:s10+$0x8100] =	vst v1;
	v9 =	vadd.f32 v5, v3;
	v11 =	vmul.f32 v11, v0  }
0x29e: {  	v5 =	vld [tilespmem:s11+$0xFFFFFE80];
	v8 =	vmul.f32 v10, v0;
	[tilespmem:s10+$0x8180] =	vst v13;
	v10 =	vadd.f32 v12, v3  }
0x29f: {  	v1 =	vmov s8;
	_ =	sdelay $0x1  }
0x2a0: {  	v12 =	vld [tilespmem:s11+$0xFFFFFF00];
	s6 =	sor.u32 s6, s15  }
0x2a1: {  	v13 =	vld [tilespmem:s11+$0xFFFFFF80];
	s6 =	sor.u32 $0x390, s6  }
0x2a2: {  	v14 =	vmul.f32 v2, v0;
	[tilespmem:s10+$0x8200] =	vst v9;
	v9 =	vadd.f32 v11, v3;
	v2 =	vld [tilespmem:s6+$0x400]  }
0x2a3: {  	s21 =	sadd.s32 $0x2000, s14;
	v7 =	vmul.f32 v7, v0;
	v8 =	vadd.f32 v8, v3;
	[tilespmem:s10+$0x8280] =	vst v10;
	v10 =	vld.idx.msk [tilespmem:v1+s7+$0x0 ss:$0x1], $0xffff  }
0x2a4: {  	v11 =	vadd.f32 v14, v3;
	s6 =	sadd.s32 s13, s21;
	v6 =	vmul.f32 v6, v0;
	[tilespmem:s10+$0x8300] =	vst v9;
	v9 =	vld.idx.msk [tilespmem:v1+s7+$0xFFFFFD00 ss:$0x1], $0xffff  }
0x2a5: {  	v7 =	vadd.f32 v7, v3;
	v4 =	vmul.f32 v4, v0;
	[tilespmem:s6+$0x8380] =	vst v8;
	v8 =	vld.idx.msk [tilespmem:v1+s7+$0xFFFFFD80 ss:$0x1], $0xffff  }
0x2a6: {  	[tilespmem:s6+$0x8000] =	vst v11;
	v6 =	vadd.f32 v6, v3;
	v5 =	vmul.f32 v5, v0;
	v11 =	vld.idx.msk [tilespmem:v1+s7+$0xFFFFFE00 ss:$0x1], $0xffff  }
0x2a7: {  	[tilespmem:s6+$0x8080] =	vst v7;
	v4 =	vadd.f32 v4, v3;
	v7 =	vmul.f32 v12, v0;
	v12 =	vld.idx.msk [tilespmem:v1+s7+$0xFFFFFE80 ss:$0x1], $0xffff  }
0x2a8: {  	v14 =	vld.idx.msk [tilespmem:v1+s7+$0xFFFFFF80 ss:$0x1], $0xffff;
	[tilespmem:s6+$0x8100] =	vst v6;
	v5 =	vadd.f32 v5, v3;
	v6 =	vmul.f32 v13, v0  }
0x2a9: {  	s22 =	sadd.s32 $0x2000, s7;
	v13 =	vld.idx.msk [tilespmem:v1+s7+$0xFFFFFF00 ss:$0x1], $0xffff;
	[tilespmem:s6+$0x8180] =	vst v4;
	v4 =	vadd.f32 v7, v3;
	v7 =	vmul.f32 v10, v0  }
0x2aa: {  	v15 =	vld.idx.msk [tilespmem:v1+s22+$0xFFFFFD00 ss:$0x1], $0xffff;
	[tilespmem:s6+$0x8200] =	vst v5;
	v3 =	vadd.f32 v6, v3;
	v6 =	vmul.f32 v9, v0  }
0x2ab: {  	v5 =	vld.idx.msk [tilespmem:v1+s7+$0xFFFFFC80 ss:$0x1], $0xffff;
	[tilespmem:s6+$0x8280] =	vst v4;
	v4 =	vmul.f32 v8, v0;
	v8 =	vadd.f32 v7, v2  }
0x2ac: {  	v9 =	vld.idx.msk [tilespmem:v1+s22+$0x0 ss:$0x1], $0xffff;
	[tilespmem:s6+$0x8300] =	vst v3;
	v10 =	vmul.f32 v11, v0;
	v3 =	vadd.f32 v6, v2  }
0x2ad: {  	v12 =	vmul.f32 v12, v0;
	v7 =	vld.idx.msk [tilespmem:v1+s22+$0xFFFFFD80 ss:$0x1], $0xffff;
	v11 =	vadd.f32 v4, v2;
	[tilespmem:v1+s29+$0x8390 ss:$0x1] =	vst.idx.msk $0xffff, v8  }
0x2ae: {  	v6 =	vld.idx.msk [tilespmem:v1+s22+$0xFFFFFE00 ss:$0x1], $0xffff;
	[tilespmem:v1+s29+$0x8090 ss:$0x1] =	vst.idx.msk $0xffff, v3;
	v8 =	vadd.f32 v10, v2;
	v10 =	vmul.f32 v13, v0  }
0x2af: {  	v4 =	vld.idx.msk [tilespmem:v1+s22+$0xFFFFFE80 ss:$0x1], $0xffff;
	[tilespmem:v1+s29+$0x8110 ss:$0x1] =	vst.idx.msk $0xffff, v11;
	v11 =	vadd.f32 v12, v2;
	v12 =	vmul.f32 v14, v0  }
0x2b0: {  	v3 =	vld.idx.msk [tilespmem:v1+s22+$0xFFFFFF00 ss:$0x1], $0xffff;
	v13 =	vmul.f32 v5, v0;
	[tilespmem:v1+s29+$0x8190 ss:$0x1] =	vst.idx.msk $0xffff, v8;
	v14 =	vadd.f32 v10, v2  }
0x2b1: {  	v5 =	vld.idx.msk [tilespmem:v1+s22+$0xFFFFFF80 ss:$0x1], $0xffff;
	v9 =	vmul.f32 v9, v0;
	[tilespmem:v1+s29+$0x8210 ss:$0x1] =	vst.idx.msk $0xffff, v11;
	v10 =	vadd.f32 v12, v2  }
0x2b2: {  	s7 =	sadd.s32 $0x2000, s22;
	s6 =	simm.s32 $0x8;
	v8 =	vld.idx.msk [tilespmem:v1+s22+$0xFFFFFC80 ss:$0x1], $0xffff;
	v11 =	vmul.f32 v15, v0;
	v12 =	vadd.f32 v13, v2;
	[tilespmem:v1+s29+$0x8290 ss:$0x1] =	vst.idx.msk $0xffff, v14  }
.LBB2_49:
0x2b3: {  	v13 =	vld.idx.msk [tilespmem:v1+s7+$0x0 ss:$0x1], $0xffff;
	s6 =	sadd.s32 $0x8, s6;
	v14 =	vmul.f32 v7, v0;
	v9 =	vadd.f32 v9, v2;
	[tilespmem:v1+s29+$0x8310 ss:$0x1] =	vst.idx.msk $0xffff, v10  }
0x2b4: {  	v15 =	vld.idx.msk [tilespmem:v1+s7+$0xFFFFFD00 ss:$0x1], $0xffff;
	p0 =	slt.u32 s6, $0x18;
	v10 =	vadd.f32 v11, v2;
	v11 =	vmul.f32 v6, v0;
	[tilespmem:v1+s29+$0x8010 ss:$0x1] =	vst.idx.msk $0xffff, v12;
	s29 =	sadd.s32 $0x2000, s29  }
0x2b5: {  	v7 =	vld.idx.msk [tilespmem:v1+s7+$0xFFFFFD80 ss:$0x1], $0xffff;
	v12 =	vadd.f32 v14, v2;
	v14 =	vmul.f32 v4, v0;
	[tilespmem:v1+s29+$0x8390 ss:$0x1] =	vst.idx.msk $0xffff, v9  }
.Ltmp23:
0x2b6: {  	v6 =	vld.idx.msk [tilespmem:v1+s7+$0xFFFFFE00 ss:$0x1], $0xffff;
	[tilespmem:v1+s29+$0x8090 ss:$0x1] =	vst.idx.msk $0xffff, v10;
	v9 =	vadd.f32 v11, v2;
	v10 =	vmul.f32 v3, v0;
	(pc) =	sbr.rel @p0 .LBB2_49-.Ltmp23, $4  }
0x2b7: {  	v4 =	vld.idx.msk [tilespmem:v1+s7+$0xFFFFFE80 ss:$0x1], $0xffff;
	[tilespmem:v1+s29+$0x8110 ss:$0x1] =	vst.idx.msk $0xffff, v12;
	v11 =	vadd.f32 v14, v2;
	v12 =	vmul.f32 v5, v0  }
0x2b8: {  	v14 =	vmul.f32 v8, v0;
	v3 =	vld.idx.msk [tilespmem:v1+s7+$0xFFFFFF00 ss:$0x1], $0xffff;
	[tilespmem:v1+s29+$0x8190 ss:$0x1] =	vst.idx.msk $0xffff, v9;
	v16 =	vadd.f32 v10, v2  }
0x2b9: {  	v9 =	vmul.f32 v13, v0;
	v5 =	vld.idx.msk [tilespmem:v1+s7+$0xFFFFFF80 ss:$0x1], $0xffff;
	[tilespmem:v1+s29+$0x8210 ss:$0x1] =	vst.idx.msk $0xffff, v11;
	v10 =	vadd.f32 v12, v2  }
0x2ba: {  	v11 =	vmul.f32 v15, v0;
	v12 =	vadd.f32 v14, v2;
	v8 =	vld.idx.msk [tilespmem:v1+s7+$0xFFFFFC80 ss:$0x1], $0xffff;
	s7 =	sadd.s32 $0x2000, s7;
	[tilespmem:v1+s29+$0x8290 ss:$0x1] =	vst.idx.msk $0xffff, v16  }
0x2bb: {  	_ =	sdelay $0x3  }
0x2bc: {  	v7 =	vmul.f32 v7, v0;
	v9 =	vadd.f32 v9, v2;
	[tilespmem:v1+s29+$0x8310 ss:$0x1] =	vst.idx.msk $0xffff, v10  }
0x2bd: {  	v6 =	vmul.f32 v6, v0;
	s6 =	sadd.s32 $0x2000, s29;
	v61 =	vadd.f32 v11, v2;
	[tilespmem:v1+s29+$0x8010 ss:$0x1] =	vst.idx.msk $0xffff, v12  }
0x2be: {  	v4 =	vmul.f32 v4, v0;
	v7 =	vadd.f32 v7, v2;
	[tilespmem:v1+s6+$0x8390 ss:$0x1] =	vst.idx.msk $0xffff, v9  }
0x2bf: {  	v6 =	vadd.f32 v6, v2;
	v3 =	vmul.f32 v3, v0;
	[tilespmem:v1+s6+$0x8090 ss:$0x1] =	vst.idx.msk $0xffff, v61  }
0x2c0: {  	p0 =	slt.u32 s0, $0x3E;
	v4 =	vadd.f32 v4, v2;
	v5 =	vmul.f32 v5, v0;
	[tilespmem:v1+s6+$0x8110 ss:$0x1] =	vst.idx.msk $0xffff, v7  }
.Ltmp24:
0x2c1: {  	v62 =	vmul.f32 v8, v0;
	[tilespmem:v1+s6+$0x8190 ss:$0x1] =	vst.idx.msk $0xffff, v6;
	v3 =	vadd.f32 v3, v2;
	(pc) =	sbr.rel @p0 .LBB2_46-.Ltmp24, $4  }
0x2c2: {  	[tilespmem:v1+s6+$0x8210 ss:$0x1] =	vst.idx.msk $0xffff, v4;
	v63 =	vadd.f32 v5, v2  }
0x2c3: {  	v2 =	vadd.f32 v62, v2;
	[tilespmem:v1+s6+$0x8290 ss:$0x1] =	vst.idx.msk $0xffff, v3  }
0x2c4: {  	[tilespmem:v1+s6+$0x8310 ss:$0x1] =	vst.idx.msk $0xffff, v63  }
0x2c5: {  	s0 =	sadd.s32 $0x2, s0;
	s5 =	sadd.s32 $0x1, s5;
	s4 =	sadd.s32 $0x100, s4;
	[tilespmem:v1+s6+$0x8010 ss:$0x1] =	vst.idx.msk $0xffff, v2  }
0x2c6: {  	s29 =	simm.s32 $0x0;
	s0 =	rddreg [dreg:$0xf]  }
0x2c7: {  	[hbm4b:s0+s29] =	stream.linear.scatter [tilespmem:s31], [sflag:$0x2], $0x8000, $0x38;
	[tilespmem:$0x1C580] =	vst v63  }
0x2c8: {  	_ =	swait.ge [sflag:s3], $0x8000  }
0x2c9: {  	s4 =	simm.s32 $0x0;
	[sflag:s3] =	ssyncset.done $0x0  }
0x2ca: {  	s5 =	simm.s32 $0x0;
	s0 =	simm.s32 $0x10;
	[sflag:s3] =	ssyncadd.s32 $0xFFFF8000  }
.LBB2_52:
0x2cb: {  	s6 =	sshll.u32 s5, $0x2;
	s12 =	sand.u32 $0x3, s4;
	s7 =	sshll.u32 s29, $0x7  }
0x2cc: {  	s10 =	sshll.u32 s29, $0x4;
	s6 =	sand.u32 $0xFFFFF000, s6;
	s8 =	sshll.u32 s12, $0x7  }
0x2cd: {  	s11 =	sand.u32 $0x1C00, s7;
	s7 =	sand.u32 $0x60, s10;
	s10 =	sor.u32 $0x380, s10  }
0x2ce: {  	s6 =	sor.u32 s8, s6;
	s8 =	sadd.s32 $0x2400, s11;
	s21 =	sor.u32 s10, s5  }
0x2cf: {  	s11 =	sor.u32 $0x300, s7;
	s20 =	sor.u32 s7, s8;
	v3 =	vld [tilespmem:s21+$0x4400]  }
0x2d0: {  	s15 =	sshrl.u32 s6, $0x2;
	s17 =	sor.u32 s11, s5;
	v2 =	vld [tilespmem:s20+$0x0]  }
0x2d1: {  	s13 =	sadd.s32 $0x4580, s15;
	v4 =	vld [tilespmem:s17+$0x4400]  }
0x2d2: {  	v1 =	vld [tilespmem:s13+$0x100]  }
0x2d3: {  	v6 =	vld [tilespmem:s13+$0xFFFFFF80]  }
0x2d4: {  	v5 =	vld [tilespmem:s13+$0xFFFFFF00]  }
0x2d5: {  	v8 =	vld [tilespmem:s13+$0x80]  }
0x2d6: {  	v7 =	vld [tilespmem:s13+$0x0];
	v3 =	vmul.f32 v3, v0  }
0x2d7: {  	v1 =	vmul.f32 v1, v0  }
0x2d8: {  	s19 =	sadd.s32 $0x2000, s5;
	v9 =	vld [tilespmem:s13+$0xFFFFFE80];
	s20 =	sadd.s32 $0x2000, s13;
	v3 =	vadd.f32 v3, v2;
	v6 =	vmul.f32 v6, v0  }
0x2d9: {  	s14 =	sor.u32 s10, s19;
	v10 =	vld [tilespmem:s20+$0x100];
	v4 =	vmul.f32 v4, v0;
	v1 =	vadd.f32 v1, v2  }
0x2da: {  	v11 =	vld [tilespmem:s14+$0x4400];
	s16 =	sadd.s32 $0xC700, s15;
	s13 =	sor.u32 s11, s19;
	v5 =	vmul.f32 v5, v0;
	v8 =	vmul.f32 v8, v0;
	[tilespmem:s21+$0xC580] =	vst v3;
	v13 =	vadd.f32 v6, v2  }
0x2db: {  	v12 =	vld [tilespmem:s13+$0x4400];
	v7 =	vmul.f32 v7, v0;
	[tilespmem:s16+$0x100] =	vst v1;
	v1 =	vadd.f32 v4, v2  }
0x2dc: {  	v63 =	vadd.f32 v8, v2;
	v4 =	vadd.f32 v5, v2;
	v5 =	vld [tilespmem:s20+$0xFFFFFF00];
	[tilespmem:s16+$0xFFFFFF80] =	vst v13  }
0x2dd: {  	v6 =	vld [tilespmem:s20+$0xFFFFFF80];
	[tilespmem:s17+$0xC580] =	vst v1;
	v1 =	vadd.f32 v7, v2;
	v7 =	vmul.f32 v9, v0  }
0x2de: {  	s18 =	simm.s32 $0x8;
	s22 =	sshll.u32 s12, $0x5;
	v3 =	vld [tilespmem:s20+$0x0];
	[tilespmem:s16+$0x80] =	vst v63;
	v9 =	vmul.f32 v10, v0  }
0x2df: {  	s12 =	sadd.s32 s22, s0;
	s6 =	sadd.s32 $0xC710, s15;
	s15 =	sadd.s32 $0x4590, s15;
	[tilespmem:s16+$0xFFFFFF00] =	vst v4;
	v4 =	vld [tilespmem:s20+$0x80];
	v10 =	vmul.f32 v11, v0;
	v11 =	vadd.f32 v7, v2  }
0x2e0: {  	s19 =	sadd.s32 $0x2000, s19;
	s17 =	sadd.s32 $0x2000, s16;
	[tilespmem:s16+$0x0] =	vst v1;
	v7 =	vld [tilespmem:s20+$0xFFFFFE80];
	v8 =	vadd.f32 v9, v2;
	v9 =	vmul.f32 v12, v0;
	s20 =	sadd.s32 $0x2000, s20  }
.LBB2_53:
0x2e1: {  	v1 =	vld [tilespmem:s20+$0x100];
	s21 =	sor.u32 s11, s19;
	s22 =	sor.u32 s10, s19;
	s18 =	sadd.s32 $0x8, s18;
	v5 =	vmul.f32 v5, v0;
	v10 =	vadd.f32 v10, v2;
	[tilespmem:s16+$0xFFFFFE80] =	vst v11  }
0x2e2: {  	s16 =	smov.u32 s17;
	v11 =	vld [tilespmem:s22+$0x4400];
	p0 =	slt.u32 s18, $0x18;
	v6 =	vmul.f32 v6, v0;
	[tilespmem:s17+$0x100] =	vst v8;
	v8 =	vadd.f32 v9, v2  }
0x2e3: {  	v9 =	vld [tilespmem:s21+$0x4400];
	v12 =	vadd.f32 v5, v2;
	v3 =	vmul.f32 v3, v0;
	[tilespmem:s14+$0xC580] =	vst v10;
	s14 =	smov.u32 s22  }
.Ltmp25:
0x2e4: {  	v5 =	vld [tilespmem:s20+$0xFFFFFF00];
	v10 =	vadd.f32 v6, v2;
	v4 =	vmul.f32 v4, v0;
	[tilespmem:s13+$0xC580] =	vst v8;
	s13 =	smov.u32 s21;
	(pc) =	sbr.rel @p0 .LBB2_53-.Ltmp25, $4  }
0x2e5: {  	v6 =	vld [tilespmem:s20+$0xFFFFFF80];
	v7 =	vmul.f32 v7, v0;
	[tilespmem:s17+$0xFFFFFF00] =	vst v12;
	v8 =	vadd.f32 v3, v2  }
0x2e6: {  	v3 =	vld [tilespmem:s20+$0x0];
	v1 =	vmul.f32 v1, v0;
	[tilespmem:s17+$0xFFFFFF80] =	vst v10;
	v12 =	vadd.f32 v4, v2  }
0x2e7: {  	v4 =	vld [tilespmem:s20+$0x80];
	v10 =	vmul.f32 v11, v0;
	v11 =	vadd.f32 v7, v2;
	[tilespmem:s17+$0x0] =	vst v8  }
0x2e8: {  	s19 =	sadd.s32 $0x2000, s19;
	s17 =	sadd.s32 $0x2000, s17;
	v7 =	vld [tilespmem:s20+$0xFFFFFE80];
	v8 =	vadd.f32 v1, v2;
	v9 =	vmul.f32 v9, v0;
	s20 =	sadd.s32 $0x2000, s20;
	[tilespmem:s16+$0x80] =	vst v12  }
0x2e9: {  	s7 =	sadd.s32 s7, s8;
	[tilespmem:s16+$0xFFFFFE80] =	vst v11;
	v11 =	vld [tilespmem:s15+$0x100]  }
0x2ea: {  	v5 =	vmul.f32 v5, v0;
	v10 =	vadd.f32 v10, v2;
	s10 =	sor.u32 $0x380, s12;
	v1 =	vld [tilespmem:s7+$0x10]  }
0x2eb: {  	s11 =	sor.u32 $0x300, s12;
	v6 =	vmul.f32 v6, v0;
	[tilespmem:s17+$0x100] =	vst v8;
	v8 =	vadd.f32 v9, v2;
	v9 =	vld [tilespmem:s10+$0x4400]  }
0x2ec: {  	v5 =	vadd.f32 v5, v2;
	v3 =	vmul.f32 v3, v0;
	[tilespmem:s14+$0xC580] =	vst v10;
	v10 =	vld [tilespmem:s11+$0x4400]  }
0x2ed: {  	v6 =	vadd.f32 v6, v2;
	v4 =	vmul.f32 v4, v0;
	[tilespmem:s13+$0xC580] =	vst v8;
	v8 =	vld [tilespmem:s15+$0xFFFFFF00]  }
0x2ee: {  	v7 =	vmul.f32 v7, v0;
	[tilespmem:s17+$0xFFFFFF00] =	vst v5;
	v3 =	vadd.f32 v3, v2;
	v5 =	vld [tilespmem:s15+$0xFFFFFF80]  }
0x2ef: {  	[tilespmem:s17+$0xFFFFFF80] =	vst v6;
	v4 =	vadd.f32 v4, v2;
	v6 =	vld [tilespmem:s15+$0x0];
	v11 =	vmul.f32 v11, v0  }
0x2f0: {  	v2 =	vadd.f32 v7, v2;
	[tilespmem:s17+$0x0] =	vst v3;
	v7 =	vld [tilespmem:s15+$0x80];
	v3 =	vmul.f32 v9, v0  }
0x2f1: {  	s21 =	sadd.s32 $0x2000, s12;
	s22 =	sadd.s32 $0x2000, s15;
	[tilespmem:s17+$0x80] =	vst v4;
	v4 =	vld [tilespmem:s15+$0xFFFFFE80];
	v9 =	vadd.f32 v11, v1;
	v10 =	vmul.f32 v10, v0  }
0x2f2: {  	s7 =	sor.u32 $0x380, s21;
	v11 =	vld [tilespmem:s22+$0x100];
	[tilespmem:s17+$0xFFFFFE80] =	vst v2;
	v2 =	vmul.f32 v8, v0;
	v3 =	vadd.f32 v3, v1  }
0x2f3: {  	s8 =	sor.u32 $0x300, s21;
	v8 =	vld [tilespmem:s7+$0x4400];
	v5 =	vmul.f32 v5, v0;
	[tilespmem:s6+$0x100] =	vst v9;
	v9 =	vadd.f32 v10, v1  }
0x2f4: {  	v12 =	vld [tilespmem:s8+$0x4400];
	v2 =	vadd.f32 v2, v1;
	v6 =	vmul.f32 v6, v0;
	[tilespmem:s10+$0xC580] =	vst v3  }
0x2f5: {  	v3 =	vld [tilespmem:s22+$0xFFFFFF00];
	v10 =	vadd.f32 v5, v1;
	v7 =	vmul.f32 v7, v0;
	[tilespmem:s11+$0xC580] =	vst v9  }
0x2f6: {  	v5 =	vld [tilespmem:s22+$0xFFFFFF80];
	[tilespmem:s6+$0xFFFFFF00] =	vst v2;
	v6 =	vadd.f32 v6, v1;
	v9 =	vmul.f32 v4, v0  }
0x2f7: {  	v2 =	vld [tilespmem:s22+$0x0];
	v11 =	vmul.f32 v11, v0;
	[tilespmem:s6+$0xFFFFFF80] =	vst v10;
	v13 =	vadd.f32 v7, v1  }
0x2f8: {  	s12 =	sadd.s32 $0x2000, s21;
	v4 =	vld [tilespmem:s22+$0x80];
	v7 =	vmul.f32 v8, v0;
	[tilespmem:s6+$0x0] =	vst v6;
	v10 =	vadd.f32 v9, v1  }
0x2f9: {  	s13 =	sadd.s32 $0x2000, s22;
	s10 =	sadd.s32 $0x2000, s6;
	s11 =	simm.s32 $0x8;
	v6 =	vld [tilespmem:s22+$0xFFFFFE80];
	v8 =	vadd.f32 v11, v1;
	v9 =	vmul.f32 v12, v0;
	[tilespmem:s6+$0x80] =	vst v13  }
.LBB2_55:
0x2fa: {  	v11 =	vld [tilespmem:s13+$0x100];
	s14 =	sor.u32 $0x300, s12;
	s15 =	sor.u32 $0x380, s12;
	s11 =	sadd.s32 $0x8, s11;
	v3 =	vmul.f32 v3, v0;
	v7 =	vadd.f32 v7, v1;
	[tilespmem:s6+$0xFFFFFE80] =	vst v10  }
0x2fb: {  	s6 =	smov.u32 s10;
	v10 =	vld [tilespmem:s15+$0x4400];
	p0 =	slt.u32 s11, $0x18;
	v5 =	vmul.f32 v5, v0;
	[tilespmem:s10+$0x100] =	vst v8;
	v8 =	vadd.f32 v9, v1  }
0x2fc: {  	v9 =	vld [tilespmem:s14+$0x4400];
	v12 =	vadd.f32 v3, v1;
	v2 =	vmul.f32 v2, v0;
	[tilespmem:s7+$0xC580] =	vst v7;
	s7 =	smov.u32 s15  }
.Ltmp26:
0x2fd: {  	v3 =	vld [tilespmem:s13+$0xFFFFFF00];
	v7 =	vadd.f32 v5, v1;
	v4 =	vmul.f32 v4, v0;
	[tilespmem:s8+$0xC580] =	vst v8;
	s8 =	smov.u32 s14;
	(pc) =	sbr.rel @p0 .LBB2_55-.Ltmp26, $4  }
0x2fe: {  	v5 =	vld [tilespmem:s13+$0xFFFFFF80];
	v6 =	vmul.f32 v6, v0;
	[tilespmem:s10+$0xFFFFFF00] =	vst v12;
	v8 =	vadd.f32 v2, v1  }
0x2ff: {  	v2 =	vld [tilespmem:s13+$0x0];
	v11 =	vmul.f32 v11, v0;
	[tilespmem:s10+$0xFFFFFF80] =	vst v7;
	v12 =	vadd.f32 v4, v1  }
0x300: {  	v4 =	vld [tilespmem:s13+$0x80];
	v7 =	vmul.f32 v10, v0;
	v10 =	vadd.f32 v6, v1;
	[tilespmem:s10+$0x0] =	vst v8  }
0x301: {  	s12 =	sadd.s32 $0x2000, s12;
	s10 =	sadd.s32 $0x2000, s10;
	v6 =	vld [tilespmem:s13+$0xFFFFFE80];
	v8 =	vadd.f32 v11, v1;
	v9 =	vmul.f32 v9, v0;
	s13 =	sadd.s32 $0x2000, s13;
	[tilespmem:s6+$0x80] =	vst v12  }
0x302: {  	v3 =	vmul.f32 v3, v0;
	v7 =	vadd.f32 v7, v1;
	[tilespmem:s6+$0xFFFFFE80] =	vst v10  }
0x303: {  	v5 =	vmul.f32 v5, v0;
	[tilespmem:s10+$0x100] =	vst v8;
	v63 =	vadd.f32 v9, v1  }
0x304: {  	v3 =	vadd.f32 v3, v1;
	v2 =	vmul.f32 v2, v0;
	[tilespmem:s7+$0xC580] =	vst v7  }
0x305: {  	p0 =	slt.u32 s29, $0x3E;
	v5 =	vadd.f32 v5, v1;
	v4 =	vmul.f32 v4, v0;
	[tilespmem:s8+$0xC580] =	vst v63  }
.Ltmp27:
0x306: {  	v6 =	vmul.f32 v6, v0;
	[tilespmem:s10+$0xFFFFFF00] =	vst v3;
	v2 =	vadd.f32 v2, v1;
	(pc) =	sbr.rel @p0 .LBB2_52-.Ltmp27, $4  }
0x307: {  	[tilespmem:s10+$0xFFFFFF80] =	vst v5;
	v3 =	vadd.f32 v4, v1  }
0x308: {  	v1 =	vadd.f32 v6, v1;
	[tilespmem:s10+$0x0] =	vst v2  }
0x309: {  	s22 =	sadd.s32 $0x2, s29;
	s5 =	sadd.s32 $0x100, s5;
	[tilespmem:s10+$0x80] =	vst v3  }
0x30a: {  	s4 =	sadd.s32 $0x1, s4;
	s0 =	sadd.s32 $0x100, s0;
	s29 =	smov.u32 s22;
	[tilespmem:s10+$0xFFFFFE80] =	vst v1  }
0x30b: {  	s0 =	simm.s32 $0x0;
	s4 =	rddreg [dreg:$0x10]  }
0x30c: {  	[hbm4b:s4+s0] =	stream.linear.scatter [tilespmem:s30], [sflag:$0x1], $0x8000, $0x38;
	[tilespmem:$0x1C580] =	vst v63  }
0x30d: {  	_ =	swait.ge [sflag:s28], $0x8000  }
0x30e: {  	[sflag:s28] =	ssyncset.done $0x0  }
0x30f: {  	s5 =	simm.s32 $0x0;
	s4 =	simm.s32 $0x0;
	[sflag:s28] =	ssyncadd.s32 $0xFFFF8000  }
.LBB2_58:
0x310: {  	s6 =	sshll.u32 s5, $0x7;
	s7 =	sshll.u32 s0, $0x7  }
0x311: {  	s22 =	sshll.u32 s0, $0x4;
	s14 =	sand.u32 $0x3FFFFC00, s4;
	s7 =	sand.u32 $0x1C00, s7  }
0x312: {  	s8 =	sand.u32 $0x180, s6;
	s6 =	sand.u32 $0x60, s22;
	s7 =	sadd.s32 $0x2480, s7  }
0x313: {  	s11 =	sadd.s32 $0x4780, s14;
	s10 =	sshrl.u32 s8, $0x2;
	s12 =	sor.u32 s6, s7  }
0x314: {  	s8 =	sadd.s32 s10, s11;
	v3 =	vld [tilespmem:s12+$0x0]  }
0x315: {  	v1 =	vld [tilespmem:s8+$0x0]  }
0x316: {  	v2 =	vld [tilespmem:s8+$0xFFFFFC80]  }
0x317: {  	v4 =	vld [tilespmem:s8+$0xFFFFFD00]  }
0x318: {  	v5 =	vld [tilespmem:s8+$0xFFFFFD80]  }
0x319: {  	v6 =	vld [tilespmem:s8+$0xFFFFFE00];
	_ =	sdelay $0x1  }
0x31a: {  	v8 =	vld [tilespmem:s8+$0xFFFFFE80];
	v1 =	vmul.f32 v1, v0  }
0x31b: {  	s13 =	sadd.s32 $0x2000, s11;
	v9 =	vld [tilespmem:s8+$0xFFFFFF00];
	v2 =	vmul.f32 v2, v0  }
0x31c: {  	s29 =	sadd.s32 $0xC580, s14;
	s12 =	sadd.s32 s10, s13;
	v10 =	vld [tilespmem:s8+$0xFFFFFF80];
	v4 =	vmul.f32 v4, v0;
	v1 =	vadd.f32 v1, v3  }
0x31d: {  	s11 =	sadd.s32 s10, s29;
	v12 =	vld [tilespmem:s12+$0x0];
	v5 =	vmul.f32 v5, v0;
	v13 =	vmul.f32 v6, v0;
	v11 =	vadd.f32 v2, v3  }
0x31e: {  	v2 =	vld [tilespmem:s12+$0xFFFFFC80];
	v4 =	vadd.f32 v4, v3;
	[tilespmem:s11+$0x8380] =	vst v1  }
0x31f: {  	v7 =	vld [tilespmem:s12+$0xFFFFFD00];
	v13 =	vadd.f32 v13, v3;
	[tilespmem:s11+$0x8000] =	vst v11;
	v1 =	vadd.f32 v5, v3;
	v5 =	vmul.f32 v8, v0  }
0x320: {  	v6 =	vld [tilespmem:s12+$0xFFFFFD80];
	v14 =	vmul.f32 v9, v0;
	[tilespmem:s11+$0x8080] =	vst v4  }
0x321: {  	s16 =	simm.s32 $0x8;
	v4 =	vld [tilespmem:s12+$0xFFFFFE00];
	v11 =	vmul.f32 v10, v0;
	[tilespmem:s11+$0x8180] =	vst v13;
	v9 =	vadd.f32 v5, v3  }
0x322: {  	s15 =	smov.u32 s29;
	s8 =	sadd.s32 $0x4790, s14;
	s14 =	smov.u32 s10;
	v8 =	vmul.f32 v12, v0;
	v10 =	vadd.f32 v14, v3;
	[tilespmem:s11+$0x8100] =	vst v1;
	v5 =	vld [tilespmem:s12+$0xFFFFFE80]  }
.LBB2_59:
0x323: {  	s16 =	sadd.s32 $0x8, s16;
	v1 =	vmul.f32 v2, v0;
	v12 =	vld [tilespmem:s12+$0xFFFFFF00];
	s13 =	sadd.s32 $0x2000, s13;
	[tilespmem:s11+$0x8200] =	vst v9;
	v2 =	vadd.f32 v11, v3  }
0x324: {  	s15 =	sadd.s32 $0x2000, s15;
	p0 =	slt.u32 s16, $0x18;
	v7 =	vmul.f32 v7, v0;
	v11 =	vld [tilespmem:s12+$0xFFFFFF80];
	s12 =	sadd.s32 s10, s13;
	v8 =	vadd.f32 v8, v3;
	[tilespmem:s11+$0x8280] =	vst v10  }
0x325: {  	v10 =	vld [tilespmem:s12+$0x0];
	v1 =	vadd.f32 v1, v3;
	v6 =	vmul.f32 v6, v0;
	[tilespmem:s11+$0x8300] =	vst v2;
	s11 =	sadd.s32 s14, s15;
	s14 =	smov.u32 s10  }
.Ltmp28:
0x326: {  	v2 =	vld [tilespmem:s12+$0xFFFFFC80];
	v9 =	vadd.f32 v7, v3;
	v4 =	vmul.f32 v4, v0;
	[tilespmem:s11+$0x8380] =	vst v8;
	(pc) =	sbr.rel @p0 .LBB2_59-.Ltmp28, $4  }
0x327: {  	v7 =	vld [tilespmem:s12+$0xFFFFFD00];
	[tilespmem:s11+$0x8000] =	vst v1;
	v1 =	vadd.f32 v6, v3;
	v5 =	vmul.f32 v5, v0  }
0x328: {  	v6 =	vld [tilespmem:s12+$0xFFFFFD80];
	[tilespmem:s11+$0x8080] =	vst v9;
	v13 =	vadd.f32 v4, v3;
	v12 =	vmul.f32 v12, v0  }
0x329: {  	v4 =	vld [tilespmem:s12+$0xFFFFFE00];
	[tilespmem:s11+$0x8100] =	vst v1;
	v9 =	vadd.f32 v5, v3;
	v11 =	vmul.f32 v11, v0  }
0x32a: {  	v5 =	vld [tilespmem:s12+$0xFFFFFE80];
	v8 =	vmul.f32 v10, v0;
	[tilespmem:s11+$0x8180] =	vst v13;
	v10 =	vadd.f32 v12, v3  }
0x32b: {  	v1 =	vmov s10;
	_ =	sdelay $0x1  }
0x32c: {  	v12 =	vld [tilespmem:s12+$0xFFFFFF00]  }
0x32d: {  	v13 =	vld [tilespmem:s12+$0xFFFFFF80];
	s6 =	sadd.s32 s6, s7  }
0x32e: {  	v14 =	vmul.f32 v2, v0;
	[tilespmem:s11+$0x8200] =	vst v9;
	v9 =	vadd.f32 v11, v3;
	v2 =	vld [tilespmem:s6+$0x10]  }
0x32f: {  	s21 =	sadd.s32 $0x2000, s15;
	v7 =	vmul.f32 v7, v0;
	v8 =	vadd.f32 v8, v3;
	[tilespmem:s11+$0x8280] =	vst v10;
	v10 =	vld.idx.msk [tilespmem:v1+s8+$0x0 ss:$0x1], $0xffff  }
0x330: {  	s6 =	sadd.s32 s14, s21;
	v11 =	vadd.f32 v14, v3;
	v6 =	vmul.f32 v6, v0;
	[tilespmem:s11+$0x8300] =	vst v9;
	v9 =	vld.idx.msk [tilespmem:v1+s8+$0xFFFFFD00 ss:$0x1], $0xffff  }
0x331: {  	v7 =	vadd.f32 v7, v3;
	v4 =	vmul.f32 v4, v0;
	[tilespmem:s6+$0x8380] =	vst v8;
	v8 =	vld.idx.msk [tilespmem:v1+s8+$0xFFFFFD80 ss:$0x1], $0xffff  }
0x332: {  	[tilespmem:s6+$0x8000] =	vst v11;
	v6 =	vadd.f32 v6, v3;
	v5 =	vmul.f32 v5, v0;
	v11 =	vld.idx.msk [tilespmem:v1+s8+$0xFFFFFE00 ss:$0x1], $0xffff  }
0x333: {  	[tilespmem:s6+$0x8080] =	vst v7;
	v4 =	vadd.f32 v4, v3;
	v7 =	vmul.f32 v12, v0;
	v12 =	vld.idx.msk [tilespmem:v1+s8+$0xFFFFFE80 ss:$0x1], $0xffff  }
0x334: {  	v14 =	vld.idx.msk [tilespmem:v1+s8+$0xFFFFFF80 ss:$0x1], $0xffff;
	[tilespmem:s6+$0x8100] =	vst v6;
	v5 =	vadd.f32 v5, v3;
	v6 =	vmul.f32 v13, v0  }
0x335: {  	s22 =	sadd.s32 $0x2000, s8;
	v13 =	vld.idx.msk [tilespmem:v1+s8+$0xFFFFFF00 ss:$0x1], $0xffff;
	[tilespmem:s6+$0x8180] =	vst v4;
	v4 =	vadd.f32 v7, v3;
	v7 =	vmul.f32 v10, v0  }
0x336: {  	v15 =	vld.idx.msk [tilespmem:v1+s22+$0xFFFFFD00 ss:$0x1], $0xffff;
	[tilespmem:s6+$0x8200] =	vst v5;
	v3 =	vadd.f32 v6, v3;
	v6 =	vmul.f32 v9, v0  }
0x337: {  	v5 =	vld.idx.msk [tilespmem:v1+s8+$0xFFFFFC80 ss:$0x1], $0xffff;
	[tilespmem:s6+$0x8280] =	vst v4;
	v4 =	vmul.f32 v8, v0;
	v8 =	vadd.f32 v7, v2  }
0x338: {  	v9 =	vld.idx.msk [tilespmem:v1+s22+$0x0 ss:$0x1], $0xffff;
	[tilespmem:s6+$0x8300] =	vst v3;
	v10 =	vmul.f32 v11, v0;
	v3 =	vadd.f32 v6, v2  }
0x339: {  	v12 =	vmul.f32 v12, v0;
	v7 =	vld.idx.msk [tilespmem:v1+s22+$0xFFFFFD80 ss:$0x1], $0xffff;
	v11 =	vadd.f32 v4, v2;
	[tilespmem:v1+s29+$0x8390 ss:$0x1] =	vst.idx.msk $0xffff, v8  }
0x33a: {  	v6 =	vld.idx.msk [tilespmem:v1+s22+$0xFFFFFE00 ss:$0x1], $0xffff;
	[tilespmem:v1+s29+$0x8090 ss:$0x1] =	vst.idx.msk $0xffff, v3;
	v8 =	vadd.f32 v10, v2;
	v10 =	vmul.f32 v13, v0  }
0x33b: {  	v4 =	vld.idx.msk [tilespmem:v1+s22+$0xFFFFFE80 ss:$0x1], $0xffff;
	[tilespmem:v1+s29+$0x8110 ss:$0x1] =	vst.idx.msk $0xffff, v11;
	v11 =	vadd.f32 v12, v2;
	v12 =	vmul.f32 v14, v0  }
0x33c: {  	v3 =	vld.idx.msk [tilespmem:v1+s22+$0xFFFFFF00 ss:$0x1], $0xffff;
	v13 =	vmul.f32 v5, v0;
	[tilespmem:v1+s29+$0x8190 ss:$0x1] =	vst.idx.msk $0xffff, v8;
	v14 =	vadd.f32 v10, v2  }
0x33d: {  	v5 =	vld.idx.msk [tilespmem:v1+s22+$0xFFFFFF80 ss:$0x1], $0xffff;
	v9 =	vmul.f32 v9, v0;
	[tilespmem:v1+s29+$0x8210 ss:$0x1] =	vst.idx.msk $0xffff, v11;
	v10 =	vadd.f32 v12, v2  }
0x33e: {  	s7 =	sadd.s32 $0x2000, s22;
	s6 =	simm.s32 $0x8;
	v8 =	vld.idx.msk [tilespmem:v1+s22+$0xFFFFFC80 ss:$0x1], $0xffff;
	v11 =	vmul.f32 v15, v0;
	v12 =	vadd.f32 v13, v2;
	[tilespmem:v1+s29+$0x8290 ss:$0x1] =	vst.idx.msk $0xffff, v14  }
.LBB2_61:
0x33f: {  	v13 =	vld.idx.msk [tilespmem:v1+s7+$0x0 ss:$0x1], $0xffff;
	s6 =	sadd.s32 $0x8, s6;
	v14 =	vmul.f32 v7, v0;
	v9 =	vadd.f32 v9, v2;
	[tilespmem:v1+s29+$0x8310 ss:$0x1] =	vst.idx.msk $0xffff, v10  }
0x340: {  	v15 =	vld.idx.msk [tilespmem:v1+s7+$0xFFFFFD00 ss:$0x1], $0xffff;
	p0 =	slt.u32 s6, $0x18;
	v10 =	vadd.f32 v11, v2;
	v11 =	vmul.f32 v6, v0;
	[tilespmem:v1+s29+$0x8010 ss:$0x1] =	vst.idx.msk $0xffff, v12;
	s29 =	sadd.s32 $0x2000, s29  }
0x341: {  	v7 =	vld.idx.msk [tilespmem:v1+s7+$0xFFFFFD80 ss:$0x1], $0xffff;
	v12 =	vadd.f32 v14, v2;
	v14 =	vmul.f32 v4, v0;
	[tilespmem:v1+s29+$0x8390 ss:$0x1] =	vst.idx.msk $0xffff, v9  }
.Ltmp29:
0x342: {  	v6 =	vld.idx.msk [tilespmem:v1+s7+$0xFFFFFE00 ss:$0x1], $0xffff;
	[tilespmem:v1+s29+$0x8090 ss:$0x1] =	vst.idx.msk $0xffff, v10;
	v9 =	vadd.f32 v11, v2;
	v10 =	vmul.f32 v3, v0;
	(pc) =	sbr.rel @p0 .LBB2_61-.Ltmp29, $4  }
0x343: {  	v4 =	vld.idx.msk [tilespmem:v1+s7+$0xFFFFFE80 ss:$0x1], $0xffff;
	[tilespmem:v1+s29+$0x8110 ss:$0x1] =	vst.idx.msk $0xffff, v12;
	v11 =	vadd.f32 v14, v2;
	v12 =	vmul.f32 v5, v0  }
0x344: {  	v14 =	vmul.f32 v8, v0;
	v3 =	vld.idx.msk [tilespmem:v1+s7+$0xFFFFFF00 ss:$0x1], $0xffff;
	[tilespmem:v1+s29+$0x8190 ss:$0x1] =	vst.idx.msk $0xffff, v9;
	v16 =	vadd.f32 v10, v2  }
0x345: {  	v9 =	vmul.f32 v13, v0;
	v5 =	vld.idx.msk [tilespmem:v1+s7+$0xFFFFFF80 ss:$0x1], $0xffff;
	[tilespmem:v1+s29+$0x8210 ss:$0x1] =	vst.idx.msk $0xffff, v11;
	v10 =	vadd.f32 v12, v2  }
0x346: {  	v11 =	vmul.f32 v15, v0;
	v12 =	vadd.f32 v14, v2;
	v8 =	vld.idx.msk [tilespmem:v1+s7+$0xFFFFFC80 ss:$0x1], $0xffff;
	s7 =	sadd.s32 $0x2000, s7;
	[tilespmem:v1+s29+$0x8290 ss:$0x1] =	vst.idx.msk $0xffff, v16  }
0x347: {  	_ =	sdelay $0x3  }
0x348: {  	v7 =	vmul.f32 v7, v0;
	v9 =	vadd.f32 v9, v2;
	[tilespmem:v1+s29+$0x8310 ss:$0x1] =	vst.idx.msk $0xffff, v10  }
0x349: {  	v6 =	vmul.f32 v6, v0;
	s6 =	sadd.s32 $0x2000, s29;
	v61 =	vadd.f32 v11, v2;
	[tilespmem:v1+s29+$0x8010 ss:$0x1] =	vst.idx.msk $0xffff, v12  }
0x34a: {  	v4 =	vmul.f32 v4, v0;
	v7 =	vadd.f32 v7, v2;
	[tilespmem:v1+s6+$0x8390 ss:$0x1] =	vst.idx.msk $0xffff, v9  }
0x34b: {  	v6 =	vadd.f32 v6, v2;
	v3 =	vmul.f32 v3, v0;
	[tilespmem:v1+s6+$0x8090 ss:$0x1] =	vst.idx.msk $0xffff, v61  }
0x34c: {  	p0 =	slt.u32 s0, $0x3E;
	v4 =	vadd.f32 v4, v2;
	v5 =	vmul.f32 v5, v0;
	[tilespmem:v1+s6+$0x8110 ss:$0x1] =	vst.idx.msk $0xffff, v7  }
.Ltmp30:
0x34d: {  	v62 =	vmul.f32 v8, v0;
	[tilespmem:v1+s6+$0x8190 ss:$0x1] =	vst.idx.msk $0xffff, v6;
	v3 =	vadd.f32 v3, v2;
	(pc) =	sbr.rel @p0 .LBB2_58-.Ltmp30, $4  }
0x34e: {  	[tilespmem:v1+s6+$0x8210 ss:$0x1] =	vst.idx.msk $0xffff, v4;
	v63 =	vadd.f32 v5, v2  }
0x34f: {  	v2 =	vadd.f32 v62, v2;
	[tilespmem:v1+s6+$0x8290 ss:$0x1] =	vst.idx.msk $0xffff, v3  }
0x350: {  	[tilespmem:v1+s6+$0x8310 ss:$0x1] =	vst.idx.msk $0xffff, v63  }
0x351: {  	s0 =	sadd.s32 $0x2, s0;
	s5 =	sadd.s32 $0x1, s5;
	s4 =	sadd.s32 $0x100, s4;
	[tilespmem:v1+s6+$0x8010 ss:$0x1] =	vst.idx.msk $0xffff, v2  }
0x352: {  	s29 =	simm.s32 $0x0;
	s0 =	rddreg [dreg:$0x11]  }
0x353: {  	[hbm4b:s0+s29] =	stream.linear.scatter [tilespmem:s31], [sflag:$0x2], $0x8000, $0x38;
	[tilespmem:$0x1C580] =	vst v63  }
0x354: {  	_ =	swait.ge [sflag:s3], $0x8000  }
0x355: {  	s4 =	simm.s32 $0x0;
	[sflag:s3] =	ssyncset.done $0x0  }
0x356: {  	s5 =	simm.s32 $0x0;
	s0 =	simm.s32 $0x10;
	[sflag:s3] =	ssyncadd.s32 $0xFFFF8000  }
.LBB2_64:
0x357: {  	s6 =	sshll.u32 s5, $0x2;
	s12 =	sand.u32 $0x3, s4;
	s7 =	sshll.u32 s29, $0x7  }
0x358: {  	s10 =	sshll.u32 s29, $0x4;
	s6 =	sand.u32 $0xFFFFF000, s6;
	s8 =	sshll.u32 s12, $0x7  }
0x359: {  	s11 =	sand.u32 $0x1C00, s7;
	s7 =	sand.u32 $0x60, s10;
	s10 =	sor.u32 $0x380, s10  }
0x35a: {  	s6 =	sor.u32 s8, s6;
	s8 =	sadd.s32 $0x2500, s11;
	s21 =	sor.u32 s10, s5  }
0x35b: {  	s11 =	sor.u32 $0x300, s7;
	s20 =	sor.u32 s7, s8;
	v3 =	vld [tilespmem:s21+$0x4400]  }
0x35c: {  	s15 =	sshrl.u32 s6, $0x2;
	s17 =	sor.u32 s11, s5;
	v2 =	vld [tilespmem:s20+$0x0]  }
0x35d: {  	s13 =	sadd.s32 $0x4580, s15;
	v4 =	vld [tilespmem:s17+$0x4400]  }
0x35e: {  	v1 =	vld [tilespmem:s13+$0x100]  }
0x35f: {  	v6 =	vld [tilespmem:s13+$0xFFFFFF80]  }
0x360: {  	v5 =	vld [tilespmem:s13+$0xFFFFFF00]  }
0x361: {  	v8 =	vld [tilespmem:s13+$0x80]  }
0x362: {  	v7 =	vld [tilespmem:s13+$0x0];
	v3 =	vmul.f32 v3, v0  }
0x363: {  	v1 =	vmul.f32 v1, v0  }
0x364: {  	s19 =	sadd.s32 $0x2000, s5;
	v9 =	vld [tilespmem:s13+$0xFFFFFE80];
	s20 =	sadd.s32 $0x2000, s13;
	v3 =	vadd.f32 v3, v2;
	v6 =	vmul.f32 v6, v0  }
0x365: {  	s14 =	sor.u32 s10, s19;
	v10 =	vld [tilespmem:s20+$0x100];
	v4 =	vmul.f32 v4, v0;
	v1 =	vadd.f32 v1, v2  }
0x366: {  	v11 =	vld [tilespmem:s14+$0x4400];
	s16 =	sadd.s32 $0xC700, s15;
	s13 =	sor.u32 s11, s19;
	v5 =	vmul.f32 v5, v0;
	v8 =	vmul.f32 v8, v0;
	[tilespmem:s21+$0xC580] =	vst v3;
	v13 =	vadd.f32 v6, v2  }
0x367: {  	v12 =	vld [tilespmem:s13+$0x4400];
	v7 =	vmul.f32 v7, v0;
	[tilespmem:s16+$0x100] =	vst v1;
	v1 =	vadd.f32 v4, v2  }
0x368: {  	v63 =	vadd.f32 v8, v2;
	v4 =	vadd.f32 v5, v2;
	v5 =	vld [tilespmem:s20+$0xFFFFFF00];
	[tilespmem:s16+$0xFFFFFF80] =	vst v13  }
0x369: {  	v6 =	vld [tilespmem:s20+$0xFFFFFF80];
	[tilespmem:s17+$0xC580] =	vst v1;
	v1 =	vadd.f32 v7, v2;
	v7 =	vmul.f32 v9, v0  }
0x36a: {  	s18 =	simm.s32 $0x8;
	s22 =	sshll.u32 s12, $0x5;
	v3 =	vld [tilespmem:s20+$0x0];
	[tilespmem:s16+$0x80] =	vst v63;
	v9 =	vmul.f32 v10, v0  }
0x36b: {  	s12 =	sadd.s32 s22, s0;
	s6 =	sadd.s32 $0xC710, s15;
	s15 =	sadd.s32 $0x4590, s15;
	[tilespmem:s16+$0xFFFFFF00] =	vst v4;
	v4 =	vld [tilespmem:s20+$0x80];
	v10 =	vmul.f32 v11, v0;
	v11 =	vadd.f32 v7, v2  }
0x36c: {  	s19 =	sadd.s32 $0x2000, s19;
	s17 =	sadd.s32 $0x2000, s16;
	[tilespmem:s16+$0x0] =	vst v1;
	v7 =	vld [tilespmem:s20+$0xFFFFFE80];
	v8 =	vadd.f32 v9, v2;
	v9 =	vmul.f32 v12, v0;
	s20 =	sadd.s32 $0x2000, s20  }
.LBB2_65:
0x36d: {  	v1 =	vld [tilespmem:s20+$0x100];
	s21 =	sor.u32 s11, s19;
	s22 =	sor.u32 s10, s19;
	s18 =	sadd.s32 $0x8, s18;
	v5 =	vmul.f32 v5, v0;
	v10 =	vadd.f32 v10, v2;
	[tilespmem:s16+$0xFFFFFE80] =	vst v11  }
0x36e: {  	s16 =	smov.u32 s17;
	v11 =	vld [tilespmem:s22+$0x4400];
	p0 =	slt.u32 s18, $0x18;
	v6 =	vmul.f32 v6, v0;
	[tilespmem:s17+$0x100] =	vst v8;
	v8 =	vadd.f32 v9, v2  }
0x36f: {  	v9 =	vld [tilespmem:s21+$0x4400];
	v12 =	vadd.f32 v5, v2;
	v3 =	vmul.f32 v3, v0;
	[tilespmem:s14+$0xC580] =	vst v10;
	s14 =	smov.u32 s22  }
.Ltmp31:
0x370: {  	v5 =	vld [tilespmem:s20+$0xFFFFFF00];
	v10 =	vadd.f32 v6, v2;
	v4 =	vmul.f32 v4, v0;
	[tilespmem:s13+$0xC580] =	vst v8;
	s13 =	smov.u32 s21;
	(pc) =	sbr.rel @p0 .LBB2_65-.Ltmp31, $4  }
0x371: {  	v6 =	vld [tilespmem:s20+$0xFFFFFF80];
	v7 =	vmul.f32 v7, v0;
	[tilespmem:s17+$0xFFFFFF00] =	vst v12;
	v8 =	vadd.f32 v3, v2  }
0x372: {  	v3 =	vld [tilespmem:s20+$0x0];
	v1 =	vmul.f32 v1, v0;
	[tilespmem:s17+$0xFFFFFF80] =	vst v10;
	v12 =	vadd.f32 v4, v2  }
0x373: {  	v4 =	vld [tilespmem:s20+$0x80];
	v10 =	vmul.f32 v11, v0;
	v11 =	vadd.f32 v7, v2;
	[tilespmem:s17+$0x0] =	vst v8  }
0x374: {  	s19 =	sadd.s32 $0x2000, s19;
	s17 =	sadd.s32 $0x2000, s17;
	v7 =	vld [tilespmem:s20+$0xFFFFFE80];
	v8 =	vadd.f32 v1, v2;
	v9 =	vmul.f32 v9, v0;
	s20 =	sadd.s32 $0x2000, s20;
	[tilespmem:s16+$0x80] =	vst v12  }
0x375: {  	s7 =	sadd.s32 s7, s8;
	[tilespmem:s16+$0xFFFFFE80] =	vst v11;
	v11 =	vld [tilespmem:s15+$0x100]  }
0x376: {  	v5 =	vmul.f32 v5, v0;
	v10 =	vadd.f32 v10, v2;
	s10 =	sor.u32 $0x380, s12;
	v1 =	vld [tilespmem:s7+$0x10]  }
0x377: {  	s11 =	sor.u32 $0x300, s12;
	v6 =	vmul.f32 v6, v0;
	[tilespmem:s17+$0x100] =	vst v8;
	v8 =	vadd.f32 v9, v2;
	v9 =	vld [tilespmem:s10+$0x4400]  }
0x378: {  	v5 =	vadd.f32 v5, v2;
	v3 =	vmul.f32 v3, v0;
	[tilespmem:s14+$0xC580] =	vst v10;
	v10 =	vld [tilespmem:s11+$0x4400]  }
0x379: {  	v6 =	vadd.f32 v6, v2;
	v4 =	vmul.f32 v4, v0;
	[tilespmem:s13+$0xC580] =	vst v8;
	v8 =	vld [tilespmem:s15+$0xFFFFFF00]  }
0x37a: {  	v7 =	vmul.f32 v7, v0;
	[tilespmem:s17+$0xFFFFFF00] =	vst v5;
	v3 =	vadd.f32 v3, v2;
	v5 =	vld [tilespmem:s15+$0xFFFFFF80]  }
0x37b: {  	[tilespmem:s17+$0xFFFFFF80] =	vst v6;
	v4 =	vadd.f32 v4, v2;
	v6 =	vld [tilespmem:s15+$0x0];
	v11 =	vmul.f32 v11, v0  }
0x37c: {  	v2 =	vadd.f32 v7, v2;
	[tilespmem:s17+$0x0] =	vst v3;
	v7 =	vld [tilespmem:s15+$0x80];
	v3 =	vmul.f32 v9, v0  }
0x37d: {  	s21 =	sadd.s32 $0x2000, s12;
	s22 =	sadd.s32 $0x2000, s15;
	[tilespmem:s17+$0x80] =	vst v4;
	v4 =	vld [tilespmem:s15+$0xFFFFFE80];
	v9 =	vadd.f32 v11, v1;
	v10 =	vmul.f32 v10, v0  }
0x37e: {  	s7 =	sor.u32 $0x380, s21;
	v11 =	vld [tilespmem:s22+$0x100];
	[tilespmem:s17+$0xFFFFFE80] =	vst v2;
	v2 =	vmul.f32 v8, v0;
	v3 =	vadd.f32 v3, v1  }
0x37f: {  	s8 =	sor.u32 $0x300, s21;
	v8 =	vld [tilespmem:s7+$0x4400];
	v5 =	vmul.f32 v5, v0;
	[tilespmem:s6+$0x100] =	vst v9;
	v9 =	vadd.f32 v10, v1  }
0x380: {  	v12 =	vld [tilespmem:s8+$0x4400];
	v2 =	vadd.f32 v2, v1;
	v6 =	vmul.f32 v6, v0;
	[tilespmem:s10+$0xC580] =	vst v3  }
0x381: {  	v3 =	vld [tilespmem:s22+$0xFFFFFF00];
	v10 =	vadd.f32 v5, v1;
	v7 =	vmul.f32 v7, v0;
	[tilespmem:s11+$0xC580] =	vst v9  }
0x382: {  	v5 =	vld [tilespmem:s22+$0xFFFFFF80];
	[tilespmem:s6+$0xFFFFFF00] =	vst v2;
	v6 =	vadd.f32 v6, v1;
	v9 =	vmul.f32 v4, v0  }
0x383: {  	v2 =	vld [tilespmem:s22+$0x0];
	v11 =	vmul.f32 v11, v0;
	[tilespmem:s6+$0xFFFFFF80] =	vst v10;
	v13 =	vadd.f32 v7, v1  }
0x384: {  	s12 =	sadd.s32 $0x2000, s21;
	v4 =	vld [tilespmem:s22+$0x80];
	v7 =	vmul.f32 v8, v0;
	[tilespmem:s6+$0x0] =	vst v6;
	v10 =	vadd.f32 v9, v1  }
0x385: {  	s13 =	sadd.s32 $0x2000, s22;
	s10 =	sadd.s32 $0x2000, s6;
	s11 =	simm.s32 $0x8;
	v6 =	vld [tilespmem:s22+$0xFFFFFE80];
	v8 =	vadd.f32 v11, v1;
	v9 =	vmul.f32 v12, v0;
	[tilespmem:s6+$0x80] =	vst v13  }
.LBB2_67:
0x386: {  	v11 =	vld [tilespmem:s13+$0x100];
	s14 =	sor.u32 $0x300, s12;
	s15 =	sor.u32 $0x380, s12;
	s11 =	sadd.s32 $0x8, s11;
	v3 =	vmul.f32 v3, v0;
	v7 =	vadd.f32 v7, v1;
	[tilespmem:s6+$0xFFFFFE80] =	vst v10  }
0x387: {  	s6 =	smov.u32 s10;
	v10 =	vld [tilespmem:s15+$0x4400];
	p0 =	slt.u32 s11, $0x18;
	v5 =	vmul.f32 v5, v0;
	[tilespmem:s10+$0x100] =	vst v8;
	v8 =	vadd.f32 v9, v1  }
0x388: {  	v9 =	vld [tilespmem:s14+$0x4400];
	v12 =	vadd.f32 v3, v1;
	v2 =	vmul.f32 v2, v0;
	[tilespmem:s7+$0xC580] =	vst v7;
	s7 =	smov.u32 s15  }
.Ltmp32:
0x389: {  	v3 =	vld [tilespmem:s13+$0xFFFFFF00];
	v7 =	vadd.f32 v5, v1;
	v4 =	vmul.f32 v4, v0;
	[tilespmem:s8+$0xC580] =	vst v8;
	s8 =	smov.u32 s14;
	(pc) =	sbr.rel @p0 .LBB2_67-.Ltmp32, $4  }
0x38a: {  	v5 =	vld [tilespmem:s13+$0xFFFFFF80];
	v6 =	vmul.f32 v6, v0;
	[tilespmem:s10+$0xFFFFFF00] =	vst v12;
	v8 =	vadd.f32 v2, v1  }
0x38b: {  	v2 =	vld [tilespmem:s13+$0x0];
	v11 =	vmul.f32 v11, v0;
	[tilespmem:s10+$0xFFFFFF80] =	vst v7;
	v12 =	vadd.f32 v4, v1  }
0x38c: {  	v4 =	vld [tilespmem:s13+$0x80];
	v7 =	vmul.f32 v10, v0;
	v10 =	vadd.f32 v6, v1;
	[tilespmem:s10+$0x0] =	vst v8  }
0x38d: {  	s12 =	sadd.s32 $0x2000, s12;
	s10 =	sadd.s32 $0x2000, s10;
	v6 =	vld [tilespmem:s13+$0xFFFFFE80];
	v8 =	vadd.f32 v11, v1;
	v9 =	vmul.f32 v9, v0;
	s13 =	sadd.s32 $0x2000, s13;
	[tilespmem:s6+$0x80] =	vst v12  }
0x38e: {  	v3 =	vmul.f32 v3, v0;
	v7 =	vadd.f32 v7, v1;
	[tilespmem:s6+$0xFFFFFE80] =	vst v10  }
0x38f: {  	v5 =	vmul.f32 v5, v0;
	[tilespmem:s10+$0x100] =	vst v8;
	v63 =	vadd.f32 v9, v1  }
0x390: {  	v3 =	vadd.f32 v3, v1;
	v2 =	vmul.f32 v2, v0;
	[tilespmem:s7+$0xC580] =	vst v7  }
0x391: {  	p0 =	slt.u32 s29, $0x3E;
	v5 =	vadd.f32 v5, v1;
	v4 =	vmul.f32 v4, v0;
	[tilespmem:s8+$0xC580] =	vst v63  }
.Ltmp33:
0x392: {  	v6 =	vmul.f32 v6, v0;
	[tilespmem:s10+$0xFFFFFF00] =	vst v3;
	v2 =	vadd.f32 v2, v1;
	(pc) =	sbr.rel @p0 .LBB2_64-.Ltmp33, $4  }
0x393: {  	[tilespmem:s10+$0xFFFFFF80] =	vst v5;
	v3 =	vadd.f32 v4, v1  }
0x394: {  	v1 =	vadd.f32 v6, v1;
	[tilespmem:s10+$0x0] =	vst v2  }
0x395: {  	s22 =	sadd.s32 $0x2, s29;
	s5 =	sadd.s32 $0x100, s5;
	[tilespmem:s10+$0x80] =	vst v3  }
0x396: {  	s4 =	sadd.s32 $0x1, s4;
	s0 =	sadd.s32 $0x100, s0;
	s29 =	smov.u32 s22;
	[tilespmem:s10+$0xFFFFFE80] =	vst v1  }
0x397: {  	s0 =	simm.s32 $0x0;
	s4 =	rddreg [dreg:$0x12]  }
0x398: {  	[hbm4b:s4+s0] =	stream.linear.scatter [tilespmem:s30], [sflag:$0x1], $0x8000, $0x38;
	[tilespmem:$0x1C580] =	vst v63  }
0x399: {  	_ =	swait.ge [sflag:s28], $0x8000  }
0x39a: {  	[sflag:s28] =	ssyncset.done $0x0  }
0x39b: {  	s5 =	simm.s32 $0x0;
	s4 =	simm.s32 $0x0;
	[sflag:s28] =	ssyncadd.s32 $0xFFFF8000  }
.LBB2_70:
0x39c: {  	s6 =	sshll.u32 s5, $0x7;
	s7 =	sshll.u32 s0, $0x7  }
0x39d: {  	s22 =	sshll.u32 s0, $0x4;
	s14 =	sand.u32 $0x3FFFFC00, s4;
	s7 =	sand.u32 $0x1C00, s7  }
0x39e: {  	s8 =	sand.u32 $0x180, s6;
	s6 =	sand.u32 $0x60, s22;
	s7 =	sadd.s32 $0x2580, s7  }
0x39f: {  	s11 =	sadd.s32 $0x4780, s14;
	s10 =	sshrl.u32 s8, $0x2;
	s12 =	sor.u32 s6, s7  }
0x3a0: {  	s8 =	sadd.s32 s10, s11;
	v3 =	vld [tilespmem:s12+$0x0]  }
0x3a1: {  	v1 =	vld [tilespmem:s8+$0x0]  }
0x3a2: {  	v2 =	vld [tilespmem:s8+$0xFFFFFC80]  }
0x3a3: {  	v4 =	vld [tilespmem:s8+$0xFFFFFD00]  }
0x3a4: {  	v5 =	vld [tilespmem:s8+$0xFFFFFD80]  }
0x3a5: {  	v6 =	vld [tilespmem:s8+$0xFFFFFE00];
	_ =	sdelay $0x1  }
0x3a6: {  	v8 =	vld [tilespmem:s8+$0xFFFFFE80];
	v1 =	vmul.f32 v1, v0  }
0x3a7: {  	s13 =	sadd.s32 $0x2000, s11;
	v9 =	vld [tilespmem:s8+$0xFFFFFF00];
	v2 =	vmul.f32 v2, v0  }
0x3a8: {  	s29 =	sadd.s32 $0xC580, s14;
	s12 =	sadd.s32 s10, s13;
	v10 =	vld [tilespmem:s8+$0xFFFFFF80];
	v4 =	vmul.f32 v4, v0;
	v1 =	vadd.f32 v1, v3  }
0x3a9: {  	s11 =	sadd.s32 s10, s29;
	v12 =	vld [tilespmem:s12+$0x0];
	v5 =	vmul.f32 v5, v0;
	v13 =	vmul.f32 v6, v0;
	v11 =	vadd.f32 v2, v3  }
0x3aa: {  	v2 =	vld [tilespmem:s12+$0xFFFFFC80];
	v4 =	vadd.f32 v4, v3;
	[tilespmem:s11+$0x8380] =	vst v1  }
0x3ab: {  	v7 =	vld [tilespmem:s12+$0xFFFFFD00];
	v13 =	vadd.f32 v13, v3;
	[tilespmem:s11+$0x8000] =	vst v11;
	v1 =	vadd.f32 v5, v3;
	v5 =	vmul.f32 v8, v0  }
0x3ac: {  	v6 =	vld [tilespmem:s12+$0xFFFFFD80];
	v14 =	vmul.f32 v9, v0;
	[tilespmem:s11+$0x8080] =	vst v4  }
0x3ad: {  	s16 =	simm.s32 $0x8;
	v4 =	vld [tilespmem:s12+$0xFFFFFE00];
	v11 =	vmul.f32 v10, v0;
	[tilespmem:s11+$0x8180] =	vst v13;
	v9 =	vadd.f32 v5, v3  }
0x3ae: {  	s15 =	smov.u32 s29;
	s8 =	sadd.s32 $0x4790, s14;
	s14 =	smov.u32 s10;
	v8 =	vmul.f32 v12, v0;
	v10 =	vadd.f32 v14, v3;
	[tilespmem:s11+$0x8100] =	vst v1;
	v5 =	vld [tilespmem:s12+$0xFFFFFE80]  }
.LBB2_71:
0x3af: {  	s16 =	sadd.s32 $0x8, s16;
	v1 =	vmul.f32 v2, v0;
	v12 =	vld [tilespmem:s12+$0xFFFFFF00];
	s13 =	sadd.s32 $0x2000, s13;
	[tilespmem:s11+$0x8200] =	vst v9;
	v2 =	vadd.f32 v11, v3  }
0x3b0: {  	s15 =	sadd.s32 $0x2000, s15;
	p0 =	slt.u32 s16, $0x18;
	v7 =	vmul.f32 v7, v0;
	v11 =	vld [tilespmem:s12+$0xFFFFFF80];
	s12 =	sadd.s32 s10, s13;
	v8 =	vadd.f32 v8, v3;
	[tilespmem:s11+$0x8280] =	vst v10  }
0x3b1: {  	v10 =	vld [tilespmem:s12+$0x0];
	v1 =	vadd.f32 v1, v3;
	v6 =	vmul.f32 v6, v0;
	[tilespmem:s11+$0x8300] =	vst v2;
	s11 =	sadd.s32 s14, s15;
	s14 =	smov.u32 s10  }
.Ltmp34:
0x3b2: {  	v2 =	vld [tilespmem:s12+$0xFFFFFC80];
	v9 =	vadd.f32 v7, v3;
	v4 =	vmul.f32 v4, v0;
	[tilespmem:s11+$0x8380] =	vst v8;
	(pc) =	sbr.rel @p0 .LBB2_71-.Ltmp34, $4  }
0x3b3: {  	v7 =	vld [tilespmem:s12+$0xFFFFFD00];
	[tilespmem:s11+$0x8000] =	vst v1;
	v1 =	vadd.f32 v6, v3;
	v5 =	vmul.f32 v5, v0  }
0x3b4: {  	v6 =	vld [tilespmem:s12+$0xFFFFFD80];
	[tilespmem:s11+$0x8080] =	vst v9;
	v13 =	vadd.f32 v4, v3;
	v12 =	vmul.f32 v12, v0  }
0x3b5: {  	v4 =	vld [tilespmem:s12+$0xFFFFFE00];
	[tilespmem:s11+$0x8100] =	vst v1;
	v9 =	vadd.f32 v5, v3;
	v11 =	vmul.f32 v11, v0  }
0x3b6: {  	v5 =	vld [tilespmem:s12+$0xFFFFFE80];
	v8 =	vmul.f32 v10, v0;
	[tilespmem:s11+$0x8180] =	vst v13;
	v10 =	vadd.f32 v12, v3  }
0x3b7: {  	v1 =	vmov s10;
	_ =	sdelay $0x1  }
0x3b8: {  	v12 =	vld [tilespmem:s12+$0xFFFFFF00]  }
0x3b9: {  	v13 =	vld [tilespmem:s12+$0xFFFFFF80];
	s6 =	sadd.s32 s6, s7  }
0x3ba: {  	v14 =	vmul.f32 v2, v0;
	[tilespmem:s11+$0x8200] =	vst v9;
	v9 =	vadd.f32 v11, v3;
	v2 =	vld [tilespmem:s6+$0x10]  }
0x3bb: {  	s21 =	sadd.s32 $0x2000, s15;
	v7 =	vmul.f32 v7, v0;
	v8 =	vadd.f32 v8, v3;
	[tilespmem:s11+$0x8280] =	vst v10;
	v10 =	vld.idx.msk [tilespmem:v1+s8+$0x0 ss:$0x1], $0xffff  }
0x3bc: {  	s6 =	sadd.s32 s14, s21;
	v11 =	vadd.f32 v14, v3;
	v6 =	vmul.f32 v6, v0;
	[tilespmem:s11+$0x8300] =	vst v9;
	v9 =	vld.idx.msk [tilespmem:v1+s8+$0xFFFFFD00 ss:$0x1], $0xffff  }
0x3bd: {  	v7 =	vadd.f32 v7, v3;
	v4 =	vmul.f32 v4, v0;
	[tilespmem:s6+$0x8380] =	vst v8;
	v8 =	vld.idx.msk [tilespmem:v1+s8+$0xFFFFFD80 ss:$0x1], $0xffff  }
0x3be: {  	[tilespmem:s6+$0x8000] =	vst v11;
	v6 =	vadd.f32 v6, v3;
	v5 =	vmul.f32 v5, v0;
	v11 =	vld.idx.msk [tilespmem:v1+s8+$0xFFFFFE00 ss:$0x1], $0xffff  }
0x3bf: {  	[tilespmem:s6+$0x8080] =	vst v7;
	v4 =	vadd.f32 v4, v3;
	v7 =	vmul.f32 v12, v0;
	v12 =	vld.idx.msk [tilespmem:v1+s8+$0xFFFFFE80 ss:$0x1], $0xffff  }
0x3c0: {  	v14 =	vld.idx.msk [tilespmem:v1+s8+$0xFFFFFF80 ss:$0x1], $0xffff;
	[tilespmem:s6+$0x8100] =	vst v6;
	v5 =	vadd.f32 v5, v3;
	v6 =	vmul.f32 v13, v0  }
0x3c1: {  	s22 =	sadd.s32 $0x2000, s8;
	v13 =	vld.idx.msk [tilespmem:v1+s8+$0xFFFFFF00 ss:$0x1], $0xffff;
	[tilespmem:s6+$0x8180] =	vst v4;
	v4 =	vadd.f32 v7, v3;
	v7 =	vmul.f32 v10, v0  }
0x3c2: {  	v15 =	vld.idx.msk [tilespmem:v1+s22+$0xFFFFFD00 ss:$0x1], $0xffff;
	[tilespmem:s6+$0x8200] =	vst v5;
	v3 =	vadd.f32 v6, v3;
	v6 =	vmul.f32 v9, v0  }
0x3c3: {  	v5 =	vld.idx.msk [tilespmem:v1+s8+$0xFFFFFC80 ss:$0x1], $0xffff;
	[tilespmem:s6+$0x8280] =	vst v4;
	v4 =	vmul.f32 v8, v0;
	v8 =	vadd.f32 v7, v2  }
0x3c4: {  	v9 =	vld.idx.msk [tilespmem:v1+s22+$0x0 ss:$0x1], $0xffff;
	[tilespmem:s6+$0x8300] =	vst v3;
	v10 =	vmul.f32 v11, v0;
	v3 =	vadd.f32 v6, v2  }
0x3c5: {  	v12 =	vmul.f32 v12, v0;
	v7 =	vld.idx.msk [tilespmem:v1+s22+$0xFFFFFD80 ss:$0x1], $0xffff;
	v11 =	vadd.f32 v4, v2;
	[tilespmem:v1+s29+$0x8390 ss:$0x1] =	vst.idx.msk $0xffff, v8  }
0x3c6: {  	v6 =	vld.idx.msk [tilespmem:v1+s22+$0xFFFFFE00 ss:$0x1], $0xffff;
	[tilespmem:v1+s29+$0x8090 ss:$0x1] =	vst.idx.msk $0xffff, v3;
	v8 =	vadd.f32 v10, v2;
	v10 =	vmul.f32 v13, v0  }
0x3c7: {  	v4 =	vld.idx.msk [tilespmem:v1+s22+$0xFFFFFE80 ss:$0x1], $0xffff;
	[tilespmem:v1+s29+$0x8110 ss:$0x1] =	vst.idx.msk $0xffff, v11;
	v11 =	vadd.f32 v12, v2;
	v12 =	vmul.f32 v14, v0  }
0x3c8: {  	v3 =	vld.idx.msk [tilespmem:v1+s22+$0xFFFFFF00 ss:$0x1], $0xffff;
	v13 =	vmul.f32 v5, v0;
	[tilespmem:v1+s29+$0x8190 ss:$0x1] =	vst.idx.msk $0xffff, v8;
	v14 =	vadd.f32 v10, v2  }
0x3c9: {  	v5 =	vld.idx.msk [tilespmem:v1+s22+$0xFFFFFF80 ss:$0x1], $0xffff;
	v9 =	vmul.f32 v9, v0;
	[tilespmem:v1+s29+$0x8210 ss:$0x1] =	vst.idx.msk $0xffff, v11;
	v10 =	vadd.f32 v12, v2  }
0x3ca: {  	s7 =	sadd.s32 $0x2000, s22;
	s6 =	simm.s32 $0x8;
	v8 =	vld.idx.msk [tilespmem:v1+s22+$0xFFFFFC80 ss:$0x1], $0xffff;
	v11 =	vmul.f32 v15, v0;
	v12 =	vadd.f32 v13, v2;
	[tilespmem:v1+s29+$0x8290 ss:$0x1] =	vst.idx.msk $0xffff, v14  }
.LBB2_73:
0x3cb: {  	v13 =	vld.idx.msk [tilespmem:v1+s7+$0x0 ss:$0x1], $0xffff;
	s6 =	sadd.s32 $0x8, s6;
	v14 =	vmul.f32 v7, v0;
	v9 =	vadd.f32 v9, v2;
	[tilespmem:v1+s29+$0x8310 ss:$0x1] =	vst.idx.msk $0xffff, v10  }
0x3cc: {  	v15 =	vld.idx.msk [tilespmem:v1+s7+$0xFFFFFD00 ss:$0x1], $0xffff;
	p0 =	slt.u32 s6, $0x18;
	v10 =	vadd.f32 v11, v2;
	v11 =	vmul.f32 v6, v0;
	[tilespmem:v1+s29+$0x8010 ss:$0x1] =	vst.idx.msk $0xffff, v12;
	s29 =	sadd.s32 $0x2000, s29  }
0x3cd: {  	v7 =	vld.idx.msk [tilespmem:v1+s7+$0xFFFFFD80 ss:$0x1], $0xffff;
	v12 =	vadd.f32 v14, v2;
	v14 =	vmul.f32 v4, v0;
	[tilespmem:v1+s29+$0x8390 ss:$0x1] =	vst.idx.msk $0xffff, v9  }
.Ltmp35:
0x3ce: {  	v6 =	vld.idx.msk [tilespmem:v1+s7+$0xFFFFFE00 ss:$0x1], $0xffff;
	[tilespmem:v1+s29+$0x8090 ss:$0x1] =	vst.idx.msk $0xffff, v10;
	v9 =	vadd.f32 v11, v2;
	v10 =	vmul.f32 v3, v0;
	(pc) =	sbr.rel @p0 .LBB2_73-.Ltmp35, $4  }
0x3cf: {  	v4 =	vld.idx.msk [tilespmem:v1+s7+$0xFFFFFE80 ss:$0x1], $0xffff;
	[tilespmem:v1+s29+$0x8110 ss:$0x1] =	vst.idx.msk $0xffff, v12;
	v11 =	vadd.f32 v14, v2;
	v12 =	vmul.f32 v5, v0  }
0x3d0: {  	v14 =	vmul.f32 v8, v0;
	v3 =	vld.idx.msk [tilespmem:v1+s7+$0xFFFFFF00 ss:$0x1], $0xffff;
	[tilespmem:v1+s29+$0x8190 ss:$0x1] =	vst.idx.msk $0xffff, v9;
	v16 =	vadd.f32 v10, v2  }
0x3d1: {  	v9 =	vmul.f32 v13, v0;
	v5 =	vld.idx.msk [tilespmem:v1+s7+$0xFFFFFF80 ss:$0x1], $0xffff;
	[tilespmem:v1+s29+$0x8210 ss:$0x1] =	vst.idx.msk $0xffff, v11;
	v10 =	vadd.f32 v12, v2  }
0x3d2: {  	v11 =	vmul.f32 v15, v0;
	v12 =	vadd.f32 v14, v2;
	v8 =	vld.idx.msk [tilespmem:v1+s7+$0xFFFFFC80 ss:$0x1], $0xffff;
	s7 =	sadd.s32 $0x2000, s7;
	[tilespmem:v1+s29+$0x8290 ss:$0x1] =	vst.idx.msk $0xffff, v16  }
0x3d3: {  	_ =	sdelay $0x3  }
0x3d4: {  	v7 =	vmul.f32 v7, v0;
	v9 =	vadd.f32 v9, v2;
	[tilespmem:v1+s29+$0x8310 ss:$0x1] =	vst.idx.msk $0xffff, v10  }
0x3d5: {  	v6 =	vmul.f32 v6, v0;
	s6 =	sadd.s32 $0x2000, s29;
	v61 =	vadd.f32 v11, v2;
	[tilespmem:v1+s29+$0x8010 ss:$0x1] =	vst.idx.msk $0xffff, v12  }
0x3d6: {  	v4 =	vmul.f32 v4, v0;
	v7 =	vadd.f32 v7, v2;
	[tilespmem:v1+s6+$0x8390 ss:$0x1] =	vst.idx.msk $0xffff, v9  }
0x3d7: {  	v6 =	vadd.f32 v6, v2;
	v3 =	vmul.f32 v3, v0;
	[tilespmem:v1+s6+$0x8090 ss:$0x1] =	vst.idx.msk $0xffff, v61  }
0x3d8: {  	p0 =	slt.u32 s0, $0x3E;
	v4 =	vadd.f32 v4, v2;
	v5 =	vmul.f32 v5, v0;
	[tilespmem:v1+s6+$0x8110 ss:$0x1] =	vst.idx.msk $0xffff, v7  }
.Ltmp36:
0x3d9: {  	v62 =	vmul.f32 v8, v0;
	[tilespmem:v1+s6+$0x8190 ss:$0x1] =	vst.idx.msk $0xffff, v6;
	v3 =	vadd.f32 v3, v2;
	(pc) =	sbr.rel @p0 .LBB2_70-.Ltmp36, $4  }
0x3da: {  	[tilespmem:v1+s6+$0x8210 ss:$0x1] =	vst.idx.msk $0xffff, v4;
	v63 =	vadd.f32 v5, v2  }
0x3db: {  	v2 =	vadd.f32 v62, v2;
	[tilespmem:v1+s6+$0x8290 ss:$0x1] =	vst.idx.msk $0xffff, v3  }
0x3dc: {  	[tilespmem:v1+s6+$0x8310 ss:$0x1] =	vst.idx.msk $0xffff, v63  }
0x3dd: {  	s0 =	sadd.s32 $0x2, s0;
	s5 =	sadd.s32 $0x1, s5;
	s4 =	sadd.s32 $0x100, s4;
	[tilespmem:v1+s6+$0x8010 ss:$0x1] =	vst.idx.msk $0xffff, v2  }
0x3de: {  	s29 =	simm.s32 $0x0;
	s0 =	rddreg [dreg:$0x13]  }
0x3df: {  	[hbm4b:s0+s29] =	stream.linear.scatter [tilespmem:s31], [sflag:$0x2], $0x8000, $0x38;
	[tilespmem:$0x1C580] =	vst v63  }
0x3e0: {  	_ =	swait.ge [sflag:s3], $0x8000  }
0x3e1: {  	s4 =	simm.s32 $0x0;
	[sflag:s3] =	ssyncset.done $0x0  }
0x3e2: {  	s5 =	simm.s32 $0x0;
	s0 =	simm.s32 $0x10;
	[sflag:s3] =	ssyncadd.s32 $0xFFFF8000  }
.LBB2_76:
0x3e3: {  	s6 =	sshll.u32 s5, $0x2;
	s12 =	sand.u32 $0x3, s4;
	s7 =	sshll.u32 s29, $0x7  }
0x3e4: {  	s10 =	sshll.u32 s29, $0x4;
	s6 =	sand.u32 $0xFFFFF000, s6;
	s8 =	sshll.u32 s12, $0x7  }
0x3e5: {  	s11 =	sand.u32 $0x1C00, s7;
	s7 =	sand.u32 $0x60, s10;
	s10 =	sor.u32 $0x380, s10  }
0x3e6: {  	s6 =	sor.u32 s8, s6;
	s8 =	sadd.s32 $0x2600, s11;
	s21 =	sor.u32 s10, s5  }
0x3e7: {  	s11 =	sor.u32 $0x300, s7;
	s20 =	sor.u32 s7, s8;
	v3 =	vld [tilespmem:s21+$0x4400]  }
0x3e8: {  	s15 =	sshrl.u32 s6, $0x2;
	s17 =	sor.u32 s11, s5;
	v2 =	vld [tilespmem:s20+$0x0]  }
0x3e9: {  	s13 =	sadd.s32 $0x4580, s15;
	v4 =	vld [tilespmem:s17+$0x4400]  }
0x3ea: {  	v1 =	vld [tilespmem:s13+$0x100]  }
0x3eb: {  	v6 =	vld [tilespmem:s13+$0xFFFFFF80]  }
0x3ec: {  	v5 =	vld [tilespmem:s13+$0xFFFFFF00]  }
0x3ed: {  	v8 =	vld [tilespmem:s13+$0x80]  }
0x3ee: {  	v7 =	vld [tilespmem:s13+$0x0];
	v3 =	vmul.f32 v3, v0  }
0x3ef: {  	v1 =	vmul.f32 v1, v0  }
0x3f0: {  	s19 =	sadd.s32 $0x2000, s5;
	v9 =	vld [tilespmem:s13+$0xFFFFFE80];
	s20 =	sadd.s32 $0x2000, s13;
	v3 =	vadd.f32 v3, v2;
	v6 =	vmul.f32 v6, v0  }
0x3f1: {  	s14 =	sor.u32 s10, s19;
	v10 =	vld [tilespmem:s20+$0x100];
	v4 =	vmul.f32 v4, v0;
	v1 =	vadd.f32 v1, v2  }
0x3f2: {  	v11 =	vld [tilespmem:s14+$0x4400];
	s16 =	sadd.s32 $0xC700, s15;
	s13 =	sor.u32 s11, s19;
	v5 =	vmul.f32 v5, v0;
	v8 =	vmul.f32 v8, v0;
	[tilespmem:s21+$0xC580] =	vst v3;
	v13 =	vadd.f32 v6, v2  }
0x3f3: {  	v12 =	vld [tilespmem:s13+$0x4400];
	v7 =	vmul.f32 v7, v0;
	[tilespmem:s16+$0x100] =	vst v1;
	v1 =	vadd.f32 v4, v2  }
0x3f4: {  	v63 =	vadd.f32 v8, v2;
	v4 =	vadd.f32 v5, v2;
	v5 =	vld [tilespmem:s20+$0xFFFFFF00];
	[tilespmem:s16+$0xFFFFFF80] =	vst v13  }
0x3f5: {  	v6 =	vld [tilespmem:s20+$0xFFFFFF80];
	[tilespmem:s17+$0xC580] =	vst v1;
	v1 =	vadd.f32 v7, v2;
	v7 =	vmul.f32 v9, v0  }
0x3f6: {  	s18 =	simm.s32 $0x8;
	s22 =	sshll.u32 s12, $0x5;
	v3 =	vld [tilespmem:s20+$0x0];
	[tilespmem:s16+$0x80] =	vst v63;
	v9 =	vmul.f32 v10, v0  }
0x3f7: {  	s12 =	sadd.s32 s22, s0;
	s6 =	sadd.s32 $0xC710, s15;
	s15 =	sadd.s32 $0x4590, s15;
	[tilespmem:s16+$0xFFFFFF00] =	vst v4;
	v4 =	vld [tilespmem:s20+$0x80];
	v10 =	vmul.f32 v11, v0;
	v11 =	vadd.f32 v7, v2  }
0x3f8: {  	s19 =	sadd.s32 $0x2000, s19;
	s17 =	sadd.s32 $0x2000, s16;
	[tilespmem:s16+$0x0] =	vst v1;
	v7 =	vld [tilespmem:s20+$0xFFFFFE80];
	v8 =	vadd.f32 v9, v2;
	v9 =	vmul.f32 v12, v0;
	s20 =	sadd.s32 $0x2000, s20  }
.LBB2_77:
0x3f9: {  	v1 =	vld [tilespmem:s20+$0x100];
	s21 =	sor.u32 s11, s19;
	s22 =	sor.u32 s10, s19;
	s18 =	sadd.s32 $0x8, s18;
	v5 =	vmul.f32 v5, v0;
	v10 =	vadd.f32 v10, v2;
	[tilespmem:s16+$0xFFFFFE80] =	vst v11  }
0x3fa: {  	s16 =	smov.u32 s17;
	v11 =	vld [tilespmem:s22+$0x4400];
	p0 =	slt.u32 s18, $0x18;
	v6 =	vmul.f32 v6, v0;
	[tilespmem:s17+$0x100] =	vst v8;
	v8 =	vadd.f32 v9, v2  }
0x3fb: {  	v9 =	vld [tilespmem:s21+$0x4400];
	v12 =	vadd.f32 v5, v2;
	v3 =	vmul.f32 v3, v0;
	[tilespmem:s14+$0xC580] =	vst v10;
	s14 =	smov.u32 s22  }
.Ltmp37:
0x3fc: {  	v5 =	vld [tilespmem:s20+$0xFFFFFF00];
	v10 =	vadd.f32 v6, v2;
	v4 =	vmul.f32 v4, v0;
	[tilespmem:s13+$0xC580] =	vst v8;
	s13 =	smov.u32 s21;
	(pc) =	sbr.rel @p0 .LBB2_77-.Ltmp37, $4  }
0x3fd: {  	v6 =	vld [tilespmem:s20+$0xFFFFFF80];
	v7 =	vmul.f32 v7, v0;
	[tilespmem:s17+$0xFFFFFF00] =	vst v12;
	v8 =	vadd.f32 v3, v2  }
0x3fe: {  	v3 =	vld [tilespmem:s20+$0x0];
	v1 =	vmul.f32 v1, v0;
	[tilespmem:s17+$0xFFFFFF80] =	vst v10;
	v12 =	vadd.f32 v4, v2  }
0x3ff: {  	v4 =	vld [tilespmem:s20+$0x80];
	v10 =	vmul.f32 v11, v0;
	v11 =	vadd.f32 v7, v2;
	[tilespmem:s17+$0x0] =	vst v8  }
0x400: {  	s19 =	sadd.s32 $0x2000, s19;
	s17 =	sadd.s32 $0x2000, s17;
	v7 =	vld [tilespmem:s20+$0xFFFFFE80];
	v8 =	vadd.f32 v1, v2;
	v9 =	vmul.f32 v9, v0;
	s20 =	sadd.s32 $0x2000, s20;
	[tilespmem:s16+$0x80] =	vst v12  }
0x401: {  	s7 =	sadd.s32 s7, s8;
	[tilespmem:s16+$0xFFFFFE80] =	vst v11;
	v11 =	vld [tilespmem:s15+$0x100]  }
0x402: {  	v5 =	vmul.f32 v5, v0;
	v10 =	vadd.f32 v10, v2;
	s10 =	sor.u32 $0x380, s12;
	v1 =	vld [tilespmem:s7+$0x10]  }
0x403: {  	s11 =	sor.u32 $0x300, s12;
	v6 =	vmul.f32 v6, v0;
	[tilespmem:s17+$0x100] =	vst v8;
	v8 =	vadd.f32 v9, v2;
	v9 =	vld [tilespmem:s10+$0x4400]  }
0x404: {  	v5 =	vadd.f32 v5, v2;
	v3 =	vmul.f32 v3, v0;
	[tilespmem:s14+$0xC580] =	vst v10;
	v10 =	vld [tilespmem:s11+$0x4400]  }
0x405: {  	v6 =	vadd.f32 v6, v2;
	v4 =	vmul.f32 v4, v0;
	[tilespmem:s13+$0xC580] =	vst v8;
	v8 =	vld [tilespmem:s15+$0xFFFFFF00]  }
0x406: {  	v7 =	vmul.f32 v7, v0;
	[tilespmem:s17+$0xFFFFFF00] =	vst v5;
	v3 =	vadd.f32 v3, v2;
	v5 =	vld [tilespmem:s15+$0xFFFFFF80]  }
0x407: {  	[tilespmem:s17+$0xFFFFFF80] =	vst v6;
	v4 =	vadd.f32 v4, v2;
	v6 =	vld [tilespmem:s15+$0x0];
	v11 =	vmul.f32 v11, v0  }
0x408: {  	v2 =	vadd.f32 v7, v2;
	[tilespmem:s17+$0x0] =	vst v3;
	v7 =	vld [tilespmem:s15+$0x80];
	v3 =	vmul.f32 v9, v0  }
0x409: {  	s21 =	sadd.s32 $0x2000, s12;
	s22 =	sadd.s32 $0x2000, s15;
	[tilespmem:s17+$0x80] =	vst v4;
	v4 =	vld [tilespmem:s15+$0xFFFFFE80];
	v9 =	vadd.f32 v11, v1;
	v10 =	vmul.f32 v10, v0  }
0x40a: {  	s7 =	sor.u32 $0x380, s21;
	v11 =	vld [tilespmem:s22+$0x100];
	[tilespmem:s17+$0xFFFFFE80] =	vst v2;
	v2 =	vmul.f32 v8, v0;
	v3 =	vadd.f32 v3, v1  }
0x40b: {  	s8 =	sor.u32 $0x300, s21;
	v8 =	vld [tilespmem:s7+$0x4400];
	v5 =	vmul.f32 v5, v0;
	[tilespmem:s6+$0x100] =	vst v9;
	v9 =	vadd.f32 v10, v1  }
0x40c: {  	v12 =	vld [tilespmem:s8+$0x4400];
	v2 =	vadd.f32 v2, v1;
	v6 =	vmul.f32 v6, v0;
	[tilespmem:s10+$0xC580] =	vst v3  }
0x40d: {  	v3 =	vld [tilespmem:s22+$0xFFFFFF00];
	v10 =	vadd.f32 v5, v1;
	v7 =	vmul.f32 v7, v0;
	[tilespmem:s11+$0xC580] =	vst v9  }
0x40e: {  	v5 =	vld [tilespmem:s22+$0xFFFFFF80];
	[tilespmem:s6+$0xFFFFFF00] =	vst v2;
	v6 =	vadd.f32 v6, v1;
	v9 =	vmul.f32 v4, v0  }
0x40f: {  	v2 =	vld [tilespmem:s22+$0x0];
	v11 =	vmul.f32 v11, v0;
	[tilespmem:s6+$0xFFFFFF80] =	vst v10;
	v13 =	vadd.f32 v7, v1  }
0x410: {  	s12 =	sadd.s32 $0x2000, s21;
	v4 =	vld [tilespmem:s22+$0x80];
	v7 =	vmul.f32 v8, v0;
	[tilespmem:s6+$0x0] =	vst v6;
	v10 =	vadd.f32 v9, v1  }
0x411: {  	s13 =	sadd.s32 $0x2000, s22;
	s10 =	sadd.s32 $0x2000, s6;
	s11 =	simm.s32 $0x8;
	v6 =	vld [tilespmem:s22+$0xFFFFFE80];
	v8 =	vadd.f32 v11, v1;
	v9 =	vmul.f32 v12, v0;
	[tilespmem:s6+$0x80] =	vst v13  }
.LBB2_79:
0x412: {  	v11 =	vld [tilespmem:s13+$0x100];
	s14 =	sor.u32 $0x300, s12;
	s15 =	sor.u32 $0x380, s12;
	s11 =	sadd.s32 $0x8, s11;
	v3 =	vmul.f32 v3, v0;
	v7 =	vadd.f32 v7, v1;
	[tilespmem:s6+$0xFFFFFE80] =	vst v10  }
0x413: {  	s6 =	smov.u32 s10;
	v10 =	vld [tilespmem:s15+$0x4400];
	p0 =	slt.u32 s11, $0x18;
	v5 =	vmul.f32 v5, v0;
	[tilespmem:s10+$0x100] =	vst v8;
	v8 =	vadd.f32 v9, v1  }
0x414: {  	v9 =	vld [tilespmem:s14+$0x4400];
	v12 =	vadd.f32 v3, v1;
	v2 =	vmul.f32 v2, v0;
	[tilespmem:s7+$0xC580] =	vst v7;
	s7 =	smov.u32 s15  }
.Ltmp38:
0x415: {  	v3 =	vld [tilespmem:s13+$0xFFFFFF00];
	v7 =	vadd.f32 v5, v1;
	v4 =	vmul.f32 v4, v0;
	[tilespmem:s8+$0xC580] =	vst v8;
	s8 =	smov.u32 s14;
	(pc) =	sbr.rel @p0 .LBB2_79-.Ltmp38, $4  }
0x416: {  	v5 =	vld [tilespmem:s13+$0xFFFFFF80];
	v6 =	vmul.f32 v6, v0;
	[tilespmem:s10+$0xFFFFFF00] =	vst v12;
	v8 =	vadd.f32 v2, v1  }
0x417: {  	v2 =	vld [tilespmem:s13+$0x0];
	v11 =	vmul.f32 v11, v0;
	[tilespmem:s10+$0xFFFFFF80] =	vst v7;
	v12 =	vadd.f32 v4, v1  }
0x418: {  	v4 =	vld [tilespmem:s13+$0x80];
	v7 =	vmul.f32 v10, v0;
	v10 =	vadd.f32 v6, v1;
	[tilespmem:s10+$0x0] =	vst v8  }
0x419: {  	s12 =	sadd.s32 $0x2000, s12;
	s10 =	sadd.s32 $0x2000, s10;
	v6 =	vld [tilespmem:s13+$0xFFFFFE80];
	v8 =	vadd.f32 v11, v1;
	v9 =	vmul.f32 v9, v0;
	s13 =	sadd.s32 $0x2000, s13;
	[tilespmem:s6+$0x80] =	vst v12  }
0x41a: {  	v3 =	vmul.f32 v3, v0;
	v7 =	vadd.f32 v7, v1;
	[tilespmem:s6+$0xFFFFFE80] =	vst v10  }
0x41b: {  	v5 =	vmul.f32 v5, v0;
	[tilespmem:s10+$0x100] =	vst v8;
	v63 =	vadd.f32 v9, v1  }
0x41c: {  	v3 =	vadd.f32 v3, v1;
	v2 =	vmul.f32 v2, v0;
	[tilespmem:s7+$0xC580] =	vst v7  }
0x41d: {  	p0 =	slt.u32 s29, $0x3E;
	v5 =	vadd.f32 v5, v1;
	v4 =	vmul.f32 v4, v0;
	[tilespmem:s8+$0xC580] =	vst v63  }
.Ltmp39:
0x41e: {  	v6 =	vmul.f32 v6, v0;
	[tilespmem:s10+$0xFFFFFF00] =	vst v3;
	v2 =	vadd.f32 v2, v1;
	(pc) =	sbr.rel @p0 .LBB2_76-.Ltmp39, $4  }
0x41f: {  	[tilespmem:s10+$0xFFFFFF80] =	vst v5;
	v3 =	vadd.f32 v4, v1  }
0x420: {  	v1 =	vadd.f32 v6, v1;
	[tilespmem:s10+$0x0] =	vst v2  }
0x421: {  	s22 =	sadd.s32 $0x2, s29;
	s5 =	sadd.s32 $0x100, s5;
	[tilespmem:s10+$0x80] =	vst v3  }
0x422: {  	s4 =	sadd.s32 $0x1, s4;
	s0 =	sadd.s32 $0x100, s0;
	s29 =	smov.u32 s22;
	[tilespmem:s10+$0xFFFFFE80] =	vst v1  }
0x423: {  	s0 =	simm.s32 $0x0;
	s4 =	rddreg [dreg:$0x14]  }
0x424: {  	[hbm4b:s4+s0] =	stream.linear.scatter [tilespmem:s30], [sflag:$0x1], $0x8000, $0x38;
	[tilespmem:$0x1C580] =	vst v63  }
0x425: {  	_ =	swait.ge [sflag:s28], $0x8000  }
0x426: {  	[sflag:s28] =	ssyncset.done $0x0  }
0x427: {  	s5 =	simm.s32 $0x0;
	s4 =	simm.s32 $0x0;
	[sflag:s28] =	ssyncadd.s32 $0xFFFF8000  }
.LBB2_82:
0x428: {  	s6 =	sshll.u32 s5, $0x7;
	s7 =	sshll.u32 s0, $0x7  }
0x429: {  	s22 =	sshll.u32 s0, $0x4;
	s14 =	sand.u32 $0x3FFFFC00, s4;
	s7 =	sand.u32 $0x1C00, s7  }
0x42a: {  	s8 =	sand.u32 $0x180, s6;
	s6 =	sand.u32 $0x60, s22;
	s7 =	sadd.s32 $0x2680, s7  }
0x42b: {  	s11 =	sadd.s32 $0x4780, s14;
	s10 =	sshrl.u32 s8, $0x2;
	s12 =	sor.u32 s6, s7  }
0x42c: {  	s8 =	sadd.s32 s10, s11;
	v3 =	vld [tilespmem:s12+$0x0]  }
0x42d: {  	v1 =	vld [tilespmem:s8+$0x0]  }
0x42e: {  	v2 =	vld [tilespmem:s8+$0xFFFFFC80]  }
0x42f: {  	v4 =	vld [tilespmem:s8+$0xFFFFFD00]  }
0x430: {  	v5 =	vld [tilespmem:s8+$0xFFFFFD80]  }
0x431: {  	v6 =	vld [tilespmem:s8+$0xFFFFFE00];
	_ =	sdelay $0x1  }
0x432: {  	v8 =	vld [tilespmem:s8+$0xFFFFFE80];
	v1 =	vmul.f32 v1, v0  }
0x433: {  	s13 =	sadd.s32 $0x2000, s11;
	v9 =	vld [tilespmem:s8+$0xFFFFFF00];
	v2 =	vmul.f32 v2, v0  }
0x434: {  	s29 =	sadd.s32 $0xC580, s14;
	s12 =	sadd.s32 s10, s13;
	v10 =	vld [tilespmem:s8+$0xFFFFFF80];
	v4 =	vmul.f32 v4, v0;
	v1 =	vadd.f32 v1, v3  }
0x435: {  	s11 =	sadd.s32 s10, s29;
	v12 =	vld [tilespmem:s12+$0x0];
	v5 =	vmul.f32 v5, v0;
	v13 =	vmul.f32 v6, v0;
	v11 =	vadd.f32 v2, v3  }
0x436: {  	v2 =	vld [tilespmem:s12+$0xFFFFFC80];
	v4 =	vadd.f32 v4, v3;
	[tilespmem:s11+$0x8380] =	vst v1  }
0x437: {  	v7 =	vld [tilespmem:s12+$0xFFFFFD00];
	v13 =	vadd.f32 v13, v3;
	[tilespmem:s11+$0x8000] =	vst v11;
	v1 =	vadd.f32 v5, v3;
	v5 =	vmul.f32 v8, v0  }
0x438: {  	v6 =	vld [tilespmem:s12+$0xFFFFFD80];
	v14 =	vmul.f32 v9, v0;
	[tilespmem:s11+$0x8080] =	vst v4  }
0x439: {  	s16 =	simm.s32 $0x8;
	v4 =	vld [tilespmem:s12+$0xFFFFFE00];
	v11 =	vmul.f32 v10, v0;
	[tilespmem:s11+$0x8180] =	vst v13;
	v9 =	vadd.f32 v5, v3  }
0x43a: {  	s15 =	smov.u32 s29;
	s8 =	sadd.s32 $0x4790, s14;
	s14 =	smov.u32 s10;
	v8 =	vmul.f32 v12, v0;
	v10 =	vadd.f32 v14, v3;
	[tilespmem:s11+$0x8100] =	vst v1;
	v5 =	vld [tilespmem:s12+$0xFFFFFE80]  }
.LBB2_83:
0x43b: {  	s16 =	sadd.s32 $0x8, s16;
	v1 =	vmul.f32 v2, v0;
	v12 =	vld [tilespmem:s12+$0xFFFFFF00];
	s13 =	sadd.s32 $0x2000, s13;
	[tilespmem:s11+$0x8200] =	vst v9;
	v2 =	vadd.f32 v11, v3  }
0x43c: {  	s15 =	sadd.s32 $0x2000, s15;
	p0 =	slt.u32 s16, $0x18;
	v7 =	vmul.f32 v7, v0;
	v11 =	vld [tilespmem:s12+$0xFFFFFF80];
	s12 =	sadd.s32 s10, s13;
	v8 =	vadd.f32 v8, v3;
	[tilespmem:s11+$0x8280] =	vst v10  }
0x43d: {  	v10 =	vld [tilespmem:s12+$0x0];
	v1 =	vadd.f32 v1, v3;
	v6 =	vmul.f32 v6, v0;
	[tilespmem:s11+$0x8300] =	vst v2;
	s11 =	sadd.s32 s14, s15;
	s14 =	smov.u32 s10  }
.Ltmp40:
0x43e: {  	v2 =	vld [tilespmem:s12+$0xFFFFFC80];
	v9 =	vadd.f32 v7, v3;
	v4 =	vmul.f32 v4, v0;
	[tilespmem:s11+$0x8380] =	vst v8;
	(pc) =	sbr.rel @p0 .LBB2_83-.Ltmp40, $4  }
0x43f: {  	v7 =	vld [tilespmem:s12+$0xFFFFFD00];
	[tilespmem:s11+$0x8000] =	vst v1;
	v1 =	vadd.f32 v6, v3;
	v5 =	vmul.f32 v5, v0  }
0x440: {  	v6 =	vld [tilespmem:s12+$0xFFFFFD80];
	[tilespmem:s11+$0x8080] =	vst v9;
	v13 =	vadd.f32 v4, v3;
	v12 =	vmul.f32 v12, v0  }
0x441: {  	v4 =	vld [tilespmem:s12+$0xFFFFFE00];
	[tilespmem:s11+$0x8100] =	vst v1;
	v9 =	vadd.f32 v5, v3;
	v11 =	vmul.f32 v11, v0  }
0x442: {  	v5 =	vld [tilespmem:s12+$0xFFFFFE80];
	v8 =	vmul.f32 v10, v0;
	[tilespmem:s11+$0x8180] =	vst v13;
	v10 =	vadd.f32 v12, v3  }
0x443: {  	v1 =	vmov s10;
	_ =	sdelay $0x1  }
0x444: {  	v12 =	vld [tilespmem:s12+$0xFFFFFF00]  }
0x445: {  	v13 =	vld [tilespmem:s12+$0xFFFFFF80];
	s6 =	sadd.s32 s6, s7  }
0x446: {  	v14 =	vmul.f32 v2, v0;
	[tilespmem:s11+$0x8200] =	vst v9;
	v9 =	vadd.f32 v11, v3;
	v2 =	vld [tilespmem:s6+$0x10]  }
0x447: {  	s21 =	sadd.s32 $0x2000, s15;
	v7 =	vmul.f32 v7, v0;
	v8 =	vadd.f32 v8, v3;
	[tilespmem:s11+$0x8280] =	vst v10;
	v10 =	vld.idx.msk [tilespmem:v1+s8+$0x0 ss:$0x1], $0xffff  }
0x448: {  	s6 =	sadd.s32 s14, s21;
	v11 =	vadd.f32 v14, v3;
	v6 =	vmul.f32 v6, v0;
	[tilespmem:s11+$0x8300] =	vst v9;
	v9 =	vld.idx.msk [tilespmem:v1+s8+$0xFFFFFD00 ss:$0x1], $0xffff  }
0x449: {  	v7 =	vadd.f32 v7, v3;
	v4 =	vmul.f32 v4, v0;
	[tilespmem:s6+$0x8380] =	vst v8;
	v8 =	vld.idx.msk [tilespmem:v1+s8+$0xFFFFFD80 ss:$0x1], $0xffff  }
0x44a: {  	[tilespmem:s6+$0x8000] =	vst v11;
	v6 =	vadd.f32 v6, v3;
	v5 =	vmul.f32 v5, v0;
	v11 =	vld.idx.msk [tilespmem:v1+s8+$0xFFFFFE00 ss:$0x1], $0xffff  }
0x44b: {  	[tilespmem:s6+$0x8080] =	vst v7;
	v4 =	vadd.f32 v4, v3;
	v7 =	vmul.f32 v12, v0;
	v12 =	vld.idx.msk [tilespmem:v1+s8+$0xFFFFFE80 ss:$0x1], $0xffff  }
0x44c: {  	v14 =	vld.idx.msk [tilespmem:v1+s8+$0xFFFFFF80 ss:$0x1], $0xffff;
	[tilespmem:s6+$0x8100] =	vst v6;
	v5 =	vadd.f32 v5, v3;
	v6 =	vmul.f32 v13, v0  }
0x44d: {  	s22 =	sadd.s32 $0x2000, s8;
	v13 =	vld.idx.msk [tilespmem:v1+s8+$0xFFFFFF00 ss:$0x1], $0xffff;
	[tilespmem:s6+$0x8180] =	vst v4;
	v4 =	vadd.f32 v7, v3;
	v7 =	vmul.f32 v10, v0  }
0x44e: {  	v15 =	vld.idx.msk [tilespmem:v1+s22+$0xFFFFFD00 ss:$0x1], $0xffff;
	[tilespmem:s6+$0x8200] =	vst v5;
	v3 =	vadd.f32 v6, v3;
	v6 =	vmul.f32 v9, v0  }
0x44f: {  	v5 =	vld.idx.msk [tilespmem:v1+s8+$0xFFFFFC80 ss:$0x1], $0xffff;
	[tilespmem:s6+$0x8280] =	vst v4;
	v4 =	vmul.f32 v8, v0;
	v8 =	vadd.f32 v7, v2  }
0x450: {  	v9 =	vld.idx.msk [tilespmem:v1+s22+$0x0 ss:$0x1], $0xffff;
	[tilespmem:s6+$0x8300] =	vst v3;
	v10 =	vmul.f32 v11, v0;
	v3 =	vadd.f32 v6, v2  }
0x451: {  	v12 =	vmul.f32 v12, v0;
	v7 =	vld.idx.msk [tilespmem:v1+s22+$0xFFFFFD80 ss:$0x1], $0xffff;
	v11 =	vadd.f32 v4, v2;
	[tilespmem:v1+s29+$0x8390 ss:$0x1] =	vst.idx.msk $0xffff, v8  }
0x452: {  	v6 =	vld.idx.msk [tilespmem:v1+s22+$0xFFFFFE00 ss:$0x1], $0xffff;
	[tilespmem:v1+s29+$0x8090 ss:$0x1] =	vst.idx.msk $0xffff, v3;
	v8 =	vadd.f32 v10, v2;
	v10 =	vmul.f32 v13, v0  }
0x453: {  	v4 =	vld.idx.msk [tilespmem:v1+s22+$0xFFFFFE80 ss:$0x1], $0xffff;
	[tilespmem:v1+s29+$0x8110 ss:$0x1] =	vst.idx.msk $0xffff, v11;
	v11 =	vadd.f32 v12, v2;
	v12 =	vmul.f32 v14, v0  }
0x454: {  	v3 =	vld.idx.msk [tilespmem:v1+s22+$0xFFFFFF00 ss:$0x1], $0xffff;
	v13 =	vmul.f32 v5, v0;
	[tilespmem:v1+s29+$0x8190 ss:$0x1] =	vst.idx.msk $0xffff, v8;
	v14 =	vadd.f32 v10, v2  }
0x455: {  	v5 =	vld.idx.msk [tilespmem:v1+s22+$0xFFFFFF80 ss:$0x1], $0xffff;
	v9 =	vmul.f32 v9, v0;
	[tilespmem:v1+s29+$0x8210 ss:$0x1] =	vst.idx.msk $0xffff, v11;
	v10 =	vadd.f32 v12, v2  }
0x456: {  	s7 =	sadd.s32 $0x2000, s22;
	s6 =	simm.s32 $0x8;
	v8 =	vld.idx.msk [tilespmem:v1+s22+$0xFFFFFC80 ss:$0x1], $0xffff;
	v11 =	vmul.f32 v15, v0;
	v12 =	vadd.f32 v13, v2;
	[tilespmem:v1+s29+$0x8290 ss:$0x1] =	vst.idx.msk $0xffff, v14  }
.LBB2_85:
0x457: {  	v13 =	vld.idx.msk [tilespmem:v1+s7+$0x0 ss:$0x1], $0xffff;
	s6 =	sadd.s32 $0x8, s6;
	v14 =	vmul.f32 v7, v0;
	v9 =	vadd.f32 v9, v2;
	[tilespmem:v1+s29+$0x8310 ss:$0x1] =	vst.idx.msk $0xffff, v10  }
0x458: {  	v15 =	vld.idx.msk [tilespmem:v1+s7+$0xFFFFFD00 ss:$0x1], $0xffff;
	p0 =	slt.u32 s6, $0x18;
	v10 =	vadd.f32 v11, v2;
	v11 =	vmul.f32 v6, v0;
	[tilespmem:v1+s29+$0x8010 ss:$0x1] =	vst.idx.msk $0xffff, v12;
	s29 =	sadd.s32 $0x2000, s29  }
0x459: {  	v7 =	vld.idx.msk [tilespmem:v1+s7+$0xFFFFFD80 ss:$0x1], $0xffff;
	v12 =	vadd.f32 v14, v2;
	v14 =	vmul.f32 v4, v0;
	[tilespmem:v1+s29+$0x8390 ss:$0x1] =	vst.idx.msk $0xffff, v9  }
.Ltmp41:
0x45a: {  	v6 =	vld.idx.msk [tilespmem:v1+s7+$0xFFFFFE00 ss:$0x1], $0xffff;
	[tilespmem:v1+s29+$0x8090 ss:$0x1] =	vst.idx.msk $0xffff, v10;
	v9 =	vadd.f32 v11, v2;
	v10 =	vmul.f32 v3, v0;
	(pc) =	sbr.rel @p0 .LBB2_85-.Ltmp41, $4  }
0x45b: {  	v4 =	vld.idx.msk [tilespmem:v1+s7+$0xFFFFFE80 ss:$0x1], $0xffff;
	[tilespmem:v1+s29+$0x8110 ss:$0x1] =	vst.idx.msk $0xffff, v12;
	v11 =	vadd.f32 v14, v2;
	v12 =	vmul.f32 v5, v0  }
0x45c: {  	v14 =	vmul.f32 v8, v0;
	v3 =	vld.idx.msk [tilespmem:v1+s7+$0xFFFFFF00 ss:$0x1], $0xffff;
	[tilespmem:v1+s29+$0x8190 ss:$0x1] =	vst.idx.msk $0xffff, v9;
	v16 =	vadd.f32 v10, v2  }
0x45d: {  	v9 =	vmul.f32 v13, v0;
	v5 =	vld.idx.msk [tilespmem:v1+s7+$0xFFFFFF80 ss:$0x1], $0xffff;
	[tilespmem:v1+s29+$0x8210 ss:$0x1] =	vst.idx.msk $0xffff, v11;
	v10 =	vadd.f32 v12, v2  }
0x45e: {  	v11 =	vmul.f32 v15, v0;
	v12 =	vadd.f32 v14, v2;
	v8 =	vld.idx.msk [tilespmem:v1+s7+$0xFFFFFC80 ss:$0x1], $0xffff;
	s7 =	sadd.s32 $0x2000, s7;
	[tilespmem:v1+s29+$0x8290 ss:$0x1] =	vst.idx.msk $0xffff, v16  }
0x45f: {  	_ =	sdelay $0x3  }
0x460: {  	v7 =	vmul.f32 v7, v0;
	v9 =	vadd.f32 v9, v2;
	[tilespmem:v1+s29+$0x8310 ss:$0x1] =	vst.idx.msk $0xffff, v10  }
0x461: {  	v6 =	vmul.f32 v6, v0;
	s6 =	sadd.s32 $0x2000, s29;
	v61 =	vadd.f32 v11, v2;
	[tilespmem:v1+s29+$0x8010 ss:$0x1] =	vst.idx.msk $0xffff, v12  }
0x462: {  	v4 =	vmul.f32 v4, v0;
	v7 =	vadd.f32 v7, v2;
	[tilespmem:v1+s6+$0x8390 ss:$0x1] =	vst.idx.msk $0xffff, v9  }
0x463: {  	v6 =	vadd.f32 v6, v2;
	v3 =	vmul.f32 v3, v0;
	[tilespmem:v1+s6+$0x8090 ss:$0x1] =	vst.idx.msk $0xffff, v61  }
0x464: {  	p0 =	slt.u32 s0, $0x3E;
	v4 =	vadd.f32 v4, v2;
	v5 =	vmul.f32 v5, v0;
	[tilespmem:v1+s6+$0x8110 ss:$0x1] =	vst.idx.msk $0xffff, v7  }
.Ltmp42:
0x465: {  	v62 =	vmul.f32 v8, v0;
	[tilespmem:v1+s6+$0x8190 ss:$0x1] =	vst.idx.msk $0xffff, v6;
	v3 =	vadd.f32 v3, v2;
	(pc) =	sbr.rel @p0 .LBB2_82-.Ltmp42, $4  }
0x466: {  	[tilespmem:v1+s6+$0x8210 ss:$0x1] =	vst.idx.msk $0xffff, v4;
	v63 =	vadd.f32 v5, v2  }
0x467: {  	v2 =	vadd.f32 v62, v2;
	[tilespmem:v1+s6+$0x8290 ss:$0x1] =	vst.idx.msk $0xffff, v3  }
0x468: {  	[tilespmem:v1+s6+$0x8310 ss:$0x1] =	vst.idx.msk $0xffff, v63  }
0x469: {  	s0 =	sadd.s32 $0x2, s0;
	s5 =	sadd.s32 $0x1, s5;
	s4 =	sadd.s32 $0x100, s4;
	[tilespmem:v1+s6+$0x8010 ss:$0x1] =	vst.idx.msk $0xffff, v2  }
0x46a: {  	s29 =	simm.s32 $0x0  }
0x46b: {  	[hbm4b:s23+s29] =	stream.linear.scatter [tilespmem:s31], [sflag:$0x2], $0x8000, $0x38;
	[tilespmem:$0x1C580] =	vst v63  }
0x46c: {  	_ =	swait.ge [sflag:s3], $0x8000  }
0x46d: {  	s0 =	simm.s32 $0x10;
	[sflag:s3] =	ssyncset.done $0x0  }
0x46e: {  	s4 =	simm.s32 $0x0;
	s5 =	simm.s32 $0x0;
	[sflag:s3] =	ssyncadd.s32 $0xFFFF8000  }
.LBB2_88:
0x46f: {  	s6 =	sshll.u32 s5, $0x2;
	s12 =	sand.u32 $0x3, s4;
	s7 =	sshll.u32 s29, $0x7  }
0x470: {  	s10 =	sshll.u32 s29, $0x4;
	s6 =	sand.u32 $0xFFFFF000, s6;
	s8 =	sshll.u32 s12, $0x7  }
0x471: {  	s11 =	sand.u32 $0x1C00, s7;
	s7 =	sand.u32 $0x60, s10;
	s10 =	sor.u32 $0x380, s10  }
0x472: {  	s6 =	sor.u32 s8, s6;
	s8 =	sadd.s32 $0x2700, s11;
	s21 =	sor.u32 s10, s5  }
0x473: {  	s11 =	sor.u32 $0x300, s7;
	s20 =	sor.u32 s7, s8;
	v3 =	vld [tilespmem:s21+$0x4400]  }
0x474: {  	s15 =	sshrl.u32 s6, $0x2;
	s17 =	sor.u32 s11, s5;
	v2 =	vld [tilespmem:s20+$0x0]  }
0x475: {  	s13 =	sadd.s32 $0x4580, s15;
	v4 =	vld [tilespmem:s17+$0x4400]  }
0x476: {  	v1 =	vld [tilespmem:s13+$0x100]  }
0x477: {  	v6 =	vld [tilespmem:s13+$0xFFFFFF80]  }
0x478: {  	v5 =	vld [tilespmem:s13+$0xFFFFFF00]  }
0x479: {  	v8 =	vld [tilespmem:s13+$0x80]  }
0x47a: {  	v7 =	vld [tilespmem:s13+$0x0];
	v3 =	vmul.f32 v3, v0  }
0x47b: {  	v1 =	vmul.f32 v1, v0  }
0x47c: {  	s19 =	sadd.s32 $0x2000, s5;
	v9 =	vld [tilespmem:s13+$0xFFFFFE80];
	s20 =	sadd.s32 $0x2000, s13;
	v3 =	vadd.f32 v3, v2;
	v6 =	vmul.f32 v6, v0  }
0x47d: {  	s14 =	sor.u32 s10, s19;
	v10 =	vld [tilespmem:s20+$0x100];
	v4 =	vmul.f32 v4, v0;
	v1 =	vadd.f32 v1, v2  }
0x47e: {  	v11 =	vld [tilespmem:s14+$0x4400];
	s16 =	sadd.s32 $0xC700, s15;
	s13 =	sor.u32 s11, s19;
	v5 =	vmul.f32 v5, v0;
	v8 =	vmul.f32 v8, v0;
	[tilespmem:s21+$0xC580] =	vst v3;
	v13 =	vadd.f32 v6, v2  }
0x47f: {  	v12 =	vld [tilespmem:s13+$0x4400];
	v7 =	vmul.f32 v7, v0;
	[tilespmem:s16+$0x100] =	vst v1;
	v1 =	vadd.f32 v4, v2  }
0x480: {  	v63 =	vadd.f32 v8, v2;
	v4 =	vadd.f32 v5, v2;
	v5 =	vld [tilespmem:s20+$0xFFFFFF00];
	[tilespmem:s16+$0xFFFFFF80] =	vst v13  }
0x481: {  	v6 =	vld [tilespmem:s20+$0xFFFFFF80];
	[tilespmem:s17+$0xC580] =	vst v1;
	v1 =	vadd.f32 v7, v2;
	v7 =	vmul.f32 v9, v0  }
0x482: {  	s18 =	simm.s32 $0x8;
	s22 =	sshll.u32 s12, $0x5;
	v3 =	vld [tilespmem:s20+$0x0];
	[tilespmem:s16+$0x80] =	vst v63;
	v9 =	vmul.f32 v10, v0  }
0x483: {  	s12 =	sadd.s32 s22, s0;
	s6 =	sadd.s32 $0xC710, s15;
	s15 =	sadd.s32 $0x4590, s15;
	[tilespmem:s16+$0xFFFFFF00] =	vst v4;
	v4 =	vld [tilespmem:s20+$0x80];
	v10 =	vmul.f32 v11, v0;
	v11 =	vadd.f32 v7, v2  }
0x484: {  	s19 =	sadd.s32 $0x2000, s19;
	s17 =	sadd.s32 $0x2000, s16;
	[tilespmem:s16+$0x0] =	vst v1;
	v7 =	vld [tilespmem:s20+$0xFFFFFE80];
	v8 =	vadd.f32 v9, v2;
	v9 =	vmul.f32 v12, v0;
	s20 =	sadd.s32 $0x2000, s20  }
.LBB2_89:
0x485: {  	v1 =	vld [tilespmem:s20+$0x100];
	s21 =	sor.u32 s11, s19;
	s22 =	sor.u32 s10, s19;
	s18 =	sadd.s32 $0x8, s18;
	v5 =	vmul.f32 v5, v0;
	v10 =	vadd.f32 v10, v2;
	[tilespmem:s16+$0xFFFFFE80] =	vst v11  }
0x486: {  	s16 =	smov.u32 s17;
	v11 =	vld [tilespmem:s22+$0x4400];
	p0 =	slt.u32 s18, $0x18;
	v6 =	vmul.f32 v6, v0;
	[tilespmem:s17+$0x100] =	vst v8;
	v8 =	vadd.f32 v9, v2  }
0x487: {  	v9 =	vld [tilespmem:s21+$0x4400];
	v12 =	vadd.f32 v5, v2;
	v3 =	vmul.f32 v3, v0;
	[tilespmem:s14+$0xC580] =	vst v10;
	s14 =	smov.u32 s22  }
.Ltmp43:
0x488: {  	v5 =	vld [tilespmem:s20+$0xFFFFFF00];
	v10 =	vadd.f32 v6, v2;
	v4 =	vmul.f32 v4, v0;
	[tilespmem:s13+$0xC580] =	vst v8;
	s13 =	smov.u32 s21;
	(pc) =	sbr.rel @p0 .LBB2_89-.Ltmp43, $4  }
0x489: {  	v6 =	vld [tilespmem:s20+$0xFFFFFF80];
	v7 =	vmul.f32 v7, v0;
	[tilespmem:s17+$0xFFFFFF00] =	vst v12;
	v8 =	vadd.f32 v3, v2  }
0x48a: {  	v3 =	vld [tilespmem:s20+$0x0];
	v1 =	vmul.f32 v1, v0;
	[tilespmem:s17+$0xFFFFFF80] =	vst v10;
	v12 =	vadd.f32 v4, v2  }
0x48b: {  	v4 =	vld [tilespmem:s20+$0x80];
	v10 =	vmul.f32 v11, v0;
	v11 =	vadd.f32 v7, v2;
	[tilespmem:s17+$0x0] =	vst v8  }
0x48c: {  	s19 =	sadd.s32 $0x2000, s19;
	s17 =	sadd.s32 $0x2000, s17;
	v7 =	vld [tilespmem:s20+$0xFFFFFE80];
	v8 =	vadd.f32 v1, v2;
	v9 =	vmul.f32 v9, v0;
	s20 =	sadd.s32 $0x2000, s20;
	[tilespmem:s16+$0x80] =	vst v12  }
0x48d: {  	s7 =	sadd.s32 s7, s8;
	[tilespmem:s16+$0xFFFFFE80] =	vst v11;
	v11 =	vld [tilespmem:s15+$0x100]  }
0x48e: {  	v5 =	vmul.f32 v5, v0;
	v10 =	vadd.f32 v10, v2;
	s10 =	sor.u32 $0x380, s12;
	v1 =	vld [tilespmem:s7+$0x10]  }
0x48f: {  	s11 =	sor.u32 $0x300, s12;
	v6 =	vmul.f32 v6, v0;
	[tilespmem:s17+$0x100] =	vst v8;
	v8 =	vadd.f32 v9, v2;
	v9 =	vld [tilespmem:s10+$0x4400]  }
0x490: {  	v5 =	vadd.f32 v5, v2;
	v3 =	vmul.f32 v3, v0;
	[tilespmem:s14+$0xC580] =	vst v10;
	v10 =	vld [tilespmem:s11+$0x4400]  }
0x491: {  	v6 =	vadd.f32 v6, v2;
	v4 =	vmul.f32 v4, v0;
	[tilespmem:s13+$0xC580] =	vst v8;
	v8 =	vld [tilespmem:s15+$0xFFFFFF00]  }
0x492: {  	v7 =	vmul.f32 v7, v0;
	[tilespmem:s17+$0xFFFFFF00] =	vst v5;
	v3 =	vadd.f32 v3, v2;
	v5 =	vld [tilespmem:s15+$0xFFFFFF80]  }
0x493: {  	[tilespmem:s17+$0xFFFFFF80] =	vst v6;
	v4 =	vadd.f32 v4, v2;
	v6 =	vld [tilespmem:s15+$0x0];
	v11 =	vmul.f32 v11, v0  }
0x494: {  	v2 =	vadd.f32 v7, v2;
	[tilespmem:s17+$0x0] =	vst v3;
	v7 =	vld [tilespmem:s15+$0x80];
	v3 =	vmul.f32 v9, v0  }
0x495: {  	s21 =	sadd.s32 $0x2000, s12;
	s22 =	sadd.s32 $0x2000, s15;
	[tilespmem:s17+$0x80] =	vst v4;
	v4 =	vld [tilespmem:s15+$0xFFFFFE80];
	v9 =	vadd.f32 v11, v1;
	v10 =	vmul.f32 v10, v0  }
0x496: {  	s7 =	sor.u32 $0x380, s21;
	v11 =	vld [tilespmem:s22+$0x100];
	[tilespmem:s17+$0xFFFFFE80] =	vst v2;
	v2 =	vmul.f32 v8, v0;
	v3 =	vadd.f32 v3, v1  }
0x497: {  	s8 =	sor.u32 $0x300, s21;
	v8 =	vld [tilespmem:s7+$0x4400];
	v5 =	vmul.f32 v5, v0;
	[tilespmem:s6+$0x100] =	vst v9;
	v9 =	vadd.f32 v10, v1  }
0x498: {  	v12 =	vld [tilespmem:s8+$0x4400];
	v2 =	vadd.f32 v2, v1;
	v6 =	vmul.f32 v6, v0;
	[tilespmem:s10+$0xC580] =	vst v3  }
0x499: {  	v3 =	vld [tilespmem:s22+$0xFFFFFF00];
	v10 =	vadd.f32 v5, v1;
	v7 =	vmul.f32 v7, v0;
	[tilespmem:s11+$0xC580] =	vst v9  }
0x49a: {  	v5 =	vld [tilespmem:s22+$0xFFFFFF80];
	[tilespmem:s6+$0xFFFFFF00] =	vst v2;
	v6 =	vadd.f32 v6, v1;
	v9 =	vmul.f32 v4, v0  }
0x49b: {  	v2 =	vld [tilespmem:s22+$0x0];
	v11 =	vmul.f32 v11, v0;
	[tilespmem:s6+$0xFFFFFF80] =	vst v10;
	v13 =	vadd.f32 v7, v1  }
0x49c: {  	s12 =	sadd.s32 $0x2000, s21;
	v4 =	vld [tilespmem:s22+$0x80];
	v7 =	vmul.f32 v8, v0;
	[tilespmem:s6+$0x0] =	vst v6;
	v10 =	vadd.f32 v9, v1  }
0x49d: {  	s13 =	sadd.s32 $0x2000, s22;
	s10 =	sadd.s32 $0x2000, s6;
	s11 =	simm.s32 $0x8;
	v6 =	vld [tilespmem:s22+$0xFFFFFE80];
	v8 =	vadd.f32 v11, v1;
	v9 =	vmul.f32 v12, v0;
	[tilespmem:s6+$0x80] =	vst v13  }
.LBB2_91:
0x49e: {  	v11 =	vld [tilespmem:s13+$0x100];
	s14 =	sor.u32 $0x300, s12;
	s15 =	sor.u32 $0x380, s12;
	s11 =	sadd.s32 $0x8, s11;
	v3 =	vmul.f32 v3, v0;
	v7 =	vadd.f32 v7, v1;
	[tilespmem:s6+$0xFFFFFE80] =	vst v10  }
0x49f: {  	s6 =	smov.u32 s10;
	v10 =	vld [tilespmem:s15+$0x4400];
	p0 =	slt.u32 s11, $0x18;
	v5 =	vmul.f32 v5, v0;
	[tilespmem:s10+$0x100] =	vst v8;
	v8 =	vadd.f32 v9, v1  }
0x4a0: {  	v9 =	vld [tilespmem:s14+$0x4400];
	v12 =	vadd.f32 v3, v1;
	v2 =	vmul.f32 v2, v0;
	[tilespmem:s7+$0xC580] =	vst v7;
	s7 =	smov.u32 s15  }
.Ltmp44:
0x4a1: {  	v3 =	vld [tilespmem:s13+$0xFFFFFF00];
	v7 =	vadd.f32 v5, v1;
	v4 =	vmul.f32 v4, v0;
	[tilespmem:s8+$0xC580] =	vst v8;
	s8 =	smov.u32 s14;
	(pc) =	sbr.rel @p0 .LBB2_91-.Ltmp44, $4  }
0x4a2: {  	v5 =	vld [tilespmem:s13+$0xFFFFFF80];
	v6 =	vmul.f32 v6, v0;
	[tilespmem:s10+$0xFFFFFF00] =	vst v12;
	v8 =	vadd.f32 v2, v1  }
0x4a3: {  	v2 =	vld [tilespmem:s13+$0x0];
	v11 =	vmul.f32 v11, v0;
	[tilespmem:s10+$0xFFFFFF80] =	vst v7;
	v12 =	vadd.f32 v4, v1  }
0x4a4: {  	v4 =	vld [tilespmem:s13+$0x80];
	v7 =	vmul.f32 v10, v0;
	v10 =	vadd.f32 v6, v1;
	[tilespmem:s10+$0x0] =	vst v8  }
0x4a5: {  	s12 =	sadd.s32 $0x2000, s12;
	s10 =	sadd.s32 $0x2000, s10;
	v6 =	vld [tilespmem:s13+$0xFFFFFE80];
	v8 =	vadd.f32 v11, v1;
	v9 =	vmul.f32 v9, v0;
	s13 =	sadd.s32 $0x2000, s13;
	[tilespmem:s6+$0x80] =	vst v12  }
0x4a6: {  	v3 =	vmul.f32 v3, v0;
	v7 =	vadd.f32 v7, v1;
	[tilespmem:s6+$0xFFFFFE80] =	vst v10  }
0x4a7: {  	v5 =	vmul.f32 v5, v0;
	[tilespmem:s10+$0x100] =	vst v8;
	v63 =	vadd.f32 v9, v1  }
0x4a8: {  	v3 =	vadd.f32 v3, v1;
	v2 =	vmul.f32 v2, v0;
	[tilespmem:s7+$0xC580] =	vst v7  }
0x4a9: {  	p0 =	slt.u32 s29, $0x3E;
	v5 =	vadd.f32 v5, v1;
	v4 =	vmul.f32 v4, v0;
	[tilespmem:s8+$0xC580] =	vst v63  }
.Ltmp45:
0x4aa: {  	v6 =	vmul.f32 v6, v0;
	[tilespmem:s10+$0xFFFFFF00] =	vst v3;
	v2 =	vadd.f32 v2, v1;
	(pc) =	sbr.rel @p0 .LBB2_88-.Ltmp45, $4  }
0x4ab: {  	[tilespmem:s10+$0xFFFFFF80] =	vst v5;
	v3 =	vadd.f32 v4, v1  }
0x4ac: {  	v1 =	vadd.f32 v6, v1;
	[tilespmem:s10+$0x0] =	vst v2  }
0x4ad: {  	s22 =	sadd.s32 $0x2, s29;
	s5 =	sadd.s32 $0x100, s5;
	[tilespmem:s10+$0x80] =	vst v3  }
0x4ae: {  	s4 =	sadd.s32 $0x1, s4;
	s0 =	sadd.s32 $0x100, s0;
	s29 =	smov.u32 s22;
	[tilespmem:s10+$0xFFFFFE80] =	vst v1  }
0x4af: {  	s0 =	simm.s32 $0x0  }
0x4b0: {  	[hbm4b:s24+s0] =	stream.linear.scatter [tilespmem:s30], [sflag:$0x1], $0x8000, $0x38;
	[tilespmem:$0x1C580] =	vst v63  }
0x4b1: {  	_ =	swait.ge [sflag:s28], $0x8000  }
0x4b2: {  	[sflag:s28] =	ssyncset.done $0x0  }
0x4b3: {  	s4 =	simm.s32 $0x0;
	s5 =	simm.s32 $0x0;
	[sflag:s28] =	ssyncadd.s32 $0xFFFF8000  }
.LBB2_94:
0x4b4: {  	s6 =	sshll.u32 s5, $0x7;
	s7 =	sshll.u32 s0, $0x7  }
0x4b5: {  	s22 =	sshll.u32 s0, $0x4;
	s14 =	sand.u32 $0x3FFFFC00, s4;
	s7 =	sand.u32 $0x1C00, s7  }
0x4b6: {  	s8 =	sand.u32 $0x180, s6;
	s6 =	sand.u32 $0x60, s22;
	s7 =	sadd.s32 $0x2780, s7  }
0x4b7: {  	s11 =	sadd.s32 $0x4780, s14;
	s10 =	sshrl.u32 s8, $0x2;
	s12 =	sor.u32 s6, s7  }
0x4b8: {  	s8 =	sadd.s32 s10, s11;
	v3 =	vld [tilespmem:s12+$0x0]  }
0x4b9: {  	v1 =	vld [tilespmem:s8+$0x0]  }
0x4ba: {  	v2 =	vld [tilespmem:s8+$0xFFFFFC80]  }
0x4bb: {  	v4 =	vld [tilespmem:s8+$0xFFFFFD00]  }
0x4bc: {  	v5 =	vld [tilespmem:s8+$0xFFFFFD80]  }
0x4bd: {  	v6 =	vld [tilespmem:s8+$0xFFFFFE00];
	_ =	sdelay $0x1  }
0x4be: {  	v8 =	vld [tilespmem:s8+$0xFFFFFE80];
	v1 =	vmul.f32 v1, v0  }
0x4bf: {  	s13 =	sadd.s32 $0x2000, s11;
	v9 =	vld [tilespmem:s8+$0xFFFFFF00];
	v2 =	vmul.f32 v2, v0  }
0x4c0: {  	s29 =	sadd.s32 $0xC580, s14;
	s12 =	sadd.s32 s10, s13;
	v10 =	vld [tilespmem:s8+$0xFFFFFF80];
	v4 =	vmul.f32 v4, v0;
	v1 =	vadd.f32 v1, v3  }
0x4c1: {  	s11 =	sadd.s32 s10, s29;
	v12 =	vld [tilespmem:s12+$0x0];
	v5 =	vmul.f32 v5, v0;
	v13 =	vmul.f32 v6, v0;
	v11 =	vadd.f32 v2, v3  }
0x4c2: {  	v2 =	vld [tilespmem:s12+$0xFFFFFC80];
	v4 =	vadd.f32 v4, v3;
	[tilespmem:s11+$0x8380] =	vst v1  }
0x4c3: {  	v7 =	vld [tilespmem:s12+$0xFFFFFD00];
	v13 =	vadd.f32 v13, v3;
	[tilespmem:s11+$0x8000] =	vst v11;
	v1 =	vadd.f32 v5, v3;
	v5 =	vmul.f32 v8, v0  }
0x4c4: {  	v6 =	vld [tilespmem:s12+$0xFFFFFD80];
	v14 =	vmul.f32 v9, v0;
	[tilespmem:s11+$0x8080] =	vst v4  }
0x4c5: {  	s16 =	simm.s32 $0x8;
	v4 =	vld [tilespmem:s12+$0xFFFFFE00];
	v11 =	vmul.f32 v10, v0;
	[tilespmem:s11+$0x8180] =	vst v13;
	v9 =	vadd.f32 v5, v3  }
0x4c6: {  	s15 =	smov.u32 s29;
	s8 =	sadd.s32 $0x4790, s14;
	s14 =	smov.u32 s10;
	v8 =	vmul.f32 v12, v0;
	v10 =	vadd.f32 v14, v3;
	[tilespmem:s11+$0x8100] =	vst v1;
	v5 =	vld [tilespmem:s12+$0xFFFFFE80]  }
.LBB2_95:
0x4c7: {  	s16 =	sadd.s32 $0x8, s16;
	v1 =	vmul.f32 v2, v0;
	v12 =	vld [tilespmem:s12+$0xFFFFFF00];
	s13 =	sadd.s32 $0x2000, s13;
	[tilespmem:s11+$0x8200] =	vst v9;
	v2 =	vadd.f32 v11, v3  }
0x4c8: {  	s15 =	sadd.s32 $0x2000, s15;
	p0 =	slt.u32 s16, $0x18;
	v7 =	vmul.f32 v7, v0;
	v11 =	vld [tilespmem:s12+$0xFFFFFF80];
	s12 =	sadd.s32 s10, s13;
	v8 =	vadd.f32 v8, v3;
	[tilespmem:s11+$0x8280] =	vst v10  }
0x4c9: {  	v10 =	vld [tilespmem:s12+$0x0];
	v1 =	vadd.f32 v1, v3;
	v6 =	vmul.f32 v6, v0;
	[tilespmem:s11+$0x8300] =	vst v2;
	s11 =	sadd.s32 s14, s15;
	s14 =	smov.u32 s10  }
.Ltmp46:
0x4ca: {  	v2 =	vld [tilespmem:s12+$0xFFFFFC80];
	v9 =	vadd.f32 v7, v3;
	v4 =	vmul.f32 v4, v0;
	[tilespmem:s11+$0x8380] =	vst v8;
	(pc) =	sbr.rel @p0 .LBB2_95-.Ltmp46, $4  }
0x4cb: {  	v7 =	vld [tilespmem:s12+$0xFFFFFD00];
	[tilespmem:s11+$0x8000] =	vst v1;
	v1 =	vadd.f32 v6, v3;
	v5 =	vmul.f32 v5, v0  }
0x4cc: {  	v6 =	vld [tilespmem:s12+$0xFFFFFD80];
	[tilespmem:s11+$0x8080] =	vst v9;
	v13 =	vadd.f32 v4, v3;
	v12 =	vmul.f32 v12, v0  }
0x4cd: {  	v4 =	vld [tilespmem:s12+$0xFFFFFE00];
	[tilespmem:s11+$0x8100] =	vst v1;
	v9 =	vadd.f32 v5, v3;
	v11 =	vmul.f32 v11, v0  }
0x4ce: {  	v5 =	vld [tilespmem:s12+$0xFFFFFE80];
	v8 =	vmul.f32 v10, v0;
	[tilespmem:s11+$0x8180] =	vst v13;
	v10 =	vadd.f32 v12, v3  }
0x4cf: {  	v1 =	vmov s10;
	_ =	sdelay $0x1  }
0x4d0: {  	v12 =	vld [tilespmem:s12+$0xFFFFFF00]  }
0x4d1: {  	v13 =	vld [tilespmem:s12+$0xFFFFFF80];
	s6 =	sadd.s32 s6, s7  }
0x4d2: {  	v14 =	vmul.f32 v2, v0;
	[tilespmem:s11+$0x8200] =	vst v9;
	v9 =	vadd.f32 v11, v3;
	v2 =	vld [tilespmem:s6+$0x10]  }
0x4d3: {  	s21 =	sadd.s32 $0x2000, s15;
	v7 =	vmul.f32 v7, v0;
	v8 =	vadd.f32 v8, v3;
	[tilespmem:s11+$0x8280] =	vst v10;
	v10 =	vld.idx.msk [tilespmem:v1+s8+$0x0 ss:$0x1], $0xffff  }
0x4d4: {  	s6 =	sadd.s32 s14, s21;
	v11 =	vadd.f32 v14, v3;
	v6 =	vmul.f32 v6, v0;
	[tilespmem:s11+$0x8300] =	vst v9;
	v9 =	vld.idx.msk [tilespmem:v1+s8+$0xFFFFFD00 ss:$0x1], $0xffff  }
0x4d5: {  	v7 =	vadd.f32 v7, v3;
	v4 =	vmul.f32 v4, v0;
	[tilespmem:s6+$0x8380] =	vst v8;
	v8 =	vld.idx.msk [tilespmem:v1+s8+$0xFFFFFD80 ss:$0x1], $0xffff  }
0x4d6: {  	[tilespmem:s6+$0x8000] =	vst v11;
	v6 =	vadd.f32 v6, v3;
	v5 =	vmul.f32 v5, v0;
	v11 =	vld.idx.msk [tilespmem:v1+s8+$0xFFFFFE00 ss:$0x1], $0xffff  }
0x4d7: {  	[tilespmem:s6+$0x8080] =	vst v7;
	v4 =	vadd.f32 v4, v3;
	v7 =	vmul.f32 v12, v0;
	v12 =	vld.idx.msk [tilespmem:v1+s8+$0xFFFFFE80 ss:$0x1], $0xffff  }
0x4d8: {  	v14 =	vld.idx.msk [tilespmem:v1+s8+$0xFFFFFF80 ss:$0x1], $0xffff;
	[tilespmem:s6+$0x8100] =	vst v6;
	v5 =	vadd.f32 v5, v3;
	v6 =	vmul.f32 v13, v0  }
0x4d9: {  	s22 =	sadd.s32 $0x2000, s8;
	v13 =	vld.idx.msk [tilespmem:v1+s8+$0xFFFFFF00 ss:$0x1], $0xffff;
	[tilespmem:s6+$0x8180] =	vst v4;
	v4 =	vadd.f32 v7, v3;
	v7 =	vmul.f32 v10, v0  }
0x4da: {  	v15 =	vld.idx.msk [tilespmem:v1+s22+$0xFFFFFD00 ss:$0x1], $0xffff;
	[tilespmem:s6+$0x8200] =	vst v5;
	v3 =	vadd.f32 v6, v3;
	v6 =	vmul.f32 v9, v0  }
0x4db: {  	v5 =	vld.idx.msk [tilespmem:v1+s8+$0xFFFFFC80 ss:$0x1], $0xffff;
	[tilespmem:s6+$0x8280] =	vst v4;
	v4 =	vmul.f32 v8, v0;
	v8 =	vadd.f32 v7, v2  }
0x4dc: {  	v9 =	vld.idx.msk [tilespmem:v1+s22+$0x0 ss:$0x1], $0xffff;
	[tilespmem:s6+$0x8300] =	vst v3;
	v10 =	vmul.f32 v11, v0;
	v3 =	vadd.f32 v6, v2  }
0x4dd: {  	v12 =	vmul.f32 v12, v0;
	v7 =	vld.idx.msk [tilespmem:v1+s22+$0xFFFFFD80 ss:$0x1], $0xffff;
	v11 =	vadd.f32 v4, v2;
	[tilespmem:v1+s29+$0x8390 ss:$0x1] =	vst.idx.msk $0xffff, v8  }
0x4de: {  	v6 =	vld.idx.msk [tilespmem:v1+s22+$0xFFFFFE00 ss:$0x1], $0xffff;
	[tilespmem:v1+s29+$0x8090 ss:$0x1] =	vst.idx.msk $0xffff, v3;
	v8 =	vadd.f32 v10, v2;
	v10 =	vmul.f32 v13, v0  }
0x4df: {  	v4 =	vld.idx.msk [tilespmem:v1+s22+$0xFFFFFE80 ss:$0x1], $0xffff;
	[tilespmem:v1+s29+$0x8110 ss:$0x1] =	vst.idx.msk $0xffff, v11;
	v11 =	vadd.f32 v12, v2;
	v12 =	vmul.f32 v14, v0  }
0x4e0: {  	v3 =	vld.idx.msk [tilespmem:v1+s22+$0xFFFFFF00 ss:$0x1], $0xffff;
	v13 =	vmul.f32 v5, v0;
	[tilespmem:v1+s29+$0x8190 ss:$0x1] =	vst.idx.msk $0xffff, v8;
	v14 =	vadd.f32 v10, v2  }
0x4e1: {  	v5 =	vld.idx.msk [tilespmem:v1+s22+$0xFFFFFF80 ss:$0x1], $0xffff;
	v9 =	vmul.f32 v9, v0;
	[tilespmem:v1+s29+$0x8210 ss:$0x1] =	vst.idx.msk $0xffff, v11;
	v10 =	vadd.f32 v12, v2  }
0x4e2: {  	s7 =	sadd.s32 $0x2000, s22;
	s6 =	simm.s32 $0x8;
	v8 =	vld.idx.msk [tilespmem:v1+s22+$0xFFFFFC80 ss:$0x1], $0xffff;
	v11 =	vmul.f32 v15, v0;
	v12 =	vadd.f32 v13, v2;
	[tilespmem:v1+s29+$0x8290 ss:$0x1] =	vst.idx.msk $0xffff, v14  }
.LBB2_97:
0x4e3: {  	v13 =	vld.idx.msk [tilespmem:v1+s7+$0x0 ss:$0x1], $0xffff;
	s6 =	sadd.s32 $0x8, s6;
	v14 =	vmul.f32 v7, v0;
	v9 =	vadd.f32 v9, v2;
	[tilespmem:v1+s29+$0x8310 ss:$0x1] =	vst.idx.msk $0xffff, v10  }
0x4e4: {  	v15 =	vld.idx.msk [tilespmem:v1+s7+$0xFFFFFD00 ss:$0x1], $0xffff;
	p0 =	slt.u32 s6, $0x18;
	v10 =	vadd.f32 v11, v2;
	v11 =	vmul.f32 v6, v0;
	[tilespmem:v1+s29+$0x8010 ss:$0x1] =	vst.idx.msk $0xffff, v12;
	s29 =	sadd.s32 $0x2000, s29  }
0x4e5: {  	v7 =	vld.idx.msk [tilespmem:v1+s7+$0xFFFFFD80 ss:$0x1], $0xffff;
	v12 =	vadd.f32 v14, v2;
	v14 =	vmul.f32 v4, v0;
	[tilespmem:v1+s29+$0x8390 ss:$0x1] =	vst.idx.msk $0xffff, v9  }
.Ltmp47:
0x4e6: {  	v6 =	vld.idx.msk [tilespmem:v1+s7+$0xFFFFFE00 ss:$0x1], $0xffff;
	[tilespmem:v1+s29+$0x8090 ss:$0x1] =	vst.idx.msk $0xffff, v10;
	v9 =	vadd.f32 v11, v2;
	v10 =	vmul.f32 v3, v0;
	(pc) =	sbr.rel @p0 .LBB2_97-.Ltmp47, $4  }
0x4e7: {  	v4 =	vld.idx.msk [tilespmem:v1+s7+$0xFFFFFE80 ss:$0x1], $0xffff;
	[tilespmem:v1+s29+$0x8110 ss:$0x1] =	vst.idx.msk $0xffff, v12;
	v11 =	vadd.f32 v14, v2;
	v12 =	vmul.f32 v5, v0  }
0x4e8: {  	v14 =	vmul.f32 v8, v0;
	v3 =	vld.idx.msk [tilespmem:v1+s7+$0xFFFFFF00 ss:$0x1], $0xffff;
	[tilespmem:v1+s29+$0x8190 ss:$0x1] =	vst.idx.msk $0xffff, v9;
	v16 =	vadd.f32 v10, v2  }
0x4e9: {  	v9 =	vmul.f32 v13, v0;
	v5 =	vld.idx.msk [tilespmem:v1+s7+$0xFFFFFF80 ss:$0x1], $0xffff;
	[tilespmem:v1+s29+$0x8210 ss:$0x1] =	vst.idx.msk $0xffff, v11;
	v10 =	vadd.f32 v12, v2  }
0x4ea: {  	v11 =	vmul.f32 v15, v0;
	v12 =	vadd.f32 v14, v2;
	v8 =	vld.idx.msk [tilespmem:v1+s7+$0xFFFFFC80 ss:$0x1], $0xffff;
	s7 =	sadd.s32 $0x2000, s7;
	[tilespmem:v1+s29+$0x8290 ss:$0x1] =	vst.idx.msk $0xffff, v16  }
0x4eb: {  	_ =	sdelay $0x3  }
0x4ec: {  	v7 =	vmul.f32 v7, v0;
	v9 =	vadd.f32 v9, v2;
	[tilespmem:v1+s29+$0x8310 ss:$0x1] =	vst.idx.msk $0xffff, v10  }
0x4ed: {  	v6 =	vmul.f32 v6, v0;
	s6 =	sadd.s32 $0x2000, s29;
	v61 =	vadd.f32 v11, v2;
	[tilespmem:v1+s29+$0x8010 ss:$0x1] =	vst.idx.msk $0xffff, v12  }
0x4ee: {  	v4 =	vmul.f32 v4, v0;
	v7 =	vadd.f32 v7, v2;
	[tilespmem:v1+s6+$0x8390 ss:$0x1] =	vst.idx.msk $0xffff, v9  }
0x4ef: {  	v6 =	vadd.f32 v6, v2;
	v3 =	vmul.f32 v3, v0;
	[tilespmem:v1+s6+$0x8090 ss:$0x1] =	vst.idx.msk $0xffff, v61  }
0x4f0: {  	p0 =	slt.u32 s0, $0x3E;
	v4 =	vadd.f32 v4, v2;
	v5 =	vmul.f32 v5, v0;
	[tilespmem:v1+s6+$0x8110 ss:$0x1] =	vst.idx.msk $0xffff, v7  }
.Ltmp48:
0x4f1: {  	v62 =	vmul.f32 v8, v0;
	[tilespmem:v1+s6+$0x8190 ss:$0x1] =	vst.idx.msk $0xffff, v6;
	v3 =	vadd.f32 v3, v2;
	(pc) =	sbr.rel @p0 .LBB2_94-.Ltmp48, $4  }
0x4f2: {  	[tilespmem:v1+s6+$0x8210 ss:$0x1] =	vst.idx.msk $0xffff, v4;
	v63 =	vadd.f32 v5, v2  }
0x4f3: {  	v2 =	vadd.f32 v62, v2;
	[tilespmem:v1+s6+$0x8290 ss:$0x1] =	vst.idx.msk $0xffff, v3  }
0x4f4: {  	[tilespmem:v1+s6+$0x8310 ss:$0x1] =	vst.idx.msk $0xffff, v63  }
0x4f5: {  	s0 =	sadd.s32 $0x2, s0;
	s5 =	sadd.s32 $0x1, s5;
	s4 =	sadd.s32 $0x100, s4;
	[tilespmem:v1+s6+$0x8010 ss:$0x1] =	vst.idx.msk $0xffff, v2  }
0x4f6: {  	[hbm4b:s26+s2] =	stream.linear.scatter [tilespmem:s31], [sflag:$0x2], $0x8000, $0x38;
	[tilespmem:$0x1C580] =	vst v63  }
0x4f7: {  	s1 =	sadd.s32 $0x1, s1  }
0x4f8: {  	_ =	swait.ge [sflag:s3], $0x8000;
	p0 =	sne.s32 s1, s25  }
.Ltmp49:
0x4f9: {  	[sflag:s3] =	ssyncset.done $0x0;
	(pc) =	sbr.rel @p0 .LBB2_1-.Ltmp49, $4  }
0x4fa: {  	[sflag:s3] =	ssyncadd.s32 $0xFFFF8000  }
0x4fb: {  	_ =	swait.ge [sflag:s28], $0x8000  }
0x4fc: {  	[sflag:s28] =	ssyncset.done $0x0  }
0x4fd: {  	[sflag:s28] =	ssyncadd.s32 $0xFFFF8000  }
0x4fe: {  	_ =	sfence.sel $0x180000  }
0x4ff: {  	[bflag:$0x0] =	sbarrier.arrive $0xFFFF  }
0x500: {  	_ =	strace $0x90000047  }
0x501: {  	s0 =	stileid.u32;
	[bflag:$0x2] =	sbarrier.arrive $0xFFFF  }
0x502: {  	p0 =	sne.s32 s0, $0x0;
	s0 =	rddreg [dreg:$0x2]  }
0x503: {  	s0 =	sadd.s32 @!p0 $0x100000, s0  }
0x504: {  	[sflag:s0] =	ssyncadd.tile.s32 @!p0 $0x1;
	_ =	shalt  }
.Lfunc_end2:
_tile_overlayer_lowered:
.L_overlay_start_2:
0x505: {  	(tag) =	ssettag $0x2  }
0x506: {  	s0 =	rddreg [dreg:$0x0];
	s2 =	stileid.u32  }
0x507: {  	s1 =	rddreg [dreg:$0x1];
	p0 =	sne.s32 s2, $0x0  }
0x508: {  	s3 =	rddreg [dreg:$0x2];
	[bflag:$0x3] =	sbarrier.arrive $0xFFFF;
	s2 =	simm.s32 @!p0 $0x1C03  }
0x509: {  	[timem:s3], [sflag:s2] =	dma.local @!p0 [hbm:s0], s1  }
0x50a: {  	s0 =	simm.s32 @!p0 $0x3  }
0x50b: {  	_ =	swait.ge @!p0 [sflag:s0], s1  }
0x50c: {  	s1 =	ssub.s32 @!p0 $0x0, s1;
	[sflag:s0] =	ssyncset.done @!p0 $0x0  }
0x50d: {  	[sflag:s0] =	ssyncadd.s32 @!p0 s1  }
0x50e: {  	[bflag:$0x3] =	sbarrier.arrive $0xFFFF  }
0x50f: {  	_ =	shalt  }

</sc_bundles>
